<compile_context>
chip_gen: v7x
topology: tpu7x:2x2x1
jax: 0.10.2.dev20260603
libtpu: 0.0.44.dev20260713+nightly
codegen_flags: <defaults>
</compile_context>

<pallas_src>
import functools
import jax
import jax.numpy as jnp
from jax import lax
from jax.experimental import pallas as pl
from jax.experimental.pallas import tpu as pltpu
from jax.experimental.pallas import tpu_sc as plsc

N = 10000
E = 320000
F_IN = 128
HID = 64
HEADS = 4
NEG = 0.2

NSUB = 16
NCORE = 2
E2 = 322560
EPT = E2 // NSUB
RPS = 632
NP = NSUB * RPS

f32 = jnp.float32
i32 = jnp.int32


def _leaky(v):
    return jnp.where(v >= 0, v, NEG * v)


BR = 2000
NG = N // BR


def _stage_a(x, w1t, acat1, wint, b_in):
    def body(x_ref, w1t_ref, acat1_ref, wint_ref, bin_ref,
             h1p_ref, sc1_ref, m1_ref, xw_ref, msc):
        i = pl.program_id(0)
        X = x_ref[:]
        w1t = w1t_ref[:]
        zpad = jnp.zeros((BR, 2), f32)
        h1p_ref[0] = jnp.concatenate(
            [jnp.dot(X, w1t[:, :HID * 2], preferred_element_type=f32), zpad],
            axis=1)
        h1p_ref[1] = jnp.concatenate(
            [jnp.dot(X, w1t[:, HID * 2:], preferred_element_type=f32), zpad],
            axis=1)
        A = acat1_ref[:]
        aat = jnp.dot(X, A.T, preferred_element_type=f32)
        sc1_ref[:] = aat
        bmx = jnp.max(aat, axis=0, keepdims=True)

        @pl.when(i == 0)
        def _():
            msc[:] = jnp.full((1, 8), -jnp.inf, f32)

        msc[:] = jnp.maximum(msc[:], bmx)
        mx = msc[:][0]
        m1 = mx[:HEADS] + mx[HEADS:]
        m1_ref[:] = jnp.concatenate(
            [jnp.broadcast_to(m1[:, None], (HEADS, 16)),
             jnp.zeros((8 - HEADS, 16), f32)], axis=0)
        xw_ref[:] = jnp.dot(X, wint_ref[:], preferred_element_type=f32) + bin_ref[:]

    full = lambda *shape: pl.BlockSpec(shape, lambda i: (0,) * len(shape))
    return pl.pallas_call(
        body,
        grid=(NG,),
        in_specs=[
            pl.BlockSpec((BR, F_IN), lambda i: (i, 0)),
            full(F_IN, 4 * HID),
            full(8, F_IN),
            full(F_IN, HID),
            full(1, HID),
        ],
        out_specs=[
            pl.BlockSpec((2, BR, 2 * HID + 2), lambda i: (0, i, 0)),
            pl.BlockSpec((BR, 8), lambda i: (i, 0)),
            pl.BlockSpec((8, 16), lambda i: (0, 0)),
            pl.BlockSpec((BR, HID), lambda i: (i, 0)),
        ],
        scratch_shapes=[pltpu.VMEM((1, 8), f32)],
        out_shape=[
            jax.ShapeDtypeStruct((2, N, 2 * HID + 2), f32),
            jax.ShapeDtypeStruct((N, 8), f32),
            jax.ShapeDtypeStruct((8, 16), f32),
            jax.ShapeDtypeStruct((N, HID), f32),
        ],
    )(x, w1t, acat1, wint, b_in)


@functools.lru_cache(maxsize=None)
def _make_sc_pass(n_cols, n_heads, n_rows_aa, CH, CPB):
    IB = CPB * CH
    NCH = EPT // CH
    G3 = NCH // 3
    cph = n_cols // n_heads
    nct = n_cols + n_heads
    mesh = plsc.VectorSubcoreMesh(core_axis_name="c", subcore_axis_name="s")

    def body(h_hbm, gsrc_hbm, dst_hbm, sc_hbm, m_hbm, zc_hbm,
             acc_out,
             acc, m_v, gsrcb_v, dstb_v,
             rows0, rows1, rows2, asg0, asg1, asg2, adg0, adg1, adg2,
             sd0, sd1, sd2, wlin_v,
             gsem0, gsem1, gsem2, ssem0, ssem1, ssem2):
        rows = (rows0, rows1, rows2)
        asg = (asg0, asg1, asg2)
        adg = (adg0, adg1, adg2)
        sdst = (sd0, sd1, sd2)
        gsem = (gsem0, gsem1, gsem2)
        ssem = (ssem0, ssem1, ssem2)
        c = lax.axis_index("c")
        s = lax.axis_index("s")
        ebase = s * EPT
        lane = jax.lax.iota(i32, 16)

        pltpu.sync_copy(m_hbm, m_v)
        pltpu.sync_copy(zc_hbm.at[pl.ds(s * RPS, RPS)],
                        acc.at[pl.ds(s * RPS, RPS)])
        plsc.subcore_barrier()
        if n_rows_aa == 8:
            mhs = [plsc.load_gather(m_v, [jnp.full((16,), 16, i32) * (2 * c + hl)])
                   for hl in range(n_heads)]
        else:
            mhs = [plsc.load_gather(m_v, [jnp.zeros((16,), i32)])]

        def refill(blk):
            pltpu.sync_copy(
                gsrc_hbm.at[pl.ds(c * E2 + ebase + blk * IB, IB)], gsrcb_v)
            pltpu.sync_copy(dst_hbm.at[pl.ds(ebase + blk * IB, IB)], dstb_v)

        def issue_gathers(local, b):
            off = local * CH
            pltpu.async_copy(h_hbm.at[gsrcb_v.at[pl.ds(off, CH)]],
                             rows[b], gsem[b])
            pltpu.async_copy(sc_hbm.at[gsrcb_v.at[pl.ds(off, CH)]],
                             asg[b], gsem[b])
            pltpu.async_copy(sc_hbm.at[dstb_v.at[pl.ds(off, CH)]],
                             adg[b], gsem[b])

        def wait_gathers(b):
            z = pl.ds(0, CH)
            pltpu.make_async_copy(h_hbm.at[gsrcb_v.at[z]], rows[b],
                                  gsem[b]).wait()
            pltpu.make_async_copy(sc_hbm.at[gsrcb_v.at[z]], asg[b],
                                  gsem[b]).wait()
            pltpu.make_async_copy(sc_hbm.at[dstb_v.at[z]], adg[b],
                                  gsem[b]).wait()

        def wait_scatter(b):
            pltpu.make_async_copy(rows[b], acc.at[sdst[b]], ssem[b]).wait()

        def copy_sdst(local, b):
            off = local * CH
            for j in range(CH // 16):
                sdst[b][pl.ds(j * 16, 16)] = dstb_v[pl.ds(off + j * 16, 16)]

        def compute_and_scatter(b):
            for j in range(CH // 16):
                lanes = lane + j * 16
                for hl in range(n_heads):
                    if n_rows_aa == 8:
                        scol = 2 * c + hl
                        dcol = 4 + 2 * c + hl
                    else:
                        scol = 0
                        dcol = 1
                    mh = mhs[hl]
                    a_s = plsc.load_gather(
                        asg[b], [lanes, jnp.full((16,), scol, i32)])
                    a_d = plsc.load_gather(
                        adg[b], [lanes, jnp.full((16,), dcol, i32)])
                    e = a_s + a_d
                    e = jnp.where(e >= 0, e, NEG * e)
                    w = jnp.exp(e - mh)
                    wlin_v[pl.ds(hl * CH + j * 16, 16)] = w
                    plsc.store_scatter(
                        rows[b], [lanes, jnp.full((16,), n_cols + hl, i32)], w)

            rb = rows[b]

            def scale_one(ei, carry2):
                for hl in range(n_heads):
                    wv = plsc.load_gather(
                        wlin_v, [jnp.full((16,), hl * CH, i32) + ei])
                    for q in range(cph // 16):
                        sl = pl.ds(hl * cph + q * 16, 16)
                        rb[ei, sl] = rb[ei, sl] * wv
                return carry2

            lax.fori_loop(0, CH, scale_one, 0, unroll=2)
            pltpu.async_copy(rb, acc.at[sdst[b]], ssem[b], add=True)

        refill(0)
        issue_gathers(0, 0)
        gpb = CPB // 3

        def group(g, carry):
            lg = lax.rem(g, gpb)
            for b in range(3):
                bn = (b + 1) % 3
                copy_sdst(3 * lg + b, b)
                wait_gathers(b)
                if b < 2:
                    @pl.when(g >= 1)
                    def _():
                        wait_scatter(bn)
                    issue_gathers(3 * lg + b + 1, bn)
                else:
                    wait_scatter(bn)

                    @pl.when(g < G3 - 1)
                    def _():
                        @pl.when(lg == gpb - 1)
                        def _():
                            refill((g + 1) // gpb)
                        issue_gathers(3 * lax.rem(g + 1, gpb), bn)
                compute_and_scatter(b)
            return carry

        lax.fori_loop(0, G3, group, 0)
        wait_scatter(1)
        wait_scatter(2)
        plsc.subcore_barrier()
        pltpu.sync_copy(acc.at[pl.ds(s * RPS, RPS)],
                        acc_out.at[pl.ds(c * NP + s * RPS, RPS)])

    return functools.partial(
        pl.kernel,
        mesh=mesh,
        compiler_params=pltpu.CompilerParams(
            needs_layout_passes=False, use_tc_tiling_on_sc=False),
        out_type=[
            jax.ShapeDtypeStruct((NCORE * NP, nct), f32),
        ],
        scratch_types=[
            pltpu.VMEM_SHARED((NP, nct), f32),
            pltpu.VMEM((128,), f32),
            pltpu.VMEM((IB,), i32),
            pltpu.VMEM((IB,), i32),
            pltpu.VMEM((CH, nct), f32),
            pltpu.VMEM((CH, nct), f32),
            pltpu.VMEM((CH, nct), f32),
            pltpu.VMEM((CH, 8), f32),
            pltpu.VMEM((CH, 8), f32),
            pltpu.VMEM((CH, 8), f32),
            pltpu.VMEM((CH, 8), f32),
            pltpu.VMEM((CH, 8), f32),
            pltpu.VMEM((CH, 8), f32),
            pltpu.VMEM((CH,), i32),
            pltpu.VMEM((CH,), i32),
            pltpu.VMEM((CH,), i32),
            pltpu.VMEM((n_heads * CH,), f32),
            pltpu.SemaphoreType.DMA,
            pltpu.SemaphoreType.DMA,
            pltpu.SemaphoreType.DMA,
            pltpu.SemaphoreType.DMA,
            pltpu.SemaphoreType.DMA,
            pltpu.SemaphoreType.DMA,
        ],
    )(body)


def _stage_b(acc1, h1p, sc1, m1, w2t, b1, acat2, kmat):
    def body(acc1_ref, h1p_ref, sc1_ref, m1_ref, w2t_ref,
             b1_ref, acat2_ref, kmat_ref,
             h2f_ref, sc2_ref, m2_ref, msc):
        i = pl.program_id(0)
        C2 = 2 * HID
        a0 = acc1_ref[0]
        a1 = acc1_ref[1]
        out1 = jnp.concatenate([a0[:, :C2], a1[:, :C2]], axis=1)
        h1 = jnp.concatenate([h1p_ref[0][:, :C2], h1p_ref[1][:, :C2]], axis=1)
        den4 = jnp.concatenate([a0[:, C2:C2 + 2], a1[:, C2:C2 + 2]],
                               axis=1)
        aat = sc1_ref[:]
        m1v = m1_ref[:][:HEADS, 0]
        es = _leaky(aat[:, :HEADS] + aat[:, HEADS:2 * HEADS])
        wself = jnp.exp(es - m1v[None, :])
        K = kmat_ref[:]
        wb = jnp.dot(wself, K, preferred_element_type=f32)
        db = jnp.dot(den4 + wself, K, preferred_element_type=f32) + 1e-16
        g1 = _leaky((out1 + wb * h1) / db + b1_ref[:])
        h2 = jnp.dot(g1, w2t_ref[:], preferred_element_type=f32)
        zpad = jnp.zeros((BR, 1), f32)
        h2f_ref[0] = jnp.concatenate([h2[:, :HID // 2], zpad], axis=1)
        h2f_ref[1] = jnp.concatenate([h2[:, HID // 2:], zpad], axis=1)
        A2 = acat2_ref[:]
        av = jnp.dot(h2, A2.T, preferred_element_type=f32)
        sc2_ref[:] = jnp.concatenate([av, jnp.zeros((BR, 6), f32)], axis=1)
        bmx = jnp.max(av, axis=0, keepdims=True)

        @pl.when(i == 0)
        def _():
            msc[:] = jnp.full((1, 2), -jnp.inf, f32)

        msc[:] = jnp.maximum(msc[:], bmx)
        mx = msc[:][0]
        m2_ref[:] = jnp.concatenate(
            [jnp.broadcast_to(mx[:1] + mx[1:], (1, 16)),
             jnp.zeros((7, 16), f32)], axis=0)

    full = lambda *shape: pl.BlockSpec(shape, lambda i: (0,) * len(shape))
    return pl.pallas_call(
        body,
        grid=(NG,),
        in_specs=[
            pl.BlockSpec((2, BR, 2 * HID + 2), lambda i: (0, i, 0)),
            pl.BlockSpec((2, BR, 2 * HID + 2), lambda i: (0, i, 0)),
            pl.BlockSpec((BR, 8), lambda i: (i, 0)),
            full(8, 16),
            full(4 * HID, HID),
            full(1, 4 * HID),
            full(2, HID),
            full(HEADS, 4 * HID),
        ],
        out_specs=[
            pl.BlockSpec((2, BR, HID // 2 + 1), lambda i: (0, i, 0)),
            pl.BlockSpec((BR, 8), lambda i: (i, 0)),
            pl.BlockSpec((8, 16), lambda i: (0, 0)),
        ],
        scratch_shapes=[pltpu.VMEM((1, 2), f32)],
        out_shape=[
            jax.ShapeDtypeStruct((2, N, HID // 2 + 1), f32),
            jax.ShapeDtypeStruct((N, 8), f32),
            jax.ShapeDtypeStruct((8, 16), f32),
        ],
    )(acc1, h1p, sc1, m1, w2t, b1, acat2, kmat)


def _stage_c(acc2, h2f, sc2, m2, xw, b2, gamma, beta,
             wiht, b_ih, b_hh, wfct, b_fc):
    def body(acc2_ref, h2f_ref, sc2_ref, m2_ref, xw_ref,
             b2_ref, gamma_ref, beta_ref, wiht_ref, bih_ref, bhh_ref,
             wfct_ref, bfc_ref, out_ref):
        CC = HID // 2
        b0 = acc2_ref[0]
        b1v = acc2_ref[1]
        out2 = jnp.concatenate([b0[:, :CC], b1v[:, :CC]], axis=1)
        h2 = jnp.concatenate([h2f_ref[0][:, :CC], h2f_ref[1][:, :CC]], axis=1)
        den = b0[:, CC:CC + 1]
        at = sc2_ref[:]
        wself = jnp.exp(_leaky(at[:, :1] + at[:, 1:2]) - m2_ref[0, 0])
        g2 = (out2 + wself * h2) / (den + wself + 1e-16)
        h = _leaky(g2 + b2_ref[:])
        mu = jnp.mean(h, axis=1, keepdims=True)
        d = h - mu
        var = jnp.mean(d * d, axis=1, keepdims=True)
        h = d * jax.lax.rsqrt(var + 1e-5) * gamma_ref[:] + beta_ref[:]
        h = h + xw_ref[:]
        gi = jnp.dot(h, wiht_ref[:], preferred_element_type=f32) + bih_ref[:]
        bhh = bhh_ref[:]
        r = jax.nn.sigmoid(gi[:, :HID] + bhh[:, :HID])
        z = jax.nn.sigmoid(gi[:, HID:2 * HID] + bhh[:, HID:2 * HID])
        nc = jnp.tanh(gi[:, 2 * HID:] + r * bhh[:, 2 * HID:])
        hout = (1.0 - z) * nc
        out_ref[:] = jnp.dot(hout, wfct_ref[:],
                             preferred_element_type=f32) + bfc_ref[:]

    full = lambda *shape: pl.BlockSpec(shape, lambda i: (0,) * len(shape))
    return pl.pallas_call(
        body,
        grid=(NG,),
        in_specs=[
            pl.BlockSpec((2, BR, HID // 2 + 1), lambda i: (0, i, 0)),
            pl.BlockSpec((2, BR, HID // 2 + 1), lambda i: (0, i, 0)),
            pl.BlockSpec((BR, 8), lambda i: (i, 0)),
            full(8, 16),
            pl.BlockSpec((BR, HID), lambda i: (i, 0)),
            full(1, HID),
            full(1, HID),
            full(1, HID),
            full(HID, 3 * HID),
            full(1, 3 * HID),
            full(1, 3 * HID),
            full(HID, 8),
            full(1, 8),
        ],
        out_specs=pl.BlockSpec((BR, 8), lambda i: (i, 0)),
        out_shape=jax.ShapeDtypeStruct((N, 8), f32),
    )(acc2, h2f, sc2, m2, xw, b2, gamma, beta,
      wiht, b_ih, b_hh, wfct, b_fc)


def _sc_pass1(*args):
    return _make_sc_pass(2 * HID, 2, 8, 96, 6)(*args)


def _sc_pass2(*args):
    return _make_sc_pass(HID // 2, 1, 2, 96, 6)(*args)


@jax.jit
def kernel(x, edge_index, W_in, b_in, W1, a_src1, a_dst1, b1, W2, a_src2,
           a_dst2, b2, gamma, beta, W_ih, W_hh, b_ih, b_hh, W_fc, b_fc):
    w1t = W1.T
    W1h = W1.reshape(HEADS, HID, F_IN)
    as_rows = jnp.einsum('hcf,hc->hf', W1h, a_src1)
    ad_rows = jnp.einsum('hcf,hc->hf', W1h, a_dst1)
    acat1 = jnp.concatenate([as_rows, ad_rows], axis=0)
    wint = W_in.T
    w2t = W2.T
    acat2 = jnp.concatenate([a_src2, a_dst2], axis=0)
    kmat = jnp.kron(jnp.eye(HEADS, dtype=f32), jnp.ones((1, HID), f32))
    wiht = W_ih.T
    wfct = jnp.concatenate(
        [W_fc.T, jnp.zeros((HID, 5), f32)], axis=1)
    bfc = jnp.concatenate([b_fc, jnp.zeros((5,), f32)])[None, :]

    pade = E2 - E
    src_p = jnp.concatenate([edge_index[0], jnp.zeros((pade,), i32)])
    dst_p = jnp.concatenate([edge_index[1], jnp.full((pade,), N, i32)])
    gsrc_all = jnp.concatenate([src_p, src_p + N])
    zc1 = jnp.zeros((NP, 2 * HID + 2), f32)
    zc2 = jnp.zeros((NP, HID // 2 + 1), f32)

    h1p, sc1, m1, xw = _stage_a(x, w1t, acat1, wint, b_in[None, :])
    sc1x = jnp.concatenate([sc1, sc1], axis=0)

    acc1 = _sc_pass1(h1p.reshape(NCORE * N, 2 * HID + 2), gsrc_all, dst_p,
                     sc1x, m1.reshape(-1), zc1)
    acc1 = acc1[0] if isinstance(acc1, (list, tuple)) else acc1

    acc1c = jnp.stack([acc1[:N], acc1[NP:NP + N]])
    h2f, sc2, m2 = _stage_b(
        acc1c, h1p, sc1, m1, w2t, b1[None, :], acat2, kmat)
    sc2x = jnp.concatenate([sc2, sc2], axis=0)

    acc2 = _sc_pass2(h2f.reshape(NCORE * N, HID // 2 + 1), gsrc_all, dst_p,
                     sc2x, m2.reshape(-1), zc2)
    acc2 = acc2[0] if isinstance(acc2, (list, tuple)) else acc2

    acc2c = jnp.stack([acc2[:N], acc2[NP:NP + N]])
    out = _stage_c(acc2c, h2f, sc2, m2, xw,
                   b2[None, :], gamma[None, :], beta[None, :],
                   wiht, b_ih[None, :], b_hh[None, :], wfct, bfc)
    return out[:, :3]

# --- scband reference (transcript-rebuilt; emitter-appended) ---
"""Pipeline reference for scband-temporal-gatgru-62886911148786 (READ-ONLY COPY).

The authoritative reference and input builder live on the scoring server;
editing this copy changes nothing except your own understanding.
"""

import jax, jax.numpy as jnp
import numpy as np

N = 10000
E = 320000
F_IN = 128
HID = 64
HEADS = 4
NEG = 0.2


def setup_inputs(seed: int = 0) -> dict:
    key = jax.random.key(seed)
    ks = jax.random.split(key, 24)
    x = jax.random.normal(ks[0], (N, F_IN), dtype=jnp.float32)
    edge_index = jax.random.randint(ks[1], (2, E), 0, N, dtype=jnp.int32)
    s = 0.1
    params = {
        'W_in': s * jax.random.normal(ks[2], (HID, F_IN), dtype=jnp.float32),
        'b_in': jnp.zeros((HID,), dtype=jnp.float32),
        'W1': s * jax.random.normal(ks[3], (HEADS * HID, F_IN), dtype=jnp.float32),
        'a_src1': s * jax.random.normal(ks[4], (HEADS, HID), dtype=jnp.float32),
        'a_dst1': s * jax.random.normal(ks[5], (HEADS, HID), dtype=jnp.float32),
        'b1': jnp.zeros((HEADS * HID,), dtype=jnp.float32),
        'W2': s * jax.random.normal(ks[6], (HID, HEADS * HID), dtype=jnp.float32),
        'a_src2': s * jax.random.normal(ks[7], (1, HID), dtype=jnp.float32),
        'a_dst2': s * jax.random.normal(ks[8], (1, HID), dtype=jnp.float32),
        'b2': jnp.zeros((HID,), dtype=jnp.float32),
        'gamma': jnp.ones((HID,), dtype=jnp.float32),
        'beta': jnp.zeros((HID,), dtype=jnp.float32),
        'W_ih': s * jax.random.normal(ks[9], (3 * HID, HID), dtype=jnp.float32),
        'W_hh': s * jax.random.normal(ks[10], (3 * HID, HID), dtype=jnp.float32),
        'b_ih': jnp.zeros((3 * HID,), dtype=jnp.float32),
        'b_hh': jnp.zeros((3 * HID,), dtype=jnp.float32),
        'W_fc': s * jax.random.normal(ks[11], (3, HID), dtype=jnp.float32),
        'b_fc': jnp.zeros((3,), dtype=jnp.float32),
    }
    return {'x': x, 'edge_index': edge_index, **params}


def _gat_layer(x, src, dst, W, a_src, a_dst, b, heads, c, n):
    # PyG-style GATConv (eval mode: dropout inactive), self-loops already appended
    h = (x @ W.T).reshape(n, heads, c)
    alpha_src = (h * a_src[None, :, :]).sum(-1)  # [N, H]
    alpha_dst = (h * a_dst[None, :, :]).sum(-1)  # [N, H]
    e = jax.nn.leaky_relu(alpha_src[src] + alpha_dst[dst], NEG)  # [E, H]
    m = jax.lax.stop_gradient(jax.ops.segment_max(e, dst, num_segments=n))
    ex = jnp.exp(e - m[dst])
    denom = jax.ops.segment_sum(ex, dst, num_segments=n)
    alpha = ex / (denom[dst] + 1e-16)
    msg = h[src] * alpha[:, :, None]
    out = jax.ops.segment_sum(msg, dst, num_segments=n)  # [N, H, C]
    return out.reshape(n, heads * c) + b


def reference(x, edge_index, W_in, b_in, W1, a_src1, a_dst1, b1, W2, a_src2, a_dst2, b2, gamma, beta, W_ih, W_hh, b_ih, b_hh, W_fc, b_fc):
    n = x.shape[0]
    loop = jnp.arange(n, dtype=edge_index.dtype)
    src = jnp.concatenate([edge_index[0], loop])
    dst = jnp.concatenate([edge_index[1], loop])
    h = jax.nn.leaky_relu(_gat_layer(x, src, dst, W1, a_src1, a_dst1, b1, HEADS, HID, n), NEG)
    h = _gat_layer(h, src, dst, W2, a_src2, a_dst2, b2, 1, HID, n)
    h = jax.nn.leaky_relu(h, NEG)
    mu = h.mean(-1, keepdims=True)
    var = ((h - mu) ** 2).mean(-1, keepdims=True)
    h = (h - mu) / jnp.sqrt(var + 1e-5) * gamma + beta
    h = h + (x @ W_in.T + b_in)
    # GRU, seq_len = 1, h0 = 0 (PyTorch GRU cell equations)
    h_prev = jnp.zeros_like(h)
    gi = h @ W_ih.T + b_ih
    gh = h_prev @ W_hh.T + b_hh
    i_r, i_z, i_n = jnp.split(gi, 3, axis=1)
    h_r, h_z, h_n = jnp.split(gh, 3, axis=1)
    r = jax.nn.sigmoid(i_r + h_r)
    z = jax.nn.sigmoid(i_z + h_z)
    ncand = jnp.tanh(i_n + r * h_n)
    hout = (1.0 - z) * ncand + z * h_prev
    return hout @ W_fc.T + b_fc

if __name__ == "__main__":
    import jax
    _d = setup_inputs()
    print(jax.jit(kernel)(*tuple(_d.values())))

</pallas_src>

<mosaic_0001>
#map = affine_map<(d0, d1) -> (0, 0)>
#map1 = affine_map<(d0, d1) -> (0)>
module attributes {stable_mosaic.version = 14 : i64} {
  func.func @body(%arg0: i32, %arg1: i32, %arg2: memref<20000x130xf32, #tpu.memory_space<hbm>>, %arg3: memref<645120xi32, #tpu.memory_space<hbm>>, %arg4: memref<322560xi32, #tpu.memory_space<hbm>>, %arg5: memref<20000x8xf32, #tpu.memory_space<hbm>>, %arg6: memref<128xf32, #tpu.memory_space<hbm>>, %arg7: memref<10112x130xf32, #tpu.memory_space<hbm>>, %arg8: memref<20224x130xf32, #tpu.memory_space<hbm>>, %arg9: memref<10112x130xf32, #tpu.memory_space<vmem_shared>>, %arg10: memref<128xf32, #tpu.memory_space<vmem>>, %arg11: memref<576xi32, #tpu.memory_space<vmem>>, %arg12: memref<576xi32, #tpu.memory_space<vmem>>, %arg13: memref<96x130xf32, #tpu.memory_space<vmem>>, %arg14: memref<96x130xf32, #tpu.memory_space<vmem>>, %arg15: memref<96x130xf32, #tpu.memory_space<vmem>>, %arg16: memref<96x8xf32, #tpu.memory_space<vmem>>, %arg17: memref<96x8xf32, #tpu.memory_space<vmem>>, %arg18: memref<96x8xf32, #tpu.memory_space<vmem>>, %arg19: memref<96x8xf32, #tpu.memory_space<vmem>>, %arg20: memref<96x8xf32, #tpu.memory_space<vmem>>, %arg21: memref<96x8xf32, #tpu.memory_space<vmem>>, %arg22: memref<96xi32, #tpu.memory_space<vmem>>, %arg23: memref<96xi32, #tpu.memory_space<vmem>>, %arg24: memref<96xi32, #tpu.memory_space<vmem>>, %arg25: memref<192xf32, #tpu.memory_space<vmem>>, %arg26: memref<!tpu.dma_semaphore, #tpu.memory_space<semaphore_mem>>, %arg27: memref<!tpu.dma_semaphore, #tpu.memory_space<semaphore_mem>>, %arg28: memref<!tpu.dma_semaphore, #tpu.memory_space<semaphore_mem>>, %arg29: memref<!tpu.dma_semaphore, #tpu.memory_space<semaphore_mem>>, %arg30: memref<!tpu.dma_semaphore, #tpu.memory_space<semaphore_mem>>, %arg31: memref<!tpu.dma_semaphore, #tpu.memory_space<semaphore_mem>>) attributes {dimension_semantics = [#tpu.dimension_semantics<core_parallel>, #tpu.dimension_semantics<subcore_parallel>], iteration_bounds = array<i64: 2, 16>, scalar_prefetch = 0 : i64, scratch_operands = 23 : i64, tpu.core_type = #tpu.core_type<sc_vector_subcore>, window_params = [{transform_indices = #map}, {transform_indices = #map1}, {transform_indices = #map1}, {transform_indices = #map}, {transform_indices = #map1}, {transform_indices = #map}, {transform_indices = #map}]} {
    %mul3A = arith.constant 20160 : i32
    %mul3A_0 = arith.muli %arg1, %mul3A : i32
    %iota3A = tpu.iota {dimensions = array<i32: 0>} : vector<16xi32>
    "tpu.region"() ({
      %run_scoped3A = tpu.sem_alloc : memref<!tpu.dma_semaphore, #tpu.memory_space<semaphore_mem>>
      tpu.enqueue_dma source(%arg6 : memref<128xf32, #tpu.memory_space<hbm>>) target(%arg10 : memref<128xf32, #tpu.memory_space<vmem>>) target_semaphore(%run_scoped3A : memref<!tpu.dma_semaphore, #tpu.memory_space<semaphore_mem>>)
      tpu.wait_dma2 semaphore(%run_scoped3A : memref<!tpu.dma_semaphore, #tpu.memory_space<semaphore_mem>>) src(%arg6 : memref<128xf32, #tpu.memory_space<hbm>>) dst(%arg10 : memref<128xf32, #tpu.memory_space<vmem>>)
      tpu.yield
    }) : () -> ()
    %mul3A_1 = arith.constant 632 : i32
    %mul3A_2 = arith.muli %arg1, %mul3A_1 : i32
    %mul3A_3 = arith.constant 632 : i32
    %mul3A_4 = arith.muli %arg1, %mul3A_3 : i32
    "tpu.region"() ({
      %run_scoped3A = tpu.sem_alloc : memref<!tpu.dma_semaphore, #tpu.memory_space<semaphore_mem>>
      %dma_start3A_59 = arith.constant 0 : i32
      %dma_start3A_60 = tpu.memref_slice %arg9[%mul3A_4, %dma_start3A_59] : memref<10112x130xf32, #tpu.memory_space<vmem_shared>> -> memref<632x130xf32, #tpu.memory_space<vmem_shared>>
      %dma_start3A_61 = arith.constant 0 : i32
      %dma_start3A_62 = tpu.memref_slice %arg7[%mul3A_2, %dma_start3A_61] : memref<10112x130xf32, #tpu.memory_space<hbm>> -> memref<632x130xf32, #tpu.memory_space<hbm>>
      tpu.enqueue_dma source(%dma_start3A_62 : memref<632x130xf32, #tpu.memory_space<hbm>>) target(%dma_start3A_60 : memref<632x130xf32, #tpu.memory_space<vmem_shared>>) target_semaphore(%run_scoped3A : memref<!tpu.dma_semaphore, #tpu.memory_space<semaphore_mem>>)
      %dma_wait3A_63 = arith.constant 0 : i32
      %dma_wait3A_64 = tpu.memref_slice %arg9[%mul3A_4, %dma_wait3A_63] : memref<10112x130xf32, #tpu.memory_space<vmem_shared>> -> memref<632x130xf32, #tpu.memory_space<vmem_shared>>
      %dma_wait3A_65 = arith.constant 0 : i32
      %dma_wait3A_66 = tpu.memref_slice %arg7[%mul3A_2, %dma_wait3A_65] : memref<10112x130xf32, #tpu.memory_space<hbm>> -> memref<632x130xf32, #tpu.memory_space<hbm>>
      tpu.wait_dma2 semaphore(%run_scoped3A : memref<!tpu.dma_semaphore, #tpu.memory_space<semaphore_mem>>) src(%dma_wait3A_66 : memref<632x130xf32, #tpu.memory_space<hbm>>) dst(%dma_wait3A_64 : memref<632x130xf32, #tpu.memory_space<vmem_shared>>)
      tpu.yield
    }) : () -> ()
    %barrier3A = arith.constant 0 : index
    tpu.barrier barrier_id(%barrier3A)
    %broadcast_in_dim3A = arith.constant 16 : i32
    %broadcast_in_dim3A_5 = vector.broadcast %broadcast_in_dim3A : i32 to vector<16xi32>
    %mul3A_6 = arith.constant 2 : i32
    %mul3A_7 = arith.muli %mul3A_6, %arg0 : i32
    %add3A = arith.constant 0 : i32
    %add3A_8 = arith.addi %mul3A_7, %add3A : i32
    %mul3A_9 = vector.broadcast %add3A_8 : i32 to vector<16xi32>
    %mul3A_10 = arith.muli %broadcast_in_dim3A_5, %mul3A_9 : vector<16xi32>
    %gather3A = tpu.vector_load_idx %arg10[%mul3A_10] : memref<128xf32, #tpu.memory_space<vmem>>[vector<16xi32>], vector<16xf32>,
    %broadcast_in_dim3A_11 = arith.constant 16 : i32
    %broadcast_in_dim3A_12 = vector.broadcast %broadcast_in_dim3A_11 : i32 to vector<16xi32>
    %mul3A_13 = arith.constant 2 : i32
    %mul3A_14 = arith.muli %mul3A_13, %arg0 : i32
    %add3A_15 = arith.constant 1 : i32
    %add3A_16 = arith.addi %mul3A_14, %add3A_15 : i32
    %mul3A_17 = vector.broadcast %add3A_16 : i32 to vector<16xi32>
    %mul3A_18 = arith.muli %broadcast_in_dim3A_12, %mul3A_17 : vector<16xi32>
    %gather3A_19 = tpu.vector_load_idx %arg10[%mul3A_18] : memref<128xf32, #tpu.memory_space<vmem>>[vector<16xi32>], vector<16xf32>,
    %mul3A_20 = arith.constant 322560 : i32
    %mul3A_21 = arith.muli %arg0, %mul3A_20 : i32
    %add3A_22 = arith.addi %mul3A_21, %mul3A_0 : i32
    %add3A_23 = arith.constant 0 : i32
    %add3A_24 = arith.addi %add3A_22, %add3A_23 : i32
    "tpu.region"() ({
      %run_scoped3A = tpu.sem_alloc : memref<!tpu.dma_semaphore, #tpu.memory_space<semaphore_mem>>
      %dma_start3A_59 = tpu.memref_slice %arg3[%add3A_24] : memref<645120xi32, #tpu.memory_space<hbm>> -> memref<576xi32, #tpu.memory_space<hbm>>
      %dma_start3A_60 = tpu.memref_slice %arg3[%add3A_24] : memref<645120xi32, #tpu.memory_space<hbm>> -> memref<576xi32, #tpu.memory_space<hbm>>
      tpu.enqueue_dma source(%dma_start3A_60 : memref<576xi32, #tpu.memory_space<hbm>>) target(%arg11 : memref<576xi32, #tpu.memory_space<vmem>>) target_semaphore(%run_scoped3A : memref<!tpu.dma_semaphore, #tpu.memory_space<semaphore_mem>>)
      %dma_wait3A_61 = tpu.memref_slice %arg3[%add3A_24] : memref<645120xi32, #tpu.memory_space<hbm>> -> memref<576xi32, #tpu.memory_space<hbm>>
      %dma_wait3A_62 = tpu.memref_slice %arg3[%add3A_24] : memref<645120xi32, #tpu.memory_space<hbm>> -> memref<576xi32, #tpu.memory_space<hbm>>
      tpu.wait_dma2 semaphore(%run_scoped3A : memref<!tpu.dma_semaphore, #tpu.memory_space<semaphore_mem>>) src(%dma_wait3A_62 : memref<576xi32, #tpu.memory_space<hbm>>) dst(%arg11 : memref<576xi32, #tpu.memory_space<vmem>>)
      tpu.yield
    }) : () -> ()
    %add3A_25 = arith.constant 0 : i32
    %add3A_26 = arith.addi %mul3A_0, %add3A_25 : i32
    "tpu.region"() ({
      %run_scoped3A = tpu.sem_alloc : memref<!tpu.dma_semaphore, #tpu.memory_space<semaphore_mem>>
      %dma_start3A_59 = tpu.memref_slice %arg4[%add3A_26] : memref<322560xi32, #tpu.memory_space<hbm>> -> memref<576xi32, #tpu.memory_space<hbm>>
      %dma_start3A_60 = tpu.memref_slice %arg4[%add3A_26] : memref<322560xi32, #tpu.memory_space<hbm>> -> memref<576xi32, #tpu.memory_space<hbm>>
      tpu.enqueue_dma source(%dma_start3A_60 : memref<576xi32, #tpu.memory_space<hbm>>) target(%arg12 : memref<576xi32, #tpu.memory_space<vmem>>) target_semaphore(%run_scoped3A : memref<!tpu.dma_semaphore, #tpu.memory_space<semaphore_mem>>)
      %dma_wait3A_61 = tpu.memref_slice %arg4[%add3A_26] : memref<322560xi32, #tpu.memory_space<hbm>> -> memref<576xi32, #tpu.memory_space<hbm>>
      %dma_wait3A_62 = tpu.memref_slice %arg4[%add3A_26] : memref<322560xi32, #tpu.memory_space<hbm>> -> memref<576xi32, #tpu.memory_space<hbm>>
      tpu.wait_dma2 semaphore(%run_scoped3A : memref<!tpu.dma_semaphore, #tpu.memory_space<semaphore_mem>>) src(%dma_wait3A_62 : memref<576xi32, #tpu.memory_space<hbm>>) dst(%arg12 : memref<576xi32, #tpu.memory_space<vmem>>)
      tpu.yield
    }) : () -> ()
    %dma_start3A = arith.constant 0 : i32
    %dma_start3A_27 = tpu.memref_slice %arg11[%dma_start3A] : memref<576xi32, #tpu.memory_space<vmem>> -> memref<96xi32, #tpu.memory_space<vmem>>
    %dma_start3A_28 = arith.constant 0 : i32
    %dma_start3A_29 = arith.constant 0 : i32
    %dma_start3A_30 = tpu.memref_slice %arg2[%dma_start3A_28, %dma_start3A_29] : memref<20000x130xf32, #tpu.memory_space<hbm>> -> memref<20000x130xf32, #tpu.memory_space<hbm>>
    tpu.enqueue_indirect_dma source(%dma_start3A_30 : memref<20000x130xf32, #tpu.memory_space<hbm>>) target(%arg13 : memref<96x130xf32, #tpu.memory_space<vmem>>) offsets(%dma_start3A_27 : memref<96xi32, #tpu.memory_space<vmem>>) semaphore(%arg26 : memref<!tpu.dma_semaphore, #tpu.memory_space<semaphore_mem>>)
    %dma_start3A_31 = arith.constant 0 : i32
    %dma_start3A_32 = tpu.memref_slice %arg11[%dma_start3A_31] : memref<576xi32, #tpu.memory_space<vmem>> -> memref<96xi32, #tpu.memory_space<vmem>>
    %dma_start3A_33 = arith.constant 0 : i32
    %dma_start3A_34 = arith.constant 0 : i32
    %dma_start3A_35 = tpu.memref_slice %arg5[%dma_start3A_33, %dma_start3A_34] : memref<20000x8xf32, #tpu.memory_space<hbm>> -> memref<20000x8xf32, #tpu.memory_space<hbm>>
    tpu.enqueue_indirect_dma source(%dma_start3A_35 : memref<20000x8xf32, #tpu.memory_space<hbm>>) target(%arg16 : memref<96x8xf32, #tpu.memory_space<vmem>>) offsets(%dma_start3A_32 : memref<96xi32, #tpu.memory_space<vmem>>) semaphore(%arg26 : memref<!tpu.dma_semaphore, #tpu.memory_space<semaphore_mem>>)
    %dma_start3A_36 = arith.constant 0 : i32
    %dma_start3A_37 = tpu.memref_slice %arg12[%dma_start3A_36] : memref<576xi32, #tpu.memory_space<vmem>> -> memref<96xi32, #tpu.memory_space<vmem>>
    %dma_start3A_38 = arith.constant 0 : i32
    %dma_start3A_39 = arith.constant 0 : i32
    %dma_start3A_40 = tpu.memref_slice %arg5[%dma_start3A_38, %dma_start3A_39] : memref<20000x8xf32, #tpu.memory_space<hbm>> -> memref<20000x8xf32, #tpu.memory_space<hbm>>
    tpu.enqueue_indirect_dma source(%dma_start3A_40 : memref<20000x8xf32, #tpu.memory_space<hbm>>) target(%arg19 : memref<96x8xf32, #tpu.memory_space<vmem>>) offsets(%dma_start3A_37 : memref<96xi32, #tpu.memory_space<vmem>>) semaphore(%arg26 : memref<!tpu.dma_semaphore, #tpu.memory_space<semaphore_mem>>)
    %scan3A = arith.constant 0 : i32
    %scan3A_41 = arith.constant 0 : i32
    %scan3A_42 = arith.constant 70 : i32
    %scan3A_43 = arith.addi %scan3A_41, %scan3A_42 : i32
    %scan3A_44 = arith.constant 1 : i32
    scf.for %scan3A_59 = %scan3A_41 to %scan3A_43 step %scan3A_44  : i32 {
      %rem3A = arith.constant 2 : i32
      %rem3A_60 = arith.remsi %scan3A_59, %rem3A : i32
      %mul3A_61 = arith.constant 3 : i32
      %mul3A_62 = arith.muli %mul3A_61, %rem3A_60 : i32
      %add3A_63 = arith.constant 0 : i32
      %add3A_64 = arith.addi %mul3A_62, %add3A_63 : i32
      %mul3A_65 = arith.constant 96 : i32
      %mul3A_66 = arith.muli %add3A_64, %mul3A_65 : i32
      %add3A_67 = arith.constant 0 : i32
      %add3A_68 = arith.addi %mul3A_66, %add3A_67 : i32
      %get3A = arith.index_cast %add3A_68 : i32 to index
      %get3A_69 = tpu.vector_load %arg12[%get3A] {strides = array<i32>} : memref<576xi32, #tpu.memory_space<vmem>>, vector<16xi32>,
      %swap3A = arith.constant 0 : index
      %swap3A_70 = tpu.vector_load %arg22[%swap3A] {strides = array<i32>} : memref<96xi32, #tpu.memory_space<vmem>>, vector<16xi32>,
      tpu.vector_store %arg22[%swap3A], %get3A_69 {strides = array<i32>} : memref<96xi32, #tpu.memory_space<vmem>>, vector<16xi32>,
      %add3A_71 = arith.constant 16 : i32
      %add3A_72 = arith.addi %mul3A_66, %add3A_71 : i32
      %get3A_73 = arith.index_cast %add3A_72 : i32 to index
      %get3A_74 = tpu.vector_load %arg12[%get3A_73] {strides = array<i32>} : memref<576xi32, #tpu.memory_space<vmem>>, vector<16xi32>,
      %swap3A_75 = arith.constant 16 : index
      %swap3A_76 = tpu.vector_load %arg22[%swap3A_75] {strides = array<i32>} : memref<96xi32, #tpu.memory_space<vmem>>, vector<16xi32>,
      tpu.vector_store %arg22[%swap3A_75], %get3A_74 {strides = array<i32>} : memref<96xi32, #tpu.memory_space<vmem>>, vector<16xi32>,
      %add3A_77 = arith.constant 32 : i32
      %add3A_78 = arith.addi %mul3A_66, %add3A_77 : i32
      %get3A_79 = arith.index_cast %add3A_78 : i32 to index
      %get3A_80 = tpu.vector_load %arg12[%get3A_79] {strides = array<i32>} : memref<576xi32, #tpu.memory_space<vmem>>, vector<16xi32>,
      %swap3A_81 = arith.constant 32 : index
      %swap3A_82 = tpu.vector_load %arg22[%swap3A_81] {strides = array<i32>} : memref<96xi32, #tpu.memory_space<vmem>>, vector<16xi32>,
      tpu.vector_store %arg22[%swap3A_81], %get3A_80 {strides = array<i32>} : memref<96xi32, #tpu.memory_space<vmem>>, vector<16xi32>,
      %add3A_83 = arith.constant 48 : i32
      %add3A_84 = arith.addi %mul3A_66, %add3A_83 : i32
      %get3A_85 = arith.index_cast %add3A_84 : i32 to index
      %get3A_86 = tpu.vector_load %arg12[%get3A_85] {strides = array<i32>} : memref<576xi32, #tpu.memory_space<vmem>>, vector<16xi32>,
      %swap3A_87 = arith.constant 48 : index
      %swap3A_88 = tpu.vector_load %arg22[%swap3A_87] {strides = array<i32>} : memref<96xi32, #tpu.memory_space<vmem>>, vector<16xi32>,
      tpu.vector_store %arg22[%swap3A_87], %get3A_86 {strides = array<i32>} : memref<96xi32, #tpu.memory_space<vmem>>, vector<16xi32>,
      %add3A_89 = arith.constant 64 : i32
      %add3A_90 = arith.addi %mul3A_66, %add3A_89 : i32
      %get3A_91 = arith.index_cast %add3A_90 : i32 to index
      %get3A_92 = tpu.vector_load %arg12[%get3A_91] {strides = array<i32>} : memref<576xi32, #tpu.memory_space<vmem>>, vector<16xi32>,
      %swap3A_93 = arith.constant 64 : index
      %swap3A_94 = tpu.vector_load %arg22[%swap3A_93] {strides = array<i32>} : memref<96xi32, #tpu.memory_space<vmem>>, vector<16xi32>,
      tpu.vector_store %arg22[%swap3A_93], %get3A_92 {strides = array<i32>} : memref<96xi32, #tpu.memory_space<vmem>>, vector<16xi32>,
      %add3A_95 = arith.constant 80 : i32
      %add3A_96 = arith.addi %mul3A_66, %add3A_95 : i32
      %get3A_97 = arith.index_cast %add3A_96 : i32 to index
      %get3A_98 = tpu.vector_load %arg12[%get3A_97] {strides = array<i32>} : memref<576xi32, #tpu.memory_space<vmem>>, vector<16xi32>,
      %swap3A_99 = arith.constant 80 : index
      %swap3A_100 = tpu.vector_load %arg22[%swap3A_99] {strides = array<i32>} : memref<96xi32, #tpu.memory_space<vmem>>, vector<16xi32>,
      tpu.vector_store %arg22[%swap3A_99], %get3A_98 {strides = array<i32>} : memref<96xi32, #tpu.memory_space<vmem>>, vector<16xi32>,
      %dma_wait3A_101 = arith.constant 0 : i32
      %dma_wait3A_102 = tpu.memref_slice %arg11[%dma_wait3A_101] : memref<576xi32, #tpu.memory_space<vmem>> -> memref<96xi32, #tpu.memory_space<vmem>>
      %dma_wait3A_103 = arith.constant 0 : i32
      %dma_wait3A_104 = arith.constant 0 : i32
      %dma_wait3A_105 = tpu.memref_slice %arg2[%dma_wait3A_103, %dma_wait3A_104] : memref<20000x130xf32, #tpu.memory_space<hbm>> -> memref<20000x130xf32, #tpu.memory_space<hbm>>
      tpu.wait_indirect_dma semaphore(%arg26 : memref<!tpu.dma_semaphore, #tpu.memory_space<semaphore_mem>>) src(%dma_wait3A_105 : memref<20000x130xf32, #tpu.memory_space<hbm>>) dst(%arg13 : memref<96x130xf32, #tpu.memory_space<vmem>>)
      %dma_wait3A_106 = arith.constant 0 : i32
      %dma_wait3A_107 = tpu.memref_slice %arg11[%dma_wait3A_106] : memref<576xi32, #tpu.memory_space<vmem>> -> memref<96xi32, #tpu.memory_space<vmem>>
      %dma_wait3A_108 = arith.constant 0 : i32
      %dma_wait3A_109 = arith.constant 0 : i32
      %dma_wait3A_110 = tpu.memref_slice %arg5[%dma_wait3A_108, %dma_wait3A_109] : memref<20000x8xf32, #tpu.memory_space<hbm>> -> memref<20000x8xf32, #tpu.memory_space<hbm>>
      tpu.wait_indirect_dma semaphore(%arg26 : memref<!tpu.dma_semaphore, #tpu.memory_space<semaphore_mem>>) src(%dma_wait3A_110 : memref<20000x8xf32, #tpu.memory_space<hbm>>) dst(%arg16 : memref<96x8xf32, #tpu.memory_space<vmem>>)
      %dma_wait3A_111 = arith.constant 0 : i32
      %dma_wait3A_112 = tpu.memref_slice %arg12[%dma_wait3A_111] : memref<576xi32, #tpu.memory_space<vmem>> -> memref<96xi32, #tpu.memory_space<vmem>>
      %dma_wait3A_113 = arith.constant 0 : i32
      %dma_wait3A_114 = arith.constant 0 : i32
      %dma_wait3A_115 = tpu.memref_slice %arg5[%dma_wait3A_113, %dma_wait3A_114] : memref<20000x8xf32, #tpu.memory_space<hbm>> -> memref<20000x8xf32, #tpu.memory_space<hbm>>
      tpu.wait_indirect_dma semaphore(%arg26 : memref<!tpu.dma_semaphore, #tpu.memory_space<semaphore_mem>>) src(%dma_wait3A_115 : memref<20000x8xf32, #tpu.memory_space<hbm>>) dst(%arg19 : memref<96x8xf32, #tpu.memory_space<vmem>>)
      %ge3A = arith.constant 1 : i32
      %ge3A_116 = arith.cmpi sge, %scan3A_59, %ge3A : i32
      %convert_element_type3A = arith.extui %ge3A_116 : i1 to i32
      %cond3A = arith.constant 0 : i32
      %cond3A_117 = arith.cmpi ne, %convert_element_type3A, %cond3A : i32
      scf.if %cond3A_117 {
        %dma_wait3A_1370 = arith.constant 0 : i32
        %dma_wait3A_1371 = arith.constant 0 : i32
        %dma_wait3A_1372 = tpu.memref_slice %arg9[%dma_wait3A_1370, %dma_wait3A_1371] : memref<10112x130xf32, #tpu.memory_space<vmem_shared>> -> memref<10112x130xf32, #tpu.memory_space<vmem_shared>>
        tpu.wait_indirect_dma semaphore(%arg30 : memref<!tpu.dma_semaphore, #tpu.memory_space<semaphore_mem>>) src(%arg14 : memref<96x130xf32, #tpu.memory_space<vmem>>) dst(%dma_wait3A_1372 : memref<10112x130xf32, #tpu.memory_space<vmem_shared>>)
      } else {
      }
      %mul3A_118 = arith.constant 3 : i32
      %mul3A_119 = arith.muli %mul3A_118, %rem3A_60 : i32
      %add3A_120 = arith.constant 0 : i32
      %add3A_121 = arith.addi %mul3A_119, %add3A_120 : i32
      %add3A_122 = arith.constant 1 : i32
      %add3A_123 = arith.addi %add3A_121, %add3A_122 : i32
      %mul3A_124 = arith.constant 96 : i32
      %mul3A_125 = arith.muli %add3A_123, %mul3A_124 : i32
      %dma_start3A_126 = tpu.memref_slice %arg11[%mul3A_125] : memref<576xi32, #tpu.memory_space<vmem>> -> memref<96xi32, #tpu.memory_space<vmem>>
      %dma_start3A_127 = arith.constant 0 : i32
      %dma_start3A_128 = arith.constant 0 : i32
      %dma_start3A_129 = tpu.memref_slice %arg2[%dma_start3A_127, %dma_start3A_128] : memref<20000x130xf32, #tpu.memory_space<hbm>> -> memref<20000x130xf32, #tpu.memory_space<hbm>>
      tpu.enqueue_indirect_dma source(%dma_start3A_129 : memref<20000x130xf32, #tpu.memory_space<hbm>>) target(%arg14 : memref<96x130xf32, #tpu.memory_space<vmem>>) offsets(%dma_start3A_126 : memref<96xi32, #tpu.memory_space<vmem>>) semaphore(%arg27 : memref<!tpu.dma_semaphore, #tpu.memory_space<semaphore_mem>>)
      %dma_start3A_130 = tpu.memref_slice %arg11[%mul3A_125] : memref<576xi32, #tpu.memory_space<vmem>> -> memref<96xi32, #tpu.memory_space<vmem>>
      %dma_start3A_131 = arith.constant 0 : i32
      %dma_start3A_132 = arith.constant 0 : i32
      %dma_start3A_133 = tpu.memref_slice %arg5[%dma_start3A_131, %dma_start3A_132] : memref<20000x8xf32, #tpu.memory_space<hbm>> -> memref<20000x8xf32, #tpu.memory_space<hbm>>
      tpu.enqueue_indirect_dma source(%dma_start3A_133 : memref<20000x8xf32, #tpu.memory_space<hbm>>) target(%arg17 : memref<96x8xf32, #tpu.memory_space<vmem>>) offsets(%dma_start3A_130 : memref<96xi32, #tpu.memory_space<vmem>>) semaphore(%arg27 : memref<!tpu.dma_semaphore, #tpu.memory_space<semaphore_mem>>)
      %dma_start3A_134 = tpu.memref_slice %arg12[%mul3A_125] : memref<576xi32, #tpu.memory_space<vmem>> -> memref<96xi32, #tpu.memory_space<vmem>>
      %dma_start3A_135 = arith.constant 0 : i32
      %dma_start3A_136 = arith.constant 0 : i32
      %dma_start3A_137 = tpu.memref_slice %arg5[%dma_start3A_135, %dma_start3A_136] : memref<20000x8xf32, #tpu.memory_space<hbm>> -> memref<20000x8xf32, #tpu.memory_space<hbm>>
      tpu.enqueue_indirect_dma source(%dma_start3A_137 : memref<20000x8xf32, #tpu.memory_space<hbm>>) target(%arg20 : memref<96x8xf32, #tpu.memory_space<vmem>>) offsets(%dma_start3A_134 : memref<96xi32, #tpu.memory_space<vmem>>) semaphore(%arg27 : memref<!tpu.dma_semaphore, #tpu.memory_space<semaphore_mem>>)
      %add3A_138 = arith.constant 0 : i32
      %add3A_139 = vector.broadcast %add3A_138 : i32 to vector<16xi32>
      %add3A_140 = arith.addi %iota3A, %add3A_139 : vector<16xi32>
      %mul3A_141 = arith.constant 2 : i32
      %mul3A_142 = arith.muli %mul3A_141, %arg0 : i32
      %add3A_143 = arith.constant 0 : i32
      %add3A_144 = arith.addi %mul3A_142, %add3A_143 : i32
      %mul3A_145 = arith.constant 2 : i32
      %mul3A_146 = arith.muli %mul3A_145, %arg0 : i32
      %add3A_147 = arith.constant 4 : i32
      %add3A_148 = arith.addi %add3A_147, %mul3A_146 : i32
      %add3A_149 = arith.constant 0 : i32
      %add3A_150 = arith.addi %add3A_148, %add3A_149 : i32
      %broadcast_in_dim3A_151 = vector.broadcast %add3A_144 : i32 to vector<16xi32>
      %gather3A_152 = tpu.vector_load_idx %arg16[%add3A_140, %broadcast_in_dim3A_151] : memref<96x8xf32, #tpu.memory_space<vmem>>[vector<16xi32>, vector<16xi32>], vector<16xf32>,
      %broadcast_in_dim3A_153 = vector.broadcast %add3A_150 : i32 to vector<16xi32>
      %gather3A_154 = tpu.vector_load_idx %arg19[%add3A_140, %broadcast_in_dim3A_153] : memref<96x8xf32, #tpu.memory_space<vmem>>[vector<16xi32>, vector<16xi32>], vector<16xf32>,
      %add3A_155 = arith.addf %gather3A_152, %gather3A_154 : vector<16xf32>
      %ge3A_156 = arith.constant 0.000000e+00 : f32
      %ge3A_157 = vector.broadcast %ge3A_156 : f32 to vector<16xf32>
      %ge3A_158 = arith.cmpf oge, %add3A_155, %ge3A_157 : vector<16xf32>
      %mul3A_159 = arith.constant 2.000000e-01 : f32
      %mul3A_160 = vector.broadcast %mul3A_159 : f32 to vector<16xf32>
      %mul3A_161 = arith.mulf %mul3A_160, %add3A_155 : vector<16xf32>
      %select_n3A = arith.select %ge3A_158, %add3A_155, %mul3A_161 : vector<16xi1>, vector<16xf32>
      %sub3A = arith.subf %select_n3A, %gather3A : vector<16xf32>
      %exp3A = math.exp %sub3A : vector<16xf32>
      %swap3A_162 = arith.constant 0 : index
      %swap3A_163 = tpu.vector_load %arg25[%swap3A_162] {strides = array<i32>} : memref<192xf32, #tpu.memory_space<vmem>>, vector<16xf32>,
      tpu.vector_store %arg25[%swap3A_162], %exp3A {strides = array<i32>} : memref<192xf32, #tpu.memory_space<vmem>>, vector<16xf32>,
      %broadcast_in_dim3A_164 = arith.constant 128 : i32
      %broadcast_in_dim3A_165 = vector.broadcast %broadcast_in_dim3A_164 : i32 to vector<16xi32>
      tpu.vector_store_idx %arg13[%add3A_140, %broadcast_in_dim3A_165], %exp3A : memref<96x130xf32, #tpu.memory_space<vmem>>[vector<16xi32>, vector<16xi32>], vector<16xf32>,
      %mul3A_166 = arith.constant 2 : i32
      %mul3A_167 = arith.muli %mul3A_166, %arg0 : i32
      %add3A_168 = arith.constant 1 : i32
      %add3A_169 = arith.addi %mul3A_167, %add3A_168 : i32
      %mul3A_170 = arith.constant 2 : i32
      %mul3A_171 = arith.muli %mul3A_170, %arg0 : i32
      %add3A_172 = arith.constant 4 : i32
      %add3A_173 = arith.addi %add3A_172, %mul3A_171 : i32
      %add3A_174 = arith.constant 1 : i32
      %add3A_175 = arith.addi %add3A_173, %add3A_174 : i32
      %broadcast_in_dim3A_176 = vector.broadcast %add3A_169 : i32 to vector<16xi32>
      %gather3A_177 = tpu.vector_load_idx %arg16[%add3A_140, %broadcast_in_dim3A_176] : memref<96x8xf32, #tpu.memory_space<vmem>>[vector<16xi32>, vector<16xi32>], vector<16xf32>,
      %broadcast_in_dim3A_178 = vector.broadcast %add3A_175 : i32 to vector<16xi32>
      %gather3A_179 = tpu.vector_load_idx %arg19[%add3A_140, %broadcast_in_dim3A_178] : memref<96x8xf32, #tpu.memory_space<vmem>>[vector<16xi32>, vector<16xi32>], vector<16xf32>,
      %add3A_180 = arith.addf %gather3A_177, %gather3A_179 : vector<16xf32>
      %ge3A_181 = arith.constant 0.000000e+00 : f32
      %ge3A_182 = vector.broadcast %ge3A_181 : f32 to vector<16xf32>
      %ge3A_183 = arith.cmpf oge, %add3A_180, %ge3A_182 : vector<16xf32>
      %mul3A_184 = arith.constant 2.000000e-01 : f32
      %mul3A_185 = vector.broadcast %mul3A_184 : f32 to vector<16xf32>
      %mul3A_186 = arith.mulf %mul3A_185, %add3A_180 : vector<16xf32>
      %select_n3A_187 = arith.select %ge3A_183, %add3A_180, %mul3A_186 : vector<16xi1>, vector<16xf32>
      %sub3A_188 = arith.subf %select_n3A_187, %gather3A_19 : vector<16xf32>
      %exp3A_189 = math.exp %sub3A_188 : vector<16xf32>
      %swap3A_190 = arith.constant 96 : index
      %swap3A_191 = tpu.vector_load %arg25[%swap3A_190] {strides = array<i32>} : memref<192xf32, #tpu.memory_space<vmem>>, vector<16xf32>,
      tpu.vector_store %arg25[%swap3A_190], %exp3A_189 {strides = array<i32>} : memref<192xf32, #tpu.memory_space<vmem>>, vector<16xf32>,
      %broadcast_in_dim3A_192 = arith.constant 129 : i32
      %broadcast_in_dim3A_193 = vector.broadcast %broadcast_in_dim3A_192 : i32 to vector<16xi32>
      tpu.vector_store_idx %arg13[%add3A_140, %broadcast_in_dim3A_193], %exp3A_189 : memref<96x130xf32, #tpu.memory_space<vmem>>[vector<16xi32>, vector<16xi32>], vector<16xf32>,
      %add3A_194 = arith.constant 16 : i32
      %add3A_195 = vector.broadcast %add3A_194 : i32 to vector<16xi32>
      %add3A_196 = arith.addi %iota3A, %add3A_195 : vector<16xi32>
      %mul3A_197 = arith.constant 2 : i32
      %mul3A_198 = arith.muli %mul3A_197, %arg0 : i32
      %add3A_199 = arith.constant 0 : i32
      %add3A_200 = arith.addi %mul3A_198, %add3A_199 : i32
      %mul3A_201 = arith.constant 2 : i32
      %mul3A_202 = arith.muli %mul3A_201, %arg0 : i32
      %add3A_203 = arith.constant 4 : i32
      %add3A_204 = arith.addi %add3A_203, %mul3A_202 : i32
      %add3A_205 = arith.constant 0 : i32
      %add3A_206 = arith.addi %add3A_204, %add3A_205 : i32
      %broadcast_in_dim3A_207 = vector.broadcast %add3A_200 : i32 to vector<16xi32>
      %gather3A_208 = tpu.vector_load_idx %arg16[%add3A_196, %broadcast_in_dim3A_207] : memref<96x8xf32, #tpu.memory_space<vmem>>[vector<16xi32>, vector<16xi32>], vector<16xf32>,
      %broadcast_in_dim3A_209 = vector.broadcast %add3A_206 : i32 to vector<16xi32>
      %gather3A_210 = tpu.vector_load_idx %arg19[%add3A_196, %broadcast_in_dim3A_209] : memref<96x8xf32, #tpu.memory_space<vmem>>[vector<16xi32>, vector<16xi32>], vector<16xf32>,
      %add3A_211 = arith.addf %gather3A_208, %gather3A_210 : vector<16xf32>
      %ge3A_212 = arith.constant 0.000000e+00 : f32
      %ge3A_213 = vector.broadcast %ge3A_212 : f32 to vector<16xf32>
      %ge3A_214 = arith.cmpf oge, %add3A_211, %ge3A_213 : vector<16xf32>
      %mul3A_215 = arith.constant 2.000000e-01 : f32
      %mul3A_216 = vector.broadcast %mul3A_215 : f32 to vector<16xf32>
      %mul3A_217 = arith.mulf %mul3A_216, %add3A_211 : vector<16xf32>
      %select_n3A_218 = arith.select %ge3A_214, %add3A_211, %mul3A_217 : vector<16xi1>, vector<16xf32>
      %sub3A_219 = arith.subf %select_n3A_218, %gather3A : vector<16xf32>
      %exp3A_220 = math.exp %sub3A_219 : vector<16xf32>
      %swap3A_221 = arith.constant 16 : index
      %swap3A_222 = tpu.vector_load %arg25[%swap3A_221] {strides = array<i32>} : memref<192xf32, #tpu.memory_space<vmem>>, vector<16xf32>,
      tpu.vector_store %arg25[%swap3A_221], %exp3A_220 {strides = array<i32>} : memref<192xf32, #tpu.memory_space<vmem>>, vector<16xf32>,
      %broadcast_in_dim3A_223 = arith.constant 128 : i32
      %broadcast_in_dim3A_224 = vector.broadcast %broadcast_in_dim3A_223 : i32 to vector<16xi32>
      tpu.vector_store_idx %arg13[%add3A_196, %broadcast_in_dim3A_224], %exp3A_220 : memref<96x130xf32, #tpu.memory_space<vmem>>[vector<16xi32>, vector<16xi32>], vector<16xf32>,
      %mul3A_225 = arith.constant 2 : i32
      %mul3A_226 = arith.muli %mul3A_225, %arg0 : i32
      %add3A_227 = arith.constant 1 : i32
      %add3A_228 = arith.addi %mul3A_226, %add3A_227 : i32
      %mul3A_229 = arith.constant 2 : i32
      %mul3A_230 = arith.muli %mul3A_229, %arg0 : i32
      %add3A_231 = arith.constant 4 : i32
      %add3A_232 = arith.addi %add3A_231, %mul3A_230 : i32
      %add3A_233 = arith.constant 1 : i32
      %add3A_234 = arith.addi %add3A_232, %add3A_233 : i32
      %broadcast_in_dim3A_235 = vector.broadcast %add3A_228 : i32 to vector<16xi32>
      %gather3A_236 = tpu.vector_load_idx %arg16[%add3A_196, %broadcast_in_dim3A_235] : memref<96x8xf32, #tpu.memory_space<vmem>>[vector<16xi32>, vector<16xi32>], vector<16xf32>,
      %broadcast_in_dim3A_237 = vector.broadcast %add3A_234 : i32 to vector<16xi32>
      %gather3A_238 = tpu.vector_load_idx %arg19[%add3A_196, %broadcast_in_dim3A_237] : memref<96x8xf32, #tpu.memory_space<vmem>>[vector<16xi32>, vector<16xi32>], vector<16xf32>,
      %add3A_239 = arith.addf %gather3A_236, %gather3A_238 : vector<16xf32>
      %ge3A_240 = arith.constant 0.000000e+00 : f32
      %ge3A_241 = vector.broadcast %ge3A_240 : f32 to vector<16xf32>
      %ge3A_242 = arith.cmpf oge, %add3A_239, %ge3A_241 : vector<16xf32>
      %mul3A_243 = arith.constant 2.000000e-01 : f32
      %mul3A_244 = vector.broadcast %mul3A_243 : f32 to vector<16xf32>
      %mul3A_245 = arith.mulf %mul3A_244, %add3A_239 : vector<16xf32>
      %select_n3A_246 = arith.select %ge3A_242, %add3A_239, %mul3A_245 : vector<16xi1>, vector<16xf32>
      %sub3A_247 = arith.subf %select_n3A_246, %gather3A_19 : vector<16xf32>
      %exp3A_248 = math.exp %sub3A_247 : vector<16xf32>
      %swap3A_249 = arith.constant 112 : index
      %swap3A_250 = tpu.vector_load %arg25[%swap3A_249] {strides = array<i32>} : memref<192xf32, #tpu.memory_space<vmem>>, vector<16xf32>,
      tpu.vector_store %arg25[%swap3A_249], %exp3A_248 {strides = array<i32>} : memref<192xf32, #tpu.memory_space<vmem>>, vector<16xf32>,
      %broadcast_in_dim3A_251 = arith.constant 129 : i32
      %broadcast_in_dim3A_252 = vector.broadcast %broadcast_in_dim3A_251 : i32 to vector<16xi32>
      tpu.vector_store_idx %arg13[%add3A_196, %broadcast_in_dim3A_252], %exp3A_248 : memref<96x130xf32, #tpu.memory_space<vmem>>[vector<16xi32>, vector<16xi32>], vector<16xf32>,
      %add3A_253 = arith.constant 32 : i32
      %add3A_254 = vector.broadcast %add3A_253 : i32 to vector<16xi32>
      %add3A_255 = arith.addi %iota3A, %add3A_254 : vector<16xi32>
      %mul3A_256 = arith.constant 2 : i32
      %mul3A_257 = arith.muli %mul3A_256, %arg0 : i32
      %add3A_258 = arith.constant 0 : i32
      %add3A_259 = arith.addi %mul3A_257, %add3A_258 : i32
      %mul3A_260 = arith.constant 2 : i32
      %mul3A_261 = arith.muli %mul3A_260, %arg0 : i32
      %add3A_262 = arith.constant 4 : i32
      %add3A_263 = arith.addi %add3A_262, %mul3A_261 : i32
      %add3A_264 = arith.constant 0 : i32
      %add3A_265 = arith.addi %add3A_263, %add3A_264 : i32
      %broadcast_in_dim3A_266 = vector.broadcast %add3A_259 : i32 to vector<16xi32>
      %gather3A_267 = tpu.vector_load_idx %arg16[%add3A_255, %broadcast_in_dim3A_266] : memref<96x8xf32, #tpu.memory_space<vmem>>[vector<16xi32>, vector<16xi32>], vector<16xf32>,
      %broadcast_in_dim3A_268 = vector.broadcast %add3A_265 : i32 to vector<16xi32>
      %gather3A_269 = tpu.vector_load_idx %arg19[%add3A_255, %broadcast_in_dim3A_268] : memref<96x8xf32, #tpu.memory_space<vmem>>[vector<16xi32>, vector<16xi32>], vector<16xf32>,
      %add3A_270 = arith.addf %gather3A_267, %gather3A_269 : vector<16xf32>
      %ge3A_271 = arith.constant 0.000000e+00 : f32
      %ge3A_272 = vector.broadcast %ge3A_271 : f32 to vector<16xf32>
      %ge3A_273 = arith.cmpf oge, %add3A_270, %ge3A_272 : vector<16xf32>
      %mul3A_274 = arith.constant 2.000000e-01 : f32
      %mul3A_275 = vector.broadcast %mul3A_274 : f32 to vector<16xf32>
      %mul3A_276 = arith.mulf %mul3A_275, %add3A_270 : vector<16xf32>
      %select_n3A_277 = arith.select %ge3A_273, %add3A_270, %mul3A_276 : vector<16xi1>, vector<16xf32>
      %sub3A_278 = arith.subf %select_n3A_277, %gather3A : vector<16xf32>
      %exp3A_279 = math.exp %sub3A_278 : vector<16xf32>
      %swap3A_280 = arith.constant 32 : index
      %swap3A_281 = tpu.vector_load %arg25[%swap3A_280] {strides = array<i32>} : memref<192xf32, #tpu.memory_space<vmem>>, vector<16xf32>,
      tpu.vector_store %arg25[%swap3A_280], %exp3A_279 {strides = array<i32>} : memref<192xf32, #tpu.memory_space<vmem>>, vector<16xf32>,
      %broadcast_in_dim3A_282 = arith.constant 128 : i32
      %broadcast_in_dim3A_283 = vector.broadcast %broadcast_in_dim3A_282 : i32 to vector<16xi32>
      tpu.vector_store_idx %arg13[%add3A_255, %broadcast_in_dim3A_283], %exp3A_279 : memref<96x130xf32, #tpu.memory_space<vmem>>[vector<16xi32>, vector<16xi32>], vector<16xf32>,
      %mul3A_284 = arith.constant 2 : i32
      %mul3A_285 = arith.muli %mul3A_284, %arg0 : i32
      %add3A_286 = arith.constant 1 : i32
      %add3A_287 = arith.addi %mul3A_285, %add3A_286 : i32
      %mul3A_288 = arith.constant 2 : i32
      %mul3A_289 = arith.muli %mul3A_288, %arg0 : i32
      %add3A_290 = arith.constant 4 : i32
      %add3A_291 = arith.addi %add3A_290, %mul3A_289 : i32
      %add3A_292 = arith.constant 1 : i32
      %add3A_293 = arith.addi %add3A_291, %add3A_292 : i32
      %broadcast_in_dim3A_294 = vector.broadcast %add3A_287 : i32 to vector<16xi32>
      %gather3A_295 = tpu.vector_load_idx %arg16[%add3A_255, %broadcast_in_dim3A_294] : memref<96x8xf32, #tpu.memory_space<vmem>>[vector<16xi32>, vector<16xi32>], vector<16xf32>,
      %broadcast_in_dim3A_296 = vector.broadcast %add3A_293 : i32 to vector<16xi32>
      %gather3A_297 = tpu.vector_load_idx %arg19[%add3A_255, %broadcast_in_dim3A_296] : memref<96x8xf32, #tpu.memory_space<vmem>>[vector<16xi32>, vector<16xi32>], vector<16xf32>,
      %add3A_298 = arith.addf %gather3A_295, %gather3A_297 : vector<16xf32>
      %ge3A_299 = arith.constant 0.000000e+00 : f32
      %ge3A_300 = vector.broadcast %ge3A_299 : f32 to vector<16xf32>
      %ge3A_301 = arith.cmpf oge, %add3A_298, %ge3A_300 : vector<16xf32>
      %mul3A_302 = arith.constant 2.000000e-01 : f32
      %mul3A_303 = vector.broadcast %mul3A_302 : f32 to vector<16xf32>
      %mul3A_304 = arith.mulf %mul3A_303, %add3A_298 : vector<16xf32>
      %select_n3A_305 = arith.select %ge3A_301, %add3A_298, %mul3A_304 : vector<16xi1>, vector<16xf32>
      %sub3A_306 = arith.subf %select_n3A_305, %gather3A_19 : vector<16xf32>
      %exp3A_307 = math.exp %sub3A_306 : vector<16xf32>
      %swap3A_308 = arith.constant 128 : index
      %swap3A_309 = tpu.vector_load %arg25[%swap3A_308] {strides = array<i32>} : memref<192xf32, #tpu.memory_space<vmem>>, vector<16xf32>,
      tpu.vector_store %arg25[%swap3A_308], %exp3A_307 {strides = array<i32>} : memref<192xf32, #tpu.memory_space<vmem>>, vector<16xf32>,
      %broadcast_in_dim3A_310 = arith.constant 129 : i32
      %broadcast_in_dim3A_311 = vector.broadcast %broadcast_in_dim3A_310 : i32 to vector<16xi32>
      tpu.vector_store_idx %arg13[%add3A_255, %broadcast_in_dim3A_311], %exp3A_307 : memref<96x130xf32, #tpu.memory_space<vmem>>[vector<16xi32>, vector<16xi32>], vector<16xf32>,
      %add3A_312 = arith.constant 48 : i32
      %add3A_313 = vector.broadcast %add3A_312 : i32 to vector<16xi32>
      %add3A_314 = arith.addi %iota3A, %add3A_313 : vector<16xi32>
      %mul3A_315 = arith.constant 2 : i32
      %mul3A_316 = arith.muli %mul3A_315, %arg0 : i32
      %add3A_317 = arith.constant 0 : i32
      %add3A_318 = arith.addi %mul3A_316, %add3A_317 : i32
      %mul3A_319 = arith.constant 2 : i32
      %mul3A_320 = arith.muli %mul3A_319, %arg0 : i32
      %add3A_321 = arith.constant 4 : i32
      %add3A_322 = arith.addi %add3A_321, %mul3A_320 : i32
      %add3A_323 = arith.constant 0 : i32
      %add3A_324 = arith.addi %add3A_322, %add3A_323 : i32
      %broadcast_in_dim3A_325 = vector.broadcast %add3A_318 : i32 to vector<16xi32>
      %gather3A_326 = tpu.vector_load_idx %arg16[%add3A_314, %broadcast_in_dim3A_325] : memref<96x8xf32, #tpu.memory_space<vmem>>[vector<16xi32>, vector<16xi32>], vector<16xf32>,
      %broadcast_in_dim3A_327 = vector.broadcast %add3A_324 : i32 to vector<16xi32>
      %gather3A_328 = tpu.vector_load_idx %arg19[%add3A_314, %broadcast_in_dim3A_327] : memref<96x8xf32, #tpu.memory_space<vmem>>[vector<16xi32>, vector<16xi32>], vector<16xf32>,
      %add3A_329 = arith.addf %gather3A_326, %gather3A_328 : vector<16xf32>
      %ge3A_330 = arith.constant 0.000000e+00 : f32
      %ge3A_331 = vector.broadcast %ge3A_330 : f32 to vector<16xf32>
      %ge3A_332 = arith.cmpf oge, %add3A_329, %ge3A_331 : vector<16xf32>
      %mul3A_333 = arith.constant 2.000000e-01 : f32
      %mul3A_334 = vector.broadcast %mul3A_333 : f32 to vector<16xf32>
      %mul3A_335 = arith.mulf %mul3A_334, %add3A_329 : vector<16xf32>
      %select_n3A_336 = arith.select %ge3A_332, %add3A_329, %mul3A_335 : vector<16xi1>, vector<16xf32>
      %sub3A_337 = arith.subf %select_n3A_336, %gather3A : vector<16xf32>
      %exp3A_338 = math.exp %sub3A_337 : vector<16xf32>
      %swap3A_339 = arith.constant 48 : index
      %swap3A_340 = tpu.vector_load %arg25[%swap3A_339] {strides = array<i32>} : memref<192xf32, #tpu.memory_space<vmem>>, vector<16xf32>,
      tpu.vector_store %arg25[%swap3A_339], %exp3A_338 {strides = array<i32>} : memref<192xf32, #tpu.memory_space<vmem>>, vector<16xf32>,
      %broadcast_in_dim3A_341 = arith.constant 128 : i32
      %broadcast_in_dim3A_342 = vector.broadcast %broadcast_in_dim3A_341 : i32 to vector<16xi32>
      tpu.vector_store_idx %arg13[%add3A_314, %broadcast_in_dim3A_342], %exp3A_338 : memref<96x130xf32, #tpu.memory_space<vmem>>[vector<16xi32>, vector<16xi32>], vector<16xf32>,
      %mul3A_343 = arith.constant 2 : i32
      %mul3A_344 = arith.muli %mul3A_343, %arg0 : i32
      %add3A_345 = arith.constant 1 : i32
      %add3A_346 = arith.addi %mul3A_344, %add3A_345 : i32
      %mul3A_347 = arith.constant 2 : i32
      %mul3A_348 = arith.muli %mul3A_347, %arg0 : i32
      %add3A_349 = arith.constant 4 : i32
      %add3A_350 = arith.addi %add3A_349, %mul3A_348 : i32
      %add3A_351 = arith.constant 1 : i32
      %add3A_352 = arith.addi %add3A_350, %add3A_351 : i32
      %broadcast_in_dim3A_353 = vector.broadcast %add3A_346 : i32 to vector<16xi32>
      %gather3A_354 = tpu.vector_load_idx %arg16[%add3A_314, %broadcast_in_dim3A_353] : memref<96x8xf32, #tpu.memory_space<vmem>>[vector<16xi32>, vector<16xi32>], vector<16xf32>,
      %broadcast_in_dim3A_355 = vector.broadcast %add3A_352 : i32 to vector<16xi32>
      %gather3A_356 = tpu.vector_load_idx %arg19[%add3A_314, %broadcast_in_dim3A_355] : memref<96x8xf32, #tpu.memory_space<vmem>>[vector<16xi32>, vector<16xi32>], vector<16xf32>,
      %add3A_357 = arith.addf %gather3A_354, %gather3A_356 : vector<16xf32>
      %ge3A_358 = arith.constant 0.000000e+00 : f32
      %ge3A_359 = vector.broadcast %ge3A_358 : f32 to vector<16xf32>
      %ge3A_360 = arith.cmpf oge, %add3A_357, %ge3A_359 : vector<16xf32>
      %mul3A_361 = arith.constant 2.000000e-01 : f32
      %mul3A_362 = vector.broadcast %mul3A_361 : f32 to vector<16xf32>
      %mul3A_363 = arith.mulf %mul3A_362, %add3A_357 : vector<16xf32>
      %select_n3A_364 = arith.select %ge3A_360, %add3A_357, %mul3A_363 : vector<16xi1>, vector<16xf32>
      %sub3A_365 = arith.subf %select_n3A_364, %gather3A_19 : vector<16xf32>
      %exp3A_366 = math.exp %sub3A_365 : vector<16xf32>
      %swap3A_367 = arith.constant 144 : index
      %swap3A_368 = tpu.vector_load %arg25[%swap3A_367] {strides = array<i32>} : memref<192xf32, #tpu.memory_space<vmem>>, vector<16xf32>,
      tpu.vector_store %arg25[%swap3A_367], %exp3A_366 {strides = array<i32>} : memref<192xf32, #tpu.memory_space<vmem>>, vector<16xf32>,
      %broadcast_in_dim3A_369 = arith.constant 129 : i32
      %broadcast_in_dim3A_370 = vector.broadcast %broadcast_in_dim3A_369 : i32 to vector<16xi32>
      tpu.vector_store_idx %arg13[%add3A_314, %broadcast_in_dim3A_370], %exp3A_366 : memref<96x130xf32, #tpu.memory_space<vmem>>[vector<16xi32>, vector<16xi32>], vector<16xf32>,
      %add3A_371 = arith.constant 64 : i32
      %add3A_372 = vector.broadcast %add3A_371 : i32 to vector<16xi32>
      %add3A_373 = arith.addi %iota3A, %add3A_372 : vector<16xi32>
      %mul3A_374 = arith.constant 2 : i32
      %mul3A_375 = arith.muli %mul3A_374, %arg0 : i32
      %add3A_376 = arith.constant 0 : i32
      %add3A_377 = arith.addi %mul3A_375, %add3A_376 : i32
      %mul3A_378 = arith.constant 2 : i32
      %mul3A_379 = arith.muli %mul3A_378, %arg0 : i32
      %add3A_380 = arith.constant 4 : i32
      %add3A_381 = arith.addi %add3A_380, %mul3A_379 : i32
      %add3A_382 = arith.constant 0 : i32
      %add3A_383 = arith.addi %add3A_381, %add3A_382 : i32
      %broadcast_in_dim3A_384 = vector.broadcast %add3A_377 : i32 to vector<16xi32>
      %gather3A_385 = tpu.vector_load_idx %arg16[%add3A_373, %broadcast_in_dim3A_384] : memref<96x8xf32, #tpu.memory_space<vmem>>[vector<16xi32>, vector<16xi32>], vector<16xf32>,
      %broadcast_in_dim3A_386 = vector.broadcast %add3A_383 : i32 to vector<16xi32>
      %gather3A_387 = tpu.vector_load_idx %arg19[%add3A_373, %broadcast_in_dim3A_386] : memref<96x8xf32, #tpu.memory_space<vmem>>[vector<16xi32>, vector<16xi32>], vector<16xf32>,
      %add3A_388 = arith.addf %gather3A_385, %gather3A_387 : vector<16xf32>
      %ge3A_389 = arith.constant 0.000000e+00 : f32
      %ge3A_390 = vector.broadcast %ge3A_389 : f32 to vector<16xf32>
      %ge3A_391 = arith.cmpf oge, %add3A_388, %ge3A_390 : vector<16xf32>
      %mul3A_392 = arith.constant 2.000000e-01 : f32
      %mul3A_393 = vector.broadcast %mul3A_392 : f32 to vector<16xf32>
      %mul3A_394 = arith.mulf %mul3A_393, %add3A_388 : vector<16xf32>
      %select_n3A_395 = arith.select %ge3A_391, %add3A_388, %mul3A_394 : vector<16xi1>, vector<16xf32>
      %sub3A_396 = arith.subf %select_n3A_395, %gather3A : vector<16xf32>
      %exp3A_397 = math.exp %sub3A_396 : vector<16xf32>
      %swap3A_398 = arith.constant 64 : index
      %swap3A_399 = tpu.vector_load %arg25[%swap3A_398] {strides = array<i32>} : memref<192xf32, #tpu.memory_space<vmem>>, vector<16xf32>,
      tpu.vector_store %arg25[%swap3A_398], %exp3A_397 {strides = array<i32>} : memref<192xf32, #tpu.memory_space<vmem>>, vector<16xf32>,
      %broadcast_in_dim3A_400 = arith.constant 128 : i32
      %broadcast_in_dim3A_401 = vector.broadcast %broadcast_in_dim3A_400 : i32 to vector<16xi32>
      tpu.vector_store_idx %arg13[%add3A_373, %broadcast_in_dim3A_401], %exp3A_397 : memref<96x130xf32, #tpu.memory_space<vmem>>[vector<16xi32>, vector<16xi32>], vector<16xf32>,
      %mul3A_402 = arith.constant 2 : i32
      %mul3A_403 = arith.muli %mul3A_402, %arg0 : i32
      %add3A_404 = arith.constant 1 : i32
      %add3A_405 = arith.addi %mul3A_403, %add3A_404 : i32
      %mul3A_406 = arith.constant 2 : i32
      %mul3A_407 = arith.muli %mul3A_406, %arg0 : i32
      %add3A_408 = arith.constant 4 : i32
      %add3A_409 = arith.addi %add3A_408, %mul3A_407 : i32
      %add3A_410 = arith.constant 1 : i32
      %add3A_411 = arith.addi %add3A_409, %add3A_410 : i32
      %broadcast_in_dim3A_412 = vector.broadcast %add3A_405 : i32 to vector<16xi32>
      %gather3A_413 = tpu.vector_load_idx %arg16[%add3A_373, %broadcast_in_dim3A_412] : memref<96x8xf32, #tpu.memory_space<vmem>>[vector<16xi32>, vector<16xi32>], vector<16xf32>,
      %broadcast_in_dim3A_414 = vector.broadcast %add3A_411 : i32 to vector<16xi32>
      %gather3A_415 = tpu.vector_load_idx %arg19[%add3A_373, %broadcast_in_dim3A_414] : memref<96x8xf32, #tpu.memory_space<vmem>>[vector<16xi32>, vector<16xi32>], vector<16xf32>,
      %add3A_416 = arith.addf %gather3A_413, %gather3A_415 : vector<16xf32>
      %ge3A_417 = arith.constant 0.000000e+00 : f32
      %ge3A_418 = vector.broadcast %ge3A_417 : f32 to vector<16xf32>
      %ge3A_419 = arith.cmpf oge, %add3A_416, %ge3A_418 : vector<16xf32>
      %mul3A_420 = arith.constant 2.000000e-01 : f32
      %mul3A_421 = vector.broadcast %mul3A_420 : f32 to vector<16xf32>
      %mul3A_422 = arith.mulf %mul3A_421, %add3A_416 : vector<16xf32>
      %select_n3A_423 = arith.select %ge3A_419, %add3A_416, %mul3A_422 : vector<16xi1>, vector<16xf32>
      %sub3A_424 = arith.subf %select_n3A_423, %gather3A_19 : vector<16xf32>
      %exp3A_425 = math.exp %sub3A_424 : vector<16xf32>
      %swap3A_426 = arith.constant 160 : index
      %swap3A_427 = tpu.vector_load %arg25[%swap3A_426] {strides = array<i32>} : memref<192xf32, #tpu.memory_space<vmem>>, vector<16xf32>,
      tpu.vector_store %arg25[%swap3A_426], %exp3A_425 {strides = array<i32>} : memref<192xf32, #tpu.memory_space<vmem>>, vector<16xf32>,
      %broadcast_in_dim3A_428 = arith.constant 129 : i32
      %broadcast_in_dim3A_429 = vector.broadcast %broadcast_in_dim3A_428 : i32 to vector<16xi32>
      tpu.vector_store_idx %arg13[%add3A_373, %broadcast_in_dim3A_429], %exp3A_425 : memref<96x130xf32, #tpu.memory_space<vmem>>[vector<16xi32>, vector<16xi32>], vector<16xf32>,
      %add3A_430 = arith.constant 80 : i32
      %add3A_431 = vector.broadcast %add3A_430 : i32 to vector<16xi32>
      %add3A_432 = arith.addi %iota3A, %add3A_431 : vector<16xi32>
      %mul3A_433 = arith.constant 2 : i32
      %mul3A_434 = arith.muli %mul3A_433, %arg0 : i32
      %add3A_435 = arith.constant 0 : i32
      %add3A_436 = arith.addi %mul3A_434, %add3A_435 : i32
      %mul3A_437 = arith.constant 2 : i32
      %mul3A_438 = arith.muli %mul3A_437, %arg0 : i32
      %add3A_439 = arith.constant 4 : i32
      %add3A_440 = arith.addi %add3A_439, %mul3A_438 : i32
      %add3A_441 = arith.constant 0 : i32
      %add3A_442 = arith.addi %add3A_440, %add3A_441 : i32
      %broadcast_in_dim3A_443 = vector.broadcast %add3A_436 : i32 to vector<16xi32>
      %gather3A_444 = tpu.vector_load_idx %arg16[%add3A_432, %broadcast_in_dim3A_443] : memref<96x8xf32, #tpu.memory_space<vmem>>[vector<16xi32>, vector<16xi32>], vector<16xf32>,
      %broadcast_in_dim3A_445 = vector.broadcast %add3A_442 : i32 to vector<16xi32>
      %gather3A_446 = tpu.vector_load_idx %arg19[%add3A_432, %broadcast_in_dim3A_445] : memref<96x8xf32, #tpu.memory_space<vmem>>[vector<16xi32>, vector<16xi32>], vector<16xf32>,
      %add3A_447 = arith.addf %gather3A_444, %gather3A_446 : vector<16xf32>
      %ge3A_448 = arith.constant 0.000000e+00 : f32
      %ge3A_449 = vector.broadcast %ge3A_448 : f32 to vector<16xf32>
      %ge3A_450 = arith.cmpf oge, %add3A_447, %ge3A_449 : vector<16xf32>
      %mul3A_451 = arith.constant 2.000000e-01 : f32
      %mul3A_452 = vector.broadcast %mul3A_451 : f32 to vector<16xf32>
      %mul3A_453 = arith.mulf %mul3A_452, %add3A_447 : vector<16xf32>
      %select_n3A_454 = arith.select %ge3A_450, %add3A_447, %mul3A_453 : vector<16xi1>, vector<16xf32>
      %sub3A_455 = arith.subf %select_n3A_454, %gather3A : vector<16xf32>
      %exp3A_456 = math.exp %sub3A_455 : vector<16xf32>
      %swap3A_457 = arith.constant 80 : index
      %swap3A_458 = tpu.vector_load %arg25[%swap3A_457] {strides = array<i32>} : memref<192xf32, #tpu.memory_space<vmem>>, vector<16xf32>,
      tpu.vector_store %arg25[%swap3A_457], %exp3A_456 {strides = array<i32>} : memref<192xf32, #tpu.memory_space<vmem>>, vector<16xf32>,
      %broadcast_in_dim3A_459 = arith.constant 128 : i32
      %broadcast_in_dim3A_460 = vector.broadcast %broadcast_in_dim3A_459 : i32 to vector<16xi32>
      tpu.vector_store_idx %arg13[%add3A_432, %broadcast_in_dim3A_460], %exp3A_456 : memref<96x130xf32, #tpu.memory_space<vmem>>[vector<16xi32>, vector<16xi32>], vector<16xf32>,
      %mul3A_461 = arith.constant 2 : i32
      %mul3A_462 = arith.muli %mul3A_461, %arg0 : i32
      %add3A_463 = arith.constant 1 : i32
      %add3A_464 = arith.addi %mul3A_462, %add3A_463 : i32
      %mul3A_465 = arith.constant 2 : i32
      %mul3A_466 = arith.muli %mul3A_465, %arg0 : i32
      %add3A_467 = arith.constant 4 : i32
      %add3A_468 = arith.addi %add3A_467, %mul3A_466 : i32
      %add3A_469 = arith.constant 1 : i32
      %add3A_470 = arith.addi %add3A_468, %add3A_469 : i32
      %broadcast_in_dim3A_471 = vector.broadcast %add3A_464 : i32 to vector<16xi32>
      %gather3A_472 = tpu.vector_load_idx %arg16[%add3A_432, %broadcast_in_dim3A_471] : memref<96x8xf32, #tpu.memory_space<vmem>>[vector<16xi32>, vector<16xi32>], vector<16xf32>,
      %broadcast_in_dim3A_473 = vector.broadcast %add3A_470 : i32 to vector<16xi32>
      %gather3A_474 = tpu.vector_load_idx %arg19[%add3A_432, %broadcast_in_dim3A_473] : memref<96x8xf32, #tpu.memory_space<vmem>>[vector<16xi32>, vector<16xi32>], vector<16xf32>,
      %add3A_475 = arith.addf %gather3A_472, %gather3A_474 : vector<16xf32>
      %ge3A_476 = arith.constant 0.000000e+00 : f32
      %ge3A_477 = vector.broadcast %ge3A_476 : f32 to vector<16xf32>
      %ge3A_478 = arith.cmpf oge, %add3A_475, %ge3A_477 : vector<16xf32>
      %mul3A_479 = arith.constant 2.000000e-01 : f32
      %mul3A_480 = vector.broadcast %mul3A_479 : f32 to vector<16xf32>
      %mul3A_481 = arith.mulf %mul3A_480, %add3A_475 : vector<16xf32>
      %select_n3A_482 = arith.select %ge3A_478, %add3A_475, %mul3A_481 : vector<16xi1>, vector<16xf32>
      %sub3A_483 = arith.subf %select_n3A_482, %gather3A_19 : vector<16xf32>
      %exp3A_484 = math.exp %sub3A_483 : vector<16xf32>
      %swap3A_485 = arith.constant 176 : index
      %swap3A_486 = tpu.vector_load %arg25[%swap3A_485] {strides = array<i32>} : memref<192xf32, #tpu.memory_space<vmem>>, vector<16xf32>,
      tpu.vector_store %arg25[%swap3A_485], %exp3A_484 {strides = array<i32>} : memref<192xf32, #tpu.memory_space<vmem>>, vector<16xf32>,
      %broadcast_in_dim3A_487 = arith.constant 129 : i32
      %broadcast_in_dim3A_488 = vector.broadcast %broadcast_in_dim3A_487 : i32 to vector<16xi32>
      tpu.vector_store_idx %arg13[%add3A_432, %broadcast_in_dim3A_488], %exp3A_484 : memref<96x130xf32, #tpu.memory_space<vmem>>[vector<16xi32>, vector<16xi32>], vector<16xf32>,
      %scan3A_489 = arith.constant 0 : i32
      %scan3A_490 = arith.constant 0 : i32
      %scan3A_491 = arith.constant 96 : i32
      %scan3A_492 = arith.addi %scan3A_490, %scan3A_491 : i32
      %scan3A_493 = arith.constant 2 : i32
      scf.for %scan3A_1370 = %scan3A_490 to %scan3A_492 step %scan3A_493  : i32 {
        %broadcast_in_dim3A_1371 = arith.constant 0 : i32
        %broadcast_in_dim3A_1372 = vector.broadcast %broadcast_in_dim3A_1371 : i32 to vector<16xi32>
        %add3A_1373 = vector.broadcast %scan3A_1370 : i32 to vector<16xi32>
        %add3A_1374 = arith.addi %broadcast_in_dim3A_1372, %add3A_1373 : vector<16xi32>
        %gather3A_1375 = tpu.vector_load_idx %arg25[%add3A_1374] : memref<192xf32, #tpu.memory_space<vmem>>[vector<16xi32>], vector<16xf32>,
        %get3A_1376 = arith.index_cast %scan3A_1370 : i32 to index
        %get3A_1377 = arith.constant 0 : index
        %get3A_1378 = tpu.vector_load %arg13[%get3A_1376, %get3A_1377] {strides = array<i32>} : memref<96x130xf32, #tpu.memory_space<vmem>>, vector<16xf32>,
        %mul3A_1379 = arith.mulf %get3A_1378, %gather3A_1375 : vector<16xf32>
        %swap3A_1380 = arith.index_cast %scan3A_1370 : i32 to index
        %swap3A_1381 = arith.constant 0 : index
        %swap3A_1382 = tpu.vector_load %arg13[%swap3A_1380, %swap3A_1381] {strides = array<i32>} : memref<96x130xf32, #tpu.memory_space<vmem>>, vector<16xf32>,
        tpu.vector_store %arg13[%swap3A_1380, %swap3A_1381], %mul3A_1379 {strides = array<i32>} : memref<96x130xf32, #tpu.memory_space<vmem>>, vector<16xf32>,
        %get3A_1383 = arith.index_cast %scan3A_1370 : i32 to index
        %get3A_1384 = arith.constant 16 : index
        %get3A_1385 = tpu.vector_load %arg13[%get3A_1383, %get3A_1384] {strides = array<i32>} : memref<96x130xf32, #tpu.memory_space<vmem>>, vector<16xf32>,
        %mul3A_1386 = arith.mulf %get3A_1385, %gather3A_1375 : vector<16xf32>
        %swap3A_1387 = arith.index_cast %scan3A_1370 : i32 to index
        %swap3A_1388 = arith.constant 16 : index
        %swap3A_1389 = tpu.vector_load %arg13[%swap3A_1387, %swap3A_1388] {strides = array<i32>} : memref<96x130xf32, #tpu.memory_space<vmem>>, vector<16xf32>,
        tpu.vector_store %arg13[%swap3A_1387, %swap3A_1388], %mul3A_1386 {strides = array<i32>} : memref<96x130xf32, #tpu.memory_space<vmem>>, vector<16xf32>,
        %get3A_1390 = arith.index_cast %scan3A_1370 : i32 to index
        %get3A_1391 = arith.constant 32 : index
        %get3A_1392 = tpu.vector_load %arg13[%get3A_1390, %get3A_1391] {strides = array<i32>} : memref<96x130xf32, #tpu.memory_space<vmem>>, vector<16xf32>,
        %mul3A_1393 = arith.mulf %get3A_1392, %gather3A_1375 : vector<16xf32>
        %swap3A_1394 = arith.index_cast %scan3A_1370 : i32 to index
        %swap3A_1395 = arith.constant 32 : index
        %swap3A_1396 = tpu.vector_load %arg13[%swap3A_1394, %swap3A_1395] {strides = array<i32>} : memref<96x130xf32, #tpu.memory_space<vmem>>, vector<16xf32>,
        tpu.vector_store %arg13[%swap3A_1394, %swap3A_1395], %mul3A_1393 {strides = array<i32>} : memref<96x130xf32, #tpu.memory_space<vmem>>, vector<16xf32>,
        %get3A_1397 = arith.index_cast %scan3A_1370 : i32 to index
        %get3A_1398 = arith.constant 48 : index
        %get3A_1399 = tpu.vector_load %arg13[%get3A_1397, %get3A_1398] {strides = array<i32>} : memref<96x130xf32, #tpu.memory_space<vmem>>, vector<16xf32>,
        %mul3A_1400 = arith.mulf %get3A_1399, %gather3A_1375 : vector<16xf32>
        %swap3A_1401 = arith.index_cast %scan3A_1370 : i32 to index
        %swap3A_1402 = arith.constant 48 : index
        %swap3A_1403 = tpu.vector_load %arg13[%swap3A_1401, %swap3A_1402] {strides = array<i32>} : memref<96x130xf32, #tpu.memory_space<vmem>>, vector<16xf32>,
        tpu.vector_store %arg13[%swap3A_1401, %swap3A_1402], %mul3A_1400 {strides = array<i32>} : memref<96x130xf32, #tpu.memory_space<vmem>>, vector<16xf32>,
        %broadcast_in_dim3A_1404 = arith.constant 96 : i32
        %broadcast_in_dim3A_1405 = vector.broadcast %broadcast_in_dim3A_1404 : i32 to vector<16xi32>
        %add3A_1406 = vector.broadcast %scan3A_1370 : i32 to vector<16xi32>
        %add3A_1407 = arith.addi %broadcast_in_dim3A_1405, %add3A_1406 : vector<16xi32>
        %gather3A_1408 = tpu.vector_load_idx %arg25[%add3A_1407] : memref<192xf32, #tpu.memory_space<vmem>>[vector<16xi32>], vector<16xf32>,
        %get3A_1409 = arith.index_cast %scan3A_1370 : i32 to index
        %get3A_1410 = arith.constant 64 : index
        %get3A_1411 = tpu.vector_load %arg13[%get3A_1409, %get3A_1410] {strides = array<i32>} : memref<96x130xf32, #tpu.memory_space<vmem>>, vector<16xf32>,
        %mul3A_1412 = arith.mulf %get3A_1411, %gather3A_1408 : vector<16xf32>
        %swap3A_1413 = arith.index_cast %scan3A_1370 : i32 to index
        %swap3A_1414 = arith.constant 64 : index
        %swap3A_1415 = tpu.vector_load %arg13[%swap3A_1413, %swap3A_1414] {strides = array<i32>} : memref<96x130xf32, #tpu.memory_space<vmem>>, vector<16xf32>,
        tpu.vector_store %arg13[%swap3A_1413, %swap3A_1414], %mul3A_1412 {strides = array<i32>} : memref<96x130xf32, #tpu.memory_space<vmem>>, vector<16xf32>,
        %get3A_1416 = arith.index_cast %scan3A_1370 : i32 to index
        %get3A_1417 = arith.constant 80 : index
        %get3A_1418 = tpu.vector_load %arg13[%get3A_1416, %get3A_1417] {strides = array<i32>} : memref<96x130xf32, #tpu.memory_space<vmem>>, vector<16xf32>,
        %mul3A_1419 = arith.mulf %get3A_1418, %gather3A_1408 : vector<16xf32>
        %swap3A_1420 = arith.index_cast %scan3A_1370 : i32 to index
        %swap3A_1421 = arith.constant 80 : index
        %swap3A_1422 = tpu.vector_load %arg13[%swap3A_1420, %swap3A_1421] {strides = array<i32>} : memref<96x130xf32, #tpu.memory_space<vmem>>, vector<16xf32>,
        tpu.vector_store %arg13[%swap3A_1420, %swap3A_1421], %mul3A_1419 {strides = array<i32>} : memref<96x130xf32, #tpu.memory_space<vmem>>, vector<16xf32>,
        %get3A_1423 = arith.index_cast %scan3A_1370 : i32 to index
        %get3A_1424 = arith.constant 96 : index
        %get3A_1425 = tpu.vector_load %arg13[%get3A_1423, %get3A_1424] {strides = array<i32>} : memref<96x130xf32, #tpu.memory_space<vmem>>, vector<16xf32>,
        %mul3A_1426 = arith.mulf %get3A_1425, %gather3A_1408 : vector<16xf32>
        %swap3A_1427 = arith.index_cast %scan3A_1370 : i32 to index
        %swap3A_1428 = arith.constant 96 : index
        %swap3A_1429 = tpu.vector_load %arg13[%swap3A_1427, %swap3A_1428] {strides = array<i32>} : memref<96x130xf32, #tpu.memory_space<vmem>>, vector<16xf32>,
        tpu.vector_store %arg13[%swap3A_1427, %swap3A_1428], %mul3A_1426 {strides = array<i32>} : memref<96x130xf32, #tpu.memory_space<vmem>>, vector<16xf32>,
        %get3A_1430 = arith.index_cast %scan3A_1370 : i32 to index
        %get3A_1431 = arith.constant 112 : index
        %get3A_1432 = tpu.vector_load %arg13[%get3A_1430, %get3A_1431] {strides = array<i32>} : memref<96x130xf32, #tpu.memory_space<vmem>>, vector<16xf32>,
        %mul3A_1433 = arith.mulf %get3A_1432, %gather3A_1408 : vector<16xf32>
        %swap3A_1434 = arith.index_cast %scan3A_1370 : i32 to index
        %swap3A_1435 = arith.constant 112 : index
        %swap3A_1436 = tpu.vector_load %arg13[%swap3A_1434, %swap3A_1435] {strides = array<i32>} : memref<96x130xf32, #tpu.memory_space<vmem>>, vector<16xf32>,
        tpu.vector_store %arg13[%swap3A_1434, %swap3A_1435], %mul3A_1433 {strides = array<i32>} : memref<96x130xf32, #tpu.memory_space<vmem>>, vector<16xf32>,
        %scan3A_1437 = arith.constant 1 : i32
        %scan3A_1438 = arith.addi %scan3A_1370, %scan3A_1437 : i32
        %broadcast_in_dim3A_1439 = arith.constant 0 : i32
        %broadcast_in_dim3A_1440 = vector.broadcast %broadcast_in_dim3A_1439 : i32 to vector<16xi32>
        %add3A_1441 = vector.broadcast %scan3A_1438 : i32 to vector<16xi32>
        %add3A_1442 = arith.addi %broadcast_in_dim3A_1440, %add3A_1441 : vector<16xi32>
        %gather3A_1443 = tpu.vector_load_idx %arg25[%add3A_1442] : memref<192xf32, #tpu.memory_space<vmem>>[vector<16xi32>], vector<16xf32>,
        %get3A_1444 = arith.index_cast %scan3A_1438 : i32 to index
        %get3A_1445 = arith.constant 0 : index
        %get3A_1446 = tpu.vector_load %arg13[%get3A_1444, %get3A_1445] {strides = array<i32>} : memref<96x130xf32, #tpu.memory_space<vmem>>, vector<16xf32>,
        %mul3A_1447 = arith.mulf %get3A_1446, %gather3A_1443 : vector<16xf32>
        %swap3A_1448 = arith.index_cast %scan3A_1438 : i32 to index
        %swap3A_1449 = arith.constant 0 : index
        %swap3A_1450 = tpu.vector_load %arg13[%swap3A_1448, %swap3A_1449] {strides = array<i32>} : memref<96x130xf32, #tpu.memory_space<vmem>>, vector<16xf32>,
        tpu.vector_store %arg13[%swap3A_1448, %swap3A_1449], %mul3A_1447 {strides = array<i32>} : memref<96x130xf32, #tpu.memory_space<vmem>>, vector<16xf32>,
        %get3A_1451 = arith.index_cast %scan3A_1438 : i32 to index
        %get3A_1452 = arith.constant 16 : index
        %get3A_1453 = tpu.vector_load %arg13[%get3A_1451, %get3A_1452] {strides = array<i32>} : memref<96x130xf32, #tpu.memory_space<vmem>>, vector<16xf32>,
        %mul3A_1454 = arith.mulf %get3A_1453, %gather3A_1443 : vector<16xf32>
        %swap3A_1455 = arith.index_cast %scan3A_1438 : i32 to index
        %swap3A_1456 = arith.constant 16 : index
        %swap3A_1457 = tpu.vector_load %arg13[%swap3A_1455, %swap3A_1456] {strides = array<i32>} : memref<96x130xf32, #tpu.memory_space<vmem>>, vector<16xf32>,
        tpu.vector_store %arg13[%swap3A_1455, %swap3A_1456], %mul3A_1454 {strides = array<i32>} : memref<96x130xf32, #tpu.memory_space<vmem>>, vector<16xf32>,
        %get3A_1458 = arith.index_cast %scan3A_1438 : i32 to index
        %get3A_1459 = arith.constant 32 : index
        %get3A_1460 = tpu.vector_load %arg13[%get3A_1458, %get3A_1459] {strides = array<i32>} : memref<96x130xf32, #tpu.memory_space<vmem>>, vector<16xf32>,
        %mul3A_1461 = arith.mulf %get3A_1460, %gather3A_1443 : vector<16xf32>
        %swap3A_1462 = arith.index_cast %scan3A_1438 : i32 to index
        %swap3A_1463 = arith.constant 32 : index
        %swap3A_1464 = tpu.vector_load %arg13[%swap3A_1462, %swap3A_1463] {strides = array<i32>} : memref<96x130xf32, #tpu.memory_space<vmem>>, vector<16xf32>,
        tpu.vector_store %arg13[%swap3A_1462, %swap3A_1463], %mul3A_1461 {strides = array<i32>} : memref<96x130xf32, #tpu.memory_space<vmem>>, vector<16xf32>,
        %get3A_1465 = arith.index_cast %scan3A_1438 : i32 to index
        %get3A_1466 = arith.constant 48 : index
        %get3A_1467 = tpu.vector_load %arg13[%get3A_1465, %get3A_1466] {strides = array<i32>} : memref<96x130xf32, #tpu.memory_space<vmem>>, vector<16xf32>,
        %mul3A_1468 = arith.mulf %get3A_1467, %gather3A_1443 : vector<16xf32>
        %swap3A_1469 = arith.index_cast %scan3A_1438 : i32 to index
        %swap3A_1470 = arith.constant 48 : index
        %swap3A_1471 = tpu.vector_load %arg13[%swap3A_1469, %swap3A_1470] {strides = array<i32>} : memref<96x130xf32, #tpu.memory_space<vmem>>, vector<16xf32>,
        tpu.vector_store %arg13[%swap3A_1469, %swap3A_1470], %mul3A_1468 {strides = array<i32>} : memref<96x130xf32, #tpu.memory_space<vmem>>, vector<16xf32>,
        %broadcast_in_dim3A_1472 = arith.constant 96 : i32
        %broadcast_in_dim3A_1473 = vector.broadcast %broadcast_in_dim3A_1472 : i32 to vector<16xi32>
        %add3A_1474 = vector.broadcast %scan3A_1438 : i32 to vector<16xi32>
        %add3A_1475 = arith.addi %broadcast_in_dim3A_1473, %add3A_1474 : vector<16xi32>
        %gather3A_1476 = tpu.vector_load_idx %arg25[%add3A_1475] : memref<192xf32, #tpu.memory_space<vmem>>[vector<16xi32>], vector<16xf32>,
        %get3A_1477 = arith.index_cast %scan3A_1438 : i32 to index
        %get3A_1478 = arith.constant 64 : index
        %get3A_1479 = tpu.vector_load %arg13[%get3A_1477, %get3A_1478] {strides = array<i32>} : memref<96x130xf32, #tpu.memory_space<vmem>>, vector<16xf32>,
        %mul3A_1480 = arith.mulf %get3A_1479, %gather3A_1476 : vector<16xf32>
        %swap3A_1481 = arith.index_cast %scan3A_1438 : i32 to index
        %swap3A_1482 = arith.constant 64 : index
        %swap3A_1483 = tpu.vector_load %arg13[%swap3A_1481, %swap3A_1482] {strides = array<i32>} : memref<96x130xf32, #tpu.memory_space<vmem>>, vector<16xf32>,
        tpu.vector_store %arg13[%swap3A_1481, %swap3A_1482], %mul3A_1480 {strides = array<i32>} : memref<96x130xf32, #tpu.memory_space<vmem>>, vector<16xf32>,
        %get3A_1484 = arith.index_cast %scan3A_1438 : i32 to index
        %get3A_1485 = arith.constant 80 : index
        %get3A_1486 = tpu.vector_load %arg13[%get3A_1484, %get3A_1485] {strides = array<i32>} : memref<96x130xf32, #tpu.memory_space<vmem>>, vector<16xf32>,
        %mul3A_1487 = arith.mulf %get3A_1486, %gather3A_1476 : vector<16xf32>
        %swap3A_1488 = arith.index_cast %scan3A_1438 : i32 to index
        %swap3A_1489 = arith.constant 80 : index
        %swap3A_1490 = tpu.vector_load %arg13[%swap3A_1488, %swap3A_1489] {strides = array<i32>} : memref<96x130xf32, #tpu.memory_space<vmem>>, vector<16xf32>,
        tpu.vector_store %arg13[%swap3A_1488, %swap3A_1489], %mul3A_1487 {strides = array<i32>} : memref<96x130xf32, #tpu.memory_space<vmem>>, vector<16xf32>,
        %get3A_1491 = arith.index_cast %scan3A_1438 : i32 to index
        %get3A_1492 = arith.constant 96 : index
        %get3A_1493 = tpu.vector_load %arg13[%get3A_1491, %get3A_1492] {strides = array<i32>} : memref<96x130xf32, #tpu.memory_space<vmem>>, vector<16xf32>,
        %mul3A_1494 = arith.mulf %get3A_1493, %gather3A_1476 : vector<16xf32>
        %swap3A_1495 = arith.index_cast %scan3A_1438 : i32 to index
        %swap3A_1496 = arith.constant 96 : index
        %swap3A_1497 = tpu.vector_load %arg13[%swap3A_1495, %swap3A_1496] {strides = array<i32>} : memref<96x130xf32, #tpu.memory_space<vmem>>, vector<16xf32>,
        tpu.vector_store %arg13[%swap3A_1495, %swap3A_1496], %mul3A_1494 {strides = array<i32>} : memref<96x130xf32, #tpu.memory_space<vmem>>, vector<16xf32>,
        %get3A_1498 = arith.index_cast %scan3A_1438 : i32 to index
        %get3A_1499 = arith.constant 112 : index
        %get3A_1500 = tpu.vector_load %arg13[%get3A_1498, %get3A_1499] {strides = array<i32>} : memref<96x130xf32, #tpu.memory_space<vmem>>, vector<16xf32>,
        %mul3A_1501 = arith.mulf %get3A_1500, %gather3A_1476 : vector<16xf32>
        %swap3A_1502 = arith.index_cast %scan3A_1438 : i32 to index
        %swap3A_1503 = arith.constant 112 : index
        %swap3A_1504 = tpu.vector_load %arg13[%swap3A_1502, %swap3A_1503] {strides = array<i32>} : memref<96x130xf32, #tpu.memory_space<vmem>>, vector<16xf32>,
        tpu.vector_store %arg13[%swap3A_1502, %swap3A_1503], %mul3A_1501 {strides = array<i32>} : memref<96x130xf32, #tpu.memory_space<vmem>>, vector<16xf32>,
      }
      %scan3A_494 = arith.constant 96 : i32
      %dma_start3A_495 = arith.constant 0 : i32
      %dma_start3A_496 = arith.constant 0 : i32
      %dma_start3A_497 = tpu.memref_slice %arg9[%dma_start3A_495, %dma_start3A_496] : memref<10112x130xf32, #tpu.memory_space<vmem_shared>> -> memref<10112x130xf32, #tpu.memory_space<vmem_shared>>
      tpu.enqueue_indirect_dma source(%arg13 : memref<96x130xf32, #tpu.memory_space<vmem>>) target(%dma_start3A_497 : memref<10112x130xf32, #tpu.memory_space<vmem_shared>>) offsets(%arg22 : memref<96xi32, #tpu.memory_space<vmem>>) semaphore(%arg29 : memref<!tpu.dma_semaphore, #tpu.memory_space<semaphore_mem>>) {add = true}
      %mul3A_498 = arith.constant 3 : i32
      %mul3A_499 = arith.muli %mul3A_498, %rem3A_60 : i32
      %add3A_500 = arith.constant 1 : i32
      %add3A_501 = arith.addi %mul3A_499, %add3A_500 : i32
      %mul3A_502 = arith.constant 96 : i32
      %mul3A_503 = arith.muli %add3A_501, %mul3A_502 : i32
      %add3A_504 = arith.constant 0 : i32
      %add3A_505 = arith.addi %mul3A_503, %add3A_504 : i32
      %get3A_506 = arith.index_cast %add3A_505 : i32 to index
      %get3A_507 = tpu.vector_load %arg12[%get3A_506] {strides = array<i32>} : memref<576xi32, #tpu.memory_space<vmem>>, vector<16xi32>,
      %swap3A_508 = arith.constant 0 : index
      %swap3A_509 = tpu.vector_load %arg23[%swap3A_508] {strides = array<i32>} : memref<96xi32, #tpu.memory_space<vmem>>, vector<16xi32>,
      tpu.vector_store %arg23[%swap3A_508], %get3A_507 {strides = array<i32>} : memref<96xi32, #tpu.memory_space<vmem>>, vector<16xi32>,
      %add3A_510 = arith.constant 16 : i32
      %add3A_511 = arith.addi %mul3A_503, %add3A_510 : i32
      %get3A_512 = arith.index_cast %add3A_511 : i32 to index
      %get3A_513 = tpu.vector_load %arg12[%get3A_512] {strides = array<i32>} : memref<576xi32, #tpu.memory_space<vmem>>, vector<16xi32>,
      %swap3A_514 = arith.constant 16 : index
      %swap3A_515 = tpu.vector_load %arg23[%swap3A_514] {strides = array<i32>} : memref<96xi32, #tpu.memory_space<vmem>>, vector<16xi32>,
      tpu.vector_store %arg23[%swap3A_514], %get3A_513 {strides = array<i32>} : memref<96xi32, #tpu.memory_space<vmem>>, vector<16xi32>,
      %add3A_516 = arith.constant 32 : i32
      %add3A_517 = arith.addi %mul3A_503, %add3A_516 : i32
      %get3A_518 = arith.index_cast %add3A_517 : i32 to index
      %get3A_519 = tpu.vector_load %arg12[%get3A_518] {strides = array<i32>} : memref<576xi32, #tpu.memory_space<vmem>>, vector<16xi32>,
      %swap3A_520 = arith.constant 32 : index
      %swap3A_521 = tpu.vector_load %arg23[%swap3A_520] {strides = array<i32>} : memref<96xi32, #tpu.memory_space<vmem>>, vector<16xi32>,
      tpu.vector_store %arg23[%swap3A_520], %get3A_519 {strides = array<i32>} : memref<96xi32, #tpu.memory_space<vmem>>, vector<16xi32>,
      %add3A_522 = arith.constant 48 : i32
      %add3A_523 = arith.addi %mul3A_503, %add3A_522 : i32
      %get3A_524 = arith.index_cast %add3A_523 : i32 to index
      %get3A_525 = tpu.vector_load %arg12[%get3A_524] {strides = array<i32>} : memref<576xi32, #tpu.memory_space<vmem>>, vector<16xi32>,
      %swap3A_526 = arith.constant 48 : index
      %swap3A_527 = tpu.vector_load %arg23[%swap3A_526] {strides = array<i32>} : memref<96xi32, #tpu.memory_space<vmem>>, vector<16xi32>,
      tpu.vector_store %arg23[%swap3A_526], %get3A_525 {strides = array<i32>} : memref<96xi32, #tpu.memory_space<vmem>>, vector<16xi32>,
      %add3A_528 = arith.constant 64 : i32
      %add3A_529 = arith.addi %mul3A_503, %add3A_528 : i32
      %get3A_530 = arith.index_cast %add3A_529 : i32 to index
      %get3A_531 = tpu.vector_load %arg12[%get3A_530] {strides = array<i32>} : memref<576xi32, #tpu.memory_space<vmem>>, vector<16xi32>,
      %swap3A_532 = arith.constant 64 : index
      %swap3A_533 = tpu.vector_load %arg23[%swap3A_532] {strides = array<i32>} : memref<96xi32, #tpu.memory_space<vmem>>, vector<16xi32>,
      tpu.vector_store %arg23[%swap3A_532], %get3A_531 {strides = array<i32>} : memref<96xi32, #tpu.memory_space<vmem>>, vector<16xi32>,
      %add3A_534 = arith.constant 80 : i32
      %add3A_535 = arith.addi %mul3A_503, %add3A_534 : i32
      %get3A_536 = arith.index_cast %add3A_535 : i32 to index
      %get3A_537 = tpu.vector_load %arg12[%get3A_536] {strides = array<i32>} : memref<576xi32, #tpu.memory_space<vmem>>, vector<16xi32>,
      %swap3A_538 = arith.constant 80 : index
      %swap3A_539 = tpu.vector_load %arg23[%swap3A_538] {strides = array<i32>} : memref<96xi32, #tpu.memory_space<vmem>>, vector<16xi32>,
      tpu.vector_store %arg23[%swap3A_538], %get3A_537 {strides = array<i32>} : memref<96xi32, #tpu.memory_space<vmem>>, vector<16xi32>,
      %dma_wait3A_540 = arith.constant 0 : i32
      %dma_wait3A_541 = tpu.memref_slice %arg11[%dma_wait3A_540] : memref<576xi32, #tpu.memory_space<vmem>> -> memref<96xi32, #tpu.memory_space<vmem>>
      %dma_wait3A_542 = arith.constant 0 : i32
      %dma_wait3A_543 = arith.constant 0 : i32
      %dma_wait3A_544 = tpu.memref_slice %arg2[%dma_wait3A_542, %dma_wait3A_543] : memref<20000x130xf32, #tpu.memory_space<hbm>> -> memref<20000x130xf32, #tpu.memory_space<hbm>>
      tpu.wait_indirect_dma semaphore(%arg27 : memref<!tpu.dma_semaphore, #tpu.memory_space<semaphore_mem>>) src(%dma_wait3A_544 : memref<20000x130xf32, #tpu.memory_space<hbm>>) dst(%arg14 : memref<96x130xf32, #tpu.memory_space<vmem>>)
      %dma_wait3A_545 = arith.constant 0 : i32
      %dma_wait3A_546 = tpu.memref_slice %arg11[%dma_wait3A_545] : memref<576xi32, #tpu.memory_space<vmem>> -> memref<96xi32, #tpu.memory_space<vmem>>
      %dma_wait3A_547 = arith.constant 0 : i32
      %dma_wait3A_548 = arith.constant 0 : i32
      %dma_wait3A_549 = tpu.memref_slice %arg5[%dma_wait3A_547, %dma_wait3A_548] : memref<20000x8xf32, #tpu.memory_space<hbm>> -> memref<20000x8xf32, #tpu.memory_space<hbm>>
      tpu.wait_indirect_dma semaphore(%arg27 : memref<!tpu.dma_semaphore, #tpu.memory_space<semaphore_mem>>) src(%dma_wait3A_549 : memref<20000x8xf32, #tpu.memory_space<hbm>>) dst(%arg17 : memref<96x8xf32, #tpu.memory_space<vmem>>)
      %dma_wait3A_550 = arith.constant 0 : i32
      %dma_wait3A_551 = tpu.memref_slice %arg12[%dma_wait3A_550] : memref<576xi32, #tpu.memory_space<vmem>> -> memref<96xi32, #tpu.memory_space<vmem>>
      %dma_wait3A_552 = arith.constant 0 : i32
      %dma_wait3A_553 = arith.constant 0 : i32
      %dma_wait3A_554 = tpu.memref_slice %arg5[%dma_wait3A_552, %dma_wait3A_553] : memref<20000x8xf32, #tpu.memory_space<hbm>> -> memref<20000x8xf32, #tpu.memory_space<hbm>>
      tpu.wait_indirect_dma semaphore(%arg27 : memref<!tpu.dma_semaphore, #tpu.memory_space<semaphore_mem>>) src(%dma_wait3A_554 : memref<20000x8xf32, #tpu.memory_space<hbm>>) dst(%arg20 : memref<96x8xf32, #tpu.memory_space<vmem>>)
      %ge3A_555 = arith.constant 1 : i32
      %ge3A_556 = arith.cmpi sge, %scan3A_59, %ge3A_555 : i32
      %convert_element_type3A_557 = arith.extui %ge3A_556 : i1 to i32
      %cond3A_558 = arith.constant 0 : i32
      %cond3A_559 = arith.cmpi ne, %convert_element_type3A_557, %cond3A_558 : i32
      scf.if %cond3A_559 {
        %dma_wait3A_1370 = arith.constant 0 : i32
        %dma_wait3A_1371 = arith.constant 0 : i32
        %dma_wait3A_1372 = tpu.memref_slice %arg9[%dma_wait3A_1370, %dma_wait3A_1371] : memref<10112x130xf32, #tpu.memory_space<vmem_shared>> -> memref<10112x130xf32, #tpu.memory_space<vmem_shared>>
        tpu.wait_indirect_dma semaphore(%arg31 : memref<!tpu.dma_semaphore, #tpu.memory_space<semaphore_mem>>) src(%arg15 : memref<96x130xf32, #tpu.memory_space<vmem>>) dst(%dma_wait3A_1372 : memref<10112x130xf32, #tpu.memory_space<vmem_shared>>)
      } else {
      }
      %mul3A_560 = arith.constant 3 : i32
      %mul3A_561 = arith.muli %mul3A_560, %rem3A_60 : i32
      %add3A_562 = arith.constant 1 : i32
      %add3A_563 = arith.addi %mul3A_561, %add3A_562 : i32
      %add3A_564 = arith.constant 1 : i32
      %add3A_565 = arith.addi %add3A_563, %add3A_564 : i32
      %mul3A_566 = arith.constant 96 : i32
      %mul3A_567 = arith.muli %add3A_565, %mul3A_566 : i32
      %dma_start3A_568 = tpu.memref_slice %arg11[%mul3A_567] : memref<576xi32, #tpu.memory_space<vmem>> -> memref<96xi32, #tpu.memory_space<vmem>>
      %dma_start3A_569 = arith.constant 0 : i32
      %dma_start3A_570 = arith.constant 0 : i32
      %dma_start3A_571 = tpu.memref_slice %arg2[%dma_start3A_569, %dma_start3A_570] : memref<20000x130xf32, #tpu.memory_space<hbm>> -> memref<20000x130xf32, #tpu.memory_space<hbm>>
      tpu.enqueue_indirect_dma source(%dma_start3A_571 : memref<20000x130xf32, #tpu.memory_space<hbm>>) target(%arg15 : memref<96x130xf32, #tpu.memory_space<vmem>>) offsets(%dma_start3A_568 : memref<96xi32, #tpu.memory_space<vmem>>) semaphore(%arg28 : memref<!tpu.dma_semaphore, #tpu.memory_space<semaphore_mem>>)
      %dma_start3A_572 = tpu.memref_slice %arg11[%mul3A_567] : memref<576xi32, #tpu.memory_space<vmem>> -> memref<96xi32, #tpu.memory_space<vmem>>
      %dma_start3A_573 = arith.constant 0 : i32
      %dma_start3A_574 = arith.constant 0 : i32
      %dma_start3A_575 = tpu.memref_slice %arg5[%dma_start3A_573, %dma_start3A_574] : memref<20000x8xf32, #tpu.memory_space<hbm>> -> memref<20000x8xf32, #tpu.memory_space<hbm>>
      tpu.enqueue_indirect_dma source(%dma_start3A_575 : memref<20000x8xf32, #tpu.memory_space<hbm>>) target(%arg18 : memref<96x8xf32, #tpu.memory_space<vmem>>) offsets(%dma_start3A_572 : memref<96xi32, #tpu.memory_space<vmem>>) semaphore(%arg28 : memref<!tpu.dma_semaphore, #tpu.memory_space<semaphore_mem>>)
      %dma_start3A_576 = tpu.memref_slice %arg12[%mul3A_567] : memref<576xi32, #tpu.memory_space<vmem>> -> memref<96xi32, #tpu.memory_space<vmem>>
      %dma_start3A_577 = arith.constant 0 : i32
      %dma_start3A_578 = arith.constant 0 : i32
      %dma_start3A_579 = tpu.memref_slice %arg5[%dma_start3A_577, %dma_start3A_578] : memref<20000x8xf32, #tpu.memory_space<hbm>> -> memref<20000x8xf32, #tpu.memory_space<hbm>>
      tpu.enqueue_indirect_dma source(%dma_start3A_579 : memref<20000x8xf32, #tpu.memory_space<hbm>>) target(%arg21 : memref<96x8xf32, #tpu.memory_space<vmem>>) offsets(%dma_start3A_576 : memref<96xi32, #tpu.memory_space<vmem>>) semaphore(%arg28 : memref<!tpu.dma_semaphore, #tpu.memory_space<semaphore_mem>>)
      %add3A_580 = arith.constant 0 : i32
      %add3A_581 = vector.broadcast %add3A_580 : i32 to vector<16xi32>
      %add3A_582 = arith.addi %iota3A, %add3A_581 : vector<16xi32>
      %mul3A_583 = arith.constant 2 : i32
      %mul3A_584 = arith.muli %mul3A_583, %arg0 : i32
      %add3A_585 = arith.constant 0 : i32
      %add3A_586 = arith.addi %mul3A_584, %add3A_585 : i32
      %mul3A_587 = arith.constant 2 : i32
      %mul3A_588 = arith.muli %mul3A_587, %arg0 : i32
      %add3A_589 = arith.constant 4 : i32
      %add3A_590 = arith.addi %add3A_589, %mul3A_588 : i32
      %add3A_591 = arith.constant 0 : i32
      %add3A_592 = arith.addi %add3A_590, %add3A_591 : i32
      %broadcast_in_dim3A_593 = vector.broadcast %add3A_586 : i32 to vector<16xi32>
      %gather3A_594 = tpu.vector_load_idx %arg17[%add3A_582, %broadcast_in_dim3A_593] : memref<96x8xf32, #tpu.memory_space<vmem>>[vector<16xi32>, vector<16xi32>], vector<16xf32>,
      %broadcast_in_dim3A_595 = vector.broadcast %add3A_592 : i32 to vector<16xi32>
      %gather3A_596 = tpu.vector_load_idx %arg20[%add3A_582, %broadcast_in_dim3A_595] : memref<96x8xf32, #tpu.memory_space<vmem>>[vector<16xi32>, vector<16xi32>], vector<16xf32>,
      %add3A_597 = arith.addf %gather3A_594, %gather3A_596 : vector<16xf32>
      %ge3A_598 = arith.constant 0.000000e+00 : f32
      %ge3A_599 = vector.broadcast %ge3A_598 : f32 to vector<16xf32>
      %ge3A_600 = arith.cmpf oge, %add3A_597, %ge3A_599 : vector<16xf32>
      %mul3A_601 = arith.constant 2.000000e-01 : f32
      %mul3A_602 = vector.broadcast %mul3A_601 : f32 to vector<16xf32>
      %mul3A_603 = arith.mulf %mul3A_602, %add3A_597 : vector<16xf32>
      %select_n3A_604 = arith.select %ge3A_600, %add3A_597, %mul3A_603 : vector<16xi1>, vector<16xf32>
      %sub3A_605 = arith.subf %select_n3A_604, %gather3A : vector<16xf32>
      %exp3A_606 = math.exp %sub3A_605 : vector<16xf32>
      %swap3A_607 = arith.constant 0 : index
      %swap3A_608 = tpu.vector_load %arg25[%swap3A_607] {strides = array<i32>} : memref<192xf32, #tpu.memory_space<vmem>>, vector<16xf32>,
      tpu.vector_store %arg25[%swap3A_607], %exp3A_606 {strides = array<i32>} : memref<192xf32, #tpu.memory_space<vmem>>, vector<16xf32>,
      %broadcast_in_dim3A_609 = arith.constant 128 : i32
      %broadcast_in_dim3A_610 = vector.broadcast %broadcast_in_dim3A_609 : i32 to vector<16xi32>
      tpu.vector_store_idx %arg14[%add3A_582, %broadcast_in_dim3A_610], %exp3A_606 : memref<96x130xf32, #tpu.memory_space<vmem>>[vector<16xi32>, vector<16xi32>], vector<16xf32>,
      %mul3A_611 = arith.constant 2 : i32
      %mul3A_612 = arith.muli %mul3A_611, %arg0 : i32
      %add3A_613 = arith.constant 1 : i32
      %add3A_614 = arith.addi %mul3A_612, %add3A_613 : i32
      %mul3A_615 = arith.constant 2 : i32
      %mul3A_616 = arith.muli %mul3A_615, %arg0 : i32
      %add3A_617 = arith.constant 4 : i32
      %add3A_618 = arith.addi %add3A_617, %mul3A_616 : i32
      %add3A_619 = arith.constant 1 : i32
      %add3A_620 = arith.addi %add3A_618, %add3A_619 : i32
      %broadcast_in_dim3A_621 = vector.broadcast %add3A_614 : i32 to vector<16xi32>
      %gather3A_622 = tpu.vector_load_idx %arg17[%add3A_582, %broadcast_in_dim3A_621] : memref<96x8xf32, #tpu.memory_space<vmem>>[vector<16xi32>, vector<16xi32>], vector<16xf32>,
      %broadcast_in_dim3A_623 = vector.broadcast %add3A_620 : i32 to vector<16xi32>
      %gather3A_624 = tpu.vector_load_idx %arg20[%add3A_582, %broadcast_in_dim3A_623] : memref<96x8xf32, #tpu.memory_space<vmem>>[vector<16xi32>, vector<16xi32>], vector<16xf32>,
      %add3A_625 = arith.addf %gather3A_622, %gather3A_624 : vector<16xf32>
      %ge3A_626 = arith.constant 0.000000e+00 : f32
      %ge3A_627 = vector.broadcast %ge3A_626 : f32 to vector<16xf32>
      %ge3A_628 = arith.cmpf oge, %add3A_625, %ge3A_627 : vector<16xf32>
      %mul3A_629 = arith.constant 2.000000e-01 : f32
      %mul3A_630 = vector.broadcast %mul3A_629 : f32 to vector<16xf32>
      %mul3A_631 = arith.mulf %mul3A_630, %add3A_625 : vector<16xf32>
      %select_n3A_632 = arith.select %ge3A_628, %add3A_625, %mul3A_631 : vector<16xi1>, vector<16xf32>
      %sub3A_633 = arith.subf %select_n3A_632, %gather3A_19 : vector<16xf32>
      %exp3A_634 = math.exp %sub3A_633 : vector<16xf32>
      %swap3A_635 = arith.constant 96 : index
      %swap3A_636 = tpu.vector_load %arg25[%swap3A_635] {strides = array<i32>} : memref<192xf32, #tpu.memory_space<vmem>>, vector<16xf32>,
      tpu.vector_store %arg25[%swap3A_635], %exp3A_634 {strides = array<i32>} : memref<192xf32, #tpu.memory_space<vmem>>, vector<16xf32>,
      %broadcast_in_dim3A_637 = arith.constant 129 : i32
      %broadcast_in_dim3A_638 = vector.broadcast %broadcast_in_dim3A_637 : i32 to vector<16xi32>
      tpu.vector_store_idx %arg14[%add3A_582, %broadcast_in_dim3A_638], %exp3A_634 : memref<96x130xf32, #tpu.memory_space<vmem>>[vector<16xi32>, vector<16xi32>], vector<16xf32>,
      %add3A_639 = arith.constant 16 : i32
      %add3A_640 = vector.broadcast %add3A_639 : i32 to vector<16xi32>
      %add3A_641 = arith.addi %iota3A, %add3A_640 : vector<16xi32>
      %mul3A_642 = arith.constant 2 : i32
      %mul3A_643 = arith.muli %mul3A_642, %arg0 : i32
      %add3A_644 = arith.constant 0 : i32
      %add3A_645 = arith.addi %mul3A_643, %add3A_644 : i32
      %mul3A_646 = arith.constant 2 : i32
      %mul3A_647 = arith.muli %mul3A_646, %arg0 : i32
      %add3A_648 = arith.constant 4 : i32
      %add3A_649 = arith.addi %add3A_648, %mul3A_647 : i32
      %add3A_650 = arith.constant 0 : i32
      %add3A_651 = arith.addi %add3A_649, %add3A_650 : i32
      %broadcast_in_dim3A_652 = vector.broadcast %add3A_645 : i32 to vector<16xi32>
      %gather3A_653 = tpu.vector_load_idx %arg17[%add3A_641, %broadcast_in_dim3A_652] : memref<96x8xf32, #tpu.memory_space<vmem>>[vector<16xi32>, vector<16xi32>], vector<16xf32>,
      %broadcast_in_dim3A_654 = vector.broadcast %add3A_651 : i32 to vector<16xi32>
      %gather3A_655 = tpu.vector_load_idx %arg20[%add3A_641, %broadcast_in_dim3A_654] : memref<96x8xf32, #tpu.memory_space<vmem>>[vector<16xi32>, vector<16xi32>], vector<16xf32>,
      %add3A_656 = arith.addf %gather3A_653, %gather3A_655 : vector<16xf32>
      %ge3A_657 = arith.constant 0.000000e+00 : f32
      %ge3A_658 = vector.broadcast %ge3A_657 : f32 to vector<16xf32>
      %ge3A_659 = arith.cmpf oge, %add3A_656, %ge3A_658 : vector<16xf32>
      %mul3A_660 = arith.constant 2.000000e-01 : f32
      %mul3A_661 = vector.broadcast %mul3A_660 : f32 to vector<16xf32>
      %mul3A_662 = arith.mulf %mul3A_661, %add3A_656 : vector<16xf32>
      %select_n3A_663 = arith.select %ge3A_659, %add3A_656, %mul3A_662 : vector<16xi1>, vector<16xf32>
      %sub3A_664 = arith.subf %select_n3A_663, %gather3A : vector<16xf32>
      %exp3A_665 = math.exp %sub3A_664 : vector<16xf32>
      %swap3A_666 = arith.constant 16 : index
      %swap3A_667 = tpu.vector_load %arg25[%swap3A_666] {strides = array<i32>} : memref<192xf32, #tpu.memory_space<vmem>>, vector<16xf32>,
      tpu.vector_store %arg25[%swap3A_666], %exp3A_665 {strides = array<i32>} : memref<192xf32, #tpu.memory_space<vmem>>, vector<16xf32>,
      %broadcast_in_dim3A_668 = arith.constant 128 : i32
      %broadcast_in_dim3A_669 = vector.broadcast %broadcast_in_dim3A_668 : i32 to vector<16xi32>
      tpu.vector_store_idx %arg14[%add3A_641, %broadcast_in_dim3A_669], %exp3A_665 : memref<96x130xf32, #tpu.memory_space<vmem>>[vector<16xi32>, vector<16xi32>], vector<16xf32>,
      %mul3A_670 = arith.constant 2 : i32
      %mul3A_671 = arith.muli %mul3A_670, %arg0 : i32
      %add3A_672 = arith.constant 1 : i32
      %add3A_673 = arith.addi %mul3A_671, %add3A_672 : i32
      %mul3A_674 = arith.constant 2 : i32
      %mul3A_675 = arith.muli %mul3A_674, %arg0 : i32
      %add3A_676 = arith.constant 4 : i32
      %add3A_677 = arith.addi %add3A_676, %mul3A_675 : i32
      %add3A_678 = arith.constant 1 : i32
      %add3A_679 = arith.addi %add3A_677, %add3A_678 : i32
      %broadcast_in_dim3A_680 = vector.broadcast %add3A_673 : i32 to vector<16xi32>
      %gather3A_681 = tpu.vector_load_idx %arg17[%add3A_641, %broadcast_in_dim3A_680] : memref<96x8xf32, #tpu.memory_space<vmem>>[vector<16xi32>, vector<16xi32>], vector<16xf32>,
      %broadcast_in_dim3A_682 = vector.broadcast %add3A_679 : i32 to vector<16xi32>
      %gather3A_683 = tpu.vector_load_idx %arg20[%add3A_641, %broadcast_in_dim3A_682] : memref<96x8xf32, #tpu.memory_space<vmem>>[vector<16xi32>, vector<16xi32>], vector<16xf32>,
      %add3A_684 = arith.addf %gather3A_681, %gather3A_683 : vector<16xf32>
      %ge3A_685 = arith.constant 0.000000e+00 : f32
      %ge3A_686 = vector.broadcast %ge3A_685 : f32 to vector<16xf32>
      %ge3A_687 = arith.cmpf oge, %add3A_684, %ge3A_686 : vector<16xf32>
      %mul3A_688 = arith.constant 2.000000e-01 : f32
      %mul3A_689 = vector.broadcast %mul3A_688 : f32 to vector<16xf32>
      %mul3A_690 = arith.mulf %mul3A_689, %add3A_684 : vector<16xf32>
      %select_n3A_691 = arith.select %ge3A_687, %add3A_684, %mul3A_690 : vector<16xi1>, vector<16xf32>
      %sub3A_692 = arith.subf %select_n3A_691, %gather3A_19 : vector<16xf32>
      %exp3A_693 = math.exp %sub3A_692 : vector<16xf32>
      %swap3A_694 = arith.constant 112 : index
      %swap3A_695 = tpu.vector_load %arg25[%swap3A_694] {strides = array<i32>} : memref<192xf32, #tpu.memory_space<vmem>>, vector<16xf32>,
      tpu.vector_store %arg25[%swap3A_694], %exp3A_693 {strides = array<i32>} : memref<192xf32, #tpu.memory_space<vmem>>, vector<16xf32>,
      %broadcast_in_dim3A_696 = arith.constant 129 : i32
      %broadcast_in_dim3A_697 = vector.broadcast %broadcast_in_dim3A_696 : i32 to vector<16xi32>
      tpu.vector_store_idx %arg14[%add3A_641, %broadcast_in_dim3A_697], %exp3A_693 : memref<96x130xf32, #tpu.memory_space<vmem>>[vector<16xi32>, vector<16xi32>], vector<16xf32>,
      %add3A_698 = arith.constant 32 : i32
      %add3A_699 = vector.broadcast %add3A_698 : i32 to vector<16xi32>
      %add3A_700 = arith.addi %iota3A, %add3A_699 : vector<16xi32>
      %mul3A_701 = arith.constant 2 : i32
      %mul3A_702 = arith.muli %mul3A_701, %arg0 : i32
      %add3A_703 = arith.constant 0 : i32
      %add3A_704 = arith.addi %mul3A_702, %add3A_703 : i32
      %mul3A_705 = arith.constant 2 : i32
      %mul3A_706 = arith.muli %mul3A_705, %arg0 : i32
      %add3A_707 = arith.constant 4 : i32
      %add3A_708 = arith.addi %add3A_707, %mul3A_706 : i32
      %add3A_709 = arith.constant 0 : i32
      %add3A_710 = arith.addi %add3A_708, %add3A_709 : i32
      %broadcast_in_dim3A_711 = vector.broadcast %add3A_704 : i32 to vector<16xi32>
      %gather3A_712 = tpu.vector_load_idx %arg17[%add3A_700, %broadcast_in_dim3A_711] : memref<96x8xf32, #tpu.memory_space<vmem>>[vector<16xi32>, vector<16xi32>], vector<16xf32>,
      %broadcast_in_dim3A_713 = vector.broadcast %add3A_710 : i32 to vector<16xi32>
      %gather3A_714 = tpu.vector_load_idx %arg20[%add3A_700, %broadcast_in_dim3A_713] : memref<96x8xf32, #tpu.memory_space<vmem>>[vector<16xi32>, vector<16xi32>], vector<16xf32>,
      %add3A_715 = arith.addf %gather3A_712, %gather3A_714 : vector<16xf32>
      %ge3A_716 = arith.constant 0.000000e+00 : f32
      %ge3A_717 = vector.broadcast %ge3A_716 : f32 to vector<16xf32>
      %ge3A_718 = arith.cmpf oge, %add3A_715, %ge3A_717 : vector<16xf32>
      %mul3A_719 = arith.constant 2.000000e-01 : f32
      %mul3A_720 = vector.broadcast %mul3A_719 : f32 to vector<16xf32>
      %mul3A_721 = arith.mulf %mul3A_720, %add3A_715 : vector<16xf32>
      %select_n3A_722 = arith.select %ge3A_718, %add3A_715, %mul3A_721 : vector<16xi1>, vector<16xf32>
      %sub3A_723 = arith.subf %select_n3A_722, %gather3A : vector<16xf32>
      %exp3A_724 = math.exp %sub3A_723 : vector<16xf32>
      %swap3A_725 = arith.constant 32 : index
      %swap3A_726 = tpu.vector_load %arg25[%swap3A_725] {strides = array<i32>} : memref<192xf32, #tpu.memory_space<vmem>>, vector<16xf32>,
      tpu.vector_store %arg25[%swap3A_725], %exp3A_724 {strides = array<i32>} : memref<192xf32, #tpu.memory_space<vmem>>, vector<16xf32>,
      %broadcast_in_dim3A_727 = arith.constant 128 : i32
      %broadcast_in_dim3A_728 = vector.broadcast %broadcast_in_dim3A_727 : i32 to vector<16xi32>
      tpu.vector_store_idx %arg14[%add3A_700, %broadcast_in_dim3A_728], %exp3A_724 : memref<96x130xf32, #tpu.memory_space<vmem>>[vector<16xi32>, vector<16xi32>], vector<16xf32>,
      %mul3A_729 = arith.constant 2 : i32
      %mul3A_730 = arith.muli %mul3A_729, %arg0 : i32
      %add3A_731 = arith.constant 1 : i32
      %add3A_732 = arith.addi %mul3A_730, %add3A_731 : i32
      %mul3A_733 = arith.constant 2 : i32
      %mul3A_734 = arith.muli %mul3A_733, %arg0 : i32
      %add3A_735 = arith.constant 4 : i32
      %add3A_736 = arith.addi %add3A_735, %mul3A_734 : i32
      %add3A_737 = arith.constant 1 : i32
      %add3A_738 = arith.addi %add3A_736, %add3A_737 : i32
      %broadcast_in_dim3A_739 = vector.broadcast %add3A_732 : i32 to vector<16xi32>
      %gather3A_740 = tpu.vector_load_idx %arg17[%add3A_700, %broadcast_in_dim3A_739] : memref<96x8xf32, #tpu.memory_space<vmem>>[vector<16xi32>, vector<16xi32>], vector<16xf32>,
      %broadcast_in_dim3A_741 = vector.broadcast %add3A_738 : i32 to vector<16xi32>
      %gather3A_742 = tpu.vector_load_idx %arg20[%add3A_700, %broadcast_in_dim3A_741] : memref<96x8xf32, #tpu.memory_space<vmem>>[vector<16xi32>, vector<16xi32>], vector<16xf32>,
      %add3A_743 = arith.addf %gather3A_740, %gather3A_742 : vector<16xf32>
      %ge3A_744 = arith.constant 0.000000e+00 : f32
      %ge3A_745 = vector.broadcast %ge3A_744 : f32 to vector<16xf32>
      %ge3A_746 = arith.cmpf oge, %add3A_743, %ge3A_745 : vector<16xf32>
      %mul3A_747 = arith.constant 2.000000e-01 : f32
      %mul3A_748 = vector.broadcast %mul3A_747 : f32 to vector<16xf32>
      %mul3A_749 = arith.mulf %mul3A_748, %add3A_743 : vector<16xf32>
      %select_n3A_750 = arith.select %ge3A_746, %add3A_743, %mul3A_749 : vector<16xi1>, vector<16xf32>
      %sub3A_751 = arith.subf %select_n3A_750, %gather3A_19 : vector<16xf32>
      %exp3A_752 = math.exp %sub3A_751 : vector<16xf32>
      %swap3A_753 = arith.constant 128 : index
      %swap3A_754 = tpu.vector_load %arg25[%swap3A_753] {strides = array<i32>} : memref<192xf32, #tpu.memory_space<vmem>>, vector<16xf32>,
      tpu.vector_store %arg25[%swap3A_753], %exp3A_752 {strides = array<i32>} : memref<192xf32, #tpu.memory_space<vmem>>, vector<16xf32>,
      %broadcast_in_dim3A_755 = arith.constant 129 : i32
      %broadcast_in_dim3A_756 = vector.broadcast %broadcast_in_dim3A_755 : i32 to vector<16xi32>
      tpu.vector_store_idx %arg14[%add3A_700, %broadcast_in_dim3A_756], %exp3A_752 : memref<96x130xf32, #tpu.memory_space<vmem>>[vector<16xi32>, vector<16xi32>], vector<16xf32>,
      %add3A_757 = arith.constant 48 : i32
      %add3A_758 = vector.broadcast %add3A_757 : i32 to vector<16xi32>
      %add3A_759 = arith.addi %iota3A, %add3A_758 : vector<16xi32>
      %mul3A_760 = arith.constant 2 : i32
      %mul3A_761 = arith.muli %mul3A_760, %arg0 : i32
      %add3A_762 = arith.constant 0 : i32
      %add3A_763 = arith.addi %mul3A_761, %add3A_762 : i32
      %mul3A_764 = arith.constant 2 : i32
      %mul3A_765 = arith.muli %mul3A_764, %arg0 : i32
      %add3A_766 = arith.constant 4 : i32
      %add3A_767 = arith.addi %add3A_766, %mul3A_765 : i32
      %add3A_768 = arith.constant 0 : i32
      %add3A_769 = arith.addi %add3A_767, %add3A_768 : i32
      %broadcast_in_dim3A_770 = vector.broadcast %add3A_763 : i32 to vector<16xi32>
      %gather3A_771 = tpu.vector_load_idx %arg17[%add3A_759, %broadcast_in_dim3A_770] : memref<96x8xf32, #tpu.memory_space<vmem>>[vector<16xi32>, vector<16xi32>], vector<16xf32>,
      %broadcast_in_dim3A_772 = vector.broadcast %add3A_769 : i32 to vector<16xi32>
      %gather3A_773 = tpu.vector_load_idx %arg20[%add3A_759, %broadcast_in_dim3A_772] : memref<96x8xf32, #tpu.memory_space<vmem>>[vector<16xi32>, vector<16xi32>], vector<16xf32>,
      %add3A_774 = arith.addf %gather3A_771, %gather3A_773 : vector<16xf32>
      %ge3A_775 = arith.constant 0.000000e+00 : f32
      %ge3A_776 = vector.broadcast %ge3A_775 : f32 to vector<16xf32>
      %ge3A_777 = arith.cmpf oge, %add3A_774, %ge3A_776 : vector<16xf32>
      %mul3A_778 = arith.constant 2.000000e-01 : f32
      %mul3A_779 = vector.broadcast %mul3A_778 : f32 to vector<16xf32>
      %mul3A_780 = arith.mulf %mul3A_779, %add3A_774 : vector<16xf32>
      %select_n3A_781 = arith.select %ge3A_777, %add3A_774, %mul3A_780 : vector<16xi1>, vector<16xf32>
      %sub3A_782 = arith.subf %select_n3A_781, %gather3A : vector<16xf32>
      %exp3A_783 = math.exp %sub3A_782 : vector<16xf32>
      %swap3A_784 = arith.constant 48 : index
      %swap3A_785 = tpu.vector_load %arg25[%swap3A_784] {strides = array<i32>} : memref<192xf32, #tpu.memory_space<vmem>>, vector<16xf32>,
      tpu.vector_store %arg25[%swap3A_784], %exp3A_783 {strides = array<i32>} : memref<192xf32, #tpu.memory_space<vmem>>, vector<16xf32>,
      %broadcast_in_dim3A_786 = arith.constant 128 : i32
      %broadcast_in_dim3A_787 = vector.broadcast %broadcast_in_dim3A_786 : i32 to vector<16xi32>
      tpu.vector_store_idx %arg14[%add3A_759, %broadcast_in_dim3A_787], %exp3A_783 : memref<96x130xf32, #tpu.memory_space<vmem>>[vector<16xi32>, vector<16xi32>], vector<16xf32>,
      %mul3A_788 = arith.constant 2 : i32
      %mul3A_789 = arith.muli %mul3A_788, %arg0 : i32
      %add3A_790 = arith.constant 1 : i32
      %add3A_791 = arith.addi %mul3A_789, %add3A_790 : i32
      %mul3A_792 = arith.constant 2 : i32
      %mul3A_793 = arith.muli %mul3A_792, %arg0 : i32
      %add3A_794 = arith.constant 4 : i32
      %add3A_795 = arith.addi %add3A_794, %mul3A_793 : i32
      %add3A_796 = arith.constant 1 : i32
      %add3A_797 = arith.addi %add3A_795, %add3A_796 : i32
      %broadcast_in_dim3A_798 = vector.broadcast %add3A_791 : i32 to vector<16xi32>
      %gather3A_799 = tpu.vector_load_idx %arg17[%add3A_759, %broadcast_in_dim3A_798] : memref<96x8xf32, #tpu.memory_space<vmem>>[vector<16xi32>, vector<16xi32>], vector<16xf32>,
      %broadcast_in_dim3A_800 = vector.broadcast %add3A_797 : i32 to vector<16xi32>
      %gather3A_801 = tpu.vector_load_idx %arg20[%add3A_759, %broadcast_in_dim3A_800] : memref<96x8xf32, #tpu.memory_space<vmem>>[vector<16xi32>, vector<16xi32>], vector<16xf32>,
      %add3A_802 = arith.addf %gather3A_799, %gather3A_801 : vector<16xf32>
      %ge3A_803 = arith.constant 0.000000e+00 : f32
      %ge3A_804 = vector.broadcast %ge3A_803 : f32 to vector<16xf32>
      %ge3A_805 = arith.cmpf oge, %add3A_802, %ge3A_804 : vector<16xf32>
      %mul3A_806 = arith.constant 2.000000e-01 : f32
      %mul3A_807 = vector.broadcast %mul3A_806 : f32 to vector<16xf32>
      %mul3A_808 = arith.mulf %mul3A_807, %add3A_802 : vector<16xf32>
      %select_n3A_809 = arith.select %ge3A_805, %add3A_802, %mul3A_808 : vector<16xi1>, vector<16xf32>
      %sub3A_810 = arith.subf %select_n3A_809, %gather3A_19 : vector<16xf32>
      %exp3A_811 = math.exp %sub3A_810 : vector<16xf32>
      %swap3A_812 = arith.constant 144 : index
      %swap3A_813 = tpu.vector_load %arg25[%swap3A_812] {strides = array<i32>} : memref<192xf32, #tpu.memory_space<vmem>>, vector<16xf32>,
      tpu.vector_store %arg25[%swap3A_812], %exp3A_811 {strides = array<i32>} : memref<192xf32, #tpu.memory_space<vmem>>, vector<16xf32>,
      %broadcast_in_dim3A_814 = arith.constant 129 : i32
      %broadcast_in_dim3A_815 = vector.broadcast %broadcast_in_dim3A_814 : i32 to vector<16xi32>
      tpu.vector_store_idx %arg14[%add3A_759, %broadcast_in_dim3A_815], %exp3A_811 : memref<96x130xf32, #tpu.memory_space<vmem>>[vector<16xi32>, vector<16xi32>], vector<16xf32>,
      %add3A_816 = arith.constant 64 : i32
      %add3A_817 = vector.broadcast %add3A_816 : i32 to vector<16xi32>
      %add3A_818 = arith.addi %iota3A, %add3A_817 : vector<16xi32>
      %mul3A_819 = arith.constant 2 : i32
      %mul3A_820 = arith.muli %mul3A_819, %arg0 : i32
      %add3A_821 = arith.constant 0 : i32
      %add3A_822 = arith.addi %mul3A_820, %add3A_821 : i32
      %mul3A_823 = arith.constant 2 : i32
      %mul3A_824 = arith.muli %mul3A_823, %arg0 : i32
      %add3A_825 = arith.constant 4 : i32
      %add3A_826 = arith.addi %add3A_825, %mul3A_824 : i32
      %add3A_827 = arith.constant 0 : i32
      %add3A_828 = arith.addi %add3A_826, %add3A_827 : i32
      %broadcast_in_dim3A_829 = vector.broadcast %add3A_822 : i32 to vector<16xi32>
      %gather3A_830 = tpu.vector_load_idx %arg17[%add3A_818, %broadcast_in_dim3A_829] : memref<96x8xf32, #tpu.memory_space<vmem>>[vector<16xi32>, vector<16xi32>], vector<16xf32>,
      %broadcast_in_dim3A_831 = vector.broadcast %add3A_828 : i32 to vector<16xi32>
      %gather3A_832 = tpu.vector_load_idx %arg20[%add3A_818, %broadcast_in_dim3A_831] : memref<96x8xf32, #tpu.memory_space<vmem>>[vector<16xi32>, vector<16xi32>], vector<16xf32>,
      %add3A_833 = arith.addf %gather3A_830, %gather3A_832 : vector<16xf32>
      %ge3A_834 = arith.constant 0.000000e+00 : f32
      %ge3A_835 = vector.broadcast %ge3A_834 : f32 to vector<16xf32>
      %ge3A_836 = arith.cmpf oge, %add3A_833, %ge3A_835 : vector<16xf32>
      %mul3A_837 = arith.constant 2.000000e-01 : f32
      %mul3A_838 = vector.broadcast %mul3A_837 : f32 to vector<16xf32>
      %mul3A_839 = arith.mulf %mul3A_838, %add3A_833 : vector<16xf32>
      %select_n3A_840 = arith.select %ge3A_836, %add3A_833, %mul3A_839 : vector<16xi1>, vector<16xf32>
      %sub3A_841 = arith.subf %select_n3A_840, %gather3A : vector<16xf32>
      %exp3A_842 = math.exp %sub3A_841 : vector<16xf32>
      %swap3A_843 = arith.constant 64 : index
      %swap3A_844 = tpu.vector_load %arg25[%swap3A_843] {strides = array<i32>} : memref<192xf32, #tpu.memory_space<vmem>>, vector<16xf32>,
      tpu.vector_store %arg25[%swap3A_843], %exp3A_842 {strides = array<i32>} : memref<192xf32, #tpu.memory_space<vmem>>, vector<16xf32>,
      %broadcast_in_dim3A_845 = arith.constant 128 : i32
      %broadcast_in_dim3A_846 = vector.broadcast %broadcast_in_dim3A_845 : i32 to vector<16xi32>
      tpu.vector_store_idx %arg14[%add3A_818, %broadcast_in_dim3A_846], %exp3A_842 : memref<96x130xf32, #tpu.memory_space<vmem>>[vector<16xi32>, vector<16xi32>], vector<16xf32>,
      %mul3A_847 = arith.constant 2 : i32
      %mul3A_848 = arith.muli %mul3A_847, %arg0 : i32
      %add3A_849 = arith.constant 1 : i32
      %add3A_850 = arith.addi %mul3A_848, %add3A_849 : i32
      %mul3A_851 = arith.constant 2 : i32
      %mul3A_852 = arith.muli %mul3A_851, %arg0 : i32
      %add3A_853 = arith.constant 4 : i32
      %add3A_854 = arith.addi %add3A_853, %mul3A_852 : i32
      %add3A_855 = arith.constant 1 : i32
      %add3A_856 = arith.addi %add3A_854, %add3A_855 : i32
      %broadcast_in_dim3A_857 = vector.broadcast %add3A_850 : i32 to vector<16xi32>
      %gather3A_858 = tpu.vector_load_idx %arg17[%add3A_818, %broadcast_in_dim3A_857] : memref<96x8xf32, #tpu.memory_space<vmem>>[vector<16xi32>, vector<16xi32>], vector<16xf32>,
      %broadcast_in_dim3A_859 = vector.broadcast %add3A_856 : i32 to vector<16xi32>
      %gather3A_860 = tpu.vector_load_idx %arg20[%add3A_818, %broadcast_in_dim3A_859] : memref<96x8xf32, #tpu.memory_space<vmem>>[vector<16xi32>, vector<16xi32>], vector<16xf32>,
      %add3A_861 = arith.addf %gather3A_858, %gather3A_860 : vector<16xf32>
      %ge3A_862 = arith.constant 0.000000e+00 : f32
      %ge3A_863 = vector.broadcast %ge3A_862 : f32 to vector<16xf32>
      %ge3A_864 = arith.cmpf oge, %add3A_861, %ge3A_863 : vector<16xf32>
      %mul3A_865 = arith.constant 2.000000e-01 : f32
      %mul3A_866 = vector.broadcast %mul3A_865 : f32 to vector<16xf32>
      %mul3A_867 = arith.mulf %mul3A_866, %add3A_861 : vector<16xf32>
      %select_n3A_868 = arith.select %ge3A_864, %add3A_861, %mul3A_867 : vector<16xi1>, vector<16xf32>
      %sub3A_869 = arith.subf %select_n3A_868, %gather3A_19 : vector<16xf32>
      %exp3A_870 = math.exp %sub3A_869 : vector<16xf32>
      %swap3A_871 = arith.constant 160 : index
      %swap3A_872 = tpu.vector_load %arg25[%swap3A_871] {strides = array<i32>} : memref<192xf32, #tpu.memory_space<vmem>>, vector<16xf32>,
      tpu.vector_store %arg25[%swap3A_871], %exp3A_870 {strides = array<i32>} : memref<192xf32, #tpu.memory_space<vmem>>, vector<16xf32>,
      %broadcast_in_dim3A_873 = arith.constant 129 : i32
      %broadcast_in_dim3A_874 = vector.broadcast %broadcast_in_dim3A_873 : i32 to vector<16xi32>
      tpu.vector_store_idx %arg14[%add3A_818, %broadcast_in_dim3A_874], %exp3A_870 : memref<96x130xf32, #tpu.memory_space<vmem>>[vector<16xi32>, vector<16xi32>], vector<16xf32>,
      %add3A_875 = arith.constant 80 : i32
      %add3A_876 = vector.broadcast %add3A_875 : i32 to vector<16xi32>
      %add3A_877 = arith.addi %iota3A, %add3A_876 : vector<16xi32>
      %mul3A_878 = arith.constant 2 : i32
      %mul3A_879 = arith.muli %mul3A_878, %arg0 : i32
      %add3A_880 = arith.constant 0 : i32
      %add3A_881 = arith.addi %mul3A_879, %add3A_880 : i32
      %mul3A_882 = arith.constant 2 : i32
      %mul3A_883 = arith.muli %mul3A_882, %arg0 : i32
      %add3A_884 = arith.constant 4 : i32
      %add3A_885 = arith.addi %add3A_884, %mul3A_883 : i32
      %add3A_886 = arith.constant 0 : i32
      %add3A_887 = arith.addi %add3A_885, %add3A_886 : i32
      %broadcast_in_dim3A_888 = vector.broadcast %add3A_881 : i32 to vector<16xi32>
      %gather3A_889 = tpu.vector_load_idx %arg17[%add3A_877, %broadcast_in_dim3A_888] : memref<96x8xf32, #tpu.memory_space<vmem>>[vector<16xi32>, vector<16xi32>], vector<16xf32>,
      %broadcast_in_dim3A_890 = vector.broadcast %add3A_887 : i32 to vector<16xi32>
      %gather3A_891 = tpu.vector_load_idx %arg20[%add3A_877, %broadcast_in_dim3A_890] : memref<96x8xf32, #tpu.memory_space<vmem>>[vector<16xi32>, vector<16xi32>], vector<16xf32>,
      %add3A_892 = arith.addf %gather3A_889, %gather3A_891 : vector<16xf32>
      %ge3A_893 = arith.constant 0.000000e+00 : f32
      %ge3A_894 = vector.broadcast %ge3A_893 : f32 to vector<16xf32>
      %ge3A_895 = arith.cmpf oge, %add3A_892, %ge3A_894 : vector<16xf32>
      %mul3A_896 = arith.constant 2.000000e-01 : f32
      %mul3A_897 = vector.broadcast %mul3A_896 : f32 to vector<16xf32>
      %mul3A_898 = arith.mulf %mul3A_897, %add3A_892 : vector<16xf32>
      %select_n3A_899 = arith.select %ge3A_895, %add3A_892, %mul3A_898 : vector<16xi1>, vector<16xf32>
      %sub3A_900 = arith.subf %select_n3A_899, %gather3A : vector<16xf32>
      %exp3A_901 = math.exp %sub3A_900 : vector<16xf32>
      %swap3A_902 = arith.constant 80 : index
      %swap3A_903 = tpu.vector_load %arg25[%swap3A_902] {strides = array<i32>} : memref<192xf32, #tpu.memory_space<vmem>>, vector<16xf32>,
      tpu.vector_store %arg25[%swap3A_902], %exp3A_901 {strides = array<i32>} : memref<192xf32, #tpu.memory_space<vmem>>, vector<16xf32>,
      %broadcast_in_dim3A_904 = arith.constant 128 : i32
      %broadcast_in_dim3A_905 = vector.broadcast %broadcast_in_dim3A_904 : i32 to vector<16xi32>
      tpu.vector_store_idx %arg14[%add3A_877, %broadcast_in_dim3A_905], %exp3A_901 : memref<96x130xf32, #tpu.memory_space<vmem>>[vector<16xi32>, vector<16xi32>], vector<16xf32>,
      %mul3A_906 = arith.constant 2 : i32
      %mul3A_907 = arith.muli %mul3A_906, %arg0 : i32
      %add3A_908 = arith.constant 1 : i32
      %add3A_909 = arith.addi %mul3A_907, %add3A_908 : i32
      %mul3A_910 = arith.constant 2 : i32
      %mul3A_911 = arith.muli %mul3A_910, %arg0 : i32
      %add3A_912 = arith.constant 4 : i32
      %add3A_913 = arith.addi %add3A_912, %mul3A_911 : i32
      %add3A_914 = arith.constant 1 : i32
      %add3A_915 = arith.addi %add3A_913, %add3A_914 : i32
      %broadcast_in_dim3A_916 = vector.broadcast %add3A_909 : i32 to vector<16xi32>
      %gather3A_917 = tpu.vector_load_idx %arg17[%add3A_877, %broadcast_in_dim3A_916] : memref<96x8xf32, #tpu.memory_space<vmem>>[vector<16xi32>, vector<16xi32>], vector<16xf32>,
      %broadcast_in_dim3A_918 = vector.broadcast %add3A_915 : i32 to vector<16xi32>
      %gather3A_919 = tpu.vector_load_idx %arg20[%add3A_877, %broadcast_in_dim3A_918] : memref<96x8xf32, #tpu.memory_space<vmem>>[vector<16xi32>, vector<16xi32>], vector<16xf32>,
      %add3A_920 = arith.addf %gather3A_917, %gather3A_919 : vector<16xf32>
      %ge3A_921 = arith.constant 0.000000e+00 : f32
      %ge3A_922 = vector.broadcast %ge3A_921 : f32 to vector<16xf32>
      %ge3A_923 = arith.cmpf oge, %add3A_920, %ge3A_922 : vector<16xf32>
      %mul3A_924 = arith.constant 2.000000e-01 : f32
      %mul3A_925 = vector.broadcast %mul3A_924 : f32 to vector<16xf32>
      %mul3A_926 = arith.mulf %mul3A_925, %add3A_920 : vector<16xf32>
      %select_n3A_927 = arith.select %ge3A_923, %add3A_920, %mul3A_926 : vector<16xi1>, vector<16xf32>
      %sub3A_928 = arith.subf %select_n3A_927, %gather3A_19 : vector<16xf32>
      %exp3A_929 = math.exp %sub3A_928 : vector<16xf32>
      %swap3A_930 = arith.constant 176 : index
      %swap3A_931 = tpu.vector_load %arg25[%swap3A_930] {strides = array<i32>} : memref<192xf32, #tpu.memory_space<vmem>>, vector<16xf32>,
      tpu.vector_store %arg25[%swap3A_930], %exp3A_929 {strides = array<i32>} : memref<192xf32, #tpu.memory_space<vmem>>, vector<16xf32>,
      %broadcast_in_dim3A_932 = arith.constant 129 : i32
      %broadcast_in_dim3A_933 = vector.broadcast %broadcast_in_dim3A_932 : i32 to vector<16xi32>
      tpu.vector_store_idx %arg14[%add3A_877, %broadcast_in_dim3A_933], %exp3A_929 : memref<96x130xf32, #tpu.memory_space<vmem>>[vector<16xi32>, vector<16xi32>], vector<16xf32>,
      %scan3A_934 = arith.constant 0 : i32
      %scan3A_935 = arith.constant 0 : i32
      %scan3A_936 = arith.constant 96 : i32
      %scan3A_937 = arith.addi %scan3A_935, %scan3A_936 : i32
      %scan3A_938 = arith.constant 2 : i32
      scf.for %scan3A_1370 = %scan3A_935 to %scan3A_937 step %scan3A_938  : i32 {
        %broadcast_in_dim3A_1371 = arith.constant 0 : i32
        %broadcast_in_dim3A_1372 = vector.broadcast %broadcast_in_dim3A_1371 : i32 to vector<16xi32>
        %add3A_1373 = vector.broadcast %scan3A_1370 : i32 to vector<16xi32>
        %add3A_1374 = arith.addi %broadcast_in_dim3A_1372, %add3A_1373 : vector<16xi32>
        %gather3A_1375 = tpu.vector_load_idx %arg25[%add3A_1374] : memref<192xf32, #tpu.memory_space<vmem>>[vector<16xi32>], vector<16xf32>,
        %get3A_1376 = arith.index_cast %scan3A_1370 : i32 to index
        %get3A_1377 = arith.constant 0 : index
        %get3A_1378 = tpu.vector_load %arg14[%get3A_1376, %get3A_1377] {strides = array<i32>} : memref<96x130xf32, #tpu.memory_space<vmem>>, vector<16xf32>,
        %mul3A_1379 = arith.mulf %get3A_1378, %gather3A_1375 : vector<16xf32>
        %swap3A_1380 = arith.index_cast %scan3A_1370 : i32 to index
        %swap3A_1381 = arith.constant 0 : index
        %swap3A_1382 = tpu.vector_load %arg14[%swap3A_1380, %swap3A_1381] {strides = array<i32>} : memref<96x130xf32, #tpu.memory_space<vmem>>, vector<16xf32>,
        tpu.vector_store %arg14[%swap3A_1380, %swap3A_1381], %mul3A_1379 {strides = array<i32>} : memref<96x130xf32, #tpu.memory_space<vmem>>, vector<16xf32>,
        %get3A_1383 = arith.index_cast %scan3A_1370 : i32 to index
        %get3A_1384 = arith.constant 16 : index
        %get3A_1385 = tpu.vector_load %arg14[%get3A_1383, %get3A_1384] {strides = array<i32>} : memref<96x130xf32, #tpu.memory_space<vmem>>, vector<16xf32>,
        %mul3A_1386 = arith.mulf %get3A_1385, %gather3A_1375 : vector<16xf32>
        %swap3A_1387 = arith.index_cast %scan3A_1370 : i32 to index
        %swap3A_1388 = arith.constant 16 : index
        %swap3A_1389 = tpu.vector_load %arg14[%swap3A_1387, %swap3A_1388] {strides = array<i32>} : memref<96x130xf32, #tpu.memory_space<vmem>>, vector<16xf32>,
        tpu.vector_store %arg14[%swap3A_1387, %swap3A_1388], %mul3A_1386 {strides = array<i32>} : memref<96x130xf32, #tpu.memory_space<vmem>>, vector<16xf32>,
        %get3A_1390 = arith.index_cast %scan3A_1370 : i32 to index
        %get3A_1391 = arith.constant 32 : index
        %get3A_1392 = tpu.vector_load %arg14[%get3A_1390, %get3A_1391] {strides = array<i32>} : memref<96x130xf32, #tpu.memory_space<vmem>>, vector<16xf32>,
        %mul3A_1393 = arith.mulf %get3A_1392, %gather3A_1375 : vector<16xf32>
        %swap3A_1394 = arith.index_cast %scan3A_1370 : i32 to index
        %swap3A_1395 = arith.constant 32 : index
        %swap3A_1396 = tpu.vector_load %arg14[%swap3A_1394, %swap3A_1395] {strides = array<i32>} : memref<96x130xf32, #tpu.memory_space<vmem>>, vector<16xf32>,
        tpu.vector_store %arg14[%swap3A_1394, %swap3A_1395], %mul3A_1393 {strides = array<i32>} : memref<96x130xf32, #tpu.memory_space<vmem>>, vector<16xf32>,
        %get3A_1397 = arith.index_cast %scan3A_1370 : i32 to index
        %get3A_1398 = arith.constant 48 : index
        %get3A_1399 = tpu.vector_load %arg14[%get3A_1397, %get3A_1398] {strides = array<i32>} : memref<96x130xf32, #tpu.memory_space<vmem>>, vector<16xf32>,
        %mul3A_1400 = arith.mulf %get3A_1399, %gather3A_1375 : vector<16xf32>
        %swap3A_1401 = arith.index_cast %scan3A_1370 : i32 to index
        %swap3A_1402 = arith.constant 48 : index
        %swap3A_1403 = tpu.vector_load %arg14[%swap3A_1401, %swap3A_1402] {strides = array<i32>} : memref<96x130xf32, #tpu.memory_space<vmem>>, vector<16xf32>,
        tpu.vector_store %arg14[%swap3A_1401, %swap3A_1402], %mul3A_1400 {strides = array<i32>} : memref<96x130xf32, #tpu.memory_space<vmem>>, vector<16xf32>,
        %broadcast_in_dim3A_1404 = arith.constant 96 : i32
        %broadcast_in_dim3A_1405 = vector.broadcast %broadcast_in_dim3A_1404 : i32 to vector<16xi32>
        %add3A_1406 = vector.broadcast %scan3A_1370 : i32 to vector<16xi32>
        %add3A_1407 = arith.addi %broadcast_in_dim3A_1405, %add3A_1406 : vector<16xi32>
        %gather3A_1408 = tpu.vector_load_idx %arg25[%add3A_1407] : memref<192xf32, #tpu.memory_space<vmem>>[vector<16xi32>], vector<16xf32>,
        %get3A_1409 = arith.index_cast %scan3A_1370 : i32 to index
        %get3A_1410 = arith.constant 64 : index
        %get3A_1411 = tpu.vector_load %arg14[%get3A_1409, %get3A_1410] {strides = array<i32>} : memref<96x130xf32, #tpu.memory_space<vmem>>, vector<16xf32>,
        %mul3A_1412 = arith.mulf %get3A_1411, %gather3A_1408 : vector<16xf32>
        %swap3A_1413 = arith.index_cast %scan3A_1370 : i32 to index
        %swap3A_1414 = arith.constant 64 : index
        %swap3A_1415 = tpu.vector_load %arg14[%swap3A_1413, %swap3A_1414] {strides = array<i32>} : memref<96x130xf32, #tpu.memory_space<vmem>>, vector<16xf32>,
        tpu.vector_store %arg14[%swap3A_1413, %swap3A_1414], %mul3A_1412 {strides = array<i32>} : memref<96x130xf32, #tpu.memory_space<vmem>>, vector<16xf32>,
        %get3A_1416 = arith.index_cast %scan3A_1370 : i32 to index
        %get3A_1417 = arith.constant 80 : index
        %get3A_1418 = tpu.vector_load %arg14[%get3A_1416, %get3A_1417] {strides = array<i32>} : memref<96x130xf32, #tpu.memory_space<vmem>>, vector<16xf32>,
        %mul3A_1419 = arith.mulf %get3A_1418, %gather3A_1408 : vector<16xf32>
        %swap3A_1420 = arith.index_cast %scan3A_1370 : i32 to index
        %swap3A_1421 = arith.constant 80 : index
        %swap3A_1422 = tpu.vector_load %arg14[%swap3A_1420, %swap3A_1421] {strides = array<i32>} : memref<96x130xf32, #tpu.memory_space<vmem>>, vector<16xf32>,
        tpu.vector_store %arg14[%swap3A_1420, %swap3A_1421], %mul3A_1419 {strides = array<i32>} : memref<96x130xf32, #tpu.memory_space<vmem>>, vector<16xf32>,
        %get3A_1423 = arith.index_cast %scan3A_1370 : i32 to index
        %get3A_1424 = arith.constant 96 : index
        %get3A_1425 = tpu.vector_load %arg14[%get3A_1423, %get3A_1424] {strides = array<i32>} : memref<96x130xf32, #tpu.memory_space<vmem>>, vector<16xf32>,
        %mul3A_1426 = arith.mulf %get3A_1425, %gather3A_1408 : vector<16xf32>
        %swap3A_1427 = arith.index_cast %scan3A_1370 : i32 to index
        %swap3A_1428 = arith.constant 96 : index
        %swap3A_1429 = tpu.vector_load %arg14[%swap3A_1427, %swap3A_1428] {strides = array<i32>} : memref<96x130xf32, #tpu.memory_space<vmem>>, vector<16xf32>,
        tpu.vector_store %arg14[%swap3A_1427, %swap3A_1428], %mul3A_1426 {strides = array<i32>} : memref<96x130xf32, #tpu.memory_space<vmem>>, vector<16xf32>,
        %get3A_1430 = arith.index_cast %scan3A_1370 : i32 to index
        %get3A_1431 = arith.constant 112 : index
        %get3A_1432 = tpu.vector_load %arg14[%get3A_1430, %get3A_1431] {strides = array<i32>} : memref<96x130xf32, #tpu.memory_space<vmem>>, vector<16xf32>,
        %mul3A_1433 = arith.mulf %get3A_1432, %gather3A_1408 : vector<16xf32>
        %swap3A_1434 = arith.index_cast %scan3A_1370 : i32 to index
        %swap3A_1435 = arith.constant 112 : index
        %swap3A_1436 = tpu.vector_load %arg14[%swap3A_1434, %swap3A_1435] {strides = array<i32>} : memref<96x130xf32, #tpu.memory_space<vmem>>, vector<16xf32>,
        tpu.vector_store %arg14[%swap3A_1434, %swap3A_1435], %mul3A_1433 {strides = array<i32>} : memref<96x130xf32, #tpu.memory_space<vmem>>, vector<16xf32>,
        %scan3A_1437 = arith.constant 1 : i32
        %scan3A_1438 = arith.addi %scan3A_1370, %scan3A_1437 : i32
        %broadcast_in_dim3A_1439 = arith.constant 0 : i32
        %broadcast_in_dim3A_1440 = vector.broadcast %broadcast_in_dim3A_1439 : i32 to vector<16xi32>
        %add3A_1441 = vector.broadcast %scan3A_1438 : i32 to vector<16xi32>
        %add3A_1442 = arith.addi %broadcast_in_dim3A_1440, %add3A_1441 : vector<16xi32>
        %gather3A_1443 = tpu.vector_load_idx %arg25[%add3A_1442] : memref<192xf32, #tpu.memory_space<vmem>>[vector<16xi32>], vector<16xf32>,
        %get3A_1444 = arith.index_cast %scan3A_1438 : i32 to index
        %get3A_1445 = arith.constant 0 : index
        %get3A_1446 = tpu.vector_load %arg14[%get3A_1444, %get3A_1445] {strides = array<i32>} : memref<96x130xf32, #tpu.memory_space<vmem>>, vector<16xf32>,
        %mul3A_1447 = arith.mulf %get3A_1446, %gather3A_1443 : vector<16xf32>
        %swap3A_1448 = arith.index_cast %scan3A_1438 : i32 to index
        %swap3A_1449 = arith.constant 0 : index
        %swap3A_1450 = tpu.vector_load %arg14[%swap3A_1448, %swap3A_1449] {strides = array<i32>} : memref<96x130xf32, #tpu.memory_space<vmem>>, vector<16xf32>,
        tpu.vector_store %arg14[%swap3A_1448, %swap3A_1449], %mul3A_1447 {strides = array<i32>} : memref<96x130xf32, #tpu.memory_space<vmem>>, vector<16xf32>,
        %get3A_1451 = arith.index_cast %scan3A_1438 : i32 to index
        %get3A_1452 = arith.constant 16 : index
        %get3A_1453 = tpu.vector_load %arg14[%get3A_1451, %get3A_1452] {strides = array<i32>} : memref<96x130xf32, #tpu.memory_space<vmem>>, vector<16xf32>,
        %mul3A_1454 = arith.mulf %get3A_1453, %gather3A_1443 : vector<16xf32>
        %swap3A_1455 = arith.index_cast %scan3A_1438 : i32 to index
        %swap3A_1456 = arith.constant 16 : index
        %swap3A_1457 = tpu.vector_load %arg14[%swap3A_1455, %swap3A_1456] {strides = array<i32>} : memref<96x130xf32, #tpu.memory_space<vmem>>, vector<16xf32>,
        tpu.vector_store %arg14[%swap3A_1455, %swap3A_1456], %mul3A_1454 {strides = array<i32>} : memref<96x130xf32, #tpu.memory_space<vmem>>, vector<16xf32>,
        %get3A_1458 = arith.index_cast %scan3A_1438 : i32 to index
        %get3A_1459 = arith.constant 32 : index
        %get3A_1460 = tpu.vector_load %arg14[%get3A_1458, %get3A_1459] {strides = array<i32>} : memref<96x130xf32, #tpu.memory_space<vmem>>, vector<16xf32>,
        %mul3A_1461 = arith.mulf %get3A_1460, %gather3A_1443 : vector<16xf32>
        %swap3A_1462 = arith.index_cast %scan3A_1438 : i32 to index
        %swap3A_1463 = arith.constant 32 : index
        %swap3A_1464 = tpu.vector_load %arg14[%swap3A_1462, %swap3A_1463] {strides = array<i32>} : memref<96x130xf32, #tpu.memory_space<vmem>>, vector<16xf32>,
        tpu.vector_store %arg14[%swap3A_1462, %swap3A_1463], %mul3A_1461 {strides = array<i32>} : memref<96x130xf32, #tpu.memory_space<vmem>>, vector<16xf32>,
        %get3A_1465 = arith.index_cast %scan3A_1438 : i32 to index
        %get3A_1466 = arith.constant 48 : index
        %get3A_1467 = tpu.vector_load %arg14[%get3A_1465, %get3A_1466] {strides = array<i32>} : memref<96x130xf32, #tpu.memory_space<vmem>>, vector<16xf32>,
        %mul3A_1468 = arith.mulf %get3A_1467, %gather3A_1443 : vector<16xf32>
        %swap3A_1469 = arith.index_cast %scan3A_1438 : i32 to index
        %swap3A_1470 = arith.constant 48 : index
        %swap3A_1471 = tpu.vector_load %arg14[%swap3A_1469, %swap3A_1470] {strides = array<i32>} : memref<96x130xf32, #tpu.memory_space<vmem>>, vector<16xf32>,
        tpu.vector_store %arg14[%swap3A_1469, %swap3A_1470], %mul3A_1468 {strides = array<i32>} : memref<96x130xf32, #tpu.memory_space<vmem>>, vector<16xf32>,
        %broadcast_in_dim3A_1472 = arith.constant 96 : i32
        %broadcast_in_dim3A_1473 = vector.broadcast %broadcast_in_dim3A_1472 : i32 to vector<16xi32>
        %add3A_1474 = vector.broadcast %scan3A_1438 : i32 to vector<16xi32>
        %add3A_1475 = arith.addi %broadcast_in_dim3A_1473, %add3A_1474 : vector<16xi32>
        %gather3A_1476 = tpu.vector_load_idx %arg25[%add3A_1475] : memref<192xf32, #tpu.memory_space<vmem>>[vector<16xi32>], vector<16xf32>,
        %get3A_1477 = arith.index_cast %scan3A_1438 : i32 to index
        %get3A_1478 = arith.constant 64 : index
        %get3A_1479 = tpu.vector_load %arg14[%get3A_1477, %get3A_1478] {strides = array<i32>} : memref<96x130xf32, #tpu.memory_space<vmem>>, vector<16xf32>,
        %mul3A_1480 = arith.mulf %get3A_1479, %gather3A_1476 : vector<16xf32>
        %swap3A_1481 = arith.index_cast %scan3A_1438 : i32 to index
        %swap3A_1482 = arith.constant 64 : index
        %swap3A_1483 = tpu.vector_load %arg14[%swap3A_1481, %swap3A_1482] {strides = array<i32>} : memref<96x130xf32, #tpu.memory_space<vmem>>, vector<16xf32>,
        tpu.vector_store %arg14[%swap3A_1481, %swap3A_1482], %mul3A_1480 {strides = array<i32>} : memref<96x130xf32, #tpu.memory_space<vmem>>, vector<16xf32>,
        %get3A_1484 = arith.index_cast %scan3A_1438 : i32 to index
        %get3A_1485 = arith.constant 80 : index
        %get3A_1486 = tpu.vector_load %arg14[%get3A_1484, %get3A_1485] {strides = array<i32>} : memref<96x130xf32, #tpu.memory_space<vmem>>, vector<16xf32>,
        %mul3A_1487 = arith.mulf %get3A_1486, %gather3A_1476 : vector<16xf32>
        %swap3A_1488 = arith.index_cast %scan3A_1438 : i32 to index
        %swap3A_1489 = arith.constant 80 : index
        %swap3A_1490 = tpu.vector_load %arg14[%swap3A_1488, %swap3A_1489] {strides = array<i32>} : memref<96x130xf32, #tpu.memory_space<vmem>>, vector<16xf32>,
        tpu.vector_store %arg14[%swap3A_1488, %swap3A_1489], %mul3A_1487 {strides = array<i32>} : memref<96x130xf32, #tpu.memory_space<vmem>>, vector<16xf32>,
        %get3A_1491 = arith.index_cast %scan3A_1438 : i32 to index
        %get3A_1492 = arith.constant 96 : index
        %get3A_1493 = tpu.vector_load %arg14[%get3A_1491, %get3A_1492] {strides = array<i32>} : memref<96x130xf32, #tpu.memory_space<vmem>>, vector<16xf32>,
        %mul3A_1494 = arith.mulf %get3A_1493, %gather3A_1476 : vector<16xf32>
        %swap3A_1495 = arith.index_cast %scan3A_1438 : i32 to index
        %swap3A_1496 = arith.constant 96 : index
        %swap3A_1497 = tpu.vector_load %arg14[%swap3A_1495, %swap3A_1496] {strides = array<i32>} : memref<96x130xf32, #tpu.memory_space<vmem>>, vector<16xf32>,
        tpu.vector_store %arg14[%swap3A_1495, %swap3A_1496], %mul3A_1494 {strides = array<i32>} : memref<96x130xf32, #tpu.memory_space<vmem>>, vector<16xf32>,
        %get3A_1498 = arith.index_cast %scan3A_1438 : i32 to index
        %get3A_1499 = arith.constant 112 : index
        %get3A_1500 = tpu.vector_load %arg14[%get3A_1498, %get3A_1499] {strides = array<i32>} : memref<96x130xf32, #tpu.memory_space<vmem>>, vector<16xf32>,
        %mul3A_1501 = arith.mulf %get3A_1500, %gather3A_1476 : vector<16xf32>
        %swap3A_1502 = arith.index_cast %scan3A_1438 : i32 to index
        %swap3A_1503 = arith.constant 112 : index
        %swap3A_1504 = tpu.vector_load %arg14[%swap3A_1502, %swap3A_1503] {strides = array<i32>} : memref<96x130xf32, #tpu.memory_space<vmem>>, vector<16xf32>,
        tpu.vector_store %arg14[%swap3A_1502, %swap3A_1503], %mul3A_1501 {strides = array<i32>} : memref<96x130xf32, #tpu.memory_space<vmem>>, vector<16xf32>,
      }
      %scan3A_939 = arith.constant 96 : i32
      %dma_start3A_940 = arith.constant 0 : i32
      %dma_start3A_941 = arith.constant 0 : i32
      %dma_start3A_942 = tpu.memref_slice %arg9[%dma_start3A_940, %dma_start3A_941] : memref<10112x130xf32, #tpu.memory_space<vmem_shared>> -> memref<10112x130xf32, #tpu.memory_space<vmem_shared>>
      tpu.enqueue_indirect_dma source(%arg14 : memref<96x130xf32, #tpu.memory_space<vmem>>) target(%dma_start3A_942 : memref<10112x130xf32, #tpu.memory_space<vmem_shared>>) offsets(%arg23 : memref<96xi32, #tpu.memory_space<vmem>>) semaphore(%arg30 : memref<!tpu.dma_semaphore, #tpu.memory_space<semaphore_mem>>) {add = true}
      %mul3A_943 = arith.constant 3 : i32
      %mul3A_944 = arith.muli %mul3A_943, %rem3A_60 : i32
      %add3A_945 = arith.constant 2 : i32
      %add3A_946 = arith.addi %mul3A_944, %add3A_945 : i32
      %mul3A_947 = arith.constant 96 : i32
      %mul3A_948 = arith.muli %add3A_946, %mul3A_947 : i32
      %add3A_949 = arith.constant 0 : i32
      %add3A_950 = arith.addi %mul3A_948, %add3A_949 : i32
      %get3A_951 = arith.index_cast %add3A_950 : i32 to index
      %get3A_952 = tpu.vector_load %arg12[%get3A_951] {strides = array<i32>} : memref<576xi32, #tpu.memory_space<vmem>>, vector<16xi32>,
      %swap3A_953 = arith.constant 0 : index
      %swap3A_954 = tpu.vector_load %arg24[%swap3A_953] {strides = array<i32>} : memref<96xi32, #tpu.memory_space<vmem>>, vector<16xi32>,
      tpu.vector_store %arg24[%swap3A_953], %get3A_952 {strides = array<i32>} : memref<96xi32, #tpu.memory_space<vmem>>, vector<16xi32>,
      %add3A_955 = arith.constant 16 : i32
      %add3A_956 = arith.addi %mul3A_948, %add3A_955 : i32
      %get3A_957 = arith.index_cast %add3A_956 : i32 to index
      %get3A_958 = tpu.vector_load %arg12[%get3A_957] {strides = array<i32>} : memref<576xi32, #tpu.memory_space<vmem>>, vector<16xi32>,
      %swap3A_959 = arith.constant 16 : index
      %swap3A_960 = tpu.vector_load %arg24[%swap3A_959] {strides = array<i32>} : memref<96xi32, #tpu.memory_space<vmem>>, vector<16xi32>,
      tpu.vector_store %arg24[%swap3A_959], %get3A_958 {strides = array<i32>} : memref<96xi32, #tpu.memory_space<vmem>>, vector<16xi32>,
      %add3A_961 = arith.constant 32 : i32
      %add3A_962 = arith.addi %mul3A_948, %add3A_961 : i32
      %get3A_963 = arith.index_cast %add3A_962 : i32 to index
      %get3A_964 = tpu.vector_load %arg12[%get3A_963] {strides = array<i32>} : memref<576xi32, #tpu.memory_space<vmem>>, vector<16xi32>,
      %swap3A_965 = arith.constant 32 : index
      %swap3A_966 = tpu.vector_load %arg24[%swap3A_965] {strides = array<i32>} : memref<96xi32, #tpu.memory_space<vmem>>, vector<16xi32>,
      tpu.vector_store %arg24[%swap3A_965], %get3A_964 {strides = array<i32>} : memref<96xi32, #tpu.memory_space<vmem>>, vector<16xi32>,
      %add3A_967 = arith.constant 48 : i32
      %add3A_968 = arith.addi %mul3A_948, %add3A_967 : i32
      %get3A_969 = arith.index_cast %add3A_968 : i32 to index
      %get3A_970 = tpu.vector_load %arg12[%get3A_969] {strides = array<i32>} : memref<576xi32, #tpu.memory_space<vmem>>, vector<16xi32>,
      %swap3A_971 = arith.constant 48 : index
      %swap3A_972 = tpu.vector_load %arg24[%swap3A_971] {strides = array<i32>} : memref<96xi32, #tpu.memory_space<vmem>>, vector<16xi32>,
      tpu.vector_store %arg24[%swap3A_971], %get3A_970 {strides = array<i32>} : memref<96xi32, #tpu.memory_space<vmem>>, vector<16xi32>,
      %add3A_973 = arith.constant 64 : i32
      %add3A_974 = arith.addi %mul3A_948, %add3A_973 : i32
      %get3A_975 = arith.index_cast %add3A_974 : i32 to index
      %get3A_976 = tpu.vector_load %arg12[%get3A_975] {strides = array<i32>} : memref<576xi32, #tpu.memory_space<vmem>>, vector<16xi32>,
      %swap3A_977 = arith.constant 64 : index
      %swap3A_978 = tpu.vector_load %arg24[%swap3A_977] {strides = array<i32>} : memref<96xi32, #tpu.memory_space<vmem>>, vector<16xi32>,
      tpu.vector_store %arg24[%swap3A_977], %get3A_976 {strides = array<i32>} : memref<96xi32, #tpu.memory_space<vmem>>, vector<16xi32>,
      %add3A_979 = arith.constant 80 : i32
      %add3A_980 = arith.addi %mul3A_948, %add3A_979 : i32
      %get3A_981 = arith.index_cast %add3A_980 : i32 to index
      %get3A_982 = tpu.vector_load %arg12[%get3A_981] {strides = array<i32>} : memref<576xi32, #tpu.memory_space<vmem>>, vector<16xi32>,
      %swap3A_983 = arith.constant 80 : index
      %swap3A_984 = tpu.vector_load %arg24[%swap3A_983] {strides = array<i32>} : memref<96xi32, #tpu.memory_space<vmem>>, vector<16xi32>,
      tpu.vector_store %arg24[%swap3A_983], %get3A_982 {strides = array<i32>} : memref<96xi32, #tpu.memory_space<vmem>>, vector<16xi32>,
      %dma_wait3A_985 = arith.constant 0 : i32
      %dma_wait3A_986 = tpu.memref_slice %arg11[%dma_wait3A_985] : memref<576xi32, #tpu.memory_space<vmem>> -> memref<96xi32, #tpu.memory_space<vmem>>
      %dma_wait3A_987 = arith.constant 0 : i32
      %dma_wait3A_988 = arith.constant 0 : i32
      %dma_wait3A_989 = tpu.memref_slice %arg2[%dma_wait3A_987, %dma_wait3A_988] : memref<20000x130xf32, #tpu.memory_space<hbm>> -> memref<20000x130xf32, #tpu.memory_space<hbm>>
      tpu.wait_indirect_dma semaphore(%arg28 : memref<!tpu.dma_semaphore, #tpu.memory_space<semaphore_mem>>) src(%dma_wait3A_989 : memref<20000x130xf32, #tpu.memory_space<hbm>>) dst(%arg15 : memref<96x130xf32, #tpu.memory_space<vmem>>)
      %dma_wait3A_990 = arith.constant 0 : i32
      %dma_wait3A_991 = tpu.memref_slice %arg11[%dma_wait3A_990] : memref<576xi32, #tpu.memory_space<vmem>> -> memref<96xi32, #tpu.memory_space<vmem>>
      %dma_wait3A_992 = arith.constant 0 : i32
      %dma_wait3A_993 = arith.constant 0 : i32
      %dma_wait3A_994 = tpu.memref_slice %arg5[%dma_wait3A_992, %dma_wait3A_993] : memref<20000x8xf32, #tpu.memory_space<hbm>> -> memref<20000x8xf32, #tpu.memory_space<hbm>>
      tpu.wait_indirect_dma semaphore(%arg28 : memref<!tpu.dma_semaphore, #tpu.memory_space<semaphore_mem>>) src(%dma_wait3A_994 : memref<20000x8xf32, #tpu.memory_space<hbm>>) dst(%arg18 : memref<96x8xf32, #tpu.memory_space<vmem>>)
      %dma_wait3A_995 = arith.constant 0 : i32
      %dma_wait3A_996 = tpu.memref_slice %arg12[%dma_wait3A_995] : memref<576xi32, #tpu.memory_space<vmem>> -> memref<96xi32, #tpu.memory_space<vmem>>
      %dma_wait3A_997 = arith.constant 0 : i32
      %dma_wait3A_998 = arith.constant 0 : i32
      %dma_wait3A_999 = tpu.memref_slice %arg5[%dma_wait3A_997, %dma_wait3A_998] : memref<20000x8xf32, #tpu.memory_space<hbm>> -> memref<20000x8xf32, #tpu.memory_space<hbm>>
      tpu.wait_indirect_dma semaphore(%arg28 : memref<!tpu.dma_semaphore, #tpu.memory_space<semaphore_mem>>) src(%dma_wait3A_999 : memref<20000x8xf32, #tpu.memory_space<hbm>>) dst(%arg21 : memref<96x8xf32, #tpu.memory_space<vmem>>)
      %dma_wait3A_1000 = arith.constant 0 : i32
      %dma_wait3A_1001 = arith.constant 0 : i32
      %dma_wait3A_1002 = tpu.memref_slice %arg9[%dma_wait3A_1000, %dma_wait3A_1001] : memref<10112x130xf32, #tpu.memory_space<vmem_shared>> -> memref<10112x130xf32, #tpu.memory_space<vmem_shared>>
      tpu.wait_indirect_dma semaphore(%arg29 : memref<!tpu.dma_semaphore, #tpu.memory_space<semaphore_mem>>) src(%arg13 : memref<96x130xf32, #tpu.memory_space<vmem>>) dst(%dma_wait3A_1002 : memref<10112x130xf32, #tpu.memory_space<vmem_shared>>)
      %lt3A = arith.constant 69 : i32
      %lt3A_1003 = arith.cmpi slt, %scan3A_59, %lt3A : i32
      %convert_element_type3A_1004 = arith.extui %lt3A_1003 : i1 to i32
      %cond3A_1005 = arith.constant 0 : i32
      %cond3A_1006 = arith.cmpi ne, %convert_element_type3A_1004, %cond3A_1005 : i32
      scf.if %cond3A_1006 {
        %eq3A = arith.constant 1 : i32
        %eq3A_1370 = arith.cmpi eq, %rem3A_60, %eq3A : i32
        %convert_element_type3A_1371 = arith.extui %eq3A_1370 : i1 to i32
        %cond3A_1372 = arith.constant 0 : i32
        %cond3A_1373 = arith.cmpi ne, %convert_element_type3A_1371, %cond3A_1372 : i32
        scf.if %cond3A_1373 {
          %add3A_1394 = arith.constant 1 : i32
          %add3A_1395 = arith.addi %scan3A_59, %add3A_1394 : i32
          %jit3A = arith.constant 2 : i32
          %div3A = arith.divsi %add3A_1395, %jit3A : i32
          %sign3A = arith.constant 0 : i32
          %sign3A_1396 = arith.cmpi sgt, %add3A_1395, %sign3A : i32
          %sign3A_1397 = arith.extui %sign3A_1396 : i1 to i32
          %sign3A_1398 = arith.constant 0 : i32
          %sign3A_1399 = arith.cmpi slt, %add3A_1395, %sign3A_1398 : i32
          %sign3A_1400 = arith.extui %sign3A_1399 : i1 to i32
          %sign3A_1401 = arith.subi %sign3A_1397, %sign3A_1400 : i32
          %sign3A_1402 = arith.constant 0 : i32
          %sign3A_1403 = arith.cmpi sgt, %jit3A, %sign3A_1402 : i32
          %sign3A_1404 = arith.extui %sign3A_1403 : i1 to i32
          %sign3A_1405 = arith.constant 0 : i32
          %sign3A_1406 = arith.cmpi slt, %jit3A, %sign3A_1405 : i32
          %sign3A_1407 = arith.extui %sign3A_1406 : i1 to i32
          %sign3A_1408 = arith.subi %sign3A_1404, %sign3A_1407 : i32
          %ne3A = arith.cmpi ne, %sign3A_1401, %sign3A_1408 : i32
          %rem3A_1409 = arith.remsi %add3A_1395, %jit3A : i32
          %ne3A_1410 = arith.constant 0 : i32
          %ne3A_1411 = arith.cmpi ne, %rem3A_1409, %ne3A_1410 : i32
          %and3A = arith.andi %ne3A, %ne3A_1411 : i1
          %sub3A_1412 = arith.constant 1 : i32
          %sub3A_1413 = arith.subi %div3A, %sub3A_1412 : i32
          %select_n3A_1414 = arith.select %and3A, %sub3A_1413, %div3A : i32
          %mul3A_1415 = arith.constant 322560 : i32
          %mul3A_1416 = arith.muli %arg0, %mul3A_1415 : i32
          %add3A_1417 = arith.addi %mul3A_1416, %mul3A_0 : i32
          %mul3A_1418 = arith.constant 576 : i32
          %mul3A_1419 = arith.muli %select_n3A_1414, %mul3A_1418 : i32
          %add3A_1420 = arith.addi %add3A_1417, %mul3A_1419 : i32
          "tpu.region"() ({
            %run_scoped3A = tpu.sem_alloc : memref<!tpu.dma_semaphore, #tpu.memory_space<semaphore_mem>>
            %dma_start3A_1424 = tpu.memref_slice %arg3[%add3A_1420] : memref<645120xi32, #tpu.memory_space<hbm>> -> memref<576xi32, #tpu.memory_space<hbm>>
            %dma_start3A_1425 = tpu.memref_slice %arg3[%add3A_1420] : memref<645120xi32, #tpu.memory_space<hbm>> -> memref<576xi32, #tpu.memory_space<hbm>>
            tpu.enqueue_dma source(%dma_start3A_1425 : memref<576xi32, #tpu.memory_space<hbm>>) target(%arg11 : memref<576xi32, #tpu.memory_space<vmem>>) target_semaphore(%run_scoped3A : memref<!tpu.dma_semaphore, #tpu.memory_space<semaphore_mem>>)
            %dma_wait3A_1426 = tpu.memref_slice %arg3[%add3A_1420] : memref<645120xi32, #tpu.memory_space<hbm>> -> memref<576xi32, #tpu.memory_space<hbm>>
            %dma_wait3A_1427 = tpu.memref_slice %arg3[%add3A_1420] : memref<645120xi32, #tpu.memory_space<hbm>> -> memref<576xi32, #tpu.memory_space<hbm>>
            tpu.wait_dma2 semaphore(%run_scoped3A : memref<!tpu.dma_semaphore, #tpu.memory_space<semaphore_mem>>) src(%dma_wait3A_1427 : memref<576xi32, #tpu.memory_space<hbm>>) dst(%arg11 : memref<576xi32, #tpu.memory_space<vmem>>)
            tpu.yield
          }) : () -> ()
          %mul3A_1421 = arith.constant 576 : i32
          %mul3A_1422 = arith.muli %select_n3A_1414, %mul3A_1421 : i32
          %add3A_1423 = arith.addi %mul3A_0, %mul3A_1422 : i32
          "tpu.region"() ({
            %run_scoped3A = tpu.sem_alloc : memref<!tpu.dma_semaphore, #tpu.memory_space<semaphore_mem>>
            %dma_start3A_1424 = tpu.memref_slice %arg4[%add3A_1423] : memref<322560xi32, #tpu.memory_space<hbm>> -> memref<576xi32, #tpu.memory_space<hbm>>
            %dma_start3A_1425 = tpu.memref_slice %arg4[%add3A_1423] : memref<322560xi32, #tpu.memory_space<hbm>> -> memref<576xi32, #tpu.memory_space<hbm>>
            tpu.enqueue_dma source(%dma_start3A_1425 : memref<576xi32, #tpu.memory_space<hbm>>) target(%arg12 : memref<576xi32, #tpu.memory_space<vmem>>) target_semaphore(%run_scoped3A : memref<!tpu.dma_semaphore, #tpu.memory_space<semaphore_mem>>)
            %dma_wait3A_1426 = tpu.memref_slice %arg4[%add3A_1423] : memref<322560xi32, #tpu.memory_space<hbm>> -> memref<576xi32, #tpu.memory_space<hbm>>
            %dma_wait3A_1427 = tpu.memref_slice %arg4[%add3A_1423] : memref<322560xi32, #tpu.memory_space<hbm>> -> memref<576xi32, #tpu.memory_space<hbm>>
            tpu.wait_dma2 semaphore(%run_scoped3A : memref<!tpu.dma_semaphore, #tpu.memory_space<semaphore_mem>>) src(%dma_wait3A_1427 : memref<576xi32, #tpu.memory_space<hbm>>) dst(%arg12 : memref<576xi32, #tpu.memory_space<vmem>>)
            tpu.yield
          }) : () -> ()
        } else {
        }
        %add3A_1374 = arith.constant 1 : i32
        %add3A_1375 = arith.addi %scan3A_59, %add3A_1374 : i32
        %rem3A_1376 = arith.constant 2 : i32
        %rem3A_1377 = arith.remsi %add3A_1375, %rem3A_1376 : i32
        %mul3A_1378 = arith.constant 3 : i32
        %mul3A_1379 = arith.muli %mul3A_1378, %rem3A_1377 : i32
        %mul3A_1380 = arith.constant 96 : i32
        %mul3A_1381 = arith.muli %mul3A_1379, %mul3A_1380 : i32
        %dma_start3A_1382 = tpu.memref_slice %arg11[%mul3A_1381] : memref<576xi32, #tpu.memory_space<vmem>> -> memref<96xi32, #tpu.memory_space<vmem>>
        %dma_start3A_1383 = arith.constant 0 : i32
        %dma_start3A_1384 = arith.constant 0 : i32
        %dma_start3A_1385 = tpu.memref_slice %arg2[%dma_start3A_1383, %dma_start3A_1384] : memref<20000x130xf32, #tpu.memory_space<hbm>> -> memref<20000x130xf32, #tpu.memory_space<hbm>>
        tpu.enqueue_indirect_dma source(%dma_start3A_1385 : memref<20000x130xf32, #tpu.memory_space<hbm>>) target(%arg13 : memref<96x130xf32, #tpu.memory_space<vmem>>) offsets(%dma_start3A_1382 : memref<96xi32, #tpu.memory_space<vmem>>) semaphore(%arg26 : memref<!tpu.dma_semaphore, #tpu.memory_space<semaphore_mem>>)
        %dma_start3A_1386 = tpu.memref_slice %arg11[%mul3A_1381] : memref<576xi32, #tpu.memory_space<vmem>> -> memref<96xi32, #tpu.memory_space<vmem>>
        %dma_start3A_1387 = arith.constant 0 : i32
        %dma_start3A_1388 = arith.constant 0 : i32
        %dma_start3A_1389 = tpu.memref_slice %arg5[%dma_start3A_1387, %dma_start3A_1388] : memref<20000x8xf32, #tpu.memory_space<hbm>> -> memref<20000x8xf32, #tpu.memory_space<hbm>>
        tpu.enqueue_indirect_dma source(%dma_start3A_1389 : memref<20000x8xf32, #tpu.memory_space<hbm>>) target(%arg16 : memref<96x8xf32, #tpu.memory_space<vmem>>) offsets(%dma_start3A_1386 : memref<96xi32, #tpu.memory_space<vmem>>) semaphore(%arg26 : memref<!tpu.dma_semaphore, #tpu.memory_space<semaphore_mem>>)
        %dma_start3A_1390 = tpu.memref_slice %arg12[%mul3A_1381] : memref<576xi32, #tpu.memory_space<vmem>> -> memref<96xi32, #tpu.memory_space<vmem>>
        %dma_start3A_1391 = arith.constant 0 : i32
        %dma_start3A_1392 = arith.constant 0 : i32
        %dma_start3A_1393 = tpu.memref_slice %arg5[%dma_start3A_1391, %dma_start3A_1392] : memref<20000x8xf32, #tpu.memory_space<hbm>> -> memref<20000x8xf32, #tpu.memory_space<hbm>>
        tpu.enqueue_indirect_dma source(%dma_start3A_1393 : memref<20000x8xf32, #tpu.memory_space<hbm>>) target(%arg19 : memref<96x8xf32, #tpu.memory_space<vmem>>) offsets(%dma_start3A_1390 : memref<96xi32, #tpu.memory_space<vmem>>) semaphore(%arg26 : memref<!tpu.dma_semaphore, #tpu.memory_space<semaphore_mem>>)
      } else {
      }
      %add3A_1007 = arith.constant 0 : i32
      %add3A_1008 = vector.broadcast %add3A_1007 : i32 to vector<16xi32>
      %add3A_1009 = arith.addi %iota3A, %add3A_1008 : vector<16xi32>
      %mul3A_1010 = arith.constant 2 : i32
      %mul3A_1011 = arith.muli %mul3A_1010, %arg0 : i32
      %add3A_1012 = arith.constant 0 : i32
      %add3A_1013 = arith.addi %mul3A_1011, %add3A_1012 : i32
      %mul3A_1014 = arith.constant 2 : i32
      %mul3A_1015 = arith.muli %mul3A_1014, %arg0 : i32
      %add3A_1016 = arith.constant 4 : i32
      %add3A_1017 = arith.addi %add3A_1016, %mul3A_1015 : i32
      %add3A_1018 = arith.constant 0 : i32
      %add3A_1019 = arith.addi %add3A_1017, %add3A_1018 : i32
      %broadcast_in_dim3A_1020 = vector.broadcast %add3A_1013 : i32 to vector<16xi32>
      %gather3A_1021 = tpu.vector_load_idx %arg18[%add3A_1009, %broadcast_in_dim3A_1020] : memref<96x8xf32, #tpu.memory_space<vmem>>[vector<16xi32>, vector<16xi32>], vector<16xf32>,
      %broadcast_in_dim3A_1022 = vector.broadcast %add3A_1019 : i32 to vector<16xi32>
      %gather3A_1023 = tpu.vector_load_idx %arg21[%add3A_1009, %broadcast_in_dim3A_1022] : memref<96x8xf32, #tpu.memory_space<vmem>>[vector<16xi32>, vector<16xi32>], vector<16xf32>,
      %add3A_1024 = arith.addf %gather3A_1021, %gather3A_1023 : vector<16xf32>
      %ge3A_1025 = arith.constant 0.000000e+00 : f32
      %ge3A_1026 = vector.broadcast %ge3A_1025 : f32 to vector<16xf32>
      %ge3A_1027 = arith.cmpf oge, %add3A_1024, %ge3A_1026 : vector<16xf32>
      %mul3A_1028 = arith.constant 2.000000e-01 : f32
      %mul3A_1029 = vector.broadcast %mul3A_1028 : f32 to vector<16xf32>
      %mul3A_1030 = arith.mulf %mul3A_1029, %add3A_1024 : vector<16xf32>
      %select_n3A_1031 = arith.select %ge3A_1027, %add3A_1024, %mul3A_1030 : vector<16xi1>, vector<16xf32>
      %sub3A_1032 = arith.subf %select_n3A_1031, %gather3A : vector<16xf32>
      %exp3A_1033 = math.exp %sub3A_1032 : vector<16xf32>
      %swap3A_1034 = arith.constant 0 : index
      %swap3A_1035 = tpu.vector_load %arg25[%swap3A_1034] {strides = array<i32>} : memref<192xf32, #tpu.memory_space<vmem>>, vector<16xf32>,
      tpu.vector_store %arg25[%swap3A_1034], %exp3A_1033 {strides = array<i32>} : memref<192xf32, #tpu.memory_space<vmem>>, vector<16xf32>,
      %broadcast_in_dim3A_1036 = arith.constant 128 : i32
      %broadcast_in_dim3A_1037 = vector.broadcast %broadcast_in_dim3A_1036 : i32 to vector<16xi32>
      tpu.vector_store_idx %arg15[%add3A_1009, %broadcast_in_dim3A_1037], %exp3A_1033 : memref<96x130xf32, #tpu.memory_space<vmem>>[vector<16xi32>, vector<16xi32>], vector<16xf32>,
      %mul3A_1038 = arith.constant 2 : i32
      %mul3A_1039 = arith.muli %mul3A_1038, %arg0 : i32
      %add3A_1040 = arith.constant 1 : i32
      %add3A_1041 = arith.addi %mul3A_1039, %add3A_1040 : i32
      %mul3A_1042 = arith.constant 2 : i32
      %mul3A_1043 = arith.muli %mul3A_1042, %arg0 : i32
      %add3A_1044 = arith.constant 4 : i32
      %add3A_1045 = arith.addi %add3A_1044, %mul3A_1043 : i32
      %add3A_1046 = arith.constant 1 : i32
      %add3A_1047 = arith.addi %add3A_1045, %add3A_1046 : i32
      %broadcast_in_dim3A_1048 = vector.broadcast %add3A_1041 : i32 to vector<16xi32>
      %gather3A_1049 = tpu.vector_load_idx %arg18[%add3A_1009, %broadcast_in_dim3A_1048] : memref<96x8xf32, #tpu.memory_space<vmem>>[vector<16xi32>, vector<16xi32>], vector<16xf32>,
      %broadcast_in_dim3A_1050 = vector.broadcast %add3A_1047 : i32 to vector<16xi32>
      %gather3A_1051 = tpu.vector_load_idx %arg21[%add3A_1009, %broadcast_in_dim3A_1050] : memref<96x8xf32, #tpu.memory_space<vmem>>[vector<16xi32>, vector<16xi32>], vector<16xf32>,
      %add3A_1052 = arith.addf %gather3A_1049, %gather3A_1051 : vector<16xf32>
      %ge3A_1053 = arith.constant 0.000000e+00 : f32
      %ge3A_1054 = vector.broadcast %ge3A_1053 : f32 to vector<16xf32>
      %ge3A_1055 = arith.cmpf oge, %add3A_1052, %ge3A_1054 : vector<16xf32>
      %mul3A_1056 = arith.constant 2.000000e-01 : f32
      %mul3A_1057 = vector.broadcast %mul3A_1056 : f32 to vector<16xf32>
      %mul3A_1058 = arith.mulf %mul3A_1057, %add3A_1052 : vector<16xf32>
      %select_n3A_1059 = arith.select %ge3A_1055, %add3A_1052, %mul3A_1058 : vector<16xi1>, vector<16xf32>
      %sub3A_1060 = arith.subf %select_n3A_1059, %gather3A_19 : vector<16xf32>
      %exp3A_1061 = math.exp %sub3A_1060 : vector<16xf32>
      %swap3A_1062 = arith.constant 96 : index
      %swap3A_1063 = tpu.vector_load %arg25[%swap3A_1062] {strides = array<i32>} : memref<192xf32, #tpu.memory_space<vmem>>, vector<16xf32>,
      tpu.vector_store %arg25[%swap3A_1062], %exp3A_1061 {strides = array<i32>} : memref<192xf32, #tpu.memory_space<vmem>>, vector<16xf32>,
      %broadcast_in_dim3A_1064 = arith.constant 129 : i32
      %broadcast_in_dim3A_1065 = vector.broadcast %broadcast_in_dim3A_1064 : i32 to vector<16xi32>
      tpu.vector_store_idx %arg15[%add3A_1009, %broadcast_in_dim3A_1065], %exp3A_1061 : memref<96x130xf32, #tpu.memory_space<vmem>>[vector<16xi32>, vector<16xi32>], vector<16xf32>,
      %add3A_1066 = arith.constant 16 : i32
      %add3A_1067 = vector.broadcast %add3A_1066 : i32 to vector<16xi32>
      %add3A_1068 = arith.addi %iota3A, %add3A_1067 : vector<16xi32>
      %mul3A_1069 = arith.constant 2 : i32
      %mul3A_1070 = arith.muli %mul3A_1069, %arg0 : i32
      %add3A_1071 = arith.constant 0 : i32
      %add3A_1072 = arith.addi %mul3A_1070, %add3A_1071 : i32
      %mul3A_1073 = arith.constant 2 : i32
      %mul3A_1074 = arith.muli %mul3A_1073, %arg0 : i32
      %add3A_1075 = arith.constant 4 : i32
      %add3A_1076 = arith.addi %add3A_1075, %mul3A_1074 : i32
      %add3A_1077 = arith.constant 0 : i32
      %add3A_1078 = arith.addi %add3A_1076, %add3A_1077 : i32
      %broadcast_in_dim3A_1079 = vector.broadcast %add3A_1072 : i32 to vector<16xi32>
      %gather3A_1080 = tpu.vector_load_idx %arg18[%add3A_1068, %broadcast_in_dim3A_1079] : memref<96x8xf32, #tpu.memory_space<vmem>>[vector<16xi32>, vector<16xi32>], vector<16xf32>,
      %broadcast_in_dim3A_1081 = vector.broadcast %add3A_1078 : i32 to vector<16xi32>
      %gather3A_1082 = tpu.vector_load_idx %arg21[%add3A_1068, %broadcast_in_dim3A_1081] : memref<96x8xf32, #tpu.memory_space<vmem>>[vector<16xi32>, vector<16xi32>], vector<16xf32>,
      %add3A_1083 = arith.addf %gather3A_1080, %gather3A_1082 : vector<16xf32>
      %ge3A_1084 = arith.constant 0.000000e+00 : f32
      %ge3A_1085 = vector.broadcast %ge3A_1084 : f32 to vector<16xf32>
      %ge3A_1086 = arith.cmpf oge, %add3A_1083, %ge3A_1085 : vector<16xf32>
      %mul3A_1087 = arith.constant 2.000000e-01 : f32
      %mul3A_1088 = vector.broadcast %mul3A_1087 : f32 to vector<16xf32>
      %mul3A_1089 = arith.mulf %mul3A_1088, %add3A_1083 : vector<16xf32>
      %select_n3A_1090 = arith.select %ge3A_1086, %add3A_1083, %mul3A_1089 : vector<16xi1>, vector<16xf32>
      %sub3A_1091 = arith.subf %select_n3A_1090, %gather3A : vector<16xf32>
      %exp3A_1092 = math.exp %sub3A_1091 : vector<16xf32>
      %swap3A_1093 = arith.constant 16 : index
      %swap3A_1094 = tpu.vector_load %arg25[%swap3A_1093] {strides = array<i32>} : memref<192xf32, #tpu.memory_space<vmem>>, vector<16xf32>,
      tpu.vector_store %arg25[%swap3A_1093], %exp3A_1092 {strides = array<i32>} : memref<192xf32, #tpu.memory_space<vmem>>, vector<16xf32>,
      %broadcast_in_dim3A_1095 = arith.constant 128 : i32
      %broadcast_in_dim3A_1096 = vector.broadcast %broadcast_in_dim3A_1095 : i32 to vector<16xi32>
      tpu.vector_store_idx %arg15[%add3A_1068, %broadcast_in_dim3A_1096], %exp3A_1092 : memref<96x130xf32, #tpu.memory_space<vmem>>[vector<16xi32>, vector<16xi32>], vector<16xf32>,
      %mul3A_1097 = arith.constant 2 : i32
      %mul3A_1098 = arith.muli %mul3A_1097, %arg0 : i32
      %add3A_1099 = arith.constant 1 : i32
      %add3A_1100 = arith.addi %mul3A_1098, %add3A_1099 : i32
      %mul3A_1101 = arith.constant 2 : i32
      %mul3A_1102 = arith.muli %mul3A_1101, %arg0 : i32
      %add3A_1103 = arith.constant 4 : i32
      %add3A_1104 = arith.addi %add3A_1103, %mul3A_1102 : i32
      %add3A_1105 = arith.constant 1 : i32
      %add3A_1106 = arith.addi %add3A_1104, %add3A_1105 : i32
      %broadcast_in_dim3A_1107 = vector.broadcast %add3A_1100 : i32 to vector<16xi32>
      %gather3A_1108 = tpu.vector_load_idx %arg18[%add3A_1068, %broadcast_in_dim3A_1107] : memref<96x8xf32, #tpu.memory_space<vmem>>[vector<16xi32>, vector<16xi32>], vector<16xf32>,
      %broadcast_in_dim3A_1109 = vector.broadcast %add3A_1106 : i32 to vector<16xi32>
      %gather3A_1110 = tpu.vector_load_idx %arg21[%add3A_1068, %broadcast_in_dim3A_1109] : memref<96x8xf32, #tpu.memory_space<vmem>>[vector<16xi32>, vector<16xi32>], vector<16xf32>,
      %add3A_1111 = arith.addf %gather3A_1108, %gather3A_1110 : vector<16xf32>
      %ge3A_1112 = arith.constant 0.000000e+00 : f32
      %ge3A_1113 = vector.broadcast %ge3A_1112 : f32 to vector<16xf32>
      %ge3A_1114 = arith.cmpf oge, %add3A_1111, %ge3A_1113 : vector<16xf32>
      %mul3A_1115 = arith.constant 2.000000e-01 : f32
      %mul3A_1116 = vector.broadcast %mul3A_1115 : f32 to vector<16xf32>
      %mul3A_1117 = arith.mulf %mul3A_1116, %add3A_1111 : vector<16xf32>
      %select_n3A_1118 = arith.select %ge3A_1114, %add3A_1111, %mul3A_1117 : vector<16xi1>, vector<16xf32>
      %sub3A_1119 = arith.subf %select_n3A_1118, %gather3A_19 : vector<16xf32>
      %exp3A_1120 = math.exp %sub3A_1119 : vector<16xf32>
      %swap3A_1121 = arith.constant 112 : index
      %swap3A_1122 = tpu.vector_load %arg25[%swap3A_1121] {strides = array<i32>} : memref<192xf32, #tpu.memory_space<vmem>>, vector<16xf32>,
      tpu.vector_store %arg25[%swap3A_1121], %exp3A_1120 {strides = array<i32>} : memref<192xf32, #tpu.memory_space<vmem>>, vector<16xf32>,
      %broadcast_in_dim3A_1123 = arith.constant 129 : i32
      %broadcast_in_dim3A_1124 = vector.broadcast %broadcast_in_dim3A_1123 : i32 to vector<16xi32>
      tpu.vector_store_idx %arg15[%add3A_1068, %broadcast_in_dim3A_1124], %exp3A_1120 : memref<96x130xf32, #tpu.memory_space<vmem>>[vector<16xi32>, vector<16xi32>], vector<16xf32>,
      %add3A_1125 = arith.constant 32 : i32
      %add3A_1126 = vector.broadcast %add3A_1125 : i32 to vector<16xi32>
      %add3A_1127 = arith.addi %iota3A, %add3A_1126 : vector<16xi32>
      %mul3A_1128 = arith.constant 2 : i32
      %mul3A_1129 = arith.muli %mul3A_1128, %arg0 : i32
      %add3A_1130 = arith.constant 0 : i32
      %add3A_1131 = arith.addi %mul3A_1129, %add3A_1130 : i32
      %mul3A_1132 = arith.constant 2 : i32
      %mul3A_1133 = arith.muli %mul3A_1132, %arg0 : i32
      %add3A_1134 = arith.constant 4 : i32
      %add3A_1135 = arith.addi %add3A_1134, %mul3A_1133 : i32
      %add3A_1136 = arith.constant 0 : i32
      %add3A_1137 = arith.addi %add3A_1135, %add3A_1136 : i32
      %broadcast_in_dim3A_1138 = vector.broadcast %add3A_1131 : i32 to vector<16xi32>
      %gather3A_1139 = tpu.vector_load_idx %arg18[%add3A_1127, %broadcast_in_dim3A_1138] : memref<96x8xf32, #tpu.memory_space<vmem>>[vector<16xi32>, vector<16xi32>], vector<16xf32>,
      %broadcast_in_dim3A_1140 = vector.broadcast %add3A_1137 : i32 to vector<16xi32>
      %gather3A_1141 = tpu.vector_load_idx %arg21[%add3A_1127, %broadcast_in_dim3A_1140] : memref<96x8xf32, #tpu.memory_space<vmem>>[vector<16xi32>, vector<16xi32>], vector<16xf32>,
      %add3A_1142 = arith.addf %gather3A_1139, %gather3A_1141 : vector<16xf32>
      %ge3A_1143 = arith.constant 0.000000e+00 : f32
      %ge3A_1144 = vector.broadcast %ge3A_1143 : f32 to vector<16xf32>
      %ge3A_1145 = arith.cmpf oge, %add3A_1142, %ge3A_1144 : vector<16xf32>
      %mul3A_1146 = arith.constant 2.000000e-01 : f32
      %mul3A_1147 = vector.broadcast %mul3A_1146 : f32 to vector<16xf32>
      %mul3A_1148 = arith.mulf %mul3A_1147, %add3A_1142 : vector<16xf32>
      %select_n3A_1149 = arith.select %ge3A_1145, %add3A_1142, %mul3A_1148 : vector<16xi1>, vector<16xf32>
      %sub3A_1150 = arith.subf %select_n3A_1149, %gather3A : vector<16xf32>
      %exp3A_1151 = math.exp %sub3A_1150 : vector<16xf32>
      %swap3A_1152 = arith.constant 32 : index
      %swap3A_1153 = tpu.vector_load %arg25[%swap3A_1152] {strides = array<i32>} : memref<192xf32, #tpu.memory_space<vmem>>, vector<16xf32>,
      tpu.vector_store %arg25[%swap3A_1152], %exp3A_1151 {strides = array<i32>} : memref<192xf32, #tpu.memory_space<vmem>>, vector<16xf32>,
      %broadcast_in_dim3A_1154 = arith.constant 128 : i32
      %broadcast_in_dim3A_1155 = vector.broadcast %broadcast_in_dim3A_1154 : i32 to vector<16xi32>
      tpu.vector_store_idx %arg15[%add3A_1127, %broadcast_in_dim3A_1155], %exp3A_1151 : memref<96x130xf32, #tpu.memory_space<vmem>>[vector<16xi32>, vector<16xi32>], vector<16xf32>,
      %mul3A_1156 = arith.constant 2 : i32
      %mul3A_1157 = arith.muli %mul3A_1156, %arg0 : i32
      %add3A_1158 = arith.constant 1 : i32
      %add3A_1159 = arith.addi %mul3A_1157, %add3A_1158 : i32
      %mul3A_1160 = arith.constant 2 : i32
      %mul3A_1161 = arith.muli %mul3A_1160, %arg0 : i32
      %add3A_1162 = arith.constant 4 : i32
      %add3A_1163 = arith.addi %add3A_1162, %mul3A_1161 : i32
      %add3A_1164 = arith.constant 1 : i32
      %add3A_1165 = arith.addi %add3A_1163, %add3A_1164 : i32
      %broadcast_in_dim3A_1166 = vector.broadcast %add3A_1159 : i32 to vector<16xi32>
      %gather3A_1167 = tpu.vector_load_idx %arg18[%add3A_1127, %broadcast_in_dim3A_1166] : memref<96x8xf32, #tpu.memory_space<vmem>>[vector<16xi32>, vector<16xi32>], vector<16xf32>,
      %broadcast_in_dim3A_1168 = vector.broadcast %add3A_1165 : i32 to vector<16xi32>
      %gather3A_1169 = tpu.vector_load_idx %arg21[%add3A_1127, %broadcast_in_dim3A_1168] : memref<96x8xf32, #tpu.memory_space<vmem>>[vector<16xi32>, vector<16xi32>], vector<16xf32>,
      %add3A_1170 = arith.addf %gather3A_1167, %gather3A_1169 : vector<16xf32>
      %ge3A_1171 = arith.constant 0.000000e+00 : f32
      %ge3A_1172 = vector.broadcast %ge3A_1171 : f32 to vector<16xf32>
      %ge3A_1173 = arith.cmpf oge, %add3A_1170, %ge3A_1172 : vector<16xf32>
      %mul3A_1174 = arith.constant 2.000000e-01 : f32
      %mul3A_1175 = vector.broadcast %mul3A_1174 : f32 to vector<16xf32>
      %mul3A_1176 = arith.mulf %mul3A_1175, %add3A_1170 : vector<16xf32>
      %select_n3A_1177 = arith.select %ge3A_1173, %add3A_1170, %mul3A_1176 : vector<16xi1>, vector<16xf32>
      %sub3A_1178 = arith.subf %select_n3A_1177, %gather3A_19 : vector<16xf32>
      %exp3A_1179 = math.exp %sub3A_1178 : vector<16xf32>
      %swap3A_1180 = arith.constant 128 : index
      %swap3A_1181 = tpu.vector_load %arg25[%swap3A_1180] {strides = array<i32>} : memref<192xf32, #tpu.memory_space<vmem>>, vector<16xf32>,
      tpu.vector_store %arg25[%swap3A_1180], %exp3A_1179 {strides = array<i32>} : memref<192xf32, #tpu.memory_space<vmem>>, vector<16xf32>,
      %broadcast_in_dim3A_1182 = arith.constant 129 : i32
      %broadcast_in_dim3A_1183 = vector.broadcast %broadcast_in_dim3A_1182 : i32 to vector<16xi32>
      tpu.vector_store_idx %arg15[%add3A_1127, %broadcast_in_dim3A_1183], %exp3A_1179 : memref<96x130xf32, #tpu.memory_space<vmem>>[vector<16xi32>, vector<16xi32>], vector<16xf32>,
      %add3A_1184 = arith.constant 48 : i32
      %add3A_1185 = vector.broadcast %add3A_1184 : i32 to vector<16xi32>
      %add3A_1186 = arith.addi %iota3A, %add3A_1185 : vector<16xi32>
      %mul3A_1187 = arith.constant 2 : i32
      %mul3A_1188 = arith.muli %mul3A_1187, %arg0 : i32
      %add3A_1189 = arith.constant 0 : i32
      %add3A_1190 = arith.addi %mul3A_1188, %add3A_1189 : i32
      %mul3A_1191 = arith.constant 2 : i32
      %mul3A_1192 = arith.muli %mul3A_1191, %arg0 : i32
      %add3A_1193 = arith.constant 4 : i32
      %add3A_1194 = arith.addi %add3A_1193, %mul3A_1192 : i32
      %add3A_1195 = arith.constant 0 : i32
      %add3A_1196 = arith.addi %add3A_1194, %add3A_1195 : i32
      %broadcast_in_dim3A_1197 = vector.broadcast %add3A_1190 : i32 to vector<16xi32>
      %gather3A_1198 = tpu.vector_load_idx %arg18[%add3A_1186, %broadcast_in_dim3A_1197] : memref<96x8xf32, #tpu.memory_space<vmem>>[vector<16xi32>, vector<16xi32>], vector<16xf32>,
      %broadcast_in_dim3A_1199 = vector.broadcast %add3A_1196 : i32 to vector<16xi32>
      %gather3A_1200 = tpu.vector_load_idx %arg21[%add3A_1186, %broadcast_in_dim3A_1199] : memref<96x8xf32, #tpu.memory_space<vmem>>[vector<16xi32>, vector<16xi32>], vector<16xf32>,
      %add3A_1201 = arith.addf %gather3A_1198, %gather3A_1200 : vector<16xf32>
      %ge3A_1202 = arith.constant 0.000000e+00 : f32
      %ge3A_1203 = vector.broadcast %ge3A_1202 : f32 to vector<16xf32>
      %ge3A_1204 = arith.cmpf oge, %add3A_1201, %ge3A_1203 : vector<16xf32>
      %mul3A_1205 = arith.constant 2.000000e-01 : f32
      %mul3A_1206 = vector.broadcast %mul3A_1205 : f32 to vector<16xf32>
      %mul3A_1207 = arith.mulf %mul3A_1206, %add3A_1201 : vector<16xf32>
      %select_n3A_1208 = arith.select %ge3A_1204, %add3A_1201, %mul3A_1207 : vector<16xi1>, vector<16xf32>
      %sub3A_1209 = arith.subf %select_n3A_1208, %gather3A : vector<16xf32>
      %exp3A_1210 = math.exp %sub3A_1209 : vector<16xf32>
      %swap3A_1211 = arith.constant 48 : index
      %swap3A_1212 = tpu.vector_load %arg25[%swap3A_1211] {strides = array<i32>} : memref<192xf32, #tpu.memory_space<vmem>>, vector<16xf32>,
      tpu.vector_store %arg25[%swap3A_1211], %exp3A_1210 {strides = array<i32>} : memref<192xf32, #tpu.memory_space<vmem>>, vector<16xf32>,
      %broadcast_in_dim3A_1213 = arith.constant 128 : i32
      %broadcast_in_dim3A_1214 = vector.broadcast %broadcast_in_dim3A_1213 : i32 to vector<16xi32>
      tpu.vector_store_idx %arg15[%add3A_1186, %broadcast_in_dim3A_1214], %exp3A_1210 : memref<96x130xf32, #tpu.memory_space<vmem>>[vector<16xi32>, vector<16xi32>], vector<16xf32>,
      %mul3A_1215 = arith.constant 2 : i32
      %mul3A_1216 = arith.muli %mul3A_1215, %arg0 : i32
      %add3A_1217 = arith.constant 1 : i32
      %add3A_1218 = arith.addi %mul3A_1216, %add3A_1217 : i32
      %mul3A_1219 = arith.constant 2 : i32
      %mul3A_1220 = arith.muli %mul3A_1219, %arg0 : i32
      %add3A_1221 = arith.constant 4 : i32
      %add3A_1222 = arith.addi %add3A_1221, %mul3A_1220 : i32
      %add3A_1223 = arith.constant 1 : i32
      %add3A_1224 = arith.addi %add3A_1222, %add3A_1223 : i32
      %broadcast_in_dim3A_1225 = vector.broadcast %add3A_1218 : i32 to vector<16xi32>
      %gather3A_1226 = tpu.vector_load_idx %arg18[%add3A_1186, %broadcast_in_dim3A_1225] : memref<96x8xf32, #tpu.memory_space<vmem>>[vector<16xi32>, vector<16xi32>], vector<16xf32>,
      %broadcast_in_dim3A_1227 = vector.broadcast %add3A_1224 : i32 to vector<16xi32>
      %gather3A_1228 = tpu.vector_load_idx %arg21[%add3A_1186, %broadcast_in_dim3A_1227] : memref<96x8xf32, #tpu.memory_space<vmem>>[vector<16xi32>, vector<16xi32>], vector<16xf32>,
      %add3A_1229 = arith.addf %gather3A_1226, %gather3A_1228 : vector<16xf32>
      %ge3A_1230 = arith.constant 0.000000e+00 : f32
      %ge3A_1231 = vector.broadcast %ge3A_1230 : f32 to vector<16xf32>
      %ge3A_1232 = arith.cmpf oge, %add3A_1229, %ge3A_1231 : vector<16xf32>
      %mul3A_1233 = arith.constant 2.000000e-01 : f32
      %mul3A_1234 = vector.broadcast %mul3A_1233 : f32 to vector<16xf32>
      %mul3A_1235 = arith.mulf %mul3A_1234, %add3A_1229 : vector<16xf32>
      %select_n3A_1236 = arith.select %ge3A_1232, %add3A_1229, %mul3A_1235 : vector<16xi1>, vector<16xf32>
      %sub3A_1237 = arith.subf %select_n3A_1236, %gather3A_19 : vector<16xf32>
      %exp3A_1238 = math.exp %sub3A_1237 : vector<16xf32>
      %swap3A_1239 = arith.constant 144 : index
      %swap3A_1240 = tpu.vector_load %arg25[%swap3A_1239] {strides = array<i32>} : memref<192xf32, #tpu.memory_space<vmem>>, vector<16xf32>,
      tpu.vector_store %arg25[%swap3A_1239], %exp3A_1238 {strides = array<i32>} : memref<192xf32, #tpu.memory_space<vmem>>, vector<16xf32>,
      %broadcast_in_dim3A_1241 = arith.constant 129 : i32
      %broadcast_in_dim3A_1242 = vector.broadcast %broadcast_in_dim3A_1241 : i32 to vector<16xi32>
      tpu.vector_store_idx %arg15[%add3A_1186, %broadcast_in_dim3A_1242], %exp3A_1238 : memref<96x130xf32, #tpu.memory_space<vmem>>[vector<16xi32>, vector<16xi32>], vector<16xf32>,
      %add3A_1243 = arith.constant 64 : i32
      %add3A_1244 = vector.broadcast %add3A_1243 : i32 to vector<16xi32>
      %add3A_1245 = arith.addi %iota3A, %add3A_1244 : vector<16xi32>
      %mul3A_1246 = arith.constant 2 : i32
      %mul3A_1247 = arith.muli %mul3A_1246, %arg0 : i32
      %add3A_1248 = arith.constant 0 : i32
      %add3A_1249 = arith.addi %mul3A_1247, %add3A_1248 : i32
      %mul3A_1250 = arith.constant 2 : i32
      %mul3A_1251 = arith.muli %mul3A_1250, %arg0 : i32
      %add3A_1252 = arith.constant 4 : i32
      %add3A_1253 = arith.addi %add3A_1252, %mul3A_1251 : i32
      %add3A_1254 = arith.constant 0 : i32
      %add3A_1255 = arith.addi %add3A_1253, %add3A_1254 : i32
      %broadcast_in_dim3A_1256 = vector.broadcast %add3A_1249 : i32 to vector<16xi32>
      %gather3A_1257 = tpu.vector_load_idx %arg18[%add3A_1245, %broadcast_in_dim3A_1256] : memref<96x8xf32, #tpu.memory_space<vmem>>[vector<16xi32>, vector<16xi32>], vector<16xf32>,
      %broadcast_in_dim3A_1258 = vector.broadcast %add3A_1255 : i32 to vector<16xi32>
      %gather3A_1259 = tpu.vector_load_idx %arg21[%add3A_1245, %broadcast_in_dim3A_1258] : memref<96x8xf32, #tpu.memory_space<vmem>>[vector<16xi32>, vector<16xi32>], vector<16xf32>,
      %add3A_1260 = arith.addf %gather3A_1257, %gather3A_1259 : vector<16xf32>
      %ge3A_1261 = arith.constant 0.000000e+00 : f32
      %ge3A_1262 = vector.broadcast %ge3A_1261 : f32 to vector<16xf32>
      %ge3A_1263 = arith.cmpf oge, %add3A_1260, %ge3A_1262 : vector<16xf32>
      %mul3A_1264 = arith.constant 2.000000e-01 : f32
      %mul3A_1265 = vector.broadcast %mul3A_1264 : f32 to vector<16xf32>
      %mul3A_1266 = arith.mulf %mul3A_1265, %add3A_1260 : vector<16xf32>
      %select_n3A_1267 = arith.select %ge3A_1263, %add3A_1260, %mul3A_1266 : vector<16xi1>, vector<16xf32>
      %sub3A_1268 = arith.subf %select_n3A_1267, %gather3A : vector<16xf32>
      %exp3A_1269 = math.exp %sub3A_1268 : vector<16xf32>
      %swap3A_1270 = arith.constant 64 : index
      %swap3A_1271 = tpu.vector_load %arg25[%swap3A_1270] {strides = array<i32>} : memref<192xf32, #tpu.memory_space<vmem>>, vector<16xf32>,
      tpu.vector_store %arg25[%swap3A_1270], %exp3A_1269 {strides = array<i32>} : memref<192xf32, #tpu.memory_space<vmem>>, vector<16xf32>,
      %broadcast_in_dim3A_1272 = arith.constant 128 : i32
      %broadcast_in_dim3A_1273 = vector.broadcast %broadcast_in_dim3A_1272 : i32 to vector<16xi32>
      tpu.vector_store_idx %arg15[%add3A_1245, %broadcast_in_dim3A_1273], %exp3A_1269 : memref<96x130xf32, #tpu.memory_space<vmem>>[vector<16xi32>, vector<16xi32>], vector<16xf32>,
      %mul3A_1274 = arith.constant 2 : i32
      %mul3A_1275 = arith.muli %mul3A_1274, %arg0 : i32
      %add3A_1276 = arith.constant 1 : i32
      %add3A_1277 = arith.addi %mul3A_1275, %add3A_1276 : i32
      %mul3A_1278 = arith.constant 2 : i32
      %mul3A_1279 = arith.muli %mul3A_1278, %arg0 : i32
      %add3A_1280 = arith.constant 4 : i32
      %add3A_1281 = arith.addi %add3A_1280, %mul3A_1279 : i32
      %add3A_1282 = arith.constant 1 : i32
      %add3A_1283 = arith.addi %add3A_1281, %add3A_1282 : i32
      %broadcast_in_dim3A_1284 = vector.broadcast %add3A_1277 : i32 to vector<16xi32>
      %gather3A_1285 = tpu.vector_load_idx %arg18[%add3A_1245, %broadcast_in_dim3A_1284] : memref<96x8xf32, #tpu.memory_space<vmem>>[vector<16xi32>, vector<16xi32>], vector<16xf32>,
      %broadcast_in_dim3A_1286 = vector.broadcast %add3A_1283 : i32 to vector<16xi32>
      %gather3A_1287 = tpu.vector_load_idx %arg21[%add3A_1245, %broadcast_in_dim3A_1286] : memref<96x8xf32, #tpu.memory_space<vmem>>[vector<16xi32>, vector<16xi32>], vector<16xf32>,
      %add3A_1288 = arith.addf %gather3A_1285, %gather3A_1287 : vector<16xf32>
      %ge3A_1289 = arith.constant 0.000000e+00 : f32
      %ge3A_1290 = vector.broadcast %ge3A_1289 : f32 to vector<16xf32>
      %ge3A_1291 = arith.cmpf oge, %add3A_1288, %ge3A_1290 : vector<16xf32>
      %mul3A_1292 = arith.constant 2.000000e-01 : f32
      %mul3A_1293 = vector.broadcast %mul3A_1292 : f32 to vector<16xf32>
      %mul3A_1294 = arith.mulf %mul3A_1293, %add3A_1288 : vector<16xf32>
      %select_n3A_1295 = arith.select %ge3A_1291, %add3A_1288, %mul3A_1294 : vector<16xi1>, vector<16xf32>
      %sub3A_1296 = arith.subf %select_n3A_1295, %gather3A_19 : vector<16xf32>
      %exp3A_1297 = math.exp %sub3A_1296 : vector<16xf32>
      %swap3A_1298 = arith.constant 160 : index
      %swap3A_1299 = tpu.vector_load %arg25[%swap3A_1298] {strides = array<i32>} : memref<192xf32, #tpu.memory_space<vmem>>, vector<16xf32>,
      tpu.vector_store %arg25[%swap3A_1298], %exp3A_1297 {strides = array<i32>} : memref<192xf32, #tpu.memory_space<vmem>>, vector<16xf32>,
      %broadcast_in_dim3A_1300 = arith.constant 129 : i32
      %broadcast_in_dim3A_1301 = vector.broadcast %broadcast_in_dim3A_1300 : i32 to vector<16xi32>
      tpu.vector_store_idx %arg15[%add3A_1245, %broadcast_in_dim3A_1301], %exp3A_1297 : memref<96x130xf32, #tpu.memory_space<vmem>>[vector<16xi32>, vector<16xi32>], vector<16xf32>,
      %add3A_1302 = arith.constant 80 : i32
      %add3A_1303 = vector.broadcast %add3A_1302 : i32 to vector<16xi32>
      %add3A_1304 = arith.addi %iota3A, %add3A_1303 : vector<16xi32>
      %mul3A_1305 = arith.constant 2 : i32
      %mul3A_1306 = arith.muli %mul3A_1305, %arg0 : i32
      %add3A_1307 = arith.constant 0 : i32
      %add3A_1308 = arith.addi %mul3A_1306, %add3A_1307 : i32
      %mul3A_1309 = arith.constant 2 : i32
      %mul3A_1310 = arith.muli %mul3A_1309, %arg0 : i32
      %add3A_1311 = arith.constant 4 : i32
      %add3A_1312 = arith.addi %add3A_1311, %mul3A_1310 : i32
      %add3A_1313 = arith.constant 0 : i32
      %add3A_1314 = arith.addi %add3A_1312, %add3A_1313 : i32
      %broadcast_in_dim3A_1315 = vector.broadcast %add3A_1308 : i32 to vector<16xi32>
      %gather3A_1316 = tpu.vector_load_idx %arg18[%add3A_1304, %broadcast_in_dim3A_1315] : memref<96x8xf32, #tpu.memory_space<vmem>>[vector<16xi32>, vector<16xi32>], vector<16xf32>,
      %broadcast_in_dim3A_1317 = vector.broadcast %add3A_1314 : i32 to vector<16xi32>
      %gather3A_1318 = tpu.vector_load_idx %arg21[%add3A_1304, %broadcast_in_dim3A_1317] : memref<96x8xf32, #tpu.memory_space<vmem>>[vector<16xi32>, vector<16xi32>], vector<16xf32>,
      %add3A_1319 = arith.addf %gather3A_1316, %gather3A_1318 : vector<16xf32>
      %ge3A_1320 = arith.constant 0.000000e+00 : f32
      %ge3A_1321 = vector.broadcast %ge3A_1320 : f32 to vector<16xf32>
      %ge3A_1322 = arith.cmpf oge, %add3A_1319, %ge3A_1321 : vector<16xf32>
      %mul3A_1323 = arith.constant 2.000000e-01 : f32
      %mul3A_1324 = vector.broadcast %mul3A_1323 : f32 to vector<16xf32>
      %mul3A_1325 = arith.mulf %mul3A_1324, %add3A_1319 : vector<16xf32>
      %select_n3A_1326 = arith.select %ge3A_1322, %add3A_1319, %mul3A_1325 : vector<16xi1>, vector<16xf32>
      %sub3A_1327 = arith.subf %select_n3A_1326, %gather3A : vector<16xf32>
      %exp3A_1328 = math.exp %sub3A_1327 : vector<16xf32>
      %swap3A_1329 = arith.constant 80 : index
      %swap3A_1330 = tpu.vector_load %arg25[%swap3A_1329] {strides = array<i32>} : memref<192xf32, #tpu.memory_space<vmem>>, vector<16xf32>,
      tpu.vector_store %arg25[%swap3A_1329], %exp3A_1328 {strides = array<i32>} : memref<192xf32, #tpu.memory_space<vmem>>, vector<16xf32>,
      %broadcast_in_dim3A_1331 = arith.constant 128 : i32
      %broadcast_in_dim3A_1332 = vector.broadcast %broadcast_in_dim3A_1331 : i32 to vector<16xi32>
      tpu.vector_store_idx %arg15[%add3A_1304, %broadcast_in_dim3A_1332], %exp3A_1328 : memref<96x130xf32, #tpu.memory_space<vmem>>[vector<16xi32>, vector<16xi32>], vector<16xf32>,
      %mul3A_1333 = arith.constant 2 : i32
      %mul3A_1334 = arith.muli %mul3A_1333, %arg0 : i32
      %add3A_1335 = arith.constant 1 : i32
      %add3A_1336 = arith.addi %mul3A_1334, %add3A_1335 : i32
      %mul3A_1337 = arith.constant 2 : i32
      %mul3A_1338 = arith.muli %mul3A_1337, %arg0 : i32
      %add3A_1339 = arith.constant 4 : i32
      %add3A_1340 = arith.addi %add3A_1339, %mul3A_1338 : i32
      %add3A_1341 = arith.constant 1 : i32
      %add3A_1342 = arith.addi %add3A_1340, %add3A_1341 : i32
      %broadcast_in_dim3A_1343 = vector.broadcast %add3A_1336 : i32 to vector<16xi32>
      %gather3A_1344 = tpu.vector_load_idx %arg18[%add3A_1304, %broadcast_in_dim3A_1343] : memref<96x8xf32, #tpu.memory_space<vmem>>[vector<16xi32>, vector<16xi32>], vector<16xf32>,
      %broadcast_in_dim3A_1345 = vector.broadcast %add3A_1342 : i32 to vector<16xi32>
      %gather3A_1346 = tpu.vector_load_idx %arg21[%add3A_1304, %broadcast_in_dim3A_1345] : memref<96x8xf32, #tpu.memory_space<vmem>>[vector<16xi32>, vector<16xi32>], vector<16xf32>,
      %add3A_1347 = arith.addf %gather3A_1344, %gather3A_1346 : vector<16xf32>
      %ge3A_1348 = arith.constant 0.000000e+00 : f32
      %ge3A_1349 = vector.broadcast %ge3A_1348 : f32 to vector<16xf32>
      %ge3A_1350 = arith.cmpf oge, %add3A_1347, %ge3A_1349 : vector<16xf32>
      %mul3A_1351 = arith.constant 2.000000e-01 : f32
      %mul3A_1352 = vector.broadcast %mul3A_1351 : f32 to vector<16xf32>
      %mul3A_1353 = arith.mulf %mul3A_1352, %add3A_1347 : vector<16xf32>
      %select_n3A_1354 = arith.select %ge3A_1350, %add3A_1347, %mul3A_1353 : vector<16xi1>, vector<16xf32>
      %sub3A_1355 = arith.subf %select_n3A_1354, %gather3A_19 : vector<16xf32>
      %exp3A_1356 = math.exp %sub3A_1355 : vector<16xf32>
      %swap3A_1357 = arith.constant 176 : index
      %swap3A_1358 = tpu.vector_load %arg25[%swap3A_1357] {strides = array<i32>} : memref<192xf32, #tpu.memory_space<vmem>>, vector<16xf32>,
      tpu.vector_store %arg25[%swap3A_1357], %exp3A_1356 {strides = array<i32>} : memref<192xf32, #tpu.memory_space<vmem>>, vector<16xf32>,
      %broadcast_in_dim3A_1359 = arith.constant 129 : i32
      %broadcast_in_dim3A_1360 = vector.broadcast %broadcast_in_dim3A_1359 : i32 to vector<16xi32>
      tpu.vector_store_idx %arg15[%add3A_1304, %broadcast_in_dim3A_1360], %exp3A_1356 : memref<96x130xf32, #tpu.memory_space<vmem>>[vector<16xi32>, vector<16xi32>], vector<16xf32>,
      %scan3A_1361 = arith.constant 0 : i32
      %scan3A_1362 = arith.constant 0 : i32
      %scan3A_1363 = arith.constant 96 : i32
      %scan3A_1364 = arith.addi %scan3A_1362, %scan3A_1363 : i32
      %scan3A_1365 = arith.constant 2 : i32
      scf.for %scan3A_1370 = %scan3A_1362 to %scan3A_1364 step %scan3A_1365  : i32 {
        %broadcast_in_dim3A_1371 = arith.constant 0 : i32
        %broadcast_in_dim3A_1372 = vector.broadcast %broadcast_in_dim3A_1371 : i32 to vector<16xi32>
        %add3A_1373 = vector.broadcast %scan3A_1370 : i32 to vector<16xi32>
        %add3A_1374 = arith.addi %broadcast_in_dim3A_1372, %add3A_1373 : vector<16xi32>
        %gather3A_1375 = tpu.vector_load_idx %arg25[%add3A_1374] : memref<192xf32, #tpu.memory_space<vmem>>[vector<16xi32>], vector<16xf32>,
        %get3A_1376 = arith.index_cast %scan3A_1370 : i32 to index
        %get3A_1377 = arith.constant 0 : index
        %get3A_1378 = tpu.vector_load %arg15[%get3A_1376, %get3A_1377] {strides = array<i32>} : memref<96x130xf32, #tpu.memory_space<vmem>>, vector<16xf32>,
        %mul3A_1379 = arith.mulf %get3A_1378, %gather3A_1375 : vector<16xf32>
        %swap3A_1380 = arith.index_cast %scan3A_1370 : i32 to index
        %swap3A_1381 = arith.constant 0 : index
        %swap3A_1382 = tpu.vector_load %arg15[%swap3A_1380, %swap3A_1381] {strides = array<i32>} : memref<96x130xf32, #tpu.memory_space<vmem>>, vector<16xf32>,
        tpu.vector_store %arg15[%swap3A_1380, %swap3A_1381], %mul3A_1379 {strides = array<i32>} : memref<96x130xf32, #tpu.memory_space<vmem>>, vector<16xf32>,
        %get3A_1383 = arith.index_cast %scan3A_1370 : i32 to index
        %get3A_1384 = arith.constant 16 : index
        %get3A_1385 = tpu.vector_load %arg15[%get3A_1383, %get3A_1384] {strides = array<i32>} : memref<96x130xf32, #tpu.memory_space<vmem>>, vector<16xf32>,
        %mul3A_1386 = arith.mulf %get3A_1385, %gather3A_1375 : vector<16xf32>
        %swap3A_1387 = arith.index_cast %scan3A_1370 : i32 to index
        %swap3A_1388 = arith.constant 16 : index
        %swap3A_1389 = tpu.vector_load %arg15[%swap3A_1387, %swap3A_1388] {strides = array<i32>} : memref<96x130xf32, #tpu.memory_space<vmem>>, vector<16xf32>,
        tpu.vector_store %arg15[%swap3A_1387, %swap3A_1388], %mul3A_1386 {strides = array<i32>} : memref<96x130xf32, #tpu.memory_space<vmem>>, vector<16xf32>,
        %get3A_1390 = arith.index_cast %scan3A_1370 : i32 to index
        %get3A_1391 = arith.constant 32 : index
        %get3A_1392 = tpu.vector_load %arg15[%get3A_1390, %get3A_1391] {strides = array<i32>} : memref<96x130xf32, #tpu.memory_space<vmem>>, vector<16xf32>,
        %mul3A_1393 = arith.mulf %get3A_1392, %gather3A_1375 : vector<16xf32>
        %swap3A_1394 = arith.index_cast %scan3A_1370 : i32 to index
        %swap3A_1395 = arith.constant 32 : index
        %swap3A_1396 = tpu.vector_load %arg15[%swap3A_1394, %swap3A_1395] {strides = array<i32>} : memref<96x130xf32, #tpu.memory_space<vmem>>, vector<16xf32>,
        tpu.vector_store %arg15[%swap3A_1394, %swap3A_1395], %mul3A_1393 {strides = array<i32>} : memref<96x130xf32, #tpu.memory_space<vmem>>, vector<16xf32>,
        %get3A_1397 = arith.index_cast %scan3A_1370 : i32 to index
        %get3A_1398 = arith.constant 48 : index
        %get3A_1399 = tpu.vector_load %arg15[%get3A_1397, %get3A_1398] {strides = array<i32>} : memref<96x130xf32, #tpu.memory_space<vmem>>, vector<16xf32>,
        %mul3A_1400 = arith.mulf %get3A_1399, %gather3A_1375 : vector<16xf32>
        %swap3A_1401 = arith.index_cast %scan3A_1370 : i32 to index
        %swap3A_1402 = arith.constant 48 : index
        %swap3A_1403 = tpu.vector_load %arg15[%swap3A_1401, %swap3A_1402] {strides = array<i32>} : memref<96x130xf32, #tpu.memory_space<vmem>>, vector<16xf32>,
        tpu.vector_store %arg15[%swap3A_1401, %swap3A_1402], %mul3A_1400 {strides = array<i32>} : memref<96x130xf32, #tpu.memory_space<vmem>>, vector<16xf32>,
        %broadcast_in_dim3A_1404 = arith.constant 96 : i32
        %broadcast_in_dim3A_1405 = vector.broadcast %broadcast_in_dim3A_1404 : i32 to vector<16xi32>
        %add3A_1406 = vector.broadcast %scan3A_1370 : i32 to vector<16xi32>
        %add3A_1407 = arith.addi %broadcast_in_dim3A_1405, %add3A_1406 : vector<16xi32>
        %gather3A_1408 = tpu.vector_load_idx %arg25[%add3A_1407] : memref<192xf32, #tpu.memory_space<vmem>>[vector<16xi32>], vector<16xf32>,
        %get3A_1409 = arith.index_cast %scan3A_1370 : i32 to index
        %get3A_1410 = arith.constant 64 : index
        %get3A_1411 = tpu.vector_load %arg15[%get3A_1409, %get3A_1410] {strides = array<i32>} : memref<96x130xf32, #tpu.memory_space<vmem>>, vector<16xf32>,
        %mul3A_1412 = arith.mulf %get3A_1411, %gather3A_1408 : vector<16xf32>
        %swap3A_1413 = arith.index_cast %scan3A_1370 : i32 to index
        %swap3A_1414 = arith.constant 64 : index
        %swap3A_1415 = tpu.vector_load %arg15[%swap3A_1413, %swap3A_1414] {strides = array<i32>} : memref<96x130xf32, #tpu.memory_space<vmem>>, vector<16xf32>,
        tpu.vector_store %arg15[%swap3A_1413, %swap3A_1414], %mul3A_1412 {strides = array<i32>} : memref<96x130xf32, #tpu.memory_space<vmem>>, vector<16xf32>,
        %get3A_1416 = arith.index_cast %scan3A_1370 : i32 to index
        %get3A_1417 = arith.constant 80 : index
        %get3A_1418 = tpu.vector_load %arg15[%get3A_1416, %get3A_1417] {strides = array<i32>} : memref<96x130xf32, #tpu.memory_space<vmem>>, vector<16xf32>,
        %mul3A_1419 = arith.mulf %get3A_1418, %gather3A_1408 : vector<16xf32>
        %swap3A_1420 = arith.index_cast %scan3A_1370 : i32 to index
        %swap3A_1421 = arith.constant 80 : index
        %swap3A_1422 = tpu.vector_load %arg15[%swap3A_1420, %swap3A_1421] {strides = array<i32>} : memref<96x130xf32, #tpu.memory_space<vmem>>, vector<16xf32>,
        tpu.vector_store %arg15[%swap3A_1420, %swap3A_1421], %mul3A_1419 {strides = array<i32>} : memref<96x130xf32, #tpu.memory_space<vmem>>, vector<16xf32>,
        %get3A_1423 = arith.index_cast %scan3A_1370 : i32 to index
        %get3A_1424 = arith.constant 96 : index
        %get3A_1425 = tpu.vector_load %arg15[%get3A_1423, %get3A_1424] {strides = array<i32>} : memref<96x130xf32, #tpu.memory_space<vmem>>, vector<16xf32>,
        %mul3A_1426 = arith.mulf %get3A_1425, %gather3A_1408 : vector<16xf32>
        %swap3A_1427 = arith.index_cast %scan3A_1370 : i32 to index
        %swap3A_1428 = arith.constant 96 : index
        %swap3A_1429 = tpu.vector_load %arg15[%swap3A_1427, %swap3A_1428] {strides = array<i32>} : memref<96x130xf32, #tpu.memory_space<vmem>>, vector<16xf32>,
        tpu.vector_store %arg15[%swap3A_1427, %swap3A_1428], %mul3A_1426 {strides = array<i32>} : memref<96x130xf32, #tpu.memory_space<vmem>>, vector<16xf32>,
        %get3A_1430 = arith.index_cast %scan3A_1370 : i32 to index
        %get3A_1431 = arith.constant 112 : index
        %get3A_1432 = tpu.vector_load %arg15[%get3A_1430, %get3A_1431] {strides = array<i32>} : memref<96x130xf32, #tpu.memory_space<vmem>>, vector<16xf32>,
        %mul3A_1433 = arith.mulf %get3A_1432, %gather3A_1408 : vector<16xf32>
        %swap3A_1434 = arith.index_cast %scan3A_1370 : i32 to index
        %swap3A_1435 = arith.constant 112 : index
        %swap3A_1436 = tpu.vector_load %arg15[%swap3A_1434, %swap3A_1435] {strides = array<i32>} : memref<96x130xf32, #tpu.memory_space<vmem>>, vector<16xf32>,
        tpu.vector_store %arg15[%swap3A_1434, %swap3A_1435], %mul3A_1433 {strides = array<i32>} : memref<96x130xf32, #tpu.memory_space<vmem>>, vector<16xf32>,
        %scan3A_1437 = arith.constant 1 : i32
        %scan3A_1438 = arith.addi %scan3A_1370, %scan3A_1437 : i32
        %broadcast_in_dim3A_1439 = arith.constant 0 : i32
        %broadcast_in_dim3A_1440 = vector.broadcast %broadcast_in_dim3A_1439 : i32 to vector<16xi32>
        %add3A_1441 = vector.broadcast %scan3A_1438 : i32 to vector<16xi32>
        %add3A_1442 = arith.addi %broadcast_in_dim3A_1440, %add3A_1441 : vector<16xi32>
        %gather3A_1443 = tpu.vector_load_idx %arg25[%add3A_1442] : memref<192xf32, #tpu.memory_space<vmem>>[vector<16xi32>], vector<16xf32>,
        %get3A_1444 = arith.index_cast %scan3A_1438 : i32 to index
        %get3A_1445 = arith.constant 0 : index
        %get3A_1446 = tpu.vector_load %arg15[%get3A_1444, %get3A_1445] {strides = array<i32>} : memref<96x130xf32, #tpu.memory_space<vmem>>, vector<16xf32>,
        %mul3A_1447 = arith.mulf %get3A_1446, %gather3A_1443 : vector<16xf32>
        %swap3A_1448 = arith.index_cast %scan3A_1438 : i32 to index
        %swap3A_1449 = arith.constant 0 : index
        %swap3A_1450 = tpu.vector_load %arg15[%swap3A_1448, %swap3A_1449] {strides = array<i32>} : memref<96x130xf32, #tpu.memory_space<vmem>>, vector<16xf32>,
        tpu.vector_store %arg15[%swap3A_1448, %swap3A_1449], %mul3A_1447 {strides = array<i32>} : memref<96x130xf32, #tpu.memory_space<vmem>>, vector<16xf32>,
        %get3A_1451 = arith.index_cast %scan3A_1438 : i32 to index
        %get3A_1452 = arith.constant 16 : index
        %get3A_1453 = tpu.vector_load %arg15[%get3A_1451, %get3A_1452] {strides = array<i32>} : memref<96x130xf32, #tpu.memory_space<vmem>>, vector<16xf32>,
        %mul3A_1454 = arith.mulf %get3A_1453, %gather3A_1443 : vector<16xf32>
        %swap3A_1455 = arith.index_cast %scan3A_1438 : i32 to index
        %swap3A_1456 = arith.constant 16 : index
        %swap3A_1457 = tpu.vector_load %arg15[%swap3A_1455, %swap3A_1456] {strides = array<i32>} : memref<96x130xf32, #tpu.memory_space<vmem>>, vector<16xf32>,
        tpu.vector_store %arg15[%swap3A_1455, %swap3A_1456], %mul3A_1454 {strides = array<i32>} : memref<96x130xf32, #tpu.memory_space<vmem>>, vector<16xf32>,
        %get3A_1458 = arith.index_cast %scan3A_1438 : i32 to index
        %get3A_1459 = arith.constant 32 : index
        %get3A_1460 = tpu.vector_load %arg15[%get3A_1458, %get3A_1459] {strides = array<i32>} : memref<96x130xf32, #tpu.memory_space<vmem>>, vector<16xf32>,
        %mul3A_1461 = arith.mulf %get3A_1460, %gather3A_1443 : vector<16xf32>
        %swap3A_1462 = arith.index_cast %scan3A_1438 : i32 to index
        %swap3A_1463 = arith.constant 32 : index
        %swap3A_1464 = tpu.vector_load %arg15[%swap3A_1462, %swap3A_1463] {strides = array<i32>} : memref<96x130xf32, #tpu.memory_space<vmem>>, vector<16xf32>,
        tpu.vector_store %arg15[%swap3A_1462, %swap3A_1463], %mul3A_1461 {strides = array<i32>} : memref<96x130xf32, #tpu.memory_space<vmem>>, vector<16xf32>,
        %get3A_1465 = arith.index_cast %scan3A_1438 : i32 to index
        %get3A_1466 = arith.constant 48 : index
        %get3A_1467 = tpu.vector_load %arg15[%get3A_1465, %get3A_1466] {strides = array<i32>} : memref<96x130xf32, #tpu.memory_space<vmem>>, vector<16xf32>,
        %mul3A_1468 = arith.mulf %get3A_1467, %gather3A_1443 : vector<16xf32>
        %swap3A_1469 = arith.index_cast %scan3A_1438 : i32 to index
        %swap3A_1470 = arith.constant 48 : index
        %swap3A_1471 = tpu.vector_load %arg15[%swap3A_1469, %swap3A_1470] {strides = array<i32>} : memref<96x130xf32, #tpu.memory_space<vmem>>, vector<16xf32>,
        tpu.vector_store %arg15[%swap3A_1469, %swap3A_1470], %mul3A_1468 {strides = array<i32>} : memref<96x130xf32, #tpu.memory_space<vmem>>, vector<16xf32>,
        %broadcast_in_dim3A_1472 = arith.constant 96 : i32
        %broadcast_in_dim3A_1473 = vector.broadcast %broadcast_in_dim3A_1472 : i32 to vector<16xi32>
        %add3A_1474 = vector.broadcast %scan3A_1438 : i32 to vector<16xi32>
        %add3A_1475 = arith.addi %broadcast_in_dim3A_1473, %add3A_1474 : vector<16xi32>
        %gather3A_1476 = tpu.vector_load_idx %arg25[%add3A_1475] : memref<192xf32, #tpu.memory_space<vmem>>[vector<16xi32>], vector<16xf32>,
        %get3A_1477 = arith.index_cast %scan3A_1438 : i32 to index
        %get3A_1478 = arith.constant 64 : index
        %get3A_1479 = tpu.vector_load %arg15[%get3A_1477, %get3A_1478] {strides = array<i32>} : memref<96x130xf32, #tpu.memory_space<vmem>>, vector<16xf32>,
        %mul3A_1480 = arith.mulf %get3A_1479, %gather3A_1476 : vector<16xf32>
        %swap3A_1481 = arith.index_cast %scan3A_1438 : i32 to index
        %swap3A_1482 = arith.constant 64 : index
        %swap3A_1483 = tpu.vector_load %arg15[%swap3A_1481, %swap3A_1482] {strides = array<i32>} : memref<96x130xf32, #tpu.memory_space<vmem>>, vector<16xf32>,
        tpu.vector_store %arg15[%swap3A_1481, %swap3A_1482], %mul3A_1480 {strides = array<i32>} : memref<96x130xf32, #tpu.memory_space<vmem>>, vector<16xf32>,
        %get3A_1484 = arith.index_cast %scan3A_1438 : i32 to index
        %get3A_1485 = arith.constant 80 : index
        %get3A_1486 = tpu.vector_load %arg15[%get3A_1484, %get3A_1485] {strides = array<i32>} : memref<96x130xf32, #tpu.memory_space<vmem>>, vector<16xf32>,
        %mul3A_1487 = arith.mulf %get3A_1486, %gather3A_1476 : vector<16xf32>
        %swap3A_1488 = arith.index_cast %scan3A_1438 : i32 to index
        %swap3A_1489 = arith.constant 80 : index
        %swap3A_1490 = tpu.vector_load %arg15[%swap3A_1488, %swap3A_1489] {strides = array<i32>} : memref<96x130xf32, #tpu.memory_space<vmem>>, vector<16xf32>,
        tpu.vector_store %arg15[%swap3A_1488, %swap3A_1489], %mul3A_1487 {strides = array<i32>} : memref<96x130xf32, #tpu.memory_space<vmem>>, vector<16xf32>,
        %get3A_1491 = arith.index_cast %scan3A_1438 : i32 to index
        %get3A_1492 = arith.constant 96 : index
        %get3A_1493 = tpu.vector_load %arg15[%get3A_1491, %get3A_1492] {strides = array<i32>} : memref<96x130xf32, #tpu.memory_space<vmem>>, vector<16xf32>,
        %mul3A_1494 = arith.mulf %get3A_1493, %gather3A_1476 : vector<16xf32>
        %swap3A_1495 = arith.index_cast %scan3A_1438 : i32 to index
        %swap3A_1496 = arith.constant 96 : index
        %swap3A_1497 = tpu.vector_load %arg15[%swap3A_1495, %swap3A_1496] {strides = array<i32>} : memref<96x130xf32, #tpu.memory_space<vmem>>, vector<16xf32>,
        tpu.vector_store %arg15[%swap3A_1495, %swap3A_1496], %mul3A_1494 {strides = array<i32>} : memref<96x130xf32, #tpu.memory_space<vmem>>, vector<16xf32>,
        %get3A_1498 = arith.index_cast %scan3A_1438 : i32 to index
        %get3A_1499 = arith.constant 112 : index
        %get3A_1500 = tpu.vector_load %arg15[%get3A_1498, %get3A_1499] {strides = array<i32>} : memref<96x130xf32, #tpu.memory_space<vmem>>, vector<16xf32>,
        %mul3A_1501 = arith.mulf %get3A_1500, %gather3A_1476 : vector<16xf32>
        %swap3A_1502 = arith.index_cast %scan3A_1438 : i32 to index
        %swap3A_1503 = arith.constant 112 : index
        %swap3A_1504 = tpu.vector_load %arg15[%swap3A_1502, %swap3A_1503] {strides = array<i32>} : memref<96x130xf32, #tpu.memory_space<vmem>>, vector<16xf32>,
        tpu.vector_store %arg15[%swap3A_1502, %swap3A_1503], %mul3A_1501 {strides = array<i32>} : memref<96x130xf32, #tpu.memory_space<vmem>>, vector<16xf32>,
      }
      %scan3A_1366 = arith.constant 96 : i32
      %dma_start3A_1367 = arith.constant 0 : i32
      %dma_start3A_1368 = arith.constant 0 : i32
      %dma_start3A_1369 = tpu.memref_slice %arg9[%dma_start3A_1367, %dma_start3A_1368] : memref<10112x130xf32, #tpu.memory_space<vmem_shared>> -> memref<10112x130xf32, #tpu.memory_space<vmem_shared>>
      tpu.enqueue_indirect_dma source(%arg15 : memref<96x130xf32, #tpu.memory_space<vmem>>) target(%dma_start3A_1369 : memref<10112x130xf32, #tpu.memory_space<vmem_shared>>) offsets(%arg24 : memref<96xi32, #tpu.memory_space<vmem>>) semaphore(%arg31 : memref<!tpu.dma_semaphore, #tpu.memory_space<semaphore_mem>>) {add = true}
    }
    %scan3A_45 = arith.constant 70 : i32
    %dma_wait3A = arith.constant 0 : i32
    %dma_wait3A_46 = arith.constant 0 : i32
    %dma_wait3A_47 = tpu.memref_slice %arg9[%dma_wait3A, %dma_wait3A_46] : memref<10112x130xf32, #tpu.memory_space<vmem_shared>> -> memref<10112x130xf32, #tpu.memory_space<vmem_shared>>
    tpu.wait_indirect_dma semaphore(%arg30 : memref<!tpu.dma_semaphore, #tpu.memory_space<semaphore_mem>>) src(%arg14 : memref<96x130xf32, #tpu.memory_space<vmem>>) dst(%dma_wait3A_47 : memref<10112x130xf32, #tpu.memory_space<vmem_shared>>)
    %dma_wait3A_48 = arith.constant 0 : i32
    %dma_wait3A_49 = arith.constant 0 : i32
    %dma_wait3A_50 = tpu.memref_slice %arg9[%dma_wait3A_48, %dma_wait3A_49] : memref<10112x130xf32, #tpu.memory_space<vmem_shared>> -> memref<10112x130xf32, #tpu.memory_space<vmem_shared>>
    tpu.wait_indirect_dma semaphore(%arg31 : memref<!tpu.dma_semaphore, #tpu.memory_space<semaphore_mem>>) src(%arg15 : memref<96x130xf32, #tpu.memory_space<vmem>>) dst(%dma_wait3A_50 : memref<10112x130xf32, #tpu.memory_space<vmem_shared>>)
    %barrier3A_51 = arith.constant 0 : index
    tpu.barrier barrier_id(%barrier3A_51)
    %mul3A_52 = arith.constant 632 : i32
    %mul3A_53 = arith.muli %arg1, %mul3A_52 : i32
    %mul3A_54 = arith.constant 10112 : i32
    %mul3A_55 = arith.muli %arg0, %mul3A_54 : i32
    %mul3A_56 = arith.constant 632 : i32
    %mul3A_57 = arith.muli %arg1, %mul3A_56 : i32
    %add3A_58 = arith.addi %mul3A_55, %mul3A_57 : i32
    "tpu.region"() ({
      %run_scoped3A = tpu.sem_alloc : memref<!tpu.dma_semaphore, #tpu.memory_space<semaphore_mem>>
      %dma_start3A_59 = arith.constant 0 : i32
      %dma_start3A_60 = tpu.memref_slice %arg8[%add3A_58, %dma_start3A_59] : memref<20224x130xf32, #tpu.memory_space<hbm>> -> memref<632x130xf32, #tpu.memory_space<hbm>>
      %dma_start3A_61 = arith.constant 0 : i32
      %dma_start3A_62 = tpu.memref_slice %arg9[%mul3A_53, %dma_start3A_61] : memref<10112x130xf32, #tpu.memory_space<vmem_shared>> -> memref<632x130xf32, #tpu.memory_space<vmem_shared>>
      tpu.enqueue_dma source(%dma_start3A_62 : memref<632x130xf32, #tpu.memory_space<vmem_shared>>) target(%dma_start3A_60 : memref<632x130xf32, #tpu.memory_space<hbm>>) target_semaphore(%run_scoped3A : memref<!tpu.dma_semaphore, #tpu.memory_space<semaphore_mem>>)
      %dma_wait3A_63 = arith.constant 0 : i32
      %dma_wait3A_64 = tpu.memref_slice %arg8[%add3A_58, %dma_wait3A_63] : memref<20224x130xf32, #tpu.memory_space<hbm>> -> memref<632x130xf32, #tpu.memory_space<hbm>>
      %dma_wait3A_65 = arith.constant 0 : i32
      %dma_wait3A_66 = tpu.memref_slice %arg9[%mul3A_53, %dma_wait3A_65] : memref<10112x130xf32, #tpu.memory_space<vmem_shared>> -> memref<632x130xf32, #tpu.memory_space<vmem_shared>>
      tpu.wait_dma2 semaphore(%run_scoped3A : memref<!tpu.dma_semaphore, #tpu.memory_space<semaphore_mem>>) src(%dma_wait3A_66 : memref<632x130xf32, #tpu.memory_space<vmem_shared>>) dst(%dma_wait3A_64 : memref<632x130xf32, #tpu.memory_space<hbm>>)
      tpu.yield
    }) : () -> ()
    return
  }
}

#map = affine_map<(d0, d1) -> (0, 0)>
#map1 = affine_map<(d0, d1) -> (0)>
module attributes {stable_mosaic.version = 14 : i64} {
  func.func @body(%arg0: i32, %arg1: i32, %arg2: memref<20000x33xf32, #tpu.memory_space<hbm>>, %arg3: memref<645120xi32, #tpu.memory_space<hbm>>, %arg4: memref<322560xi32, #tpu.memory_space<hbm>>, %arg5: memref<20000x8xf32, #tpu.memory_space<hbm>>, %arg6: memref<128xf32, #tpu.memory_space<hbm>>, %arg7: memref<10112x33xf32, #tpu.memory_space<hbm>>, %arg8: memref<20224x33xf32, #tpu.memory_space<hbm>>, %arg9: memref<10112x33xf32, #tpu.memory_space<vmem_shared>>, %arg10: memref<128xf32, #tpu.memory_space<vmem>>, %arg11: memref<576xi32, #tpu.memory_space<vmem>>, %arg12: memref<576xi32, #tpu.memory_space<vmem>>, %arg13: memref<96x33xf32, #tpu.memory_space<vmem>>, %arg14: memref<96x33xf32, #tpu.memory_space<vmem>>, %arg15: memref<96x33xf32, #tpu.memory_space<vmem>>, %arg16: memref<96x8xf32, #tpu.memory_space<vmem>>, %arg17: memref<96x8xf32, #tpu.memory_space<vmem>>, %arg18: memref<96x8xf32, #tpu.memory_space<vmem>>, %arg19: memref<96x8xf32, #tpu.memory_space<vmem>>, %arg20: memref<96x8xf32, #tpu.memory_space<vmem>>, %arg21: memref<96x8xf32, #tpu.memory_space<vmem>>, %arg22: memref<96xi32, #tpu.memory_space<vmem>>, %arg23: memref<96xi32, #tpu.memory_space<vmem>>, %arg24: memref<96xi32, #tpu.memory_space<vmem>>, %arg25: memref<96xf32, #tpu.memory_space<vmem>>, %arg26: memref<!tpu.dma_semaphore, #tpu.memory_space<semaphore_mem>>, %arg27: memref<!tpu.dma_semaphore, #tpu.memory_space<semaphore_mem>>, %arg28: memref<!tpu.dma_semaphore, #tpu.memory_space<semaphore_mem>>, %arg29: memref<!tpu.dma_semaphore, #tpu.memory_space<semaphore_mem>>, %arg30: memref<!tpu.dma_semaphore, #tpu.memory_space<semaphore_mem>>, %arg31: memref<!tpu.dma_semaphore, #tpu.memory_space<semaphore_mem>>) attributes {dimension_semantics = [#tpu.dimension_semantics<core_parallel>, #tpu.dimension_semantics<subcore_parallel>], iteration_bounds = array<i64: 2, 16>, scalar_prefetch = 0 : i64, scratch_operands = 23 : i64, tpu.core_type = #tpu.core_type<sc_vector_subcore>, window_params = [{transform_indices = #map}, {transform_indices = #map1}, {transform_indices = #map1}, {transform_indices = #map}, {transform_indices = #map1}, {transform_indices = #map}, {transform_indices = #map}]} {
    %mul3A = arith.constant 20160 : i32
    %mul3A_0 = arith.muli %arg1, %mul3A : i32
    %iota3A = tpu.iota {dimensions = array<i32: 0>} : vector<16xi32>
    "tpu.region"() ({
      %run_scoped3A = tpu.sem_alloc : memref<!tpu.dma_semaphore, #tpu.memory_space<semaphore_mem>>
      tpu.enqueue_dma source(%arg6 : memref<128xf32, #tpu.memory_space<hbm>>) target(%arg10 : memref<128xf32, #tpu.memory_space<vmem>>) target_semaphore(%run_scoped3A : memref<!tpu.dma_semaphore, #tpu.memory_space<semaphore_mem>>)
      tpu.wait_dma2 semaphore(%run_scoped3A : memref<!tpu.dma_semaphore, #tpu.memory_space<semaphore_mem>>) src(%arg6 : memref<128xf32, #tpu.memory_space<hbm>>) dst(%arg10 : memref<128xf32, #tpu.memory_space<vmem>>)
      tpu.yield
    }) : () -> ()
    %mul3A_1 = arith.constant 632 : i32
    %mul3A_2 = arith.muli %arg1, %mul3A_1 : i32
    %mul3A_3 = arith.constant 632 : i32
    %mul3A_4 = arith.muli %arg1, %mul3A_3 : i32
    "tpu.region"() ({
      %run_scoped3A = tpu.sem_alloc : memref<!tpu.dma_semaphore, #tpu.memory_space<semaphore_mem>>
      %dma_start3A_44 = arith.constant 0 : i32
      %dma_start3A_45 = tpu.memref_slice %arg9[%mul3A_4, %dma_start3A_44] : memref<10112x33xf32, #tpu.memory_space<vmem_shared>> -> memref<632x33xf32, #tpu.memory_space<vmem_shared>>
      %dma_start3A_46 = arith.constant 0 : i32
      %dma_start3A_47 = tpu.memref_slice %arg7[%mul3A_2, %dma_start3A_46] : memref<10112x33xf32, #tpu.memory_space<hbm>> -> memref<632x33xf32, #tpu.memory_space<hbm>>
      tpu.enqueue_dma source(%dma_start3A_47 : memref<632x33xf32, #tpu.memory_space<hbm>>) target(%dma_start3A_45 : memref<632x33xf32, #tpu.memory_space<vmem_shared>>) target_semaphore(%run_scoped3A : memref<!tpu.dma_semaphore, #tpu.memory_space<semaphore_mem>>)
      %dma_wait3A_48 = arith.constant 0 : i32
      %dma_wait3A_49 = tpu.memref_slice %arg9[%mul3A_4, %dma_wait3A_48] : memref<10112x33xf32, #tpu.memory_space<vmem_shared>> -> memref<632x33xf32, #tpu.memory_space<vmem_shared>>
      %dma_wait3A_50 = arith.constant 0 : i32
      %dma_wait3A_51 = tpu.memref_slice %arg7[%mul3A_2, %dma_wait3A_50] : memref<10112x33xf32, #tpu.memory_space<hbm>> -> memref<632x33xf32, #tpu.memory_space<hbm>>
      tpu.wait_dma2 semaphore(%run_scoped3A : memref<!tpu.dma_semaphore, #tpu.memory_space<semaphore_mem>>) src(%dma_wait3A_51 : memref<632x33xf32, #tpu.memory_space<hbm>>) dst(%dma_wait3A_49 : memref<632x33xf32, #tpu.memory_space<vmem_shared>>)
      tpu.yield
    }) : () -> ()
    %barrier3A = arith.constant 0 : index
    tpu.barrier barrier_id(%barrier3A)
    %broadcast_in_dim3A = arith.constant 0 : i32
    %broadcast_in_dim3A_5 = vector.broadcast %broadcast_in_dim3A : i32 to vector<16xi32>
    %gather3A = tpu.vector_load_idx %arg10[%broadcast_in_dim3A_5] : memref<128xf32, #tpu.memory_space<vmem>>[vector<16xi32>], vector<16xf32>,
    %mul3A_6 = arith.constant 322560 : i32
    %mul3A_7 = arith.muli %arg0, %mul3A_6 : i32
    %add3A = arith.addi %mul3A_7, %mul3A_0 : i32
    %add3A_8 = arith.constant 0 : i32
    %add3A_9 = arith.addi %add3A, %add3A_8 : i32
    "tpu.region"() ({
      %run_scoped3A = tpu.sem_alloc : memref<!tpu.dma_semaphore, #tpu.memory_space<semaphore_mem>>
      %dma_start3A_44 = tpu.memref_slice %arg3[%add3A_9] : memref<645120xi32, #tpu.memory_space<hbm>> -> memref<576xi32, #tpu.memory_space<hbm>>
      %dma_start3A_45 = tpu.memref_slice %arg3[%add3A_9] : memref<645120xi32, #tpu.memory_space<hbm>> -> memref<576xi32, #tpu.memory_space<hbm>>
      tpu.enqueue_dma source(%dma_start3A_45 : memref<576xi32, #tpu.memory_space<hbm>>) target(%arg11 : memref<576xi32, #tpu.memory_space<vmem>>) target_semaphore(%run_scoped3A : memref<!tpu.dma_semaphore, #tpu.memory_space<semaphore_mem>>)
      %dma_wait3A_46 = tpu.memref_slice %arg3[%add3A_9] : memref<645120xi32, #tpu.memory_space<hbm>> -> memref<576xi32, #tpu.memory_space<hbm>>
      %dma_wait3A_47 = tpu.memref_slice %arg3[%add3A_9] : memref<645120xi32, #tpu.memory_space<hbm>> -> memref<576xi32, #tpu.memory_space<hbm>>
      tpu.wait_dma2 semaphore(%run_scoped3A : memref<!tpu.dma_semaphore, #tpu.memory_space<semaphore_mem>>) src(%dma_wait3A_47 : memref<576xi32, #tpu.memory_space<hbm>>) dst(%arg11 : memref<576xi32, #tpu.memory_space<vmem>>)
      tpu.yield
    }) : () -> ()
    %add3A_10 = arith.constant 0 : i32
    %add3A_11 = arith.addi %mul3A_0, %add3A_10 : i32
    "tpu.region"() ({
      %run_scoped3A = tpu.sem_alloc : memref<!tpu.dma_semaphore, #tpu.memory_space<semaphore_mem>>
      %dma_start3A_44 = tpu.memref_slice %arg4[%add3A_11] : memref<322560xi32, #tpu.memory_space<hbm>> -> memref<576xi32, #tpu.memory_space<hbm>>
      %dma_start3A_45 = tpu.memref_slice %arg4[%add3A_11] : memref<322560xi32, #tpu.memory_space<hbm>> -> memref<576xi32, #tpu.memory_space<hbm>>
      tpu.enqueue_dma source(%dma_start3A_45 : memref<576xi32, #tpu.memory_space<hbm>>) target(%arg12 : memref<576xi32, #tpu.memory_space<vmem>>) target_semaphore(%run_scoped3A : memref<!tpu.dma_semaphore, #tpu.memory_space<semaphore_mem>>)
      %dma_wait3A_46 = tpu.memref_slice %arg4[%add3A_11] : memref<322560xi32, #tpu.memory_space<hbm>> -> memref<576xi32, #tpu.memory_space<hbm>>
      %dma_wait3A_47 = tpu.memref_slice %arg4[%add3A_11] : memref<322560xi32, #tpu.memory_space<hbm>> -> memref<576xi32, #tpu.memory_space<hbm>>
      tpu.wait_dma2 semaphore(%run_scoped3A : memref<!tpu.dma_semaphore, #tpu.memory_space<semaphore_mem>>) src(%dma_wait3A_47 : memref<576xi32, #tpu.memory_space<hbm>>) dst(%arg12 : memref<576xi32, #tpu.memory_space<vmem>>)
      tpu.yield
    }) : () -> ()
    %dma_start3A = arith.constant 0 : i32
    %dma_start3A_12 = tpu.memref_slice %arg11[%dma_start3A] : memref<576xi32, #tpu.memory_space<vmem>> -> memref<96xi32, #tpu.memory_space<vmem>>
    %dma_start3A_13 = arith.constant 0 : i32
    %dma_start3A_14 = arith.constant 0 : i32
    %dma_start3A_15 = tpu.memref_slice %arg2[%dma_start3A_13, %dma_start3A_14] : memref<20000x33xf32, #tpu.memory_space<hbm>> -> memref<20000x33xf32, #tpu.memory_space<hbm>>
    tpu.enqueue_indirect_dma source(%dma_start3A_15 : memref<20000x33xf32, #tpu.memory_space<hbm>>) target(%arg13 : memref<96x33xf32, #tpu.memory_space<vmem>>) offsets(%dma_start3A_12 : memref<96xi32, #tpu.memory_space<vmem>>) semaphore(%arg26 : memref<!tpu.dma_semaphore, #tpu.memory_space<semaphore_mem>>)
    %dma_start3A_16 = arith.constant 0 : i32
    %dma_start3A_17 = tpu.memref_slice %arg11[%dma_start3A_16] : memref<576xi32, #tpu.memory_space<vmem>> -> memref<96xi32, #tpu.memory_space<vmem>>
    %dma_start3A_18 = arith.constant 0 : i32
    %dma_start3A_19 = arith.constant 0 : i32
    %dma_start3A_20 = tpu.memref_slice %arg5[%dma_start3A_18, %dma_start3A_19] : memref<20000x8xf32, #tpu.memory_space<hbm>> -> memref<20000x8xf32, #tpu.memory_space<hbm>>
    tpu.enqueue_indirect_dma source(%dma_start3A_20 : memref<20000x8xf32, #tpu.memory_space<hbm>>) target(%arg16 : memref<96x8xf32, #tpu.memory_space<vmem>>) offsets(%dma_start3A_17 : memref<96xi32, #tpu.memory_space<vmem>>) semaphore(%arg26 : memref<!tpu.dma_semaphore, #tpu.memory_space<semaphore_mem>>)
    %dma_start3A_21 = arith.constant 0 : i32
    %dma_start3A_22 = tpu.memref_slice %arg12[%dma_start3A_21] : memref<576xi32, #tpu.memory_space<vmem>> -> memref<96xi32, #tpu.memory_space<vmem>>
    %dma_start3A_23 = arith.constant 0 : i32
    %dma_start3A_24 = arith.constant 0 : i32
    %dma_start3A_25 = tpu.memref_slice %arg5[%dma_start3A_23, %dma_start3A_24] : memref<20000x8xf32, #tpu.memory_space<hbm>> -> memref<20000x8xf32, #tpu.memory_space<hbm>>
    tpu.enqueue_indirect_dma source(%dma_start3A_25 : memref<20000x8xf32, #tpu.memory_space<hbm>>) target(%arg19 : memref<96x8xf32, #tpu.memory_space<vmem>>) offsets(%dma_start3A_22 : memref<96xi32, #tpu.memory_space<vmem>>) semaphore(%arg26 : memref<!tpu.dma_semaphore, #tpu.memory_space<semaphore_mem>>)
    %scan3A = arith.constant 0 : i32
    %scan3A_26 = arith.constant 0 : i32
    %scan3A_27 = arith.constant 70 : i32
    %scan3A_28 = arith.addi %scan3A_26, %scan3A_27 : i32
    %scan3A_29 = arith.constant 1 : i32
    scf.for %scan3A_44 = %scan3A_26 to %scan3A_28 step %scan3A_29  : i32 {
      %rem3A = arith.constant 2 : i32
      %rem3A_45 = arith.remsi %scan3A_44, %rem3A : i32
      %mul3A_46 = arith.constant 3 : i32
      %mul3A_47 = arith.muli %mul3A_46, %rem3A_45 : i32
      %add3A_48 = arith.constant 0 : i32
      %add3A_49 = arith.addi %mul3A_47, %add3A_48 : i32
      %mul3A_50 = arith.constant 96 : i32
      %mul3A_51 = arith.muli %add3A_49, %mul3A_50 : i32
      %add3A_52 = arith.constant 0 : i32
      %add3A_53 = arith.addi %mul3A_51, %add3A_52 : i32
      %get3A = arith.index_cast %add3A_53 : i32 to index
      %get3A_54 = tpu.vector_load %arg12[%get3A] {strides = array<i32>} : memref<576xi32, #tpu.memory_space<vmem>>, vector<16xi32>,
      %swap3A = arith.constant 0 : index
      %swap3A_55 = tpu.vector_load %arg22[%swap3A] {strides = array<i32>} : memref<96xi32, #tpu.memory_space<vmem>>, vector<16xi32>,
      tpu.vector_store %arg22[%swap3A], %get3A_54 {strides = array<i32>} : memref<96xi32, #tpu.memory_space<vmem>>, vector<16xi32>,
      %add3A_56 = arith.constant 16 : i32
      %add3A_57 = arith.addi %mul3A_51, %add3A_56 : i32
      %get3A_58 = arith.index_cast %add3A_57 : i32 to index
      %get3A_59 = tpu.vector_load %arg12[%get3A_58] {strides = array<i32>} : memref<576xi32, #tpu.memory_space<vmem>>, vector<16xi32>,
      %swap3A_60 = arith.constant 16 : index
      %swap3A_61 = tpu.vector_load %arg22[%swap3A_60] {strides = array<i32>} : memref<96xi32, #tpu.memory_space<vmem>>, vector<16xi32>,
      tpu.vector_store %arg22[%swap3A_60], %get3A_59 {strides = array<i32>} : memref<96xi32, #tpu.memory_space<vmem>>, vector<16xi32>,
      %add3A_62 = arith.constant 32 : i32
      %add3A_63 = arith.addi %mul3A_51, %add3A_62 : i32
      %get3A_64 = arith.index_cast %add3A_63 : i32 to index
      %get3A_65 = tpu.vector_load %arg12[%get3A_64] {strides = array<i32>} : memref<576xi32, #tpu.memory_space<vmem>>, vector<16xi32>,
      %swap3A_66 = arith.constant 32 : index
      %swap3A_67 = tpu.vector_load %arg22[%swap3A_66] {strides = array<i32>} : memref<96xi32, #tpu.memory_space<vmem>>, vector<16xi32>,
      tpu.vector_store %arg22[%swap3A_66], %get3A_65 {strides = array<i32>} : memref<96xi32, #tpu.memory_space<vmem>>, vector<16xi32>,
      %add3A_68 = arith.constant 48 : i32
      %add3A_69 = arith.addi %mul3A_51, %add3A_68 : i32
      %get3A_70 = arith.index_cast %add3A_69 : i32 to index
      %get3A_71 = tpu.vector_load %arg12[%get3A_70] {strides = array<i32>} : memref<576xi32, #tpu.memory_space<vmem>>, vector<16xi32>,
      %swap3A_72 = arith.constant 48 : index
      %swap3A_73 = tpu.vector_load %arg22[%swap3A_72] {strides = array<i32>} : memref<96xi32, #tpu.memory_space<vmem>>, vector<16xi32>,
      tpu.vector_store %arg22[%swap3A_72], %get3A_71 {strides = array<i32>} : memref<96xi32, #tpu.memory_space<vmem>>, vector<16xi32>,
      %add3A_74 = arith.constant 64 : i32
      %add3A_75 = arith.addi %mul3A_51, %add3A_74 : i32
      %get3A_76 = arith.index_cast %add3A_75 : i32 to index
      %get3A_77 = tpu.vector_load %arg12[%get3A_76] {strides = array<i32>} : memref<576xi32, #tpu.memory_space<vmem>>, vector<16xi32>,
      %swap3A_78 = arith.constant 64 : index
      %swap3A_79 = tpu.vector_load %arg22[%swap3A_78] {strides = array<i32>} : memref<96xi32, #tpu.memory_space<vmem>>, vector<16xi32>,
      tpu.vector_store %arg22[%swap3A_78], %get3A_77 {strides = array<i32>} : memref<96xi32, #tpu.memory_space<vmem>>, vector<16xi32>,
      %add3A_80 = arith.constant 80 : i32
      %add3A_81 = arith.addi %mul3A_51, %add3A_80 : i32
      %get3A_82 = arith.index_cast %add3A_81 : i32 to index
      %get3A_83 = tpu.vector_load %arg12[%get3A_82] {strides = array<i32>} : memref<576xi32, #tpu.memory_space<vmem>>, vector<16xi32>,
      %swap3A_84 = arith.constant 80 : index
      %swap3A_85 = tpu.vector_load %arg22[%swap3A_84] {strides = array<i32>} : memref<96xi32, #tpu.memory_space<vmem>>, vector<16xi32>,
      tpu.vector_store %arg22[%swap3A_84], %get3A_83 {strides = array<i32>} : memref<96xi32, #tpu.memory_space<vmem>>, vector<16xi32>,
      %dma_wait3A_86 = arith.constant 0 : i32
      %dma_wait3A_87 = tpu.memref_slice %arg11[%dma_wait3A_86] : memref<576xi32, #tpu.memory_space<vmem>> -> memref<96xi32, #tpu.memory_space<vmem>>
      %dma_wait3A_88 = arith.constant 0 : i32
      %dma_wait3A_89 = arith.constant 0 : i32
      %dma_wait3A_90 = tpu.memref_slice %arg2[%dma_wait3A_88, %dma_wait3A_89] : memref<20000x33xf32, #tpu.memory_space<hbm>> -> memref<20000x33xf32, #tpu.memory_space<hbm>>
      tpu.wait_indirect_dma semaphore(%arg26 : memref<!tpu.dma_semaphore, #tpu.memory_space<semaphore_mem>>) src(%dma_wait3A_90 : memref<20000x33xf32, #tpu.memory_space<hbm>>) dst(%arg13 : memref<96x33xf32, #tpu.memory_space<vmem>>)
      %dma_wait3A_91 = arith.constant 0 : i32
      %dma_wait3A_92 = tpu.memref_slice %arg11[%dma_wait3A_91] : memref<576xi32, #tpu.memory_space<vmem>> -> memref<96xi32, #tpu.memory_space<vmem>>
      %dma_wait3A_93 = arith.constant 0 : i32
      %dma_wait3A_94 = arith.constant 0 : i32
      %dma_wait3A_95 = tpu.memref_slice %arg5[%dma_wait3A_93, %dma_wait3A_94] : memref<20000x8xf32, #tpu.memory_space<hbm>> -> memref<20000x8xf32, #tpu.memory_space<hbm>>
      tpu.wait_indirect_dma semaphore(%arg26 : memref<!tpu.dma_semaphore, #tpu.memory_space<semaphore_mem>>) src(%dma_wait3A_95 : memref<20000x8xf32, #tpu.memory_space<hbm>>) dst(%arg16 : memref<96x8xf32, #tpu.memory_space<vmem>>)
      %dma_wait3A_96 = arith.constant 0 : i32
      %dma_wait3A_97 = tpu.memref_slice %arg12[%dma_wait3A_96] : memref<576xi32, #tpu.memory_space<vmem>> -> memref<96xi32, #tpu.memory_space<vmem>>
      %dma_wait3A_98 = arith.constant 0 : i32
      %dma_wait3A_99 = arith.constant 0 : i32
      %dma_wait3A_100 = tpu.memref_slice %arg5[%dma_wait3A_98, %dma_wait3A_99] : memref<20000x8xf32, #tpu.memory_space<hbm>> -> memref<20000x8xf32, #tpu.memory_space<hbm>>
      tpu.wait_indirect_dma semaphore(%arg26 : memref<!tpu.dma_semaphore, #tpu.memory_space<semaphore_mem>>) src(%dma_wait3A_100 : memref<20000x8xf32, #tpu.memory_space<hbm>>) dst(%arg19 : memref<96x8xf32, #tpu.memory_space<vmem>>)
      %ge3A = arith.constant 1 : i32
      %ge3A_101 = arith.cmpi sge, %scan3A_44, %ge3A : i32
      %convert_element_type3A = arith.extui %ge3A_101 : i1 to i32
      %cond3A = arith.constant 0 : i32
      %cond3A_102 = arith.cmpi ne, %convert_element_type3A, %cond3A : i32
      scf.if %cond3A_102 {
        %dma_wait3A_707 = arith.constant 0 : i32
        %dma_wait3A_708 = arith.constant 0 : i32
        %dma_wait3A_709 = tpu.memref_slice %arg9[%dma_wait3A_707, %dma_wait3A_708] : memref<10112x33xf32, #tpu.memory_space<vmem_shared>> -> memref<10112x33xf32, #tpu.memory_space<vmem_shared>>
        tpu.wait_indirect_dma semaphore(%arg30 : memref<!tpu.dma_semaphore, #tpu.memory_space<semaphore_mem>>) src(%arg14 : memref<96x33xf32, #tpu.memory_space<vmem>>) dst(%dma_wait3A_709 : memref<10112x33xf32, #tpu.memory_space<vmem_shared>>)
      } else {
      }
      %mul3A_103 = arith.constant 3 : i32
      %mul3A_104 = arith.muli %mul3A_103, %rem3A_45 : i32
      %add3A_105 = arith.constant 0 : i32
      %add3A_106 = arith.addi %mul3A_104, %add3A_105 : i32
      %add3A_107 = arith.constant 1 : i32
      %add3A_108 = arith.addi %add3A_106, %add3A_107 : i32
      %mul3A_109 = arith.constant 96 : i32
      %mul3A_110 = arith.muli %add3A_108, %mul3A_109 : i32
      %dma_start3A_111 = tpu.memref_slice %arg11[%mul3A_110] : memref<576xi32, #tpu.memory_space<vmem>> -> memref<96xi32, #tpu.memory_space<vmem>>
      %dma_start3A_112 = arith.constant 0 : i32
      %dma_start3A_113 = arith.constant 0 : i32
      %dma_start3A_114 = tpu.memref_slice %arg2[%dma_start3A_112, %dma_start3A_113] : memref<20000x33xf32, #tpu.memory_space<hbm>> -> memref<20000x33xf32, #tpu.memory_space<hbm>>
      tpu.enqueue_indirect_dma source(%dma_start3A_114 : memref<20000x33xf32, #tpu.memory_space<hbm>>) target(%arg14 : memref<96x33xf32, #tpu.memory_space<vmem>>) offsets(%dma_start3A_111 : memref<96xi32, #tpu.memory_space<vmem>>) semaphore(%arg27 : memref<!tpu.dma_semaphore, #tpu.memory_space<semaphore_mem>>)
      %dma_start3A_115 = tpu.memref_slice %arg11[%mul3A_110] : memref<576xi32, #tpu.memory_space<vmem>> -> memref<96xi32, #tpu.memory_space<vmem>>
      %dma_start3A_116 = arith.constant 0 : i32
      %dma_start3A_117 = arith.constant 0 : i32
      %dma_start3A_118 = tpu.memref_slice %arg5[%dma_start3A_116, %dma_start3A_117] : memref<20000x8xf32, #tpu.memory_space<hbm>> -> memref<20000x8xf32, #tpu.memory_space<hbm>>
      tpu.enqueue_indirect_dma source(%dma_start3A_118 : memref<20000x8xf32, #tpu.memory_space<hbm>>) target(%arg17 : memref<96x8xf32, #tpu.memory_space<vmem>>) offsets(%dma_start3A_115 : memref<96xi32, #tpu.memory_space<vmem>>) semaphore(%arg27 : memref<!tpu.dma_semaphore, #tpu.memory_space<semaphore_mem>>)
      %dma_start3A_119 = tpu.memref_slice %arg12[%mul3A_110] : memref<576xi32, #tpu.memory_space<vmem>> -> memref<96xi32, #tpu.memory_space<vmem>>
      %dma_start3A_120 = arith.constant 0 : i32
      %dma_start3A_121 = arith.constant 0 : i32
      %dma_start3A_122 = tpu.memref_slice %arg5[%dma_start3A_120, %dma_start3A_121] : memref<20000x8xf32, #tpu.memory_space<hbm>> -> memref<20000x8xf32, #tpu.memory_space<hbm>>
      tpu.enqueue_indirect_dma source(%dma_start3A_122 : memref<20000x8xf32, #tpu.memory_space<hbm>>) target(%arg20 : memref<96x8xf32, #tpu.memory_space<vmem>>) offsets(%dma_start3A_119 : memref<96xi32, #tpu.memory_space<vmem>>) semaphore(%arg27 : memref<!tpu.dma_semaphore, #tpu.memory_space<semaphore_mem>>)
      %add3A_123 = arith.constant 0 : i32
      %add3A_124 = vector.broadcast %add3A_123 : i32 to vector<16xi32>
      %add3A_125 = arith.addi %iota3A, %add3A_124 : vector<16xi32>
      %broadcast_in_dim3A_126 = arith.constant 0 : i32
      %broadcast_in_dim3A_127 = vector.broadcast %broadcast_in_dim3A_126 : i32 to vector<16xi32>
      %gather3A_128 = tpu.vector_load_idx %arg16[%add3A_125, %broadcast_in_dim3A_127] : memref<96x8xf32, #tpu.memory_space<vmem>>[vector<16xi32>, vector<16xi32>], vector<16xf32>,
      %broadcast_in_dim3A_129 = arith.constant 1 : i32
      %broadcast_in_dim3A_130 = vector.broadcast %broadcast_in_dim3A_129 : i32 to vector<16xi32>
      %gather3A_131 = tpu.vector_load_idx %arg19[%add3A_125, %broadcast_in_dim3A_130] : memref<96x8xf32, #tpu.memory_space<vmem>>[vector<16xi32>, vector<16xi32>], vector<16xf32>,
      %add3A_132 = arith.addf %gather3A_128, %gather3A_131 : vector<16xf32>
      %ge3A_133 = arith.constant 0.000000e+00 : f32
      %ge3A_134 = vector.broadcast %ge3A_133 : f32 to vector<16xf32>
      %ge3A_135 = arith.cmpf oge, %add3A_132, %ge3A_134 : vector<16xf32>
      %mul3A_136 = arith.constant 2.000000e-01 : f32
      %mul3A_137 = vector.broadcast %mul3A_136 : f32 to vector<16xf32>
      %mul3A_138 = arith.mulf %mul3A_137, %add3A_132 : vector<16xf32>
      %select_n3A = arith.select %ge3A_135, %add3A_132, %mul3A_138 : vector<16xi1>, vector<16xf32>
      %sub3A = arith.subf %select_n3A, %gather3A : vector<16xf32>
      %exp3A = math.exp %sub3A : vector<16xf32>
      %swap3A_139 = arith.constant 0 : index
      %swap3A_140 = tpu.vector_load %arg25[%swap3A_139] {strides = array<i32>} : memref<96xf32, #tpu.memory_space<vmem>>, vector<16xf32>,
      tpu.vector_store %arg25[%swap3A_139], %exp3A {strides = array<i32>} : memref<96xf32, #tpu.memory_space<vmem>>, vector<16xf32>,
      %broadcast_in_dim3A_141 = arith.constant 32 : i32
      %broadcast_in_dim3A_142 = vector.broadcast %broadcast_in_dim3A_141 : i32 to vector<16xi32>
      tpu.vector_store_idx %arg13[%add3A_125, %broadcast_in_dim3A_142], %exp3A : memref<96x33xf32, #tpu.memory_space<vmem>>[vector<16xi32>, vector<16xi32>], vector<16xf32>,
      %add3A_143 = arith.constant 16 : i32
      %add3A_144 = vector.broadcast %add3A_143 : i32 to vector<16xi32>
      %add3A_145 = arith.addi %iota3A, %add3A_144 : vector<16xi32>
      %broadcast_in_dim3A_146 = arith.constant 0 : i32
      %broadcast_in_dim3A_147 = vector.broadcast %broadcast_in_dim3A_146 : i32 to vector<16xi32>
      %gather3A_148 = tpu.vector_load_idx %arg16[%add3A_145, %broadcast_in_dim3A_147] : memref<96x8xf32, #tpu.memory_space<vmem>>[vector<16xi32>, vector<16xi32>], vector<16xf32>,
      %broadcast_in_dim3A_149 = arith.constant 1 : i32
      %broadcast_in_dim3A_150 = vector.broadcast %broadcast_in_dim3A_149 : i32 to vector<16xi32>
      %gather3A_151 = tpu.vector_load_idx %arg19[%add3A_145, %broadcast_in_dim3A_150] : memref<96x8xf32, #tpu.memory_space<vmem>>[vector<16xi32>, vector<16xi32>], vector<16xf32>,
      %add3A_152 = arith.addf %gather3A_148, %gather3A_151 : vector<16xf32>
      %ge3A_153 = arith.constant 0.000000e+00 : f32
      %ge3A_154 = vector.broadcast %ge3A_153 : f32 to vector<16xf32>
      %ge3A_155 = arith.cmpf oge, %add3A_152, %ge3A_154 : vector<16xf32>
      %mul3A_156 = arith.constant 2.000000e-01 : f32
      %mul3A_157 = vector.broadcast %mul3A_156 : f32 to vector<16xf32>
      %mul3A_158 = arith.mulf %mul3A_157, %add3A_152 : vector<16xf32>
      %select_n3A_159 = arith.select %ge3A_155, %add3A_152, %mul3A_158 : vector<16xi1>, vector<16xf32>
      %sub3A_160 = arith.subf %select_n3A_159, %gather3A : vector<16xf32>
      %exp3A_161 = math.exp %sub3A_160 : vector<16xf32>
      %swap3A_162 = arith.constant 16 : index
      %swap3A_163 = tpu.vector_load %arg25[%swap3A_162] {strides = array<i32>} : memref<96xf32, #tpu.memory_space<vmem>>, vector<16xf32>,
      tpu.vector_store %arg25[%swap3A_162], %exp3A_161 {strides = array<i32>} : memref<96xf32, #tpu.memory_space<vmem>>, vector<16xf32>,
      %broadcast_in_dim3A_164 = arith.constant 32 : i32
      %broadcast_in_dim3A_165 = vector.broadcast %broadcast_in_dim3A_164 : i32 to vector<16xi32>
      tpu.vector_store_idx %arg13[%add3A_145, %broadcast_in_dim3A_165], %exp3A_161 : memref<96x33xf32, #tpu.memory_space<vmem>>[vector<16xi32>, vector<16xi32>], vector<16xf32>,
      %add3A_166 = arith.constant 32 : i32
      %add3A_167 = vector.broadcast %add3A_166 : i32 to vector<16xi32>
      %add3A_168 = arith.addi %iota3A, %add3A_167 : vector<16xi32>
      %broadcast_in_dim3A_169 = arith.constant 0 : i32
      %broadcast_in_dim3A_170 = vector.broadcast %broadcast_in_dim3A_169 : i32 to vector<16xi32>
      %gather3A_171 = tpu.vector_load_idx %arg16[%add3A_168, %broadcast_in_dim3A_170] : memref<96x8xf32, #tpu.memory_space<vmem>>[vector<16xi32>, vector<16xi32>], vector<16xf32>,
      %broadcast_in_dim3A_172 = arith.constant 1 : i32
      %broadcast_in_dim3A_173 = vector.broadcast %broadcast_in_dim3A_172 : i32 to vector<16xi32>
      %gather3A_174 = tpu.vector_load_idx %arg19[%add3A_168, %broadcast_in_dim3A_173] : memref<96x8xf32, #tpu.memory_space<vmem>>[vector<16xi32>, vector<16xi32>], vector<16xf32>,
      %add3A_175 = arith.addf %gather3A_171, %gather3A_174 : vector<16xf32>
      %ge3A_176 = arith.constant 0.000000e+00 : f32
      %ge3A_177 = vector.broadcast %ge3A_176 : f32 to vector<16xf32>
      %ge3A_178 = arith.cmpf oge, %add3A_175, %ge3A_177 : vector<16xf32>
      %mul3A_179 = arith.constant 2.000000e-01 : f32
      %mul3A_180 = vector.broadcast %mul3A_179 : f32 to vector<16xf32>
      %mul3A_181 = arith.mulf %mul3A_180, %add3A_175 : vector<16xf32>
      %select_n3A_182 = arith.select %ge3A_178, %add3A_175, %mul3A_181 : vector<16xi1>, vector<16xf32>
      %sub3A_183 = arith.subf %select_n3A_182, %gather3A : vector<16xf32>
      %exp3A_184 = math.exp %sub3A_183 : vector<16xf32>
      %swap3A_185 = arith.constant 32 : index
      %swap3A_186 = tpu.vector_load %arg25[%swap3A_185] {strides = array<i32>} : memref<96xf32, #tpu.memory_space<vmem>>, vector<16xf32>,
      tpu.vector_store %arg25[%swap3A_185], %exp3A_184 {strides = array<i32>} : memref<96xf32, #tpu.memory_space<vmem>>, vector<16xf32>,
      %broadcast_in_dim3A_187 = arith.constant 32 : i32
      %broadcast_in_dim3A_188 = vector.broadcast %broadcast_in_dim3A_187 : i32 to vector<16xi32>
      tpu.vector_store_idx %arg13[%add3A_168, %broadcast_in_dim3A_188], %exp3A_184 : memref<96x33xf32, #tpu.memory_space<vmem>>[vector<16xi32>, vector<16xi32>], vector<16xf32>,
      %add3A_189 = arith.constant 48 : i32
      %add3A_190 = vector.broadcast %add3A_189 : i32 to vector<16xi32>
      %add3A_191 = arith.addi %iota3A, %add3A_190 : vector<16xi32>
      %broadcast_in_dim3A_192 = arith.constant 0 : i32
      %broadcast_in_dim3A_193 = vector.broadcast %broadcast_in_dim3A_192 : i32 to vector<16xi32>
      %gather3A_194 = tpu.vector_load_idx %arg16[%add3A_191, %broadcast_in_dim3A_193] : memref<96x8xf32, #tpu.memory_space<vmem>>[vector<16xi32>, vector<16xi32>], vector<16xf32>,
      %broadcast_in_dim3A_195 = arith.constant 1 : i32
      %broadcast_in_dim3A_196 = vector.broadcast %broadcast_in_dim3A_195 : i32 to vector<16xi32>
      %gather3A_197 = tpu.vector_load_idx %arg19[%add3A_191, %broadcast_in_dim3A_196] : memref<96x8xf32, #tpu.memory_space<vmem>>[vector<16xi32>, vector<16xi32>], vector<16xf32>,
      %add3A_198 = arith.addf %gather3A_194, %gather3A_197 : vector<16xf32>
      %ge3A_199 = arith.constant 0.000000e+00 : f32
      %ge3A_200 = vector.broadcast %ge3A_199 : f32 to vector<16xf32>
      %ge3A_201 = arith.cmpf oge, %add3A_198, %ge3A_200 : vector<16xf32>
      %mul3A_202 = arith.constant 2.000000e-01 : f32
      %mul3A_203 = vector.broadcast %mul3A_202 : f32 to vector<16xf32>
      %mul3A_204 = arith.mulf %mul3A_203, %add3A_198 : vector<16xf32>
      %select_n3A_205 = arith.select %ge3A_201, %add3A_198, %mul3A_204 : vector<16xi1>, vector<16xf32>
      %sub3A_206 = arith.subf %select_n3A_205, %gather3A : vector<16xf32>
      %exp3A_207 = math.exp %sub3A_206 : vector<16xf32>
      %swap3A_208 = arith.constant 48 : index
      %swap3A_209 = tpu.vector_load %arg25[%swap3A_208] {strides = array<i32>} : memref<96xf32, #tpu.memory_space<vmem>>, vector<16xf32>,
      tpu.vector_store %arg25[%swap3A_208], %exp3A_207 {strides = array<i32>} : memref<96xf32, #tpu.memory_space<vmem>>, vector<16xf32>,
      %broadcast_in_dim3A_210 = arith.constant 32 : i32
      %broadcast_in_dim3A_211 = vector.broadcast %broadcast_in_dim3A_210 : i32 to vector<16xi32>
      tpu.vector_store_idx %arg13[%add3A_191, %broadcast_in_dim3A_211], %exp3A_207 : memref<96x33xf32, #tpu.memory_space<vmem>>[vector<16xi32>, vector<16xi32>], vector<16xf32>,
      %add3A_212 = arith.constant 64 : i32
      %add3A_213 = vector.broadcast %add3A_212 : i32 to vector<16xi32>
      %add3A_214 = arith.addi %iota3A, %add3A_213 : vector<16xi32>
      %broadcast_in_dim3A_215 = arith.constant 0 : i32
      %broadcast_in_dim3A_216 = vector.broadcast %broadcast_in_dim3A_215 : i32 to vector<16xi32>
      %gather3A_217 = tpu.vector_load_idx %arg16[%add3A_214, %broadcast_in_dim3A_216] : memref<96x8xf32, #tpu.memory_space<vmem>>[vector<16xi32>, vector<16xi32>], vector<16xf32>,
      %broadcast_in_dim3A_218 = arith.constant 1 : i32
      %broadcast_in_dim3A_219 = vector.broadcast %broadcast_in_dim3A_218 : i32 to vector<16xi32>
      %gather3A_220 = tpu.vector_load_idx %arg19[%add3A_214, %broadcast_in_dim3A_219] : memref<96x8xf32, #tpu.memory_space<vmem>>[vector<16xi32>, vector<16xi32>], vector<16xf32>,
      %add3A_221 = arith.addf %gather3A_217, %gather3A_220 : vector<16xf32>
      %ge3A_222 = arith.constant 0.000000e+00 : f32
      %ge3A_223 = vector.broadcast %ge3A_222 : f32 to vector<16xf32>
      %ge3A_224 = arith.cmpf oge, %add3A_221, %ge3A_223 : vector<16xf32>
      %mul3A_225 = arith.constant 2.000000e-01 : f32
      %mul3A_226 = vector.broadcast %mul3A_225 : f32 to vector<16xf32>
      %mul3A_227 = arith.mulf %mul3A_226, %add3A_221 : vector<16xf32>
      %select_n3A_228 = arith.select %ge3A_224, %add3A_221, %mul3A_227 : vector<16xi1>, vector<16xf32>
      %sub3A_229 = arith.subf %select_n3A_228, %gather3A : vector<16xf32>
      %exp3A_230 = math.exp %sub3A_229 : vector<16xf32>
      %swap3A_231 = arith.constant 64 : index
      %swap3A_232 = tpu.vector_load %arg25[%swap3A_231] {strides = array<i32>} : memref<96xf32, #tpu.memory_space<vmem>>, vector<16xf32>,
      tpu.vector_store %arg25[%swap3A_231], %exp3A_230 {strides = array<i32>} : memref<96xf32, #tpu.memory_space<vmem>>, vector<16xf32>,
      %broadcast_in_dim3A_233 = arith.constant 32 : i32
      %broadcast_in_dim3A_234 = vector.broadcast %broadcast_in_dim3A_233 : i32 to vector<16xi32>
      tpu.vector_store_idx %arg13[%add3A_214, %broadcast_in_dim3A_234], %exp3A_230 : memref<96x33xf32, #tpu.memory_space<vmem>>[vector<16xi32>, vector<16xi32>], vector<16xf32>,
      %add3A_235 = arith.constant 80 : i32
      %add3A_236 = vector.broadcast %add3A_235 : i32 to vector<16xi32>
      %add3A_237 = arith.addi %iota3A, %add3A_236 : vector<16xi32>
      %broadcast_in_dim3A_238 = arith.constant 0 : i32
      %broadcast_in_dim3A_239 = vector.broadcast %broadcast_in_dim3A_238 : i32 to vector<16xi32>
      %gather3A_240 = tpu.vector_load_idx %arg16[%add3A_237, %broadcast_in_dim3A_239] : memref<96x8xf32, #tpu.memory_space<vmem>>[vector<16xi32>, vector<16xi32>], vector<16xf32>,
      %broadcast_in_dim3A_241 = arith.constant 1 : i32
      %broadcast_in_dim3A_242 = vector.broadcast %broadcast_in_dim3A_241 : i32 to vector<16xi32>
      %gather3A_243 = tpu.vector_load_idx %arg19[%add3A_237, %broadcast_in_dim3A_242] : memref<96x8xf32, #tpu.memory_space<vmem>>[vector<16xi32>, vector<16xi32>], vector<16xf32>,
      %add3A_244 = arith.addf %gather3A_240, %gather3A_243 : vector<16xf32>
      %ge3A_245 = arith.constant 0.000000e+00 : f32
      %ge3A_246 = vector.broadcast %ge3A_245 : f32 to vector<16xf32>
      %ge3A_247 = arith.cmpf oge, %add3A_244, %ge3A_246 : vector<16xf32>
      %mul3A_248 = arith.constant 2.000000e-01 : f32
      %mul3A_249 = vector.broadcast %mul3A_248 : f32 to vector<16xf32>
      %mul3A_250 = arith.mulf %mul3A_249, %add3A_244 : vector<16xf32>
      %select_n3A_251 = arith.select %ge3A_247, %add3A_244, %mul3A_250 : vector<16xi1>, vector<16xf32>
      %sub3A_252 = arith.subf %select_n3A_251, %gather3A : vector<16xf32>
      %exp3A_253 = math.exp %sub3A_252 : vector<16xf32>
      %swap3A_254 = arith.constant 80 : index
      %swap3A_255 = tpu.vector_load %arg25[%swap3A_254] {strides = array<i32>} : memref<96xf32, #tpu.memory_space<vmem>>, vector<16xf32>,
      tpu.vector_store %arg25[%swap3A_254], %exp3A_253 {strides = array<i32>} : memref<96xf32, #tpu.memory_space<vmem>>, vector<16xf32>,
      %broadcast_in_dim3A_256 = arith.constant 32 : i32
      %broadcast_in_dim3A_257 = vector.broadcast %broadcast_in_dim3A_256 : i32 to vector<16xi32>
      tpu.vector_store_idx %arg13[%add3A_237, %broadcast_in_dim3A_257], %exp3A_253 : memref<96x33xf32, #tpu.memory_space<vmem>>[vector<16xi32>, vector<16xi32>], vector<16xf32>,
      %scan3A_258 = arith.constant 0 : i32
      %scan3A_259 = arith.constant 0 : i32
      %scan3A_260 = arith.constant 96 : i32
      %scan3A_261 = arith.addi %scan3A_259, %scan3A_260 : i32
      %scan3A_262 = arith.constant 2 : i32
      scf.for %scan3A_707 = %scan3A_259 to %scan3A_261 step %scan3A_262  : i32 {
        %broadcast_in_dim3A_708 = arith.constant 0 : i32
        %broadcast_in_dim3A_709 = vector.broadcast %broadcast_in_dim3A_708 : i32 to vector<16xi32>
        %add3A_710 = vector.broadcast %scan3A_707 : i32 to vector<16xi32>
        %add3A_711 = arith.addi %broadcast_in_dim3A_709, %add3A_710 : vector<16xi32>
        %gather3A_712 = tpu.vector_load_idx %arg25[%add3A_711] : memref<96xf32, #tpu.memory_space<vmem>>[vector<16xi32>], vector<16xf32>,
        %get3A_713 = arith.index_cast %scan3A_707 : i32 to index
        %get3A_714 = arith.constant 0 : index
        %get3A_715 = tpu.vector_load %arg13[%get3A_713, %get3A_714] {strides = array<i32>} : memref<96x33xf32, #tpu.memory_space<vmem>>, vector<16xf32>,
        %mul3A_716 = arith.mulf %get3A_715, %gather3A_712 : vector<16xf32>
        %swap3A_717 = arith.index_cast %scan3A_707 : i32 to index
        %swap3A_718 = arith.constant 0 : index
        %swap3A_719 = tpu.vector_load %arg13[%swap3A_717, %swap3A_718] {strides = array<i32>} : memref<96x33xf32, #tpu.memory_space<vmem>>, vector<16xf32>,
        tpu.vector_store %arg13[%swap3A_717, %swap3A_718], %mul3A_716 {strides = array<i32>} : memref<96x33xf32, #tpu.memory_space<vmem>>, vector<16xf32>,
        %get3A_720 = arith.index_cast %scan3A_707 : i32 to index
        %get3A_721 = arith.constant 16 : index
        %get3A_722 = tpu.vector_load %arg13[%get3A_720, %get3A_721] {strides = array<i32>} : memref<96x33xf32, #tpu.memory_space<vmem>>, vector<16xf32>,
        %mul3A_723 = arith.mulf %get3A_722, %gather3A_712 : vector<16xf32>
        %swap3A_724 = arith.index_cast %scan3A_707 : i32 to index
        %swap3A_725 = arith.constant 16 : index
        %swap3A_726 = tpu.vector_load %arg13[%swap3A_724, %swap3A_725] {strides = array<i32>} : memref<96x33xf32, #tpu.memory_space<vmem>>, vector<16xf32>,
        tpu.vector_store %arg13[%swap3A_724, %swap3A_725], %mul3A_723 {strides = array<i32>} : memref<96x33xf32, #tpu.memory_space<vmem>>, vector<16xf32>,
        %scan3A_727 = arith.constant 1 : i32
        %scan3A_728 = arith.addi %scan3A_707, %scan3A_727 : i32
        %broadcast_in_dim3A_729 = arith.constant 0 : i32
        %broadcast_in_dim3A_730 = vector.broadcast %broadcast_in_dim3A_729 : i32 to vector<16xi32>
        %add3A_731 = vector.broadcast %scan3A_728 : i32 to vector<16xi32>
        %add3A_732 = arith.addi %broadcast_in_dim3A_730, %add3A_731 : vector<16xi32>
        %gather3A_733 = tpu.vector_load_idx %arg25[%add3A_732] : memref<96xf32, #tpu.memory_space<vmem>>[vector<16xi32>], vector<16xf32>,
        %get3A_734 = arith.index_cast %scan3A_728 : i32 to index
        %get3A_735 = arith.constant 0 : index
        %get3A_736 = tpu.vector_load %arg13[%get3A_734, %get3A_735] {strides = array<i32>} : memref<96x33xf32, #tpu.memory_space<vmem>>, vector<16xf32>,
        %mul3A_737 = arith.mulf %get3A_736, %gather3A_733 : vector<16xf32>
        %swap3A_738 = arith.index_cast %scan3A_728 : i32 to index
        %swap3A_739 = arith.constant 0 : index
        %swap3A_740 = tpu.vector_load %arg13[%swap3A_738, %swap3A_739] {strides = array<i32>} : memref<96x33xf32, #tpu.memory_space<vmem>>, vector<16xf32>,
        tpu.vector_store %arg13[%swap3A_738, %swap3A_739], %mul3A_737 {strides = array<i32>} : memref<96x33xf32, #tpu.memory_space<vmem>>, vector<16xf32>,
        %get3A_741 = arith.index_cast %scan3A_728 : i32 to index
        %get3A_742 = arith.constant 16 : index
        %get3A_743 = tpu.vector_load %arg13[%get3A_741, %get3A_742] {strides = array<i32>} : memref<96x33xf32, #tpu.memory_space<vmem>>, vector<16xf32>,
        %mul3A_744 = arith.mulf %get3A_743, %gather3A_733 : vector<16xf32>
        %swap3A_745 = arith.index_cast %scan3A_728 : i32 to index
        %swap3A_746 = arith.constant 16 : index
        %swap3A_747 = tpu.vector_load %arg13[%swap3A_745, %swap3A_746] {strides = array<i32>} : memref<96x33xf32, #tpu.memory_space<vmem>>, vector<16xf32>,
        tpu.vector_store %arg13[%swap3A_745, %swap3A_746], %mul3A_744 {strides = array<i32>} : memref<96x33xf32, #tpu.memory_space<vmem>>, vector<16xf32>,
      }
      %scan3A_263 = arith.constant 96 : i32
      %dma_start3A_264 = arith.constant 0 : i32
      %dma_start3A_265 = arith.constant 0 : i32
      %dma_start3A_266 = tpu.memref_slice %arg9[%dma_start3A_264, %dma_start3A_265] : memref<10112x33xf32, #tpu.memory_space<vmem_shared>> -> memref<10112x33xf32, #tpu.memory_space<vmem_shared>>
      tpu.enqueue_indirect_dma source(%arg13 : memref<96x33xf32, #tpu.memory_space<vmem>>) target(%dma_start3A_266 : memref<10112x33xf32, #tpu.memory_space<vmem_shared>>) offsets(%arg22 : memref<96xi32, #tpu.memory_space<vmem>>) semaphore(%arg29 : memref<!tpu.dma_semaphore, #tpu.memory_space<semaphore_mem>>) {add = true}
      %mul3A_267 = arith.constant 3 : i32
      %mul3A_268 = arith.muli %mul3A_267, %rem3A_45 : i32
      %add3A_269 = arith.constant 1 : i32
      %add3A_270 = arith.addi %mul3A_268, %add3A_269 : i32
      %mul3A_271 = arith.constant 96 : i32
      %mul3A_272 = arith.muli %add3A_270, %mul3A_271 : i32
      %add3A_273 = arith.constant 0 : i32
      %add3A_274 = arith.addi %mul3A_272, %add3A_273 : i32
      %get3A_275 = arith.index_cast %add3A_274 : i32 to index
      %get3A_276 = tpu.vector_load %arg12[%get3A_275] {strides = array<i32>} : memref<576xi32, #tpu.memory_space<vmem>>, vector<16xi32>,
      %swap3A_277 = arith.constant 0 : index
      %swap3A_278 = tpu.vector_load %arg23[%swap3A_277] {strides = array<i32>} : memref<96xi32, #tpu.memory_space<vmem>>, vector<16xi32>,
      tpu.vector_store %arg23[%swap3A_277], %get3A_276 {strides = array<i32>} : memref<96xi32, #tpu.memory_space<vmem>>, vector<16xi32>,
      %add3A_279 = arith.constant 16 : i32
      %add3A_280 = arith.addi %mul3A_272, %add3A_279 : i32
      %get3A_281 = arith.index_cast %add3A_280 : i32 to index
      %get3A_282 = tpu.vector_load %arg12[%get3A_281] {strides = array<i32>} : memref<576xi32, #tpu.memory_space<vmem>>, vector<16xi32>,
      %swap3A_283 = arith.constant 16 : index
      %swap3A_284 = tpu.vector_load %arg23[%swap3A_283] {strides = array<i32>} : memref<96xi32, #tpu.memory_space<vmem>>, vector<16xi32>,
      tpu.vector_store %arg23[%swap3A_283], %get3A_282 {strides = array<i32>} : memref<96xi32, #tpu.memory_space<vmem>>, vector<16xi32>,
      %add3A_285 = arith.constant 32 : i32
      %add3A_286 = arith.addi %mul3A_272, %add3A_285 : i32
      %get3A_287 = arith.index_cast %add3A_286 : i32 to index
      %get3A_288 = tpu.vector_load %arg12[%get3A_287] {strides = array<i32>} : memref<576xi32, #tpu.memory_space<vmem>>, vector<16xi32>,
      %swap3A_289 = arith.constant 32 : index
      %swap3A_290 = tpu.vector_load %arg23[%swap3A_289] {strides = array<i32>} : memref<96xi32, #tpu.memory_space<vmem>>, vector<16xi32>,
      tpu.vector_store %arg23[%swap3A_289], %get3A_288 {strides = array<i32>} : memref<96xi32, #tpu.memory_space<vmem>>, vector<16xi32>,
      %add3A_291 = arith.constant 48 : i32
      %add3A_292 = arith.addi %mul3A_272, %add3A_291 : i32
      %get3A_293 = arith.index_cast %add3A_292 : i32 to index
      %get3A_294 = tpu.vector_load %arg12[%get3A_293] {strides = array<i32>} : memref<576xi32, #tpu.memory_space<vmem>>, vector<16xi32>,
      %swap3A_295 = arith.constant 48 : index
      %swap3A_296 = tpu.vector_load %arg23[%swap3A_295] {strides = array<i32>} : memref<96xi32, #tpu.memory_space<vmem>>, vector<16xi32>,
      tpu.vector_store %arg23[%swap3A_295], %get3A_294 {strides = array<i32>} : memref<96xi32, #tpu.memory_space<vmem>>, vector<16xi32>,
      %add3A_297 = arith.constant 64 : i32
      %add3A_298 = arith.addi %mul3A_272, %add3A_297 : i32
      %get3A_299 = arith.index_cast %add3A_298 : i32 to index
      %get3A_300 = tpu.vector_load %arg12[%get3A_299] {strides = array<i32>} : memref<576xi32, #tpu.memory_space<vmem>>, vector<16xi32>,
      %swap3A_301 = arith.constant 64 : index
      %swap3A_302 = tpu.vector_load %arg23[%swap3A_301] {strides = array<i32>} : memref<96xi32, #tpu.memory_space<vmem>>, vector<16xi32>,
      tpu.vector_store %arg23[%swap3A_301], %get3A_300 {strides = array<i32>} : memref<96xi32, #tpu.memory_space<vmem>>, vector<16xi32>,
      %add3A_303 = arith.constant 80 : i32
      %add3A_304 = arith.addi %mul3A_272, %add3A_303 : i32
      %get3A_305 = arith.index_cast %add3A_304 : i32 to index
      %get3A_306 = tpu.vector_load %arg12[%get3A_305] {strides = array<i32>} : memref<576xi32, #tpu.memory_space<vmem>>, vector<16xi32>,
      %swap3A_307 = arith.constant 80 : index
      %swap3A_308 = tpu.vector_load %arg23[%swap3A_307] {strides = array<i32>} : memref<96xi32, #tpu.memory_space<vmem>>, vector<16xi32>,
      tpu.vector_store %arg23[%swap3A_307], %get3A_306 {strides = array<i32>} : memref<96xi32, #tpu.memory_space<vmem>>, vector<16xi32>,
      %dma_wait3A_309 = arith.constant 0 : i32
      %dma_wait3A_310 = tpu.memref_slice %arg11[%dma_wait3A_309] : memref<576xi32, #tpu.memory_space<vmem>> -> memref<96xi32, #tpu.memory_space<vmem>>
      %dma_wait3A_311 = arith.constant 0 : i32
      %dma_wait3A_312 = arith.constant 0 : i32
      %dma_wait3A_313 = tpu.memref_slice %arg2[%dma_wait3A_311, %dma_wait3A_312] : memref<20000x33xf32, #tpu.memory_space<hbm>> -> memref<20000x33xf32, #tpu.memory_space<hbm>>
      tpu.wait_indirect_dma semaphore(%arg27 : memref<!tpu.dma_semaphore, #tpu.memory_space<semaphore_mem>>) src(%dma_wait3A_313 : memref<20000x33xf32, #tpu.memory_space<hbm>>) dst(%arg14 : memref<96x33xf32, #tpu.memory_space<vmem>>)
      %dma_wait3A_314 = arith.constant 0 : i32
      %dma_wait3A_315 = tpu.memref_slice %arg11[%dma_wait3A_314] : memref<576xi32, #tpu.memory_space<vmem>> -> memref<96xi32, #tpu.memory_space<vmem>>
      %dma_wait3A_316 = arith.constant 0 : i32
      %dma_wait3A_317 = arith.constant 0 : i32
      %dma_wait3A_318 = tpu.memref_slice %arg5[%dma_wait3A_316, %dma_wait3A_317] : memref<20000x8xf32, #tpu.memory_space<hbm>> -> memref<20000x8xf32, #tpu.memory_space<hbm>>
      tpu.wait_indirect_dma semaphore(%arg27 : memref<!tpu.dma_semaphore, #tpu.memory_space<semaphore_mem>>) src(%dma_wait3A_318 : memref<20000x8xf32, #tpu.memory_space<hbm>>) dst(%arg17 : memref<96x8xf32, #tpu.memory_space<vmem>>)
      %dma_wait3A_319 = arith.constant 0 : i32
      %dma_wait3A_320 = tpu.memref_slice %arg12[%dma_wait3A_319] : memref<576xi32, #tpu.memory_space<vmem>> -> memref<96xi32, #tpu.memory_space<vmem>>
      %dma_wait3A_321 = arith.constant 0 : i32
      %dma_wait3A_322 = arith.constant 0 : i32
      %dma_wait3A_323 = tpu.memref_slice %arg5[%dma_wait3A_321, %dma_wait3A_322] : memref<20000x8xf32, #tpu.memory_space<hbm>> -> memref<20000x8xf32, #tpu.memory_space<hbm>>
      tpu.wait_indirect_dma semaphore(%arg27 : memref<!tpu.dma_semaphore, #tpu.memory_space<semaphore_mem>>) src(%dma_wait3A_323 : memref<20000x8xf32, #tpu.memory_space<hbm>>) dst(%arg20 : memref<96x8xf32, #tpu.memory_space<vmem>>)
      %ge3A_324 = arith.constant 1 : i32
      %ge3A_325 = arith.cmpi sge, %scan3A_44, %ge3A_324 : i32
      %convert_element_type3A_326 = arith.extui %ge3A_325 : i1 to i32
      %cond3A_327 = arith.constant 0 : i32
      %cond3A_328 = arith.cmpi ne, %convert_element_type3A_326, %cond3A_327 : i32
      scf.if %cond3A_328 {
        %dma_wait3A_707 = arith.constant 0 : i32
        %dma_wait3A_708 = arith.constant 0 : i32
        %dma_wait3A_709 = tpu.memref_slice %arg9[%dma_wait3A_707, %dma_wait3A_708] : memref<10112x33xf32, #tpu.memory_space<vmem_shared>> -> memref<10112x33xf32, #tpu.memory_space<vmem_shared>>
        tpu.wait_indirect_dma semaphore(%arg31 : memref<!tpu.dma_semaphore, #tpu.memory_space<semaphore_mem>>) src(%arg15 : memref<96x33xf32, #tpu.memory_space<vmem>>) dst(%dma_wait3A_709 : memref<10112x33xf32, #tpu.memory_space<vmem_shared>>)
      } else {
      }
      %mul3A_329 = arith.constant 3 : i32
      %mul3A_330 = arith.muli %mul3A_329, %rem3A_45 : i32
      %add3A_331 = arith.constant 1 : i32
      %add3A_332 = arith.addi %mul3A_330, %add3A_331 : i32
      %add3A_333 = arith.constant 1 : i32
      %add3A_334 = arith.addi %add3A_332, %add3A_333 : i32
      %mul3A_335 = arith.constant 96 : i32
      %mul3A_336 = arith.muli %add3A_334, %mul3A_335 : i32
      %dma_start3A_337 = tpu.memref_slice %arg11[%mul3A_336] : memref<576xi32, #tpu.memory_space<vmem>> -> memref<96xi32, #tpu.memory_space<vmem>>
      %dma_start3A_338 = arith.constant 0 : i32
      %dma_start3A_339 = arith.constant 0 : i32
      %dma_start3A_340 = tpu.memref_slice %arg2[%dma_start3A_338, %dma_start3A_339] : memref<20000x33xf32, #tpu.memory_space<hbm>> -> memref<20000x33xf32, #tpu.memory_space<hbm>>
      tpu.enqueue_indirect_dma source(%dma_start3A_340 : memref<20000x33xf32, #tpu.memory_space<hbm>>) target(%arg15 : memref<96x33xf32, #tpu.memory_space<vmem>>) offsets(%dma_start3A_337 : memref<96xi32, #tpu.memory_space<vmem>>) semaphore(%arg28 : memref<!tpu.dma_semaphore, #tpu.memory_space<semaphore_mem>>)
      %dma_start3A_341 = tpu.memref_slice %arg11[%mul3A_336] : memref<576xi32, #tpu.memory_space<vmem>> -> memref<96xi32, #tpu.memory_space<vmem>>
      %dma_start3A_342 = arith.constant 0 : i32
      %dma_start3A_343 = arith.constant 0 : i32
      %dma_start3A_344 = tpu.memref_slice %arg5[%dma_start3A_342, %dma_start3A_343] : memref<20000x8xf32, #tpu.memory_space<hbm>> -> memref<20000x8xf32, #tpu.memory_space<hbm>>
      tpu.enqueue_indirect_dma source(%dma_start3A_344 : memref<20000x8xf32, #tpu.memory_space<hbm>>) target(%arg18 : memref<96x8xf32, #tpu.memory_space<vmem>>) offsets(%dma_start3A_341 : memref<96xi32, #tpu.memory_space<vmem>>) semaphore(%arg28 : memref<!tpu.dma_semaphore, #tpu.memory_space<semaphore_mem>>)
      %dma_start3A_345 = tpu.memref_slice %arg12[%mul3A_336] : memref<576xi32, #tpu.memory_space<vmem>> -> memref<96xi32, #tpu.memory_space<vmem>>
      %dma_start3A_346 = arith.constant 0 : i32
      %dma_start3A_347 = arith.constant 0 : i32
      %dma_start3A_348 = tpu.memref_slice %arg5[%dma_start3A_346, %dma_start3A_347] : memref<20000x8xf32, #tpu.memory_space<hbm>> -> memref<20000x8xf32, #tpu.memory_space<hbm>>
      tpu.enqueue_indirect_dma source(%dma_start3A_348 : memref<20000x8xf32, #tpu.memory_space<hbm>>) target(%arg21 : memref<96x8xf32, #tpu.memory_space<vmem>>) offsets(%dma_start3A_345 : memref<96xi32, #tpu.memory_space<vmem>>) semaphore(%arg28 : memref<!tpu.dma_semaphore, #tpu.memory_space<semaphore_mem>>)
      %add3A_349 = arith.constant 0 : i32
      %add3A_350 = vector.broadcast %add3A_349 : i32 to vector<16xi32>
      %add3A_351 = arith.addi %iota3A, %add3A_350 : vector<16xi32>
      %broadcast_in_dim3A_352 = arith.constant 0 : i32
      %broadcast_in_dim3A_353 = vector.broadcast %broadcast_in_dim3A_352 : i32 to vector<16xi32>
      %gather3A_354 = tpu.vector_load_idx %arg17[%add3A_351, %broadcast_in_dim3A_353] : memref<96x8xf32, #tpu.memory_space<vmem>>[vector<16xi32>, vector<16xi32>], vector<16xf32>,
      %broadcast_in_dim3A_355 = arith.constant 1 : i32
      %broadcast_in_dim3A_356 = vector.broadcast %broadcast_in_dim3A_355 : i32 to vector<16xi32>
      %gather3A_357 = tpu.vector_load_idx %arg20[%add3A_351, %broadcast_in_dim3A_356] : memref<96x8xf32, #tpu.memory_space<vmem>>[vector<16xi32>, vector<16xi32>], vector<16xf32>,
      %add3A_358 = arith.addf %gather3A_354, %gather3A_357 : vector<16xf32>
      %ge3A_359 = arith.constant 0.000000e+00 : f32
      %ge3A_360 = vector.broadcast %ge3A_359 : f32 to vector<16xf32>
      %ge3A_361 = arith.cmpf oge, %add3A_358, %ge3A_360 : vector<16xf32>
      %mul3A_362 = arith.constant 2.000000e-01 : f32
      %mul3A_363 = vector.broadcast %mul3A_362 : f32 to vector<16xf32>
      %mul3A_364 = arith.mulf %mul3A_363, %add3A_358 : vector<16xf32>
      %select_n3A_365 = arith.select %ge3A_361, %add3A_358, %mul3A_364 : vector<16xi1>, vector<16xf32>
      %sub3A_366 = arith.subf %select_n3A_365, %gather3A : vector<16xf32>
      %exp3A_367 = math.exp %sub3A_366 : vector<16xf32>
      %swap3A_368 = arith.constant 0 : index
      %swap3A_369 = tpu.vector_load %arg25[%swap3A_368] {strides = array<i32>} : memref<96xf32, #tpu.memory_space<vmem>>, vector<16xf32>,
      tpu.vector_store %arg25[%swap3A_368], %exp3A_367 {strides = array<i32>} : memref<96xf32, #tpu.memory_space<vmem>>, vector<16xf32>,
      %broadcast_in_dim3A_370 = arith.constant 32 : i32
      %broadcast_in_dim3A_371 = vector.broadcast %broadcast_in_dim3A_370 : i32 to vector<16xi32>
      tpu.vector_store_idx %arg14[%add3A_351, %broadcast_in_dim3A_371], %exp3A_367 : memref<96x33xf32, #tpu.memory_space<vmem>>[vector<16xi32>, vector<16xi32>], vector<16xf32>,
      %add3A_372 = arith.constant 16 : i32
      %add3A_373 = vector.broadcast %add3A_372 : i32 to vector<16xi32>
      %add3A_374 = arith.addi %iota3A, %add3A_373 : vector<16xi32>
      %broadcast_in_dim3A_375 = arith.constant 0 : i32
      %broadcast_in_dim3A_376 = vector.broadcast %broadcast_in_dim3A_375 : i32 to vector<16xi32>
      %gather3A_377 = tpu.vector_load_idx %arg17[%add3A_374, %broadcast_in_dim3A_376] : memref<96x8xf32, #tpu.memory_space<vmem>>[vector<16xi32>, vector<16xi32>], vector<16xf32>,
      %broadcast_in_dim3A_378 = arith.constant 1 : i32
      %broadcast_in_dim3A_379 = vector.broadcast %broadcast_in_dim3A_378 : i32 to vector<16xi32>
      %gather3A_380 = tpu.vector_load_idx %arg20[%add3A_374, %broadcast_in_dim3A_379] : memref<96x8xf32, #tpu.memory_space<vmem>>[vector<16xi32>, vector<16xi32>], vector<16xf32>,
      %add3A_381 = arith.addf %gather3A_377, %gather3A_380 : vector<16xf32>
      %ge3A_382 = arith.constant 0.000000e+00 : f32
      %ge3A_383 = vector.broadcast %ge3A_382 : f32 to vector<16xf32>
      %ge3A_384 = arith.cmpf oge, %add3A_381, %ge3A_383 : vector<16xf32>
      %mul3A_385 = arith.constant 2.000000e-01 : f32
      %mul3A_386 = vector.broadcast %mul3A_385 : f32 to vector<16xf32>
      %mul3A_387 = arith.mulf %mul3A_386, %add3A_381 : vector<16xf32>
      %select_n3A_388 = arith.select %ge3A_384, %add3A_381, %mul3A_387 : vector<16xi1>, vector<16xf32>
      %sub3A_389 = arith.subf %select_n3A_388, %gather3A : vector<16xf32>
      %exp3A_390 = math.exp %sub3A_389 : vector<16xf32>
      %swap3A_391 = arith.constant 16 : index
      %swap3A_392 = tpu.vector_load %arg25[%swap3A_391] {strides = array<i32>} : memref<96xf32, #tpu.memory_space<vmem>>, vector<16xf32>,
      tpu.vector_store %arg25[%swap3A_391], %exp3A_390 {strides = array<i32>} : memref<96xf32, #tpu.memory_space<vmem>>, vector<16xf32>,
      %broadcast_in_dim3A_393 = arith.constant 32 : i32
      %broadcast_in_dim3A_394 = vector.broadcast %broadcast_in_dim3A_393 : i32 to vector<16xi32>
      tpu.vector_store_idx %arg14[%add3A_374, %broadcast_in_dim3A_394], %exp3A_390 : memref<96x33xf32, #tpu.memory_space<vmem>>[vector<16xi32>, vector<16xi32>], vector<16xf32>,
      %add3A_395 = arith.constant 32 : i32
      %add3A_396 = vector.broadcast %add3A_395 : i32 to vector<16xi32>
      %add3A_397 = arith.addi %iota3A, %add3A_396 : vector<16xi32>
      %broadcast_in_dim3A_398 = arith.constant 0 : i32
      %broadcast_in_dim3A_399 = vector.broadcast %broadcast_in_dim3A_398 : i32 to vector<16xi32>
      %gather3A_400 = tpu.vector_load_idx %arg17[%add3A_397, %broadcast_in_dim3A_399] : memref<96x8xf32, #tpu.memory_space<vmem>>[vector<16xi32>, vector<16xi32>], vector<16xf32>,
      %broadcast_in_dim3A_401 = arith.constant 1 : i32
      %broadcast_in_dim3A_402 = vector.broadcast %broadcast_in_dim3A_401 : i32 to vector<16xi32>
      %gather3A_403 = tpu.vector_load_idx %arg20[%add3A_397, %broadcast_in_dim3A_402] : memref<96x8xf32, #tpu.memory_space<vmem>>[vector<16xi32>, vector<16xi32>], vector<16xf32>,
      %add3A_404 = arith.addf %gather3A_400, %gather3A_403 : vector<16xf32>
      %ge3A_405 = arith.constant 0.000000e+00 : f32
      %ge3A_406 = vector.broadcast %ge3A_405 : f32 to vector<16xf32>
      %ge3A_407 = arith.cmpf oge, %add3A_404, %ge3A_406 : vector<16xf32>
      %mul3A_408 = arith.constant 2.000000e-01 : f32
      %mul3A_409 = vector.broadcast %mul3A_408 : f32 to vector<16xf32>
      %mul3A_410 = arith.mulf %mul3A_409, %add3A_404 : vector<16xf32>
      %select_n3A_411 = arith.select %ge3A_407, %add3A_404, %mul3A_410 : vector<16xi1>, vector<16xf32>
      %sub3A_412 = arith.subf %select_n3A_411, %gather3A : vector<16xf32>
      %exp3A_413 = math.exp %sub3A_412 : vector<16xf32>
      %swap3A_414 = arith.constant 32 : index
      %swap3A_415 = tpu.vector_load %arg25[%swap3A_414] {strides = array<i32>} : memref<96xf32, #tpu.memory_space<vmem>>, vector<16xf32>,
      tpu.vector_store %arg25[%swap3A_414], %exp3A_413 {strides = array<i32>} : memref<96xf32, #tpu.memory_space<vmem>>, vector<16xf32>,
      %broadcast_in_dim3A_416 = arith.constant 32 : i32
      %broadcast_in_dim3A_417 = vector.broadcast %broadcast_in_dim3A_416 : i32 to vector<16xi32>
      tpu.vector_store_idx %arg14[%add3A_397, %broadcast_in_dim3A_417], %exp3A_413 : memref<96x33xf32, #tpu.memory_space<vmem>>[vector<16xi32>, vector<16xi32>], vector<16xf32>,
      %add3A_418 = arith.constant 48 : i32
      %add3A_419 = vector.broadcast %add3A_418 : i32 to vector<16xi32>
      %add3A_420 = arith.addi %iota3A, %add3A_419 : vector<16xi32>
      %broadcast_in_dim3A_421 = arith.constant 0 : i32
      %broadcast_in_dim3A_422 = vector.broadcast %broadcast_in_dim3A_421 : i32 to vector<16xi32>
      %gather3A_423 = tpu.vector_load_idx %arg17[%add3A_420, %broadcast_in_dim3A_422] : memref<96x8xf32, #tpu.memory_space<vmem>>[vector<16xi32>, vector<16xi32>], vector<16xf32>,
      %broadcast_in_dim3A_424 = arith.constant 1 : i32
      %broadcast_in_dim3A_425 = vector.broadcast %broadcast_in_dim3A_424 : i32 to vector<16xi32>
      %gather3A_426 = tpu.vector_load_idx %arg20[%add3A_420, %broadcast_in_dim3A_425] : memref<96x8xf32, #tpu.memory_space<vmem>>[vector<16xi32>, vector<16xi32>], vector<16xf32>,
      %add3A_427 = arith.addf %gather3A_423, %gather3A_426 : vector<16xf32>
      %ge3A_428 = arith.constant 0.000000e+00 : f32
      %ge3A_429 = vector.broadcast %ge3A_428 : f32 to vector<16xf32>
      %ge3A_430 = arith.cmpf oge, %add3A_427, %ge3A_429 : vector<16xf32>
      %mul3A_431 = arith.constant 2.000000e-01 : f32
      %mul3A_432 = vector.broadcast %mul3A_431 : f32 to vector<16xf32>
      %mul3A_433 = arith.mulf %mul3A_432, %add3A_427 : vector<16xf32>
      %select_n3A_434 = arith.select %ge3A_430, %add3A_427, %mul3A_433 : vector<16xi1>, vector<16xf32>
      %sub3A_435 = arith.subf %select_n3A_434, %gather3A : vector<16xf32>
      %exp3A_436 = math.exp %sub3A_435 : vector<16xf32>
      %swap3A_437 = arith.constant 48 : index
      %swap3A_438 = tpu.vector_load %arg25[%swap3A_437] {strides = array<i32>} : memref<96xf32, #tpu.memory_space<vmem>>, vector<16xf32>,
      tpu.vector_store %arg25[%swap3A_437], %exp3A_436 {strides = array<i32>} : memref<96xf32, #tpu.memory_space<vmem>>, vector<16xf32>,
      %broadcast_in_dim3A_439 = arith.constant 32 : i32
      %broadcast_in_dim3A_440 = vector.broadcast %broadcast_in_dim3A_439 : i32 to vector<16xi32>
      tpu.vector_store_idx %arg14[%add3A_420, %broadcast_in_dim3A_440], %exp3A_436 : memref<96x33xf32, #tpu.memory_space<vmem>>[vector<16xi32>, vector<16xi32>], vector<16xf32>,
      %add3A_441 = arith.constant 64 : i32
      %add3A_442 = vector.broadcast %add3A_441 : i32 to vector<16xi32>
      %add3A_443 = arith.addi %iota3A, %add3A_442 : vector<16xi32>
      %broadcast_in_dim3A_444 = arith.constant 0 : i32
      %broadcast_in_dim3A_445 = vector.broadcast %broadcast_in_dim3A_444 : i32 to vector<16xi32>
      %gather3A_446 = tpu.vector_load_idx %arg17[%add3A_443, %broadcast_in_dim3A_445] : memref<96x8xf32, #tpu.memory_space<vmem>>[vector<16xi32>, vector<16xi32>], vector<16xf32>,
      %broadcast_in_dim3A_447 = arith.constant 1 : i32
      %broadcast_in_dim3A_448 = vector.broadcast %broadcast_in_dim3A_447 : i32 to vector<16xi32>
      %gather3A_449 = tpu.vector_load_idx %arg20[%add3A_443, %broadcast_in_dim3A_448] : memref<96x8xf32, #tpu.memory_space<vmem>>[vector<16xi32>, vector<16xi32>], vector<16xf32>,
      %add3A_450 = arith.addf %gather3A_446, %gather3A_449 : vector<16xf32>
      %ge3A_451 = arith.constant 0.000000e+00 : f32
      %ge3A_452 = vector.broadcast %ge3A_451 : f32 to vector<16xf32>
      %ge3A_453 = arith.cmpf oge, %add3A_450, %ge3A_452 : vector<16xf32>
      %mul3A_454 = arith.constant 2.000000e-01 : f32
      %mul3A_455 = vector.broadcast %mul3A_454 : f32 to vector<16xf32>
      %mul3A_456 = arith.mulf %mul3A_455, %add3A_450 : vector<16xf32>
      %select_n3A_457 = arith.select %ge3A_453, %add3A_450, %mul3A_456 : vector<16xi1>, vector<16xf32>
      %sub3A_458 = arith.subf %select_n3A_457, %gather3A : vector<16xf32>
      %exp3A_459 = math.exp %sub3A_458 : vector<16xf32>
      %swap3A_460 = arith.constant 64 : index
      %swap3A_461 = tpu.vector_load %arg25[%swap3A_460] {strides = array<i32>} : memref<96xf32, #tpu.memory_space<vmem>>, vector<16xf32>,
      tpu.vector_store %arg25[%swap3A_460], %exp3A_459 {strides = array<i32>} : memref<96xf32, #tpu.memory_space<vmem>>, vector<16xf32>,
      %broadcast_in_dim3A_462 = arith.constant 32 : i32
      %broadcast_in_dim3A_463 = vector.broadcast %broadcast_in_dim3A_462 : i32 to vector<16xi32>
      tpu.vector_store_idx %arg14[%add3A_443, %broadcast_in_dim3A_463], %exp3A_459 : memref<96x33xf32, #tpu.memory_space<vmem>>[vector<16xi32>, vector<16xi32>], vector<16xf32>,
      %add3A_464 = arith.constant 80 : i32
      %add3A_465 = vector.broadcast %add3A_464 : i32 to vector<16xi32>
      %add3A_466 = arith.addi %iota3A, %add3A_465 : vector<16xi32>
      %broadcast_in_dim3A_467 = arith.constant 0 : i32
      %broadcast_in_dim3A_468 = vector.broadcast %broadcast_in_dim3A_467 : i32 to vector<16xi32>
      %gather3A_469 = tpu.vector_load_idx %arg17[%add3A_466, %broadcast_in_dim3A_468] : memref<96x8xf32, #tpu.memory_space<vmem>>[vector<16xi32>, vector<16xi32>], vector<16xf32>,
      %broadcast_in_dim3A_470 = arith.constant 1 : i32
      %broadcast_in_dim3A_471 = vector.broadcast %broadcast_in_dim3A_470 : i32 to vector<16xi32>
      %gather3A_472 = tpu.vector_load_idx %arg20[%add3A_466, %broadcast_in_dim3A_471] : memref<96x8xf32, #tpu.memory_space<vmem>>[vector<16xi32>, vector<16xi32>], vector<16xf32>,
      %add3A_473 = arith.addf %gather3A_469, %gather3A_472 : vector<16xf32>
      %ge3A_474 = arith.constant 0.000000e+00 : f32
      %ge3A_475 = vector.broadcast %ge3A_474 : f32 to vector<16xf32>
      %ge3A_476 = arith.cmpf oge, %add3A_473, %ge3A_475 : vector<16xf32>
      %mul3A_477 = arith.constant 2.000000e-01 : f32
      %mul3A_478 = vector.broadcast %mul3A_477 : f32 to vector<16xf32>
      %mul3A_479 = arith.mulf %mul3A_478, %add3A_473 : vector<16xf32>
      %select_n3A_480 = arith.select %ge3A_476, %add3A_473, %mul3A_479 : vector<16xi1>, vector<16xf32>
      %sub3A_481 = arith.subf %select_n3A_480, %gather3A : vector<16xf32>
      %exp3A_482 = math.exp %sub3A_481 : vector<16xf32>
      %swap3A_483 = arith.constant 80 : index
      %swap3A_484 = tpu.vector_load %arg25[%swap3A_483] {strides = array<i32>} : memref<96xf32, #tpu.memory_space<vmem>>, vector<16xf32>,
      tpu.vector_store %arg25[%swap3A_483], %exp3A_482 {strides = array<i32>} : memref<96xf32, #tpu.memory_space<vmem>>, vector<16xf32>,
      %broadcast_in_dim3A_485 = arith.constant 32 : i32
      %broadcast_in_dim3A_486 = vector.broadcast %broadcast_in_dim3A_485 : i32 to vector<16xi32>
      tpu.vector_store_idx %arg14[%add3A_466, %broadcast_in_dim3A_486], %exp3A_482 : memref<96x33xf32, #tpu.memory_space<vmem>>[vector<16xi32>, vector<16xi32>], vector<16xf32>,
      %scan3A_487 = arith.constant 0 : i32
      %scan3A_488 = arith.constant 0 : i32
      %scan3A_489 = arith.constant 96 : i32
      %scan3A_490 = arith.addi %scan3A_488, %scan3A_489 : i32
      %scan3A_491 = arith.constant 2 : i32
      scf.for %scan3A_707 = %scan3A_488 to %scan3A_490 step %scan3A_491  : i32 {
        %broadcast_in_dim3A_708 = arith.constant 0 : i32
        %broadcast_in_dim3A_709 = vector.broadcast %broadcast_in_dim3A_708 : i32 to vector<16xi32>
        %add3A_710 = vector.broadcast %scan3A_707 : i32 to vector<16xi32>
        %add3A_711 = arith.addi %broadcast_in_dim3A_709, %add3A_710 : vector<16xi32>
        %gather3A_712 = tpu.vector_load_idx %arg25[%add3A_711] : memref<96xf32, #tpu.memory_space<vmem>>[vector<16xi32>], vector<16xf32>,
        %get3A_713 = arith.index_cast %scan3A_707 : i32 to index
        %get3A_714 = arith.constant 0 : index
        %get3A_715 = tpu.vector_load %arg14[%get3A_713, %get3A_714] {strides = array<i32>} : memref<96x33xf32, #tpu.memory_space<vmem>>, vector<16xf32>,
        %mul3A_716 = arith.mulf %get3A_715, %gather3A_712 : vector<16xf32>
        %swap3A_717 = arith.index_cast %scan3A_707 : i32 to index
        %swap3A_718 = arith.constant 0 : index
        %swap3A_719 = tpu.vector_load %arg14[%swap3A_717, %swap3A_718] {strides = array<i32>} : memref<96x33xf32, #tpu.memory_space<vmem>>, vector<16xf32>,
        tpu.vector_store %arg14[%swap3A_717, %swap3A_718], %mul3A_716 {strides = array<i32>} : memref<96x33xf32, #tpu.memory_space<vmem>>, vector<16xf32>,
        %get3A_720 = arith.index_cast %scan3A_707 : i32 to index
        %get3A_721 = arith.constant 16 : index
        %get3A_722 = tpu.vector_load %arg14[%get3A_720, %get3A_721] {strides = array<i32>} : memref<96x33xf32, #tpu.memory_space<vmem>>, vector<16xf32>,
        %mul3A_723 = arith.mulf %get3A_722, %gather3A_712 : vector<16xf32>
        %swap3A_724 = arith.index_cast %scan3A_707 : i32 to index
        %swap3A_725 = arith.constant 16 : index
        %swap3A_726 = tpu.vector_load %arg14[%swap3A_724, %swap3A_725] {strides = array<i32>} : memref<96x33xf32, #tpu.memory_space<vmem>>, vector<16xf32>,
        tpu.vector_store %arg14[%swap3A_724, %swap3A_725], %mul3A_723 {strides = array<i32>} : memref<96x33xf32, #tpu.memory_space<vmem>>, vector<16xf32>,
        %scan3A_727 = arith.constant 1 : i32
        %scan3A_728 = arith.addi %scan3A_707, %scan3A_727 : i32
        %broadcast_in_dim3A_729 = arith.constant 0 : i32
        %broadcast_in_dim3A_730 = vector.broadcast %broadcast_in_dim3A_729 : i32 to vector<16xi32>
        %add3A_731 = vector.broadcast %scan3A_728 : i32 to vector<16xi32>
        %add3A_732 = arith.addi %broadcast_in_dim3A_730, %add3A_731 : vector<16xi32>
        %gather3A_733 = tpu.vector_load_idx %arg25[%add3A_732] : memref<96xf32, #tpu.memory_space<vmem>>[vector<16xi32>], vector<16xf32>,
        %get3A_734 = arith.index_cast %scan3A_728 : i32 to index
        %get3A_735 = arith.constant 0 : index
        %get3A_736 = tpu.vector_load %arg14[%get3A_734, %get3A_735] {strides = array<i32>} : memref<96x33xf32, #tpu.memory_space<vmem>>, vector<16xf32>,
        %mul3A_737 = arith.mulf %get3A_736, %gather3A_733 : vector<16xf32>
        %swap3A_738 = arith.index_cast %scan3A_728 : i32 to index
        %swap3A_739 = arith.constant 0 : index
        %swap3A_740 = tpu.vector_load %arg14[%swap3A_738, %swap3A_739] {strides = array<i32>} : memref<96x33xf32, #tpu.memory_space<vmem>>, vector<16xf32>,
        tpu.vector_store %arg14[%swap3A_738, %swap3A_739], %mul3A_737 {strides = array<i32>} : memref<96x33xf32, #tpu.memory_space<vmem>>, vector<16xf32>,
        %get3A_741 = arith.index_cast %scan3A_728 : i32 to index
        %get3A_742 = arith.constant 16 : index
        %get3A_743 = tpu.vector_load %arg14[%get3A_741, %get3A_742] {strides = array<i32>} : memref<96x33xf32, #tpu.memory_space<vmem>>, vector<16xf32>,
        %mul3A_744 = arith.mulf %get3A_743, %gather3A_733 : vector<16xf32>
        %swap3A_745 = arith.index_cast %scan3A_728 : i32 to index
        %swap3A_746 = arith.constant 16 : index
        %swap3A_747 = tpu.vector_load %arg14[%swap3A_745, %swap3A_746] {strides = array<i32>} : memref<96x33xf32, #tpu.memory_space<vmem>>, vector<16xf32>,
        tpu.vector_store %arg14[%swap3A_745, %swap3A_746], %mul3A_744 {strides = array<i32>} : memref<96x33xf32, #tpu.memory_space<vmem>>, vector<16xf32>,
      }
      %scan3A_492 = arith.constant 96 : i32
      %dma_start3A_493 = arith.constant 0 : i32
      %dma_start3A_494 = arith.constant 0 : i32
      %dma_start3A_495 = tpu.memref_slice %arg9[%dma_start3A_493, %dma_start3A_494] : memref<10112x33xf32, #tpu.memory_space<vmem_shared>> -> memref<10112x33xf32, #tpu.memory_space<vmem_shared>>
      tpu.enqueue_indirect_dma source(%arg14 : memref<96x33xf32, #tpu.memory_space<vmem>>) target(%dma_start3A_495 : memref<10112x33xf32, #tpu.memory_space<vmem_shared>>) offsets(%arg23 : memref<96xi32, #tpu.memory_space<vmem>>) semaphore(%arg30 : memref<!tpu.dma_semaphore, #tpu.memory_space<semaphore_mem>>) {add = true}
      %mul3A_496 = arith.constant 3 : i32
      %mul3A_497 = arith.muli %mul3A_496, %rem3A_45 : i32
      %add3A_498 = arith.constant 2 : i32
      %add3A_499 = arith.addi %mul3A_497, %add3A_498 : i32
      %mul3A_500 = arith.constant 96 : i32
      %mul3A_501 = arith.muli %add3A_499, %mul3A_500 : i32
      %add3A_502 = arith.constant 0 : i32
      %add3A_503 = arith.addi %mul3A_501, %add3A_502 : i32
      %get3A_504 = arith.index_cast %add3A_503 : i32 to index
      %get3A_505 = tpu.vector_load %arg12[%get3A_504] {strides = array<i32>} : memref<576xi32, #tpu.memory_space<vmem>>, vector<16xi32>,
      %swap3A_506 = arith.constant 0 : index
      %swap3A_507 = tpu.vector_load %arg24[%swap3A_506] {strides = array<i32>} : memref<96xi32, #tpu.memory_space<vmem>>, vector<16xi32>,
      tpu.vector_store %arg24[%swap3A_506], %get3A_505 {strides = array<i32>} : memref<96xi32, #tpu.memory_space<vmem>>, vector<16xi32>,
      %add3A_508 = arith.constant 16 : i32
      %add3A_509 = arith.addi %mul3A_501, %add3A_508 : i32
      %get3A_510 = arith.index_cast %add3A_509 : i32 to index
      %get3A_511 = tpu.vector_load %arg12[%get3A_510] {strides = array<i32>} : memref<576xi32, #tpu.memory_space<vmem>>, vector<16xi32>,
      %swap3A_512 = arith.constant 16 : index
      %swap3A_513 = tpu.vector_load %arg24[%swap3A_512] {strides = array<i32>} : memref<96xi32, #tpu.memory_space<vmem>>, vector<16xi32>,
      tpu.vector_store %arg24[%swap3A_512], %get3A_511 {strides = array<i32>} : memref<96xi32, #tpu.memory_space<vmem>>, vector<16xi32>,
      %add3A_514 = arith.constant 32 : i32
      %add3A_515 = arith.addi %mul3A_501, %add3A_514 : i32
      %get3A_516 = arith.index_cast %add3A_515 : i32 to index
      %get3A_517 = tpu.vector_load %arg12[%get3A_516] {strides = array<i32>} : memref<576xi32, #tpu.memory_space<vmem>>, vector<16xi32>,
      %swap3A_518 = arith.constant 32 : index
      %swap3A_519 = tpu.vector_load %arg24[%swap3A_518] {strides = array<i32>} : memref<96xi32, #tpu.memory_space<vmem>>, vector<16xi32>,
      tpu.vector_store %arg24[%swap3A_518], %get3A_517 {strides = array<i32>} : memref<96xi32, #tpu.memory_space<vmem>>, vector<16xi32>,
      %add3A_520 = arith.constant 48 : i32
      %add3A_521 = arith.addi %mul3A_501, %add3A_520 : i32
      %get3A_522 = arith.index_cast %add3A_521 : i32 to index
      %get3A_523 = tpu.vector_load %arg12[%get3A_522] {strides = array<i32>} : memref<576xi32, #tpu.memory_space<vmem>>, vector<16xi32>,
      %swap3A_524 = arith.constant 48 : index
      %swap3A_525 = tpu.vector_load %arg24[%swap3A_524] {strides = array<i32>} : memref<96xi32, #tpu.memory_space<vmem>>, vector<16xi32>,
      tpu.vector_store %arg24[%swap3A_524], %get3A_523 {strides = array<i32>} : memref<96xi32, #tpu.memory_space<vmem>>, vector<16xi32>,
      %add3A_526 = arith.constant 64 : i32
      %add3A_527 = arith.addi %mul3A_501, %add3A_526 : i32
      %get3A_528 = arith.index_cast %add3A_527 : i32 to index
      %get3A_529 = tpu.vector_load %arg12[%get3A_528] {strides = array<i32>} : memref<576xi32, #tpu.memory_space<vmem>>, vector<16xi32>,
      %swap3A_530 = arith.constant 64 : index
      %swap3A_531 = tpu.vector_load %arg24[%swap3A_530] {strides = array<i32>} : memref<96xi32, #tpu.memory_space<vmem>>, vector<16xi32>,
      tpu.vector_store %arg24[%swap3A_530], %get3A_529 {strides = array<i32>} : memref<96xi32, #tpu.memory_space<vmem>>, vector<16xi32>,
      %add3A_532 = arith.constant 80 : i32
      %add3A_533 = arith.addi %mul3A_501, %add3A_532 : i32
      %get3A_534 = arith.index_cast %add3A_533 : i32 to index
      %get3A_535 = tpu.vector_load %arg12[%get3A_534] {strides = array<i32>} : memref<576xi32, #tpu.memory_space<vmem>>, vector<16xi32>,
      %swap3A_536 = arith.constant 80 : index
      %swap3A_537 = tpu.vector_load %arg24[%swap3A_536] {strides = array<i32>} : memref<96xi32, #tpu.memory_space<vmem>>, vector<16xi32>,
      tpu.vector_store %arg24[%swap3A_536], %get3A_535 {strides = array<i32>} : memref<96xi32, #tpu.memory_space<vmem>>, vector<16xi32>,
      %dma_wait3A_538 = arith.constant 0 : i32
      %dma_wait3A_539 = tpu.memref_slice %arg11[%dma_wait3A_538] : memref<576xi32, #tpu.memory_space<vmem>> -> memref<96xi32, #tpu.memory_space<vmem>>
      %dma_wait3A_540 = arith.constant 0 : i32
      %dma_wait3A_541 = arith.constant 0 : i32
      %dma_wait3A_542 = tpu.memref_slice %arg2[%dma_wait3A_540, %dma_wait3A_541] : memref<20000x33xf32, #tpu.memory_space<hbm>> -> memref<20000x33xf32, #tpu.memory_space<hbm>>
      tpu.wait_indirect_dma semaphore(%arg28 : memref<!tpu.dma_semaphore, #tpu.memory_space<semaphore_mem>>) src(%dma_wait3A_542 : memref<20000x33xf32, #tpu.memory_space<hbm>>) dst(%arg15 : memref<96x33xf32, #tpu.memory_space<vmem>>)
      %dma_wait3A_543 = arith.constant 0 : i32
      %dma_wait3A_544 = tpu.memref_slice %arg11[%dma_wait3A_543] : memref<576xi32, #tpu.memory_space<vmem>> -> memref<96xi32, #tpu.memory_space<vmem>>
      %dma_wait3A_545 = arith.constant 0 : i32
      %dma_wait3A_546 = arith.constant 0 : i32
      %dma_wait3A_547 = tpu.memref_slice %arg5[%dma_wait3A_545, %dma_wait3A_546] : memref<20000x8xf32, #tpu.memory_space<hbm>> -> memref<20000x8xf32, #tpu.memory_space<hbm>>
      tpu.wait_indirect_dma semaphore(%arg28 : memref<!tpu.dma_semaphore, #tpu.memory_space<semaphore_mem>>) src(%dma_wait3A_547 : memref<20000x8xf32, #tpu.memory_space<hbm>>) dst(%arg18 : memref<96x8xf32, #tpu.memory_space<vmem>>)
      %dma_wait3A_548 = arith.constant 0 : i32
      %dma_wait3A_549 = tpu.memref_slice %arg12[%dma_wait3A_548] : memref<576xi32, #tpu.memory_space<vmem>> -> memref<96xi32, #tpu.memory_space<vmem>>
      %dma_wait3A_550 = arith.constant 0 : i32
      %dma_wait3A_551 = arith.constant 0 : i32
      %dma_wait3A_552 = tpu.memref_slice %arg5[%dma_wait3A_550, %dma_wait3A_551] : memref<20000x8xf32, #tpu.memory_space<hbm>> -> memref<20000x8xf32, #tpu.memory_space<hbm>>
      tpu.wait_indirect_dma semaphore(%arg28 : memref<!tpu.dma_semaphore, #tpu.memory_space<semaphore_mem>>) src(%dma_wait3A_552 : memref<20000x8xf32, #tpu.memory_space<hbm>>) dst(%arg21 : memref<96x8xf32, #tpu.memory_space<vmem>>)
      %dma_wait3A_553 = arith.constant 0 : i32
      %dma_wait3A_554 = arith.constant 0 : i32
      %dma_wait3A_555 = tpu.memref_slice %arg9[%dma_wait3A_553, %dma_wait3A_554] : memref<10112x33xf32, #tpu.memory_space<vmem_shared>> -> memref<10112x33xf32, #tpu.memory_space<vmem_shared>>
      tpu.wait_indirect_dma semaphore(%arg29 : memref<!tpu.dma_semaphore, #tpu.memory_space<semaphore_mem>>) src(%arg13 : memref<96x33xf32, #tpu.memory_space<vmem>>) dst(%dma_wait3A_555 : memref<10112x33xf32, #tpu.memory_space<vmem_shared>>)
      %lt3A = arith.constant 69 : i32
      %lt3A_556 = arith.cmpi slt, %scan3A_44, %lt3A : i32
      %convert_element_type3A_557 = arith.extui %lt3A_556 : i1 to i32
      %cond3A_558 = arith.constant 0 : i32
      %cond3A_559 = arith.cmpi ne, %convert_element_type3A_557, %cond3A_558 : i32
      scf.if %cond3A_559 {
        %eq3A = arith.constant 1 : i32
        %eq3A_707 = arith.cmpi eq, %rem3A_45, %eq3A : i32
        %convert_element_type3A_708 = arith.extui %eq3A_707 : i1 to i32
        %cond3A_709 = arith.constant 0 : i32
        %cond3A_710 = arith.cmpi ne, %convert_element_type3A_708, %cond3A_709 : i32
        scf.if %cond3A_710 {
          %add3A_731 = arith.constant 1 : i32
          %add3A_732 = arith.addi %scan3A_44, %add3A_731 : i32
          %jit3A = arith.constant 2 : i32
          %div3A = arith.divsi %add3A_732, %jit3A : i32
          %sign3A = arith.constant 0 : i32
          %sign3A_733 = arith.cmpi sgt, %add3A_732, %sign3A : i32
          %sign3A_734 = arith.extui %sign3A_733 : i1 to i32
          %sign3A_735 = arith.constant 0 : i32
          %sign3A_736 = arith.cmpi slt, %add3A_732, %sign3A_735 : i32
          %sign3A_737 = arith.extui %sign3A_736 : i1 to i32
          %sign3A_738 = arith.subi %sign3A_734, %sign3A_737 : i32
          %sign3A_739 = arith.constant 0 : i32
          %sign3A_740 = arith.cmpi sgt, %jit3A, %sign3A_739 : i32
          %sign3A_741 = arith.extui %sign3A_740 : i1 to i32
          %sign3A_742 = arith.constant 0 : i32
          %sign3A_743 = arith.cmpi slt, %jit3A, %sign3A_742 : i32
          %sign3A_744 = arith.extui %sign3A_743 : i1 to i32
          %sign3A_745 = arith.subi %sign3A_741, %sign3A_744 : i32
          %ne3A = arith.cmpi ne, %sign3A_738, %sign3A_745 : i32
          %rem3A_746 = arith.remsi %add3A_732, %jit3A : i32
          %ne3A_747 = arith.constant 0 : i32
          %ne3A_748 = arith.cmpi ne, %rem3A_746, %ne3A_747 : i32
          %and3A = arith.andi %ne3A, %ne3A_748 : i1
          %sub3A_749 = arith.constant 1 : i32
          %sub3A_750 = arith.subi %div3A, %sub3A_749 : i32
          %select_n3A_751 = arith.select %and3A, %sub3A_750, %div3A : i32
          %mul3A_752 = arith.constant 322560 : i32
          %mul3A_753 = arith.muli %arg0, %mul3A_752 : i32
          %add3A_754 = arith.addi %mul3A_753, %mul3A_0 : i32
          %mul3A_755 = arith.constant 576 : i32
          %mul3A_756 = arith.muli %select_n3A_751, %mul3A_755 : i32
          %add3A_757 = arith.addi %add3A_754, %mul3A_756 : i32
          "tpu.region"() ({
            %run_scoped3A = tpu.sem_alloc : memref<!tpu.dma_semaphore, #tpu.memory_space<semaphore_mem>>
            %dma_start3A_761 = tpu.memref_slice %arg3[%add3A_757] : memref<645120xi32, #tpu.memory_space<hbm>> -> memref<576xi32, #tpu.memory_space<hbm>>
            %dma_start3A_762 = tpu.memref_slice %arg3[%add3A_757] : memref<645120xi32, #tpu.memory_space<hbm>> -> memref<576xi32, #tpu.memory_space<hbm>>
            tpu.enqueue_dma source(%dma_start3A_762 : memref<576xi32, #tpu.memory_space<hbm>>) target(%arg11 : memref<576xi32, #tpu.memory_space<vmem>>) target_semaphore(%run_scoped3A : memref<!tpu.dma_semaphore, #tpu.memory_space<semaphore_mem>>)
            %dma_wait3A_763 = tpu.memref_slice %arg3[%add3A_757] : memref<645120xi32, #tpu.memory_space<hbm>> -> memref<576xi32, #tpu.memory_space<hbm>>
            %dma_wait3A_764 = tpu.memref_slice %arg3[%add3A_757] : memref<645120xi32, #tpu.memory_space<hbm>> -> memref<576xi32, #tpu.memory_space<hbm>>
            tpu.wait_dma2 semaphore(%run_scoped3A : memref<!tpu.dma_semaphore, #tpu.memory_space<semaphore_mem>>) src(%dma_wait3A_764 : memref<576xi32, #tpu.memory_space<hbm>>) dst(%arg11 : memref<576xi32, #tpu.memory_space<vmem>>)
            tpu.yield
          }) : () -> ()
          %mul3A_758 = arith.constant 576 : i32
          %mul3A_759 = arith.muli %select_n3A_751, %mul3A_758 : i32
          %add3A_760 = arith.addi %mul3A_0, %mul3A_759 : i32
          "tpu.region"() ({
            %run_scoped3A = tpu.sem_alloc : memref<!tpu.dma_semaphore, #tpu.memory_space<semaphore_mem>>
            %dma_start3A_761 = tpu.memref_slice %arg4[%add3A_760] : memref<322560xi32, #tpu.memory_space<hbm>> -> memref<576xi32, #tpu.memory_space<hbm>>
            %dma_start3A_762 = tpu.memref_slice %arg4[%add3A_760] : memref<322560xi32, #tpu.memory_space<hbm>> -> memref<576xi32, #tpu.memory_space<hbm>>
            tpu.enqueue_dma source(%dma_start3A_762 : memref<576xi32, #tpu.memory_space<hbm>>) target(%arg12 : memref<576xi32, #tpu.memory_space<vmem>>) target_semaphore(%run_scoped3A : memref<!tpu.dma_semaphore, #tpu.memory_space<semaphore_mem>>)
            %dma_wait3A_763 = tpu.memref_slice %arg4[%add3A_760] : memref<322560xi32, #tpu.memory_space<hbm>> -> memref<576xi32, #tpu.memory_space<hbm>>
            %dma_wait3A_764 = tpu.memref_slice %arg4[%add3A_760] : memref<322560xi32, #tpu.memory_space<hbm>> -> memref<576xi32, #tpu.memory_space<hbm>>
            tpu.wait_dma2 semaphore(%run_scoped3A : memref<!tpu.dma_semaphore, #tpu.memory_space<semaphore_mem>>) src(%dma_wait3A_764 : memref<576xi32, #tpu.memory_space<hbm>>) dst(%arg12 : memref<576xi32, #tpu.memory_space<vmem>>)
            tpu.yield
          }) : () -> ()
        } else {
        }
        %add3A_711 = arith.constant 1 : i32
        %add3A_712 = arith.addi %scan3A_44, %add3A_711 : i32
        %rem3A_713 = arith.constant 2 : i32
        %rem3A_714 = arith.remsi %add3A_712, %rem3A_713 : i32
        %mul3A_715 = arith.constant 3 : i32
        %mul3A_716 = arith.muli %mul3A_715, %rem3A_714 : i32
        %mul3A_717 = arith.constant 96 : i32
        %mul3A_718 = arith.muli %mul3A_716, %mul3A_717 : i32
        %dma_start3A_719 = tpu.memref_slice %arg11[%mul3A_718] : memref<576xi32, #tpu.memory_space<vmem>> -> memref<96xi32, #tpu.memory_space<vmem>>
        %dma_start3A_720 = arith.constant 0 : i32
        %dma_start3A_721 = arith.constant 0 : i32
        %dma_start3A_722 = tpu.memref_slice %arg2[%dma_start3A_720, %dma_start3A_721] : memref<20000x33xf32, #tpu.memory_space<hbm>> -> memref<20000x33xf32, #tpu.memory_space<hbm>>
        tpu.enqueue_indirect_dma source(%dma_start3A_722 : memref<20000x33xf32, #tpu.memory_space<hbm>>) target(%arg13 : memref<96x33xf32, #tpu.memory_space<vmem>>) offsets(%dma_start3A_719 : memref<96xi32, #tpu.memory_space<vmem>>) semaphore(%arg26 : memref<!tpu.dma_semaphore, #tpu.memory_space<semaphore_mem>>)
        %dma_start3A_723 = tpu.memref_slice %arg11[%mul3A_718] : memref<576xi32, #tpu.memory_space<vmem>> -> memref<96xi32, #tpu.memory_space<vmem>>
        %dma_start3A_724 = arith.constant 0 : i32
        %dma_start3A_725 = arith.constant 0 : i32
        %dma_start3A_726 = tpu.memref_slice %arg5[%dma_start3A_724, %dma_start3A_725] : memref<20000x8xf32, #tpu.memory_space<hbm>> -> memref<20000x8xf32, #tpu.memory_space<hbm>>
        tpu.enqueue_indirect_dma source(%dma_start3A_726 : memref<20000x8xf32, #tpu.memory_space<hbm>>) target(%arg16 : memref<96x8xf32, #tpu.memory_space<vmem>>) offsets(%dma_start3A_723 : memref<96xi32, #tpu.memory_space<vmem>>) semaphore(%arg26 : memref<!tpu.dma_semaphore, #tpu.memory_space<semaphore_mem>>)
        %dma_start3A_727 = tpu.memref_slice %arg12[%mul3A_718] : memref<576xi32, #tpu.memory_space<vmem>> -> memref<96xi32, #tpu.memory_space<vmem>>
        %dma_start3A_728 = arith.constant 0 : i32
        %dma_start3A_729 = arith.constant 0 : i32
        %dma_start3A_730 = tpu.memref_slice %arg5[%dma_start3A_728, %dma_start3A_729] : memref<20000x8xf32, #tpu.memory_space<hbm>> -> memref<20000x8xf32, #tpu.memory_space<hbm>>
        tpu.enqueue_indirect_dma source(%dma_start3A_730 : memref<20000x8xf32, #tpu.memory_space<hbm>>) target(%arg19 : memref<96x8xf32, #tpu.memory_space<vmem>>) offsets(%dma_start3A_727 : memref<96xi32, #tpu.memory_space<vmem>>) semaphore(%arg26 : memref<!tpu.dma_semaphore, #tpu.memory_space<semaphore_mem>>)
      } else {
      }
      %add3A_560 = arith.constant 0 : i32
      %add3A_561 = vector.broadcast %add3A_560 : i32 to vector<16xi32>
      %add3A_562 = arith.addi %iota3A, %add3A_561 : vector<16xi32>
      %broadcast_in_dim3A_563 = arith.constant 0 : i32
      %broadcast_in_dim3A_564 = vector.broadcast %broadcast_in_dim3A_563 : i32 to vector<16xi32>
      %gather3A_565 = tpu.vector_load_idx %arg18[%add3A_562, %broadcast_in_dim3A_564] : memref<96x8xf32, #tpu.memory_space<vmem>>[vector<16xi32>, vector<16xi32>], vector<16xf32>,
      %broadcast_in_dim3A_566 = arith.constant 1 : i32
      %broadcast_in_dim3A_567 = vector.broadcast %broadcast_in_dim3A_566 : i32 to vector<16xi32>
      %gather3A_568 = tpu.vector_load_idx %arg21[%add3A_562, %broadcast_in_dim3A_567] : memref<96x8xf32, #tpu.memory_space<vmem>>[vector<16xi32>, vector<16xi32>], vector<16xf32>,
      %add3A_569 = arith.addf %gather3A_565, %gather3A_568 : vector<16xf32>
      %ge3A_570 = arith.constant 0.000000e+00 : f32
      %ge3A_571 = vector.broadcast %ge3A_570 : f32 to vector<16xf32>
      %ge3A_572 = arith.cmpf oge, %add3A_569, %ge3A_571 : vector<16xf32>
      %mul3A_573 = arith.constant 2.000000e-01 : f32
      %mul3A_574 = vector.broadcast %mul3A_573 : f32 to vector<16xf32>
      %mul3A_575 = arith.mulf %mul3A_574, %add3A_569 : vector<16xf32>
      %select_n3A_576 = arith.select %ge3A_572, %add3A_569, %mul3A_575 : vector<16xi1>, vector<16xf32>
      %sub3A_577 = arith.subf %select_n3A_576, %gather3A : vector<16xf32>
      %exp3A_578 = math.exp %sub3A_577 : vector<16xf32>
      %swap3A_579 = arith.constant 0 : index
      %swap3A_580 = tpu.vector_load %arg25[%swap3A_579] {strides = array<i32>} : memref<96xf32, #tpu.memory_space<vmem>>, vector<16xf32>,
      tpu.vector_store %arg25[%swap3A_579], %exp3A_578 {strides = array<i32>} : memref<96xf32, #tpu.memory_space<vmem>>, vector<16xf32>,
      %broadcast_in_dim3A_581 = arith.constant 32 : i32
      %broadcast_in_dim3A_582 = vector.broadcast %broadcast_in_dim3A_581 : i32 to vector<16xi32>
      tpu.vector_store_idx %arg15[%add3A_562, %broadcast_in_dim3A_582], %exp3A_578 : memref<96x33xf32, #tpu.memory_space<vmem>>[vector<16xi32>, vector<16xi32>], vector<16xf32>,
      %add3A_583 = arith.constant 16 : i32
      %add3A_584 = vector.broadcast %add3A_583 : i32 to vector<16xi32>
      %add3A_585 = arith.addi %iota3A, %add3A_584 : vector<16xi32>
      %broadcast_in_dim3A_586 = arith.constant 0 : i32
      %broadcast_in_dim3A_587 = vector.broadcast %broadcast_in_dim3A_586 : i32 to vector<16xi32>
      %gather3A_588 = tpu.vector_load_idx %arg18[%add3A_585, %broadcast_in_dim3A_587] : memref<96x8xf32, #tpu.memory_space<vmem>>[vector<16xi32>, vector<16xi32>], vector<16xf32>,
      %broadcast_in_dim3A_589 = arith.constant 1 : i32
      %broadcast_in_dim3A_590 = vector.broadcast %broadcast_in_dim3A_589 : i32 to vector<16xi32>
      %gather3A_591 = tpu.vector_load_idx %arg21[%add3A_585, %broadcast_in_dim3A_590] : memref<96x8xf32, #tpu.memory_space<vmem>>[vector<16xi32>, vector<16xi32>], vector<16xf32>,
      %add3A_592 = arith.addf %gather3A_588, %gather3A_591 : vector<16xf32>
      %ge3A_593 = arith.constant 0.000000e+00 : f32
      %ge3A_594 = vector.broadcast %ge3A_593 : f32 to vector<16xf32>
      %ge3A_595 = arith.cmpf oge, %add3A_592, %ge3A_594 : vector<16xf32>
      %mul3A_596 = arith.constant 2.000000e-01 : f32
      %mul3A_597 = vector.broadcast %mul3A_596 : f32 to vector<16xf32>
      %mul3A_598 = arith.mulf %mul3A_597, %add3A_592 : vector<16xf32>
      %select_n3A_599 = arith.select %ge3A_595, %add3A_592, %mul3A_598 : vector<16xi1>, vector<16xf32>
      %sub3A_600 = arith.subf %select_n3A_599, %gather3A : vector<16xf32>
      %exp3A_601 = math.exp %sub3A_600 : vector<16xf32>
      %swap3A_602 = arith.constant 16 : index
      %swap3A_603 = tpu.vector_load %arg25[%swap3A_602] {strides = array<i32>} : memref<96xf32, #tpu.memory_space<vmem>>, vector<16xf32>,
      tpu.vector_store %arg25[%swap3A_602], %exp3A_601 {strides = array<i32>} : memref<96xf32, #tpu.memory_space<vmem>>, vector<16xf32>,
      %broadcast_in_dim3A_604 = arith.constant 32 : i32
      %broadcast_in_dim3A_605 = vector.broadcast %broadcast_in_dim3A_604 : i32 to vector<16xi32>
      tpu.vector_store_idx %arg15[%add3A_585, %broadcast_in_dim3A_605], %exp3A_601 : memref<96x33xf32, #tpu.memory_space<vmem>>[vector<16xi32>, vector<16xi32>], vector<16xf32>,
      %add3A_606 = arith.constant 32 : i32
      %add3A_607 = vector.broadcast %add3A_606 : i32 to vector<16xi32>
      %add3A_608 = arith.addi %iota3A, %add3A_607 : vector<16xi32>
      %broadcast_in_dim3A_609 = arith.constant 0 : i32
      %broadcast_in_dim3A_610 = vector.broadcast %broadcast_in_dim3A_609 : i32 to vector<16xi32>
      %gather3A_611 = tpu.vector_load_idx %arg18[%add3A_608, %broadcast_in_dim3A_610] : memref<96x8xf32, #tpu.memory_space<vmem>>[vector<16xi32>, vector<16xi32>], vector<16xf32>,
      %broadcast_in_dim3A_612 = arith.constant 1 : i32
      %broadcast_in_dim3A_613 = vector.broadcast %broadcast_in_dim3A_612 : i32 to vector<16xi32>
      %gather3A_614 = tpu.vector_load_idx %arg21[%add3A_608, %broadcast_in_dim3A_613] : memref<96x8xf32, #tpu.memory_space<vmem>>[vector<16xi32>, vector<16xi32>], vector<16xf32>,
      %add3A_615 = arith.addf %gather3A_611, %gather3A_614 : vector<16xf32>
      %ge3A_616 = arith.constant 0.000000e+00 : f32
      %ge3A_617 = vector.broadcast %ge3A_616 : f32 to vector<16xf32>
      %ge3A_618 = arith.cmpf oge, %add3A_615, %ge3A_617 : vector<16xf32>
      %mul3A_619 = arith.constant 2.000000e-01 : f32
      %mul3A_620 = vector.broadcast %mul3A_619 : f32 to vector<16xf32>
      %mul3A_621 = arith.mulf %mul3A_620, %add3A_615 : vector<16xf32>
      %select_n3A_622 = arith.select %ge3A_618, %add3A_615, %mul3A_621 : vector<16xi1>, vector<16xf32>
      %sub3A_623 = arith.subf %select_n3A_622, %gather3A : vector<16xf32>
      %exp3A_624 = math.exp %sub3A_623 : vector<16xf32>
      %swap3A_625 = arith.constant 32 : index
      %swap3A_626 = tpu.vector_load %arg25[%swap3A_625] {strides = array<i32>} : memref<96xf32, #tpu.memory_space<vmem>>, vector<16xf32>,
      tpu.vector_store %arg25[%swap3A_625], %exp3A_624 {strides = array<i32>} : memref<96xf32, #tpu.memory_space<vmem>>, vector<16xf32>,
      %broadcast_in_dim3A_627 = arith.constant 32 : i32
      %broadcast_in_dim3A_628 = vector.broadcast %broadcast_in_dim3A_627 : i32 to vector<16xi32>
      tpu.vector_store_idx %arg15[%add3A_608, %broadcast_in_dim3A_628], %exp3A_624 : memref<96x33xf32, #tpu.memory_space<vmem>>[vector<16xi32>, vector<16xi32>], vector<16xf32>,
      %add3A_629 = arith.constant 48 : i32
      %add3A_630 = vector.broadcast %add3A_629 : i32 to vector<16xi32>
      %add3A_631 = arith.addi %iota3A, %add3A_630 : vector<16xi32>
      %broadcast_in_dim3A_632 = arith.constant 0 : i32
      %broadcast_in_dim3A_633 = vector.broadcast %broadcast_in_dim3A_632 : i32 to vector<16xi32>
      %gather3A_634 = tpu.vector_load_idx %arg18[%add3A_631, %broadcast_in_dim3A_633] : memref<96x8xf32, #tpu.memory_space<vmem>>[vector<16xi32>, vector<16xi32>], vector<16xf32>,
      %broadcast_in_dim3A_635 = arith.constant 1 : i32
      %broadcast_in_dim3A_636 = vector.broadcast %broadcast_in_dim3A_635 : i32 to vector<16xi32>
      %gather3A_637 = tpu.vector_load_idx %arg21[%add3A_631, %broadcast_in_dim3A_636] : memref<96x8xf32, #tpu.memory_space<vmem>>[vector<16xi32>, vector<16xi32>], vector<16xf32>,
      %add3A_638 = arith.addf %gather3A_634, %gather3A_637 : vector<16xf32>
      %ge3A_639 = arith.constant 0.000000e+00 : f32
      %ge3A_640 = vector.broadcast %ge3A_639 : f32 to vector<16xf32>
      %ge3A_641 = arith.cmpf oge, %add3A_638, %ge3A_640 : vector<16xf32>
      %mul3A_642 = arith.constant 2.000000e-01 : f32
      %mul3A_643 = vector.broadcast %mul3A_642 : f32 to vector<16xf32>
      %mul3A_644 = arith.mulf %mul3A_643, %add3A_638 : vector<16xf32>
      %select_n3A_645 = arith.select %ge3A_641, %add3A_638, %mul3A_644 : vector<16xi1>, vector<16xf32>
      %sub3A_646 = arith.subf %select_n3A_645, %gather3A : vector<16xf32>
      %exp3A_647 = math.exp %sub3A_646 : vector<16xf32>
      %swap3A_648 = arith.constant 48 : index
      %swap3A_649 = tpu.vector_load %arg25[%swap3A_648] {strides = array<i32>} : memref<96xf32, #tpu.memory_space<vmem>>, vector<16xf32>,
      tpu.vector_store %arg25[%swap3A_648], %exp3A_647 {strides = array<i32>} : memref<96xf32, #tpu.memory_space<vmem>>, vector<16xf32>,
      %broadcast_in_dim3A_650 = arith.constant 32 : i32
      %broadcast_in_dim3A_651 = vector.broadcast %broadcast_in_dim3A_650 : i32 to vector<16xi32>
      tpu.vector_store_idx %arg15[%add3A_631, %broadcast_in_dim3A_651], %exp3A_647 : memref<96x33xf32, #tpu.memory_space<vmem>>[vector<16xi32>, vector<16xi32>], vector<16xf32>,
      %add3A_652 = arith.constant 64 : i32
      %add3A_653 = vector.broadcast %add3A_652 : i32 to vector<16xi32>
      %add3A_654 = arith.addi %iota3A, %add3A_653 : vector<16xi32>
      %broadcast_in_dim3A_655 = arith.constant 0 : i32
      %broadcast_in_dim3A_656 = vector.broadcast %broadcast_in_dim3A_655 : i32 to vector<16xi32>
      %gather3A_657 = tpu.vector_load_idx %arg18[%add3A_654, %broadcast_in_dim3A_656] : memref<96x8xf32, #tpu.memory_space<vmem>>[vector<16xi32>, vector<16xi32>], vector<16xf32>,
      %broadcast_in_dim3A_658 = arith.constant 1 : i32
      %broadcast_in_dim3A_659 = vector.broadcast %broadcast_in_dim3A_658 : i32 to vector<16xi32>
      %gather3A_660 = tpu.vector_load_idx %arg21[%add3A_654, %broadcast_in_dim3A_659] : memref<96x8xf32, #tpu.memory_space<vmem>>[vector<16xi32>, vector<16xi32>], vector<16xf32>,
      %add3A_661 = arith.addf %gather3A_657, %gather3A_660 : vector<16xf32>
      %ge3A_662 = arith.constant 0.000000e+00 : f32
      %ge3A_663 = vector.broadcast %ge3A_662 : f32 to vector<16xf32>
      %ge3A_664 = arith.cmpf oge, %add3A_661, %ge3A_663 : vector<16xf32>
      %mul3A_665 = arith.constant 2.000000e-01 : f32
      %mul3A_666 = vector.broadcast %mul3A_665 : f32 to vector<16xf32>
      %mul3A_667 = arith.mulf %mul3A_666, %add3A_661 : vector<16xf32>
      %select_n3A_668 = arith.select %ge3A_664, %add3A_661, %mul3A_667 : vector<16xi1>, vector<16xf32>
      %sub3A_669 = arith.subf %select_n3A_668, %gather3A : vector<16xf32>
      %exp3A_670 = math.exp %sub3A_669 : vector<16xf32>
      %swap3A_671 = arith.constant 64 : index
      %swap3A_672 = tpu.vector_load %arg25[%swap3A_671] {strides = array<i32>} : memref<96xf32, #tpu.memory_space<vmem>>, vector<16xf32>,
      tpu.vector_store %arg25[%swap3A_671], %exp3A_670 {strides = array<i32>} : memref<96xf32, #tpu.memory_space<vmem>>, vector<16xf32>,
      %broadcast_in_dim3A_673 = arith.constant 32 : i32
      %broadcast_in_dim3A_674 = vector.broadcast %broadcast_in_dim3A_673 : i32 to vector<16xi32>
      tpu.vector_store_idx %arg15[%add3A_654, %broadcast_in_dim3A_674], %exp3A_670 : memref<96x33xf32, #tpu.memory_space<vmem>>[vector<16xi32>, vector<16xi32>], vector<16xf32>,
      %add3A_675 = arith.constant 80 : i32
      %add3A_676 = vector.broadcast %add3A_675 : i32 to vector<16xi32>
      %add3A_677 = arith.addi %iota3A, %add3A_676 : vector<16xi32>
      %broadcast_in_dim3A_678 = arith.constant 0 : i32
      %broadcast_in_dim3A_679 = vector.broadcast %broadcast_in_dim3A_678 : i32 to vector<16xi32>
      %gather3A_680 = tpu.vector_load_idx %arg18[%add3A_677, %broadcast_in_dim3A_679] : memref<96x8xf32, #tpu.memory_space<vmem>>[vector<16xi32>, vector<16xi32>], vector<16xf32>,
      %broadcast_in_dim3A_681 = arith.constant 1 : i32
      %broadcast_in_dim3A_682 = vector.broadcast %broadcast_in_dim3A_681 : i32 to vector<16xi32>
      %gather3A_683 = tpu.vector_load_idx %arg21[%add3A_677, %broadcast_in_dim3A_682] : memref<96x8xf32, #tpu.memory_space<vmem>>[vector<16xi32>, vector<16xi32>], vector<16xf32>,
      %add3A_684 = arith.addf %gather3A_680, %gather3A_683 : vector<16xf32>
      %ge3A_685 = arith.constant 0.000000e+00 : f32
      %ge3A_686 = vector.broadcast %ge3A_685 : f32 to vector<16xf32>
      %ge3A_687 = arith.cmpf oge, %add3A_684, %ge3A_686 : vector<16xf32>
      %mul3A_688 = arith.constant 2.000000e-01 : f32
      %mul3A_689 = vector.broadcast %mul3A_688 : f32 to vector<16xf32>
      %mul3A_690 = arith.mulf %mul3A_689, %add3A_684 : vector<16xf32>
      %select_n3A_691 = arith.select %ge3A_687, %add3A_684, %mul3A_690 : vector<16xi1>, vector<16xf32>
      %sub3A_692 = arith.subf %select_n3A_691, %gather3A : vector<16xf32>
      %exp3A_693 = math.exp %sub3A_692 : vector<16xf32>
      %swap3A_694 = arith.constant 80 : index
      %swap3A_695 = tpu.vector_load %arg25[%swap3A_694] {strides = array<i32>} : memref<96xf32, #tpu.memory_space<vmem>>, vector<16xf32>,
      tpu.vector_store %arg25[%swap3A_694], %exp3A_693 {strides = array<i32>} : memref<96xf32, #tpu.memory_space<vmem>>, vector<16xf32>,
      %broadcast_in_dim3A_696 = arith.constant 32 : i32
      %broadcast_in_dim3A_697 = vector.broadcast %broadcast_in_dim3A_696 : i32 to vector<16xi32>
      tpu.vector_store_idx %arg15[%add3A_677, %broadcast_in_dim3A_697], %exp3A_693 : memref<96x33xf32, #tpu.memory_space<vmem>>[vector<16xi32>, vector<16xi32>], vector<16xf32>,
      %scan3A_698 = arith.constant 0 : i32
      %scan3A_699 = arith.constant 0 : i32
      %scan3A_700 = arith.constant 96 : i32
      %scan3A_701 = arith.addi %scan3A_699, %scan3A_700 : i32
      %scan3A_702 = arith.constant 2 : i32
      scf.for %scan3A_707 = %scan3A_699 to %scan3A_701 step %scan3A_702  : i32 {
        %broadcast_in_dim3A_708 = arith.constant 0 : i32
        %broadcast_in_dim3A_709 = vector.broadcast %broadcast_in_dim3A_708 : i32 to vector<16xi32>
        %add3A_710 = vector.broadcast %scan3A_707 : i32 to vector<16xi32>
        %add3A_711 = arith.addi %broadcast_in_dim3A_709, %add3A_710 : vector<16xi32>
        %gather3A_712 = tpu.vector_load_idx %arg25[%add3A_711] : memref<96xf32, #tpu.memory_space<vmem>>[vector<16xi32>], vector<16xf32>,
        %get3A_713 = arith.index_cast %scan3A_707 : i32 to index
        %get3A_714 = arith.constant 0 : index
        %get3A_715 = tpu.vector_load %arg15[%get3A_713, %get3A_714] {strides = array<i32>} : memref<96x33xf32, #tpu.memory_space<vmem>>, vector<16xf32>,
        %mul3A_716 = arith.mulf %get3A_715, %gather3A_712 : vector<16xf32>
        %swap3A_717 = arith.index_cast %scan3A_707 : i32 to index
        %swap3A_718 = arith.constant 0 : index
        %swap3A_719 = tpu.vector_load %arg15[%swap3A_717, %swap3A_718] {strides = array<i32>} : memref<96x33xf32, #tpu.memory_space<vmem>>, vector<16xf32>,
        tpu.vector_store %arg15[%swap3A_717, %swap3A_718], %mul3A_716 {strides = array<i32>} : memref<96x33xf32, #tpu.memory_space<vmem>>, vector<16xf32>,
        %get3A_720 = arith.index_cast %scan3A_707 : i32 to index
        %get3A_721 = arith.constant 16 : index
        %get3A_722 = tpu.vector_load %arg15[%get3A_720, %get3A_721] {strides = array<i32>} : memref<96x33xf32, #tpu.memory_space<vmem>>, vector<16xf32>,
        %mul3A_723 = arith.mulf %get3A_722, %gather3A_712 : vector<16xf32>
        %swap3A_724 = arith.index_cast %scan3A_707 : i32 to index
        %swap3A_725 = arith.constant 16 : index
        %swap3A_726 = tpu.vector_load %arg15[%swap3A_724, %swap3A_725] {strides = array<i32>} : memref<96x33xf32, #tpu.memory_space<vmem>>, vector<16xf32>,
        tpu.vector_store %arg15[%swap3A_724, %swap3A_725], %mul3A_723 {strides = array<i32>} : memref<96x33xf32, #tpu.memory_space<vmem>>, vector<16xf32>,
        %scan3A_727 = arith.constant 1 : i32
        %scan3A_728 = arith.addi %scan3A_707, %scan3A_727 : i32
        %broadcast_in_dim3A_729 = arith.constant 0 : i32
        %broadcast_in_dim3A_730 = vector.broadcast %broadcast_in_dim3A_729 : i32 to vector<16xi32>
        %add3A_731 = vector.broadcast %scan3A_728 : i32 to vector<16xi32>
        %add3A_732 = arith.addi %broadcast_in_dim3A_730, %add3A_731 : vector<16xi32>
        %gather3A_733 = tpu.vector_load_idx %arg25[%add3A_732] : memref<96xf32, #tpu.memory_space<vmem>>[vector<16xi32>], vector<16xf32>,
        %get3A_734 = arith.index_cast %scan3A_728 : i32 to index
        %get3A_735 = arith.constant 0 : index
        %get3A_736 = tpu.vector_load %arg15[%get3A_734, %get3A_735] {strides = array<i32>} : memref<96x33xf32, #tpu.memory_space<vmem>>, vector<16xf32>,
        %mul3A_737 = arith.mulf %get3A_736, %gather3A_733 : vector<16xf32>
        %swap3A_738 = arith.index_cast %scan3A_728 : i32 to index
        %swap3A_739 = arith.constant 0 : index
        %swap3A_740 = tpu.vector_load %arg15[%swap3A_738, %swap3A_739] {strides = array<i32>} : memref<96x33xf32, #tpu.memory_space<vmem>>, vector<16xf32>,
        tpu.vector_store %arg15[%swap3A_738, %swap3A_739], %mul3A_737 {strides = array<i32>} : memref<96x33xf32, #tpu.memory_space<vmem>>, vector<16xf32>,
        %get3A_741 = arith.index_cast %scan3A_728 : i32 to index
        %get3A_742 = arith.constant 16 : index
        %get3A_743 = tpu.vector_load %arg15[%get3A_741, %get3A_742] {strides = array<i32>} : memref<96x33xf32, #tpu.memory_space<vmem>>, vector<16xf32>,
        %mul3A_744 = arith.mulf %get3A_743, %gather3A_733 : vector<16xf32>
        %swap3A_745 = arith.index_cast %scan3A_728 : i32 to index
        %swap3A_746 = arith.constant 16 : index
        %swap3A_747 = tpu.vector_load %arg15[%swap3A_745, %swap3A_746] {strides = array<i32>} : memref<96x33xf32, #tpu.memory_space<vmem>>, vector<16xf32>,
        tpu.vector_store %arg15[%swap3A_745, %swap3A_746], %mul3A_744 {strides = array<i32>} : memref<96x33xf32, #tpu.memory_space<vmem>>, vector<16xf32>,
      }
      %scan3A_703 = arith.constant 96 : i32
      %dma_start3A_704 = arith.constant 0 : i32
      %dma_start3A_705 = arith.constant 0 : i32
      %dma_start3A_706 = tpu.memref_slice %arg9[%dma_start3A_704, %dma_start3A_705] : memref<10112x33xf32, #tpu.memory_space<vmem_shared>> -> memref<10112x33xf32, #tpu.memory_space<vmem_shared>>
      tpu.enqueue_indirect_dma source(%arg15 : memref<96x33xf32, #tpu.memory_space<vmem>>) target(%dma_start3A_706 : memref<10112x33xf32, #tpu.memory_space<vmem_shared>>) offsets(%arg24 : memref<96xi32, #tpu.memory_space<vmem>>) semaphore(%arg31 : memref<!tpu.dma_semaphore, #tpu.memory_space<semaphore_mem>>) {add = true}
    }
    %scan3A_30 = arith.constant 70 : i32
    %dma_wait3A = arith.constant 0 : i32
    %dma_wait3A_31 = arith.constant 0 : i32
    %dma_wait3A_32 = tpu.memref_slice %arg9[%dma_wait3A, %dma_wait3A_31] : memref<10112x33xf32, #tpu.memory_space<vmem_shared>> -> memref<10112x33xf32, #tpu.memory_space<vmem_shared>>
    tpu.wait_indirect_dma semaphore(%arg30 : memref<!tpu.dma_semaphore, #tpu.memory_space<semaphore_mem>>) src(%arg14 : memref<96x33xf32, #tpu.memory_space<vmem>>) dst(%dma_wait3A_32 : memref<10112x33xf32, #tpu.memory_space<vmem_shared>>)
    %dma_wait3A_33 = arith.constant 0 : i32
    %dma_wait3A_34 = arith.constant 0 : i32
    %dma_wait3A_35 = tpu.memref_slice %arg9[%dma_wait3A_33, %dma_wait3A_34] : memref<10112x33xf32, #tpu.memory_space<vmem_shared>> -> memref<10112x33xf32, #tpu.memory_space<vmem_shared>>
    tpu.wait_indirect_dma semaphore(%arg31 : memref<!tpu.dma_semaphore, #tpu.memory_space<semaphore_mem>>) src(%arg15 : memref<96x33xf32, #tpu.memory_space<vmem>>) dst(%dma_wait3A_35 : memref<10112x33xf32, #tpu.memory_space<vmem_shared>>)
    %barrier3A_36 = arith.constant 0 : index
    tpu.barrier barrier_id(%barrier3A_36)
    %mul3A_37 = arith.constant 632 : i32
    %mul3A_38 = arith.muli %arg1, %mul3A_37 : i32
    %mul3A_39 = arith.constant 10112 : i32
    %mul3A_40 = arith.muli %arg0, %mul3A_39 : i32
    %mul3A_41 = arith.constant 632 : i32
    %mul3A_42 = arith.muli %arg1, %mul3A_41 : i32
    %add3A_43 = arith.addi %mul3A_40, %mul3A_42 : i32
    "tpu.region"() ({
      %run_scoped3A = tpu.sem_alloc : memref<!tpu.dma_semaphore, #tpu.memory_space<semaphore_mem>>
      %dma_start3A_44 = arith.constant 0 : i32
      %dma_start3A_45 = tpu.memref_slice %arg8[%add3A_43, %dma_start3A_44] : memref<20224x33xf32, #tpu.memory_space<hbm>> -> memref<632x33xf32, #tpu.memory_space<hbm>>
      %dma_start3A_46 = arith.constant 0 : i32
      %dma_start3A_47 = tpu.memref_slice %arg9[%mul3A_38, %dma_start3A_46] : memref<10112x33xf32, #tpu.memory_space<vmem_shared>> -> memref<632x33xf32, #tpu.memory_space<vmem_shared>>
      tpu.enqueue_dma source(%dma_start3A_47 : memref<632x33xf32, #tpu.memory_space<vmem_shared>>) target(%dma_start3A_45 : memref<632x33xf32, #tpu.memory_space<hbm>>) target_semaphore(%run_scoped3A : memref<!tpu.dma_semaphore, #tpu.memory_space<semaphore_mem>>)
      %dma_wait3A_48 = arith.constant 0 : i32
      %dma_wait3A_49 = tpu.memref_slice %arg8[%add3A_43, %dma_wait3A_48] : memref<20224x33xf32, #tpu.memory_space<hbm>> -> memref<632x33xf32, #tpu.memory_space<hbm>>
      %dma_wait3A_50 = arith.constant 0 : i32
      %dma_wait3A_51 = tpu.memref_slice %arg9[%mul3A_38, %dma_wait3A_50] : memref<10112x33xf32, #tpu.memory_space<vmem_shared>> -> memref<632x33xf32, #tpu.memory_space<vmem_shared>>
      tpu.wait_dma2 semaphore(%run_scoped3A : memref<!tpu.dma_semaphore, #tpu.memory_space<semaphore_mem>>) src(%dma_wait3A_51 : memref<632x33xf32, #tpu.memory_space<vmem_shared>>) dst(%dma_wait3A_49 : memref<632x33xf32, #tpu.memory_space<hbm>>)
      tpu.yield
    }) : () -> ()
    return
  }
}

module attributes {stable_mosaic.version = 14 : i64} {
  func.func @body(%arg0: i32, %arg1: memref<2000x128xf32, #tpu.memory_space<vmem>>, %arg2: memref<128x256xf32, #tpu.memory_space<vmem>>, %arg3: memref<8x128xf32, #tpu.memory_space<vmem>>, %arg4: memref<128x64xf32, #tpu.memory_space<vmem>>, %arg5: memref<1x64xf32, #tpu.memory_space<vmem>>, %arg6: memref<2x2000x130xf32, #tpu.memory_space<vmem>>, %arg7: memref<2000x8xf32, #tpu.memory_space<vmem>>, %arg8: memref<8x16xf32, #tpu.memory_space<vmem>>, %arg9: memref<2000x64xf32, #tpu.memory_space<vmem>>, %arg10: memref<1x8xf32, #tpu.memory_space<vmem>>) attributes {dimension_semantics = [#tpu.dimension_semantics<arbitrary>], iteration_bounds = array<i64: 5>, scalar_prefetch = 0 : i64, scratch_operands = 1 : i64, tpu.core_type = #tpu.core_type<tc>, window_params = [{transform_indices = @transform_0, window_bounds = array<i64: 2000, 128>}, {pipeline_mode = #tpu.pipeline_mode<synchronous>, transform_indices = @transform_1, window_bounds = array<i64: 128, 256>}, {pipeline_mode = #tpu.pipeline_mode<synchronous>, transform_indices = @transform_2, window_bounds = array<i64: 8, 128>}, {pipeline_mode = #tpu.pipeline_mode<synchronous>, transform_indices = @transform_3, window_bounds = array<i64: 128, 64>}, {pipeline_mode = #tpu.pipeline_mode<synchronous>, transform_indices = @transform_4, window_bounds = array<i64: 1, 64>}, {transform_indices = @transform_5, window_bounds = array<i64: 2, 2000, 130>}, {transform_indices = @transform_6, window_bounds = array<i64: 2000, 8>}, {pipeline_mode = #tpu.pipeline_mode<synchronous>, transform_indices = @transform_7, window_bounds = array<i64: 8, 16>}, {transform_indices = @transform_8, window_bounds = array<i64: 2000, 64>}]} {
    %get3A = arith.constant 0 : index
    %get3A_0 = arith.constant 0 : index
    %get3A_1 = vector.load %arg1[%get3A, %get3A_0] : memref<2000x128xf32, #tpu.memory_space<vmem>>, vector<2000x128xf32>
    %get3A_2 = arith.constant 0 : index
    %get3A_3 = arith.constant 0 : index
    %get3A_4 = vector.load %arg2[%get3A_2, %get3A_3] : memref<128x256xf32, #tpu.memory_space<vmem>>, vector<128x256xf32>
    %broadcast_in_dim3A = arith.constant 0.000000e+00 : f32
    %broadcast_in_dim3A_5 = vector.broadcast %broadcast_in_dim3A : f32 to vector<2000x2xf32>
    %slice3A = vector.extract_strided_slice %get3A_4 {offsets = [0, 0], sizes = [128, 128], strides = [1, 1]} : vector<128x256xf32> to vector<128x128xf32>
    %dot_general3A = arith.constant dense<0.000000e+00> : vector<2000x128xf32>
    %dot_general3A_6 = tpu.matmul %get3A_1, %slice3A, %dot_general3A {dimension_numbers = #tpu.dot_dimension_numbers<[1], [0], [0], [1], [0, 0, 1, 1], [], []>, transpose_lhs_hint = false} : vector<2000x128xf32>, vector<128x128xf32>, vector<2000x128xf32> -> vector<2000x128xf32>
    %concatenate3A = tpu.concatenate %dot_general3A_6, %broadcast_in_dim3A_5 in 1 : vector<2000x128xf32>, vector<2000x2xf32> -> vector<2000x130xf32>
    %swap3A = arith.constant 0 : index
    %swap3A_7 = arith.constant 0 : index
    %swap3A_8 = arith.constant 0 : index
    %swap3A_9 = vector.load %arg6[%swap3A, %swap3A_7, %swap3A_8] : memref<2x2000x130xf32, #tpu.memory_space<vmem>>, vector<1x2000x130xf32>
    %swap3A_10 = vector.shape_cast %swap3A_9 : vector<1x2000x130xf32> to vector<2000x130xf32>
    %swap3A_11 = vector.shape_cast %concatenate3A : vector<2000x130xf32> to vector<1x2000x130xf32>
    tpu.vector_store %arg6[%swap3A, %swap3A_7, %swap3A_8], %swap3A_11 {strides = array<i32>} : memref<2x2000x130xf32, #tpu.memory_space<vmem>>, vector<1x2000x130xf32>,
    %slice3A_12 = vector.extract_strided_slice %get3A_4 {offsets = [0, 128], sizes = [128, 128], strides = [1, 1]} : vector<128x256xf32> to vector<128x128xf32>
    %dot_general3A_13 = arith.constant dense<0.000000e+00> : vector<2000x128xf32>
    %dot_general3A_14 = tpu.matmul %get3A_1, %slice3A_12, %dot_general3A_13 {dimension_numbers = #tpu.dot_dimension_numbers<[1], [0], [0], [1], [0, 0, 1, 1], [], []>, transpose_lhs_hint = false} : vector<2000x128xf32>, vector<128x128xf32>, vector<2000x128xf32> -> vector<2000x128xf32>
    %concatenate3A_15 = tpu.concatenate %dot_general3A_14, %broadcast_in_dim3A_5 in 1 : vector<2000x128xf32>, vector<2000x2xf32> -> vector<2000x130xf32>
    %swap3A_16 = arith.constant 1 : index
    %swap3A_17 = arith.constant 0 : index
    %swap3A_18 = arith.constant 0 : index
    %swap3A_19 = vector.load %arg6[%swap3A_16, %swap3A_17, %swap3A_18] : memref<2x2000x130xf32, #tpu.memory_space<vmem>>, vector<1x2000x130xf32>
    %swap3A_20 = vector.shape_cast %swap3A_19 : vector<1x2000x130xf32> to vector<2000x130xf32>
    %swap3A_21 = vector.shape_cast %concatenate3A_15 : vector<2000x130xf32> to vector<1x2000x130xf32>
    tpu.vector_store %arg6[%swap3A_16, %swap3A_17, %swap3A_18], %swap3A_21 {strides = array<i32>} : memref<2x2000x130xf32, #tpu.memory_space<vmem>>, vector<1x2000x130xf32>,
    %get3A_22 = arith.constant 0 : index
    %get3A_23 = arith.constant 0 : index
    %get3A_24 = vector.load %arg3[%get3A_22, %get3A_23] : memref<8x128xf32, #tpu.memory_space<vmem>>, vector<8x128xf32>
    %transpose3A = tpu.transpose %get3A_24, [1, 0] : vector<8x128xf32> -> vector<128x8xf32>
    %dot_general3A_25 = arith.constant dense<0.000000e+00> : vector<2000x8xf32>
    %dot_general3A_26 = tpu.matmul %get3A_1, %transpose3A, %dot_general3A_25 {dimension_numbers = #tpu.dot_dimension_numbers<[1], [0], [0], [1], [0, 0, 1, 1], [], []>, transpose_lhs_hint = false} : vector<2000x128xf32>, vector<128x8xf32>, vector<2000x8xf32> -> vector<2000x8xf32>
    %swap3A_27 = arith.constant 0 : index
    %swap3A_28 = arith.constant 0 : index
    %swap3A_29 = vector.load %arg7[%swap3A_27, %swap3A_28] : memref<2000x8xf32, #tpu.memory_space<vmem>>, vector<2000x8xf32>
    tpu.vector_store %arg7[%swap3A_27, %swap3A_28], %dot_general3A_26 {strides = array<i32>} : memref<2000x8xf32, #tpu.memory_space<vmem>>, vector<2000x8xf32>,
    %reduce_max3A = arith.constant dense<0xFF800000> : vector<8xf32>
    %reduce_max3A_30 = vector.multi_reduction <maximumf>, %dot_general3A_26, %reduce_max3A [0] : vector<2000x8xf32> to vector<8xf32>
    %broadcast_in_dim3A_31 = vector.shape_cast %reduce_max3A_30 : vector<8xf32> to vector<1x8xf32>
    %eq3A = arith.constant 0 : i32
    %eq3A_32 = arith.cmpi eq, %arg0, %eq3A : i32
    %convert_element_type3A = arith.extui %eq3A_32 : i1 to i32
    %cond3A = arith.constant 0 : i32
    %cond3A_33 = arith.cmpi ne, %convert_element_type3A, %cond3A : i32
    scf.if %cond3A_33 {
      %broadcast_in_dim3A_67 = arith.constant 0xFF800000 : f32
      %broadcast_in_dim3A_68 = vector.broadcast %broadcast_in_dim3A_67 : f32 to vector<1x8xf32>
      %swap3A_69 = arith.constant 0 : index
      %swap3A_70 = arith.constant 0 : index
      %swap3A_71 = vector.load %arg10[%swap3A_69, %swap3A_70] : memref<1x8xf32, #tpu.memory_space<vmem>>, vector<1x8xf32>
      tpu.vector_store %arg10[%swap3A_69, %swap3A_70], %broadcast_in_dim3A_68 {strides = array<i32>} : memref<1x8xf32, #tpu.memory_space<vmem>>, vector<1x8xf32>,
    } else {
    }
    %get3A_34 = arith.constant 0 : index
    %get3A_35 = arith.constant 0 : index
    %get3A_36 = vector.load %arg10[%get3A_34, %get3A_35] : memref<1x8xf32, #tpu.memory_space<vmem>>, vector<1x8xf32>
    %max3A = arith.maximumf %get3A_36, %broadcast_in_dim3A_31 : vector<1x8xf32>
    %swap3A_37 = arith.constant 0 : index
    %swap3A_38 = arith.constant 0 : index
    %swap3A_39 = vector.load %arg10[%swap3A_37, %swap3A_38] : memref<1x8xf32, #tpu.memory_space<vmem>>, vector<1x8xf32>
    tpu.vector_store %arg10[%swap3A_37, %swap3A_38], %max3A {strides = array<i32>} : memref<1x8xf32, #tpu.memory_space<vmem>>, vector<1x8xf32>,
    %get3A_40 = arith.constant 0 : index
    %get3A_41 = arith.constant 0 : index
    %get3A_42 = vector.load %arg10[%get3A_40, %get3A_41] : memref<1x8xf32, #tpu.memory_space<vmem>>, vector<1x8xf32>
    %squeeze3A = vector.shape_cast %get3A_42 : vector<1x8xf32> to vector<8xf32>
    %slice3A_43 = vector.extract_strided_slice %squeeze3A {offsets = [0], sizes = [4], strides = [1]} : vector<8xf32> to vector<4xf32>
    %slice3A_44 = vector.extract_strided_slice %squeeze3A {offsets = [4], sizes = [4], strides = [1]} : vector<8xf32> to vector<4xf32>
    %add3A = arith.addf %slice3A_43, %slice3A_44 : vector<4xf32>
    %broadcast_in_dim3A_45 = vector.shape_cast %add3A : vector<4xf32> to vector<4x1xf32>
    %broadcast_in_dim3A_46 = vector.shape_cast %broadcast_in_dim3A_45 : vector<4x1xf32> to vector<4x1xf32>
    %broadcast_in_dim3A_47 = vector.broadcast %broadcast_in_dim3A_46 : vector<4x1xf32> to vector<4x16xf32>
    %broadcast_in_dim3A_48 = arith.constant 0.000000e+00 : f32
    %broadcast_in_dim3A_49 = vector.broadcast %broadcast_in_dim3A_48 : f32 to vector<4x16xf32>
    %concatenate3A_50 = tpu.concatenate %broadcast_in_dim3A_47, %broadcast_in_dim3A_49 in 0 : vector<4x16xf32>, vector<4x16xf32> -> vector<8x16xf32>
    %swap3A_51 = arith.constant 0 : index
    %swap3A_52 = arith.constant 0 : index
    %swap3A_53 = vector.load %arg8[%swap3A_51, %swap3A_52] : memref<8x16xf32, #tpu.memory_space<vmem>>, vector<8x16xf32>
    tpu.vector_store %arg8[%swap3A_51, %swap3A_52], %concatenate3A_50 {strides = array<i32>} : memref<8x16xf32, #tpu.memory_space<vmem>>, vector<8x16xf32>,
    %get3A_54 = arith.constant 0 : index
    %get3A_55 = arith.constant 0 : index
    %get3A_56 = vector.load %arg4[%get3A_54, %get3A_55] : memref<128x64xf32, #tpu.memory_space<vmem>>, vector<128x64xf32>
    %dot_general3A_57 = arith.constant dense<0.000000e+00> : vector<2000x64xf32>
    %dot_general3A_58 = tpu.matmul %get3A_1, %get3A_56, %dot_general3A_57 {dimension_numbers = #tpu.dot_dimension_numbers<[1], [0], [0], [1], [0, 0, 1, 1], [], []>, transpose_lhs_hint = false} : vector<2000x128xf32>, vector<128x64xf32>, vector<2000x64xf32> -> vector<2000x64xf32>
    %get3A_59 = arith.constant 0 : index
    %get3A_60 = arith.constant 0 : index
    %get3A_61 = vector.load %arg5[%get3A_59, %get3A_60] : memref<1x64xf32, #tpu.memory_space<vmem>>, vector<1x64xf32>
    %add3A_62 = vector.broadcast %get3A_61 : vector<1x64xf32> to vector<2000x64xf32>
    %add3A_63 = arith.addf %dot_general3A_58, %add3A_62 : vector<2000x64xf32>
    %swap3A_64 = arith.constant 0 : index
    %swap3A_65 = arith.constant 0 : index
    %swap3A_66 = vector.load %arg9[%swap3A_64, %swap3A_65] : memref<2000x64xf32, #tpu.memory_space<vmem>>, vector<2000x64xf32>
    tpu.vector_store %arg9[%swap3A_64, %swap3A_65], %add3A_63 {strides = array<i32>} : memref<2000x64xf32, #tpu.memory_space<vmem>>, vector<2000x64xf32>,
    return
  }
  func.func @transform_0(%arg0: i32) -> (i32, i32) {
    %c0_i32 = arith.constant 0 : i32
    %c0_i32_0 = arith.constant 0 : i32
    return %arg0, %c0_i32 : i32, i32
  }
  func.func @transform_1(%arg0: i32) -> (i32, i32) {
    %c0_i32 = arith.constant 0 : i32
    %c0_i32_0 = arith.constant 0 : i32
    %c0_i32_1 = arith.constant 0 : i32
    return %c0_i32, %c0_i32_0 : i32, i32
  }
  func.func @transform_2(%arg0: i32) -> (i32, i32) {
    %c0_i32 = arith.constant 0 : i32
    %c0_i32_0 = arith.constant 0 : i32
    %c0_i32_1 = arith.constant 0 : i32
    return %c0_i32, %c0_i32_0 : i32, i32
  }
  func.func @transform_3(%arg0: i32) -> (i32, i32) {
    %c0_i32 = arith.constant 0 : i32
    %c0_i32_0 = arith.constant 0 : i32
    %c0_i32_1 = arith.constant 0 : i32
    return %c0_i32, %c0_i32_0 : i32, i32
  }
  func.func @transform_4(%arg0: i32) -> (i32, i32) {
    %c0_i32 = arith.constant 0 : i32
    %c0_i32_0 = arith.constant 0 : i32
    %c0_i32_1 = arith.constant 0 : i32
    return %c0_i32, %c0_i32_0 : i32, i32
  }
  func.func @transform_5(%arg0: i32) -> (i32, i32, i32) {
    %c0_i32 = arith.constant 0 : i32
    %c0_i32_0 = arith.constant 0 : i32
    %c0_i32_1 = arith.constant 0 : i32
    return %c0_i32, %arg0, %c0_i32_0 : i32, i32, i32
  }
  func.func @transform_6(%arg0: i32) -> (i32, i32) {
    %c0_i32 = arith.constant 0 : i32
    %c0_i32_0 = arith.constant 0 : i32
    return %arg0, %c0_i32 : i32, i32
  }
  func.func @transform_7(%arg0: i32) -> (i32, i32) {
    %c0_i32 = arith.constant 0 : i32
    %c0_i32_0 = arith.constant 0 : i32
    %c0_i32_1 = arith.constant 0 : i32
    return %c0_i32, %c0_i32_0 : i32, i32
  }
  func.func @transform_8(%arg0: i32) -> (i32, i32) {
    %c0_i32 = arith.constant 0 : i32
    %c0_i32_0 = arith.constant 0 : i32
    return %arg0, %c0_i32 : i32, i32
  }
}

module attributes {stable_mosaic.version = 14 : i64} {
  func.func @body(%arg0: i32, %arg1: memref<2x2000x130xf32, #tpu.memory_space<vmem>>, %arg2: memref<2x2000x130xf32, #tpu.memory_space<vmem>>, %arg3: memref<2000x8xf32, #tpu.memory_space<vmem>>, %arg4: memref<8x16xf32, #tpu.memory_space<vmem>>, %arg5: memref<256x64xf32, #tpu.memory_space<vmem>>, %arg6: memref<1x256xf32, #tpu.memory_space<vmem>>, %arg7: memref<2x64xf32, #tpu.memory_space<vmem>>, %arg8: memref<4x256xf32, #tpu.memory_space<vmem>>, %arg9: memref<2x2000x33xf32, #tpu.memory_space<vmem>>, %arg10: memref<2000x8xf32, #tpu.memory_space<vmem>>, %arg11: memref<8x16xf32, #tpu.memory_space<vmem>>, %arg12: memref<1x2xf32, #tpu.memory_space<vmem>>) attributes {dimension_semantics = [#tpu.dimension_semantics<arbitrary>], iteration_bounds = array<i64: 5>, scalar_prefetch = 0 : i64, scratch_operands = 1 : i64, tpu.core_type = #tpu.core_type<tc>, window_params = [{transform_indices = @transform_0, window_bounds = array<i64: 2, 2000, 130>}, {transform_indices = @transform_1, window_bounds = array<i64: 2, 2000, 130>}, {transform_indices = @transform_2, window_bounds = array<i64: 2000, 8>}, {pipeline_mode = #tpu.pipeline_mode<synchronous>, transform_indices = @transform_3, window_bounds = array<i64: 8, 16>}, {pipeline_mode = #tpu.pipeline_mode<synchronous>, transform_indices = @transform_4, window_bounds = array<i64: 256, 64>}, {pipeline_mode = #tpu.pipeline_mode<synchronous>, transform_indices = @transform_5, window_bounds = array<i64: 1, 256>}, {pipeline_mode = #tpu.pipeline_mode<synchronous>, transform_indices = @transform_6, window_bounds = array<i64: 2, 64>}, {pipeline_mode = #tpu.pipeline_mode<synchronous>, transform_indices = @transform_7, window_bounds = array<i64: 4, 256>}, {transform_indices = @transform_8, window_bounds = array<i64: 2, 2000, 33>}, {transform_indices = @transform_9, window_bounds = array<i64: 2000, 8>}, {pipeline_mode = #tpu.pipeline_mode<synchronous>, transform_indices = @transform_10, window_bounds = array<i64: 8, 16>}]} {
    %get3A = arith.constant 0 : index
    %get3A_0 = arith.constant 0 : index
    %get3A_1 = arith.constant 0 : index
    %get3A_2 = vector.load %arg1[%get3A, %get3A_0, %get3A_1] : memref<2x2000x130xf32, #tpu.memory_space<vmem>>, vector<1x2000x130xf32>
    %get3A_3 = vector.shape_cast %get3A_2 : vector<1x2000x130xf32> to vector<2000x130xf32>
    %get3A_4 = arith.constant 1 : index
    %get3A_5 = arith.constant 0 : index
    %get3A_6 = arith.constant 0 : index
    %get3A_7 = vector.load %arg1[%get3A_4, %get3A_5, %get3A_6] : memref<2x2000x130xf32, #tpu.memory_space<vmem>>, vector<1x2000x130xf32>
    %get3A_8 = vector.shape_cast %get3A_7 : vector<1x2000x130xf32> to vector<2000x130xf32>
    %slice3A = vector.extract_strided_slice %get3A_3 {offsets = [0, 0], sizes = [2000, 128], strides = [1, 1]} : vector<2000x130xf32> to vector<2000x128xf32>
    %slice3A_9 = vector.extract_strided_slice %get3A_8 {offsets = [0, 0], sizes = [2000, 128], strides = [1, 1]} : vector<2000x130xf32> to vector<2000x128xf32>
    %concatenate3A = tpu.concatenate %slice3A, %slice3A_9 in 1 : vector<2000x128xf32>, vector<2000x128xf32> -> vector<2000x256xf32>
    %get3A_10 = arith.constant 0 : index
    %get3A_11 = arith.constant 0 : index
    %get3A_12 = arith.constant 0 : index
    %get3A_13 = vector.load %arg2[%get3A_10, %get3A_11, %get3A_12] : memref<2x2000x130xf32, #tpu.memory_space<vmem>>, vector<1x2000x130xf32>
    %get3A_14 = vector.shape_cast %get3A_13 : vector<1x2000x130xf32> to vector<2000x130xf32>
    %slice3A_15 = vector.extract_strided_slice %get3A_14 {offsets = [0, 0], sizes = [2000, 128], strides = [1, 1]} : vector<2000x130xf32> to vector<2000x128xf32>
    %get3A_16 = arith.constant 1 : index
    %get3A_17 = arith.constant 0 : index
    %get3A_18 = arith.constant 0 : index
    %get3A_19 = vector.load %arg2[%get3A_16, %get3A_17, %get3A_18] : memref<2x2000x130xf32, #tpu.memory_space<vmem>>, vector<1x2000x130xf32>
    %get3A_20 = vector.shape_cast %get3A_19 : vector<1x2000x130xf32> to vector<2000x130xf32>
    %slice3A_21 = vector.extract_strided_slice %get3A_20 {offsets = [0, 0], sizes = [2000, 128], strides = [1, 1]} : vector<2000x130xf32> to vector<2000x128xf32>
    %concatenate3A_22 = tpu.concatenate %slice3A_15, %slice3A_21 in 1 : vector<2000x128xf32>, vector<2000x128xf32> -> vector<2000x256xf32>
    %slice3A_23 = vector.extract_strided_slice %get3A_3 {offsets = [0, 128], sizes = [2000, 2], strides = [1, 1]} : vector<2000x130xf32> to vector<2000x2xf32>
    %slice3A_24 = vector.extract_strided_slice %get3A_8 {offsets = [0, 128], sizes = [2000, 2], strides = [1, 1]} : vector<2000x130xf32> to vector<2000x2xf32>
    %concatenate3A_25 = tpu.concatenate %slice3A_23, %slice3A_24 in 1 : vector<2000x2xf32>, vector<2000x2xf32> -> vector<2000x4xf32>
    %get3A_26 = arith.constant 0 : index
    %get3A_27 = arith.constant 0 : index
    %get3A_28 = vector.load %arg3[%get3A_26, %get3A_27] : memref<2000x8xf32, #tpu.memory_space<vmem>>, vector<2000x8xf32>
    %get3A_29 = arith.constant 0 : index
    %get3A_30 = arith.constant 0 : index
    %get3A_31 = vector.load %arg4[%get3A_29, %get3A_30] : memref<8x16xf32, #tpu.memory_space<vmem>>, vector<8x16xf32>
    %slice3A_32 = vector.extract_strided_slice %get3A_31 {offsets = [0, 0], sizes = [4, 1], strides = [1, 1]} : vector<8x16xf32> to vector<4x1xf32>
    %squeeze3A = vector.shape_cast %slice3A_32 : vector<4x1xf32> to vector<4xf32>
    %slice3A_33 = vector.extract_strided_slice %get3A_28 {offsets = [0, 0], sizes = [2000, 4], strides = [1, 1]} : vector<2000x8xf32> to vector<2000x4xf32>
    %slice3A_34 = vector.extract_strided_slice %get3A_28 {offsets = [0, 4], sizes = [2000, 4], strides = [1, 1]} : vector<2000x8xf32> to vector<2000x4xf32>
    %add3A = arith.addf %slice3A_33, %slice3A_34 : vector<2000x4xf32>
    %ge3A = arith.constant 0.000000e+00 : f32
    %ge3A_35 = vector.broadcast %ge3A : f32 to vector<2000x4xf32>
    %ge3A_36 = arith.cmpf oge, %add3A, %ge3A_35 : vector<2000x4xf32>
    %mul3A = arith.constant 2.000000e-01 : f32
    %mul3A_37 = vector.broadcast %mul3A : f32 to vector<2000x4xf32>
    %mul3A_38 = arith.mulf %mul3A_37, %add3A : vector<2000x4xf32>
    %select_n3A = arith.select %ge3A_36, %add3A, %mul3A_38 : vector<2000x4xi1>, vector<2000x4xf32>
    %broadcast_in_dim3A = vector.shape_cast %squeeze3A : vector<4xf32> to vector<1x4xf32>
    %sub3A = vector.broadcast %broadcast_in_dim3A : vector<1x4xf32> to vector<2000x4xf32>
    %sub3A_39 = arith.subf %select_n3A, %sub3A : vector<2000x4xf32>
    %exp3A = math.exp %sub3A_39 : vector<2000x4xf32>
    %get3A_40 = arith.constant 0 : index
    %get3A_41 = arith.constant 0 : index
    %get3A_42 = vector.load %arg8[%get3A_40, %get3A_41] : memref<4x256xf32, #tpu.memory_space<vmem>>, vector<4x256xf32>
    %dot_general3A = arith.constant dense<0.000000e+00> : vector<2000x256xf32>
    %dot_general3A_43 = tpu.matmul %exp3A, %get3A_42, %dot_general3A {dimension_numbers = #tpu.dot_dimension_numbers<[1], [0], [0], [1], [0, 0, 1, 1], [], []>, transpose_lhs_hint = false} : vector<2000x4xf32>, vector<4x256xf32>, vector<2000x256xf32> -> vector<2000x256xf32>
    %add3A_44 = arith.addf %concatenate3A_25, %exp3A : vector<2000x4xf32>
    %dot_general3A_45 = arith.constant dense<0.000000e+00> : vector<2000x256xf32>
    %dot_general3A_46 = tpu.matmul %add3A_44, %get3A_42, %dot_general3A_45 {dimension_numbers = #tpu.dot_dimension_numbers<[1], [0], [0], [1], [0, 0, 1, 1], [], []>, transpose_lhs_hint = false} : vector<2000x4xf32>, vector<4x256xf32>, vector<2000x256xf32> -> vector<2000x256xf32>
    %add3A_47 = arith.constant 1.000000e-16 : f32
    %add3A_48 = vector.broadcast %add3A_47 : f32 to vector<2000x256xf32>
    %add3A_49 = arith.addf %dot_general3A_46, %add3A_48 : vector<2000x256xf32>
    %mul3A_50 = arith.mulf %dot_general3A_43, %concatenate3A_22 : vector<2000x256xf32>
    %add3A_51 = arith.addf %concatenate3A, %mul3A_50 : vector<2000x256xf32>
    %div3A = arith.divf %add3A_51, %add3A_49 : vector<2000x256xf32>
    %get3A_52 = arith.constant 0 : index
    %get3A_53 = arith.constant 0 : index
    %get3A_54 = vector.load %arg6[%get3A_52, %get3A_53] : memref<1x256xf32, #tpu.memory_space<vmem>>, vector<1x256xf32>
    %add3A_55 = vector.broadcast %get3A_54 : vector<1x256xf32> to vector<2000x256xf32>
    %add3A_56 = arith.addf %div3A, %add3A_55 : vector<2000x256xf32>
    %ge3A_57 = arith.constant 0.000000e+00 : f32
    %ge3A_58 = vector.broadcast %ge3A_57 : f32 to vector<2000x256xf32>
    %ge3A_59 = arith.cmpf oge, %add3A_56, %ge3A_58 : vector<2000x256xf32>
    %mul3A_60 = arith.constant 2.000000e-01 : f32
    %mul3A_61 = vector.broadcast %mul3A_60 : f32 to vector<2000x256xf32>
    %mul3A_62 = arith.mulf %mul3A_61, %add3A_56 : vector<2000x256xf32>
    %select_n3A_63 = arith.select %ge3A_59, %add3A_56, %mul3A_62 : vector<2000x256xi1>, vector<2000x256xf32>
    %get3A_64 = arith.constant 0 : index
    %get3A_65 = arith.constant 0 : index
    %get3A_66 = vector.load %arg5[%get3A_64, %get3A_65] : memref<256x64xf32, #tpu.memory_space<vmem>>, vector<256x64xf32>
    %dot_general3A_67 = arith.constant dense<0.000000e+00> : vector<2000x64xf32>
    %dot_general3A_68 = tpu.matmul %select_n3A_63, %get3A_66, %dot_general3A_67 {dimension_numbers = #tpu.dot_dimension_numbers<[1], [0], [0], [1], [0, 0, 1, 1], [], []>, transpose_lhs_hint = false} : vector<2000x256xf32>, vector<256x64xf32>, vector<2000x64xf32> -> vector<2000x64xf32>
    %broadcast_in_dim3A_69 = arith.constant 0.000000e+00 : f32
    %broadcast_in_dim3A_70 = vector.broadcast %broadcast_in_dim3A_69 : f32 to vector<2000x1xf32>
    %slice3A_71 = vector.extract_strided_slice %dot_general3A_68 {offsets = [0, 0], sizes = [2000, 32], strides = [1, 1]} : vector<2000x64xf32> to vector<2000x32xf32>
    %concatenate3A_72 = tpu.concatenate %slice3A_71, %broadcast_in_dim3A_70 in 1 : vector<2000x32xf32>, vector<2000x1xf32> -> vector<2000x33xf32>
    %swap3A = arith.constant 0 : index
    %swap3A_73 = arith.constant 0 : index
    %swap3A_74 = arith.constant 0 : index
    %swap3A_75 = vector.load %arg9[%swap3A, %swap3A_73, %swap3A_74] : memref<2x2000x33xf32, #tpu.memory_space<vmem>>, vector<1x2000x33xf32>
    %swap3A_76 = vector.shape_cast %swap3A_75 : vector<1x2000x33xf32> to vector<2000x33xf32>
    %swap3A_77 = vector.shape_cast %concatenate3A_72 : vector<2000x33xf32> to vector<1x2000x33xf32>
    tpu.vector_store %arg9[%swap3A, %swap3A_73, %swap3A_74], %swap3A_77 {strides = array<i32>} : memref<2x2000x33xf32, #tpu.memory_space<vmem>>, vector<1x2000x33xf32>,
    %slice3A_78 = vector.extract_strided_slice %dot_general3A_68 {offsets = [0, 32], sizes = [2000, 32], strides = [1, 1]} : vector<2000x64xf32> to vector<2000x32xf32>
    %concatenate3A_79 = tpu.concatenate %slice3A_78, %broadcast_in_dim3A_70 in 1 : vector<2000x32xf32>, vector<2000x1xf32> -> vector<2000x33xf32>
    %swap3A_80 = arith.constant 1 : index
    %swap3A_81 = arith.constant 0 : index
    %swap3A_82 = arith.constant 0 : index
    %swap3A_83 = vector.load %arg9[%swap3A_80, %swap3A_81, %swap3A_82] : memref<2x2000x33xf32, #tpu.memory_space<vmem>>, vector<1x2000x33xf32>
    %swap3A_84 = vector.shape_cast %swap3A_83 : vector<1x2000x33xf32> to vector<2000x33xf32>
    %swap3A_85 = vector.shape_cast %concatenate3A_79 : vector<2000x33xf32> to vector<1x2000x33xf32>
    tpu.vector_store %arg9[%swap3A_80, %swap3A_81, %swap3A_82], %swap3A_85 {strides = array<i32>} : memref<2x2000x33xf32, #tpu.memory_space<vmem>>, vector<1x2000x33xf32>,
    %get3A_86 = arith.constant 0 : index
    %get3A_87 = arith.constant 0 : index
    %get3A_88 = vector.load %arg7[%get3A_86, %get3A_87] : memref<2x64xf32, #tpu.memory_space<vmem>>, vector<2x64xf32>
    %transpose3A = tpu.transpose %get3A_88, [1, 0] : vector<2x64xf32> -> vector<64x2xf32>
    %dot_general3A_89 = arith.constant dense<0.000000e+00> : vector<2000x2xf32>
    %dot_general3A_90 = tpu.matmul %dot_general3A_68, %transpose3A, %dot_general3A_89 {dimension_numbers = #tpu.dot_dimension_numbers<[1], [0], [0], [1], [0, 0, 1, 1], [], []>, transpose_lhs_hint = false} : vector<2000x64xf32>, vector<64x2xf32>, vector<2000x2xf32> -> vector<2000x2xf32>
    %broadcast_in_dim3A_91 = arith.constant 0.000000e+00 : f32
    %broadcast_in_dim3A_92 = vector.broadcast %broadcast_in_dim3A_91 : f32 to vector<2000x6xf32>
    %concatenate3A_93 = tpu.concatenate %dot_general3A_90, %broadcast_in_dim3A_92 in 1 : vector<2000x2xf32>, vector<2000x6xf32> -> vector<2000x8xf32>
    %swap3A_94 = arith.constant 0 : index
    %swap3A_95 = arith.constant 0 : index
    %swap3A_96 = vector.load %arg10[%swap3A_94, %swap3A_95] : memref<2000x8xf32, #tpu.memory_space<vmem>>, vector<2000x8xf32>
    tpu.vector_store %arg10[%swap3A_94, %swap3A_95], %concatenate3A_93 {strides = array<i32>} : memref<2000x8xf32, #tpu.memory_space<vmem>>, vector<2000x8xf32>,
    %reduce_max3A = arith.constant dense<0xFF800000> : vector<2xf32>
    %reduce_max3A_97 = vector.multi_reduction <maximumf>, %dot_general3A_90, %reduce_max3A [0] : vector<2000x2xf32> to vector<2xf32>
    %broadcast_in_dim3A_98 = vector.shape_cast %reduce_max3A_97 : vector<2xf32> to vector<1x2xf32>
    %eq3A = arith.constant 0 : i32
    %eq3A_99 = arith.cmpi eq, %arg0, %eq3A : i32
    %convert_element_type3A = arith.extui %eq3A_99 : i1 to i32
    %cond3A = arith.constant 0 : i32
    %cond3A_100 = arith.cmpi ne, %convert_element_type3A, %cond3A : i32
    scf.if %cond3A_100 {
      %broadcast_in_dim3A_122 = arith.constant 0xFF800000 : f32
      %broadcast_in_dim3A_123 = vector.broadcast %broadcast_in_dim3A_122 : f32 to vector<1x2xf32>
      %swap3A_124 = arith.constant 0 : index
      %swap3A_125 = arith.constant 0 : index
      %swap3A_126 = vector.load %arg12[%swap3A_124, %swap3A_125] : memref<1x2xf32, #tpu.memory_space<vmem>>, vector<1x2xf32>
      tpu.vector_store %arg12[%swap3A_124, %swap3A_125], %broadcast_in_dim3A_123 {strides = array<i32>} : memref<1x2xf32, #tpu.memory_space<vmem>>, vector<1x2xf32>,
    } else {
    }
    %get3A_101 = arith.constant 0 : index
    %get3A_102 = arith.constant 0 : index
    %get3A_103 = vector.load %arg12[%get3A_101, %get3A_102] : memref<1x2xf32, #tpu.memory_space<vmem>>, vector<1x2xf32>
    %max3A = arith.maximumf %get3A_103, %broadcast_in_dim3A_98 : vector<1x2xf32>
    %swap3A_104 = arith.constant 0 : index
    %swap3A_105 = arith.constant 0 : index
    %swap3A_106 = vector.load %arg12[%swap3A_104, %swap3A_105] : memref<1x2xf32, #tpu.memory_space<vmem>>, vector<1x2xf32>
    tpu.vector_store %arg12[%swap3A_104, %swap3A_105], %max3A {strides = array<i32>} : memref<1x2xf32, #tpu.memory_space<vmem>>, vector<1x2xf32>,
    %get3A_107 = arith.constant 0 : index
    %get3A_108 = arith.constant 0 : index
    %get3A_109 = vector.load %arg12[%get3A_107, %get3A_108] : memref<1x2xf32, #tpu.memory_space<vmem>>, vector<1x2xf32>
    %squeeze3A_110 = vector.shape_cast %get3A_109 : vector<1x2xf32> to vector<2xf32>
    %slice3A_111 = vector.extract_strided_slice %squeeze3A_110 {offsets = [0], sizes = [1], strides = [1]} : vector<2xf32> to vector<1xf32>
    %slice3A_112 = vector.extract_strided_slice %squeeze3A_110 {offsets = [1], sizes = [1], strides = [1]} : vector<2xf32> to vector<1xf32>
    %add3A_113 = arith.addf %slice3A_111, %slice3A_112 : vector<1xf32>
    %broadcast_in_dim3A_114 = vector.shape_cast %add3A_113 : vector<1xf32> to vector<1x1xf32>
    %broadcast_in_dim3A_115 = vector.broadcast %broadcast_in_dim3A_114 : vector<1x1xf32> to vector<1x16xf32>
    %broadcast_in_dim3A_116 = arith.constant 0.000000e+00 : f32
    %broadcast_in_dim3A_117 = vector.broadcast %broadcast_in_dim3A_116 : f32 to vector<7x16xf32>
    %concatenate3A_118 = tpu.concatenate %broadcast_in_dim3A_115, %broadcast_in_dim3A_117 in 0 : vector<1x16xf32>, vector<7x16xf32> -> vector<8x16xf32>
    %swap3A_119 = arith.constant 0 : index
    %swap3A_120 = arith.constant 0 : index
    %swap3A_121 = vector.load %arg11[%swap3A_119, %swap3A_120] : memref<8x16xf32, #tpu.memory_space<vmem>>, vector<8x16xf32>
    tpu.vector_store %arg11[%swap3A_119, %swap3A_120], %concatenate3A_118 {strides = array<i32>} : memref<8x16xf32, #tpu.memory_space<vmem>>, vector<8x16xf32>,
    return
  }
  func.func @transform_0(%arg0: i32) -> (i32, i32, i32) {
    %c0_i32 = arith.constant 0 : i32
    %c0_i32_0 = arith.constant 0 : i32
    %c0_i32_1 = arith.constant 0 : i32
    return %c0_i32, %arg0, %c0_i32_0 : i32, i32, i32
  }
  func.func @transform_1(%arg0: i32) -> (i32, i32, i32) {
    %c0_i32 = arith.constant 0 : i32
    %c0_i32_0 = arith.constant 0 : i32
    %c0_i32_1 = arith.constant 0 : i32
    return %c0_i32, %arg0, %c0_i32_0 : i32, i32, i32
  }
  func.func @transform_2(%arg0: i32) -> (i32, i32) {
    %c0_i32 = arith.constant 0 : i32
    %c0_i32_0 = arith.constant 0 : i32
    return %arg0, %c0_i32 : i32, i32
  }
  func.func @transform_3(%arg0: i32) -> (i32, i32) {
    %c0_i32 = arith.constant 0 : i32
    %c0_i32_0 = arith.constant 0 : i32
    %c0_i32_1 = arith.constant 0 : i32
    return %c0_i32, %c0_i32_0 : i32, i32
  }
  func.func @transform_4(%arg0: i32) -> (i32, i32) {
    %c0_i32 = arith.constant 0 : i32
    %c0_i32_0 = arith.constant 0 : i32
    %c0_i32_1 = arith.constant 0 : i32
    return %c0_i32, %c0_i32_0 : i32, i32
  }
  func.func @transform_5(%arg0: i32) -> (i32, i32) {
    %c0_i32 = arith.constant 0 : i32
    %c0_i32_0 = arith.constant 0 : i32
    %c0_i32_1 = arith.constant 0 : i32
    return %c0_i32, %c0_i32_0 : i32, i32
  }
  func.func @transform_6(%arg0: i32) -> (i32, i32) {
    %c0_i32 = arith.constant 0 : i32
    %c0_i32_0 = arith.constant 0 : i32
    %c0_i32_1 = arith.constant 0 : i32
    return %c0_i32, %c0_i32_0 : i32, i32
  }
  func.func @transform_7(%arg0: i32) -> (i32, i32) {
    %c0_i32 = arith.constant 0 : i32
    %c0_i32_0 = arith.constant 0 : i32
    %c0_i32_1 = arith.constant 0 : i32
    return %c0_i32, %c0_i32_0 : i32, i32
  }
  func.func @transform_8(%arg0: i32) -> (i32, i32, i32) {
    %c0_i32 = arith.constant 0 : i32
    %c0_i32_0 = arith.constant 0 : i32
    %c0_i32_1 = arith.constant 0 : i32
    return %c0_i32, %arg0, %c0_i32_0 : i32, i32, i32
  }
  func.func @transform_9(%arg0: i32) -> (i32, i32) {
    %c0_i32 = arith.constant 0 : i32
    %c0_i32_0 = arith.constant 0 : i32
    return %arg0, %c0_i32 : i32, i32
  }
  func.func @transform_10(%arg0: i32) -> (i32, i32) {
    %c0_i32 = arith.constant 0 : i32
    %c0_i32_0 = arith.constant 0 : i32
    %c0_i32_1 = arith.constant 0 : i32
    return %c0_i32, %c0_i32_0 : i32, i32
  }
}

module attributes {stable_mosaic.version = 14 : i64} {
  func.func @body(%arg0: i32, %arg1: memref<2x2000x33xf32, #tpu.memory_space<vmem>>, %arg2: memref<2x2000x33xf32, #tpu.memory_space<vmem>>, %arg3: memref<2000x8xf32, #tpu.memory_space<vmem>>, %arg4: memref<8x16xf32, #tpu.memory_space<vmem>>, %arg5: memref<2000x64xf32, #tpu.memory_space<vmem>>, %arg6: memref<1x64xf32, #tpu.memory_space<vmem>>, %arg7: memref<1x64xf32, #tpu.memory_space<vmem>>, %arg8: memref<1x64xf32, #tpu.memory_space<vmem>>, %arg9: memref<64x192xf32, #tpu.memory_space<vmem>>, %arg10: memref<1x192xf32, #tpu.memory_space<vmem>>, %arg11: memref<1x192xf32, #tpu.memory_space<vmem>>, %arg12: memref<64x8xf32, #tpu.memory_space<vmem>>, %arg13: memref<1x8xf32, #tpu.memory_space<vmem>>, %arg14: memref<2000x8xf32, #tpu.memory_space<vmem>>) attributes {dimension_semantics = [#tpu.dimension_semantics<arbitrary>], iteration_bounds = array<i64: 5>, scalar_prefetch = 0 : i64, scratch_operands = 0 : i64, tpu.core_type = #tpu.core_type<tc>, window_params = [{transform_indices = @transform_0, window_bounds = array<i64: 2, 2000, 33>}, {transform_indices = @transform_1, window_bounds = array<i64: 2, 2000, 33>}, {transform_indices = @transform_2, window_bounds = array<i64: 2000, 8>}, {pipeline_mode = #tpu.pipeline_mode<synchronous>, transform_indices = @transform_3, window_bounds = array<i64: 8, 16>}, {transform_indices = @transform_4, window_bounds = array<i64: 2000, 64>}, {pipeline_mode = #tpu.pipeline_mode<synchronous>, transform_indices = @transform_5, window_bounds = array<i64: 1, 64>}, {pipeline_mode = #tpu.pipeline_mode<synchronous>, transform_indices = @transform_6, window_bounds = array<i64: 1, 64>}, {pipeline_mode = #tpu.pipeline_mode<synchronous>, transform_indices = @transform_7, window_bounds = array<i64: 1, 64>}, {pipeline_mode = #tpu.pipeline_mode<synchronous>, transform_indices = @transform_8, window_bounds = array<i64: 64, 192>}, {pipeline_mode = #tpu.pipeline_mode<synchronous>, transform_indices = @transform_9, window_bounds = array<i64: 1, 192>}, {pipeline_mode = #tpu.pipeline_mode<synchronous>, transform_indices = @transform_10, window_bounds = array<i64: 1, 192>}, {pipeline_mode = #tpu.pipeline_mode<synchronous>, transform_indices = @transform_11, window_bounds = array<i64: 64, 8>}, {pipeline_mode = #tpu.pipeline_mode<synchronous>, transform_indices = @transform_12, window_bounds = array<i64: 1, 8>}, {transform_indices = @transform_13, window_bounds = array<i64: 2000, 8>}]} {
    %get3A = arith.constant 0 : index
    %get3A_0 = arith.constant 0 : index
    %get3A_1 = arith.constant 0 : index
    %get3A_2 = vector.load %arg1[%get3A, %get3A_0, %get3A_1] : memref<2x2000x33xf32, #tpu.memory_space<vmem>>, vector<1x2000x33xf32>
    %get3A_3 = vector.shape_cast %get3A_2 : vector<1x2000x33xf32> to vector<2000x33xf32>
    %get3A_4 = arith.constant 1 : index
    %get3A_5 = arith.constant 0 : index
    %get3A_6 = arith.constant 0 : index
    %get3A_7 = vector.load %arg1[%get3A_4, %get3A_5, %get3A_6] : memref<2x2000x33xf32, #tpu.memory_space<vmem>>, vector<1x2000x33xf32>
    %get3A_8 = vector.shape_cast %get3A_7 : vector<1x2000x33xf32> to vector<2000x33xf32>
    %slice3A = vector.extract_strided_slice %get3A_3 {offsets = [0, 0], sizes = [2000, 32], strides = [1, 1]} : vector<2000x33xf32> to vector<2000x32xf32>
    %slice3A_9 = vector.extract_strided_slice %get3A_8 {offsets = [0, 0], sizes = [2000, 32], strides = [1, 1]} : vector<2000x33xf32> to vector<2000x32xf32>
    %concatenate3A = tpu.concatenate %slice3A, %slice3A_9 in 1 : vector<2000x32xf32>, vector<2000x32xf32> -> vector<2000x64xf32>
    %get3A_10 = arith.constant 0 : index
    %get3A_11 = arith.constant 0 : index
    %get3A_12 = arith.constant 0 : index
    %get3A_13 = vector.load %arg2[%get3A_10, %get3A_11, %get3A_12] : memref<2x2000x33xf32, #tpu.memory_space<vmem>>, vector<1x2000x33xf32>
    %get3A_14 = vector.shape_cast %get3A_13 : vector<1x2000x33xf32> to vector<2000x33xf32>
    %slice3A_15 = vector.extract_strided_slice %get3A_14 {offsets = [0, 0], sizes = [2000, 32], strides = [1, 1]} : vector<2000x33xf32> to vector<2000x32xf32>
    %get3A_16 = arith.constant 1 : index
    %get3A_17 = arith.constant 0 : index
    %get3A_18 = arith.constant 0 : index
    %get3A_19 = vector.load %arg2[%get3A_16, %get3A_17, %get3A_18] : memref<2x2000x33xf32, #tpu.memory_space<vmem>>, vector<1x2000x33xf32>
    %get3A_20 = vector.shape_cast %get3A_19 : vector<1x2000x33xf32> to vector<2000x33xf32>
    %slice3A_21 = vector.extract_strided_slice %get3A_20 {offsets = [0, 0], sizes = [2000, 32], strides = [1, 1]} : vector<2000x33xf32> to vector<2000x32xf32>
    %concatenate3A_22 = tpu.concatenate %slice3A_15, %slice3A_21 in 1 : vector<2000x32xf32>, vector<2000x32xf32> -> vector<2000x64xf32>
    %slice3A_23 = vector.extract_strided_slice %get3A_3 {offsets = [0, 32], sizes = [2000, 1], strides = [1, 1]} : vector<2000x33xf32> to vector<2000x1xf32>
    %get3A_24 = arith.constant 0 : index
    %get3A_25 = arith.constant 0 : index
    %get3A_26 = vector.load %arg3[%get3A_24, %get3A_25] : memref<2000x8xf32, #tpu.memory_space<vmem>>, vector<2000x8xf32>
    %slice3A_27 = vector.extract_strided_slice %get3A_26 {offsets = [0, 0], sizes = [2000, 1], strides = [1, 1]} : vector<2000x8xf32> to vector<2000x1xf32>
    %slice3A_28 = vector.extract_strided_slice %get3A_26 {offsets = [0, 1], sizes = [2000, 1], strides = [1, 1]} : vector<2000x8xf32> to vector<2000x1xf32>
    %add3A = arith.addf %slice3A_27, %slice3A_28 : vector<2000x1xf32>
    %ge3A = arith.constant 0.000000e+00 : f32
    %ge3A_29 = vector.broadcast %ge3A : f32 to vector<2000x1xf32>
    %ge3A_30 = arith.cmpf oge, %add3A, %ge3A_29 : vector<2000x1xf32>
    %mul3A = arith.constant 2.000000e-01 : f32
    %mul3A_31 = vector.broadcast %mul3A : f32 to vector<2000x1xf32>
    %mul3A_32 = arith.mulf %mul3A_31, %add3A : vector<2000x1xf32>
    %select_n3A = arith.select %ge3A_30, %add3A, %mul3A_32 : vector<2000x1xi1>, vector<2000x1xf32>
    %get3A_33 = arith.constant 0 : index
    %get3A_34 = arith.constant 0 : index
    %get3A_35 = vector.load %arg4[%get3A_33, %get3A_34] : memref<8x16xf32, #tpu.memory_space<vmem>>, vector<1x1xf32>
    %get3A_36 = vector.extract %get3A_35[0, 0] : f32 from vector<1x1xf32>
    %sub3A = vector.broadcast %get3A_36 : f32 to vector<2000x1xf32>
    %sub3A_37 = arith.subf %select_n3A, %sub3A : vector<2000x1xf32>
    %exp3A = math.exp %sub3A_37 : vector<2000x1xf32>
    %mul3A_38 = vector.broadcast %exp3A : vector<2000x1xf32> to vector<2000x64xf32>
    %mul3A_39 = arith.mulf %mul3A_38, %concatenate3A_22 : vector<2000x64xf32>
    %add3A_40 = arith.addf %concatenate3A, %mul3A_39 : vector<2000x64xf32>
    %add3A_41 = arith.addf %slice3A_23, %exp3A : vector<2000x1xf32>
    %add3A_42 = arith.constant 1.000000e-16 : f32
    %add3A_43 = vector.broadcast %add3A_42 : f32 to vector<2000x1xf32>
    %add3A_44 = arith.addf %add3A_41, %add3A_43 : vector<2000x1xf32>
    %div3A = vector.broadcast %add3A_44 : vector<2000x1xf32> to vector<2000x64xf32>
    %div3A_45 = arith.divf %add3A_40, %div3A : vector<2000x64xf32>
    %get3A_46 = arith.constant 0 : index
    %get3A_47 = arith.constant 0 : index
    %get3A_48 = vector.load %arg6[%get3A_46, %get3A_47] : memref<1x64xf32, #tpu.memory_space<vmem>>, vector<1x64xf32>
    %add3A_49 = vector.broadcast %get3A_48 : vector<1x64xf32> to vector<2000x64xf32>
    %add3A_50 = arith.addf %div3A_45, %add3A_49 : vector<2000x64xf32>
    %ge3A_51 = arith.constant 0.000000e+00 : f32
    %ge3A_52 = vector.broadcast %ge3A_51 : f32 to vector<2000x64xf32>
    %ge3A_53 = arith.cmpf oge, %add3A_50, %ge3A_52 : vector<2000x64xf32>
    %mul3A_54 = arith.constant 2.000000e-01 : f32
    %mul3A_55 = vector.broadcast %mul3A_54 : f32 to vector<2000x64xf32>
    %mul3A_56 = arith.mulf %mul3A_55, %add3A_50 : vector<2000x64xf32>
    %select_n3A_57 = arith.select %ge3A_53, %add3A_50, %mul3A_56 : vector<2000x64xi1>, vector<2000x64xf32>
    %reduce_sum3A = arith.constant dense<0.000000e+00> : vector<2000xf32>
    %reduce_sum3A_58 = vector.multi_reduction <add>, %select_n3A_57, %reduce_sum3A [1] : vector<2000x64xf32> to vector<2000xf32>
    %broadcast_in_dim3A = vector.shape_cast %reduce_sum3A_58 : vector<2000xf32> to vector<2000x1xf32>
    %div3A_59 = arith.constant 6.400000e+01 : f32
    %div3A_60 = vector.broadcast %div3A_59 : f32 to vector<2000x1xf32>
    %div3A_61 = arith.divf %broadcast_in_dim3A, %div3A_60 : vector<2000x1xf32>
    %sub3A_62 = vector.broadcast %div3A_61 : vector<2000x1xf32> to vector<2000x64xf32>
    %sub3A_63 = arith.subf %select_n3A_57, %sub3A_62 : vector<2000x64xf32>
    %mul3A_64 = arith.mulf %sub3A_63, %sub3A_63 : vector<2000x64xf32>
    %reduce_sum3A_65 = arith.constant dense<0.000000e+00> : vector<2000xf32>
    %reduce_sum3A_66 = vector.multi_reduction <add>, %mul3A_64, %reduce_sum3A_65 [1] : vector<2000x64xf32> to vector<2000xf32>
    %broadcast_in_dim3A_67 = vector.shape_cast %reduce_sum3A_66 : vector<2000xf32> to vector<2000x1xf32>
    %div3A_68 = arith.constant 6.400000e+01 : f32
    %div3A_69 = vector.broadcast %div3A_68 : f32 to vector<2000x1xf32>
    %div3A_70 = arith.divf %broadcast_in_dim3A_67, %div3A_69 : vector<2000x1xf32>
    %add3A_71 = arith.constant 9.99999974E-6 : f32
    %add3A_72 = vector.broadcast %add3A_71 : f32 to vector<2000x1xf32>
    %add3A_73 = arith.addf %div3A_70, %add3A_72 : vector<2000x1xf32>
    %rsqrt3A = math.rsqrt %add3A_73 : vector<2000x1xf32>
    %mul3A_74 = vector.broadcast %rsqrt3A : vector<2000x1xf32> to vector<2000x64xf32>
    %mul3A_75 = arith.mulf %sub3A_63, %mul3A_74 : vector<2000x64xf32>
    %get3A_76 = arith.constant 0 : index
    %get3A_77 = arith.constant 0 : index
    %get3A_78 = vector.load %arg7[%get3A_76, %get3A_77] : memref<1x64xf32, #tpu.memory_space<vmem>>, vector<1x64xf32>
    %mul3A_79 = vector.broadcast %get3A_78 : vector<1x64xf32> to vector<2000x64xf32>
    %mul3A_80 = arith.mulf %mul3A_75, %mul3A_79 : vector<2000x64xf32>
    %get3A_81 = arith.constant 0 : index
    %get3A_82 = arith.constant 0 : index
    %get3A_83 = vector.load %arg8[%get3A_81, %get3A_82] : memref<1x64xf32, #tpu.memory_space<vmem>>, vector<1x64xf32>
    %add3A_84 = vector.broadcast %get3A_83 : vector<1x64xf32> to vector<2000x64xf32>
    %add3A_85 = arith.addf %mul3A_80, %add3A_84 : vector<2000x64xf32>
    %get3A_86 = arith.constant 0 : index
    %get3A_87 = arith.constant 0 : index
    %get3A_88 = vector.load %arg5[%get3A_86, %get3A_87] : memref<2000x64xf32, #tpu.memory_space<vmem>>, vector<2000x64xf32>
    %add3A_89 = arith.addf %add3A_85, %get3A_88 : vector<2000x64xf32>
    %get3A_90 = arith.constant 0 : index
    %get3A_91 = arith.constant 0 : index
    %get3A_92 = vector.load %arg9[%get3A_90, %get3A_91] : memref<64x192xf32, #tpu.memory_space<vmem>>, vector<64x192xf32>
    %dot_general3A = arith.constant dense<0.000000e+00> : vector<2000x192xf32>
    %dot_general3A_93 = tpu.matmul %add3A_89, %get3A_92, %dot_general3A {dimension_numbers = #tpu.dot_dimension_numbers<[1], [0], [0], [1], [0, 0, 1, 1], [], []>, transpose_lhs_hint = false} : vector<2000x64xf32>, vector<64x192xf32>, vector<2000x192xf32> -> vector<2000x192xf32>
    %get3A_94 = arith.constant 0 : index
    %get3A_95 = arith.constant 0 : index
    %get3A_96 = vector.load %arg10[%get3A_94, %get3A_95] : memref<1x192xf32, #tpu.memory_space<vmem>>, vector<1x192xf32>
    %add3A_97 = vector.broadcast %get3A_96 : vector<1x192xf32> to vector<2000x192xf32>
    %add3A_98 = arith.addf %dot_general3A_93, %add3A_97 : vector<2000x192xf32>
    %get3A_99 = arith.constant 0 : index
    %get3A_100 = arith.constant 0 : index
    %get3A_101 = vector.load %arg11[%get3A_99, %get3A_100] : memref<1x192xf32, #tpu.memory_space<vmem>>, vector<1x192xf32>
    %slice3A_102 = vector.extract_strided_slice %add3A_98 {offsets = [0, 0], sizes = [2000, 64], strides = [1, 1]} : vector<2000x192xf32> to vector<2000x64xf32>
    %slice3A_103 = vector.extract_strided_slice %get3A_101 {offsets = [0, 0], sizes = [1, 64], strides = [1, 1]} : vector<1x192xf32> to vector<1x64xf32>
    %add3A_104 = vector.broadcast %slice3A_103 : vector<1x64xf32> to vector<2000x64xf32>
    %add3A_105 = arith.addf %slice3A_102, %add3A_104 : vector<2000x64xf32>
    %logistic3A = arith.negf %add3A_105 : vector<2000x64xf32>
    %logistic3A_106 = math.exp %logistic3A : vector<2000x64xf32>
    %logistic3A_107 = arith.constant 1.000000e+00 : f32
    %logistic3A_108 = vector.broadcast %logistic3A_107 : f32 to vector<2000x64xf32>
    %logistic3A_109 = arith.addf %logistic3A_108, %logistic3A_106 : vector<2000x64xf32>
    %logistic3A_110 = arith.divf %logistic3A_108, %logistic3A_109 : vector<2000x64xf32>
    %slice3A_111 = vector.extract_strided_slice %add3A_98 {offsets = [0, 64], sizes = [2000, 64], strides = [1, 1]} : vector<2000x192xf32> to vector<2000x64xf32>
    %slice3A_112 = vector.extract_strided_slice %get3A_101 {offsets = [0, 64], sizes = [1, 64], strides = [1, 1]} : vector<1x192xf32> to vector<1x64xf32>
    %add3A_113 = vector.broadcast %slice3A_112 : vector<1x64xf32> to vector<2000x64xf32>
    %add3A_114 = arith.addf %slice3A_111, %add3A_113 : vector<2000x64xf32>
    %logistic3A_115 = arith.negf %add3A_114 : vector<2000x64xf32>
    %logistic3A_116 = math.exp %logistic3A_115 : vector<2000x64xf32>
    %logistic3A_117 = arith.constant 1.000000e+00 : f32
    %logistic3A_118 = vector.broadcast %logistic3A_117 : f32 to vector<2000x64xf32>
    %logistic3A_119 = arith.addf %logistic3A_118, %logistic3A_116 : vector<2000x64xf32>
    %logistic3A_120 = arith.divf %logistic3A_118, %logistic3A_119 : vector<2000x64xf32>
    %slice3A_121 = vector.extract_strided_slice %add3A_98 {offsets = [0, 128], sizes = [2000, 64], strides = [1, 1]} : vector<2000x192xf32> to vector<2000x64xf32>
    %slice3A_122 = vector.extract_strided_slice %get3A_101 {offsets = [0, 128], sizes = [1, 64], strides = [1, 1]} : vector<1x192xf32> to vector<1x64xf32>
    %mul3A_123 = vector.broadcast %slice3A_122 : vector<1x64xf32> to vector<2000x64xf32>
    %mul3A_124 = arith.mulf %logistic3A_110, %mul3A_123 : vector<2000x64xf32>
    %add3A_125 = arith.addf %slice3A_121, %mul3A_124 : vector<2000x64xf32>
    %tanh3A = math.tanh %add3A_125 : vector<2000x64xf32>
    %sub3A_126 = arith.constant 1.000000e+00 : f32
    %sub3A_127 = vector.broadcast %sub3A_126 : f32 to vector<2000x64xf32>
    %sub3A_128 = arith.subf %sub3A_127, %logistic3A_120 : vector<2000x64xf32>
    %mul3A_129 = arith.mulf %sub3A_128, %tanh3A : vector<2000x64xf32>
    %get3A_130 = arith.constant 0 : index
    %get3A_131 = arith.constant 0 : index
    %get3A_132 = vector.load %arg12[%get3A_130, %get3A_131] : memref<64x8xf32, #tpu.memory_space<vmem>>, vector<64x8xf32>
    %dot_general3A_133 = arith.constant dense<0.000000e+00> : vector<2000x8xf32>
    %dot_general3A_134 = tpu.matmul %mul3A_129, %get3A_132, %dot_general3A_133 {dimension_numbers = #tpu.dot_dimension_numbers<[1], [0], [0], [1], [0, 0, 1, 1], [], []>, transpose_lhs_hint = false} : vector<2000x64xf32>, vector<64x8xf32>, vector<2000x8xf32> -> vector<2000x8xf32>
    %get3A_135 = arith.constant 0 : index
    %get3A_136 = arith.constant 0 : index
    %get3A_137 = vector.load %arg13[%get3A_135, %get3A_136] : memref<1x8xf32, #tpu.memory_space<vmem>>, vector<1x8xf32>
    %add3A_138 = vector.broadcast %get3A_137 : vector<1x8xf32> to vector<2000x8xf32>
    %add3A_139 = arith.addf %dot_general3A_134, %add3A_138 : vector<2000x8xf32>
    %swap3A = arith.constant 0 : index
    %swap3A_140 = arith.constant 0 : index
    %swap3A_141 = vector.load %arg14[%swap3A, %swap3A_140] : memref<2000x8xf32, #tpu.memory_space<vmem>>, vector<2000x8xf32>
    tpu.vector_store %arg14[%swap3A, %swap3A_140], %add3A_139 {strides = array<i32>} : memref<2000x8xf32, #tpu.memory_space<vmem>>, vector<2000x8xf32>,
    return
  }
  func.func @transform_0(%arg0: i32) -> (i32, i32, i32) {
    %c0_i32 = arith.constant 0 : i32
    %c0_i32_0 = arith.constant 0 : i32
    %c0_i32_1 = arith.constant 0 : i32
    return %c0_i32, %arg0, %c0_i32_0 : i32, i32, i32
  }
  func.func @transform_1(%arg0: i32) -> (i32, i32, i32) {
    %c0_i32 = arith.constant 0 : i32
    %c0_i32_0 = arith.constant 0 : i32
    %c0_i32_1 = arith.constant 0 : i32
    return %c0_i32, %arg0, %c0_i32_0 : i32, i32, i32
  }
  func.func @transform_2(%arg0: i32) -> (i32, i32) {
    %c0_i32 = arith.constant 0 : i32
    %c0_i32_0 = arith.constant 0 : i32
    return %arg0, %c0_i32 : i32, i32
  }
  func.func @transform_3(%arg0: i32) -> (i32, i32) {
    %c0_i32 = arith.constant 0 : i32
    %c0_i32_0 = arith.constant 0 : i32
    %c0_i32_1 = arith.constant 0 : i32
    return %c0_i32, %c0_i32_0 : i32, i32
  }
  func.func @transform_4(%arg0: i32) -> (i32, i32) {
    %c0_i32 = arith.constant 0 : i32
    %c0_i32_0 = arith.constant 0 : i32
    return %arg0, %c0_i32 : i32, i32
  }
  func.func @transform_5(%arg0: i32) -> (i32, i32) {
    %c0_i32 = arith.constant 0 : i32
    %c0_i32_0 = arith.constant 0 : i32
    %c0_i32_1 = arith.constant 0 : i32
    return %c0_i32, %c0_i32_0 : i32, i32
  }
  func.func @transform_6(%arg0: i32) -> (i32, i32) {
    %c0_i32 = arith.constant 0 : i32
    %c0_i32_0 = arith.constant 0 : i32
    %c0_i32_1 = arith.constant 0 : i32
    return %c0_i32, %c0_i32_0 : i32, i32
  }
  func.func @transform_7(%arg0: i32) -> (i32, i32) {
    %c0_i32 = arith.constant 0 : i32
    %c0_i32_0 = arith.constant 0 : i32
    %c0_i32_1 = arith.constant 0 : i32
    return %c0_i32, %c0_i32_0 : i32, i32
  }
  func.func @transform_8(%arg0: i32) -> (i32, i32) {
    %c0_i32 = arith.constant 0 : i32
    %c0_i32_0 = arith.constant 0 : i32
    %c0_i32_1 = arith.constant 0 : i32
    return %c0_i32, %c0_i32_0 : i32, i32
  }
  func.func @transform_9(%arg0: i32) -> (i32, i32) {
    %c0_i32 = arith.constant 0 : i32
    %c0_i32_0 = arith.constant 0 : i32
    %c0_i32_1 = arith.constant 0 : i32
    return %c0_i32, %c0_i32_0 : i32, i32
  }
  func.func @transform_10(%arg0: i32) -> (i32, i32) {
    %c0_i32 = arith.constant 0 : i32
    %c0_i32_0 = arith.constant 0 : i32
    %c0_i32_1 = arith.constant 0 : i32
    return %c0_i32, %c0_i32_0 : i32, i32
  }
  func.func @transform_11(%arg0: i32) -> (i32, i32) {
    %c0_i32 = arith.constant 0 : i32
    %c0_i32_0 = arith.constant 0 : i32
    %c0_i32_1 = arith.constant 0 : i32
    return %c0_i32, %c0_i32_0 : i32, i32
  }
  func.func @transform_12(%arg0: i32) -> (i32, i32) {
    %c0_i32 = arith.constant 0 : i32
    %c0_i32_0 = arith.constant 0 : i32
    %c0_i32_1 = arith.constant 0 : i32
    return %c0_i32, %c0_i32_0 : i32, i32
  }
  func.func @transform_13(%arg0: i32) -> (i32, i32) {
    %c0_i32 = arith.constant 0 : i32
    %c0_i32_0 = arith.constant 0 : i32
    return %arg0, %c0_i32 : i32, i32
  }
}

</mosaic_0001>

<sc_bundles>
// kernel: kernel.10.cloned.1.call-start
scs
__scs_entry_jumppad:
0x0: {  	(pc) =	sbr.rel $0x88, $3  }
0x1: {  	(tag) =	ssettag $0x0;
	lr =	simm.s32 $0x1  }
0x2: {  	[smem:$0x3F8E] =	sst lr;
	_ =	strace $0xD0000000  }
0x3: {  	_ = 	snop  }
0x4: {  	_ = 	snop  }
0x5: {  	_ = 	snop  }
0x6: {  	_ = 	snop  }
0x7: {  	_ = 	snop  }
__scs_overlays_trampoline_lowered:
0x8: {  	[smem:$0x3F9D] =	sst s0  }
0x9: {  	[smem:$0x3F9E] =	sst s1  }
0xa: {  	[smem:$0x3F9F] =	sst s2  }
0xb: {  	[smem:$0x3FA0] =	sst s3  }
0xc: {  	[smem:$0x3FA1] =	sst s4  }
0xd: {  	[smem:$0x3FA2] =	sst s5  }
0xe: {  	[smem:$0x3FA3] =	sst s6  }
0xf: {  	[smem:$0x3FA4] =	sst s7  }
0x10: {  	[smem:$0x3FA5] =	sst s8  }
0x11: {  	[smem:$0x3FA6] =	sst s9;
	s0 =	simm.s32 @!p0 $0x0  }
0x12: {  	s1 =	sld [smem:$0x3F8C];
	s0 =	simm.s32 @p0 $0x1  }
0x13: {  	[smem:$0x3FA7] =	sst s0;
	s0 =	simm.s32 @!p1 $0x0  }
0x14: {  	s2 =	sld [smem:$0x3F8B];
	s0 =	simm.s32 @p1 $0x1  }
0x15: {  	[smem:$0x3FA8] =	sst s0;
	s0 =	simm.s32 @!p2 $0x0  }
0x16: {  	s3 =	sld [smem:$0x3FDB];
	s0 =	simm.s32 @p2 $0x1  }
0x17: {  	s4 =	simm.s32 $0x1BF5;
	[smem:$0x3FAA] =	sst s0  }
0x18: {  	s0 =	sld [smem:$0x3F8D];
	_ =	swait.ge [sflag:s4], $0x0  }
0x19: {  	s7 =	sld [smem:$0x3F8E]  }
0x1a: {  	s8 =	sadd.s32 $0xFFFFE003, lr  }
0x1b: {  	s9 =	sadd.s32 $0xFFFFFEF7, lr;
	s5 =	simm.s32 $0xFFFFFFFF;
	p2 =	slt.u32 s8, $0xFFFFF086  }
0x1c: {  	p1 =	slt.u32 s9, $0xF7A;
	s5 =	simm.s32 @!p2 $0x0  }
0x1d: {  	s5 =	simm.s32 @p1 $0x1;
	p0 =	seq.s32 s7, s2  }
0x1e: {  	s7 =	smul.u32 @!p0 $0xF7A, s2;
	p2 =	seq.s32 @!p0 s5, $0x0  }
0x1f: {  	s9 =	smul.u32 $0xF7A, s1;
	s8 =	simm.s32 @!p0 $0x1BF5;
	p2 =	por !p2, p0  }
0x20: {  	[sflag:s8] =	ssyncset.s32 @!p0 $0xFFFFF086;
	s6 =	sadd.s32 @!p0 s3, s7;
	s7 =	simm.s32 @!p0 $0x108  }
0x21: {  	s3 =	sadd.s32 s3, s9;
	s6 =	sadd.s32 @!p0 $0x88, s6;
	s7 =	simm.s32 @p2 $0x1082  }
0x22: {  	[simem:s7], [sflag:s8] =	dma.local @!p0 [hbm:s6], $0xF7A  }
0x23: {  	s9 =	sor.u32 $0xD0000000, s2;
	s6 =	simm.s32 $0x108;
	_ =	swait.ge @!p0 [sflag:s8], $0x0  }
0x24: {  	s3 =	sadd.s32 $0x88, s3;
	s6 =	simm.s32 @!p1 $0x1082;
	[sflag:s4] =	ssyncset.s32 $0xFFFFF086  }
0x25: {  	[simem:s6], [sflag:s4] =	dma.local [hbm:s3], $0xF7A  }
0x26: {  	[smem:$0x3F8E] =	sst s1;
	(tag) =	ssettag s2;
	_ =	strace s9  }
0x27: {  	s1 =	sld [smem:$0x3F9E]  }
0x28: {  	s2 =	sld [smem:$0x3F9F]  }
0x29: {  	s4 =	sld [smem:$0x3FA1]  }
0x2a: {  	p0 =	seq.s32 s5, $0x0;
	s5 =	sld [smem:$0x3FA2]  }
0x2b: {  	s6 =	sld [smem:$0x3FA3]  }
0x2c: {  	s7 =	sld [smem:$0x3FA4]  }
0x2d: {  	s3 =	simm.s32 $0x108;
	s8 =	sld [smem:$0x3FA5]  }
0x2e: {  	s3 =	simm.s32 @!p0 $0x1082;
	s9 =	sld [smem:$0x3FA6]  }
0x2f: {  	lr =	sadd.s32 s0, s3;
	s0 =	sld [smem:$0x3F9D]  }
0x30: {  	s3 =	sld [smem:$0x3FA0]  }
0x31: {  	[smem:$0x3FA9] =	sst s10  }
0x32: {  	s10 =	sld [smem:$0x3FA7];
	_ =	sdelay $0x3  }
0x33: {  	p0 =	seq.s32 s10, $0x1;
	s10 =	sld [smem:$0x3FA9];
	_ =	sdelay $0x3  }
0x34: {  	[smem:$0x3FA9] =	sst s10  }
0x35: {  	s10 =	sld [smem:$0x3FA8];
	_ =	sdelay $0x3  }
0x36: {  	p1 =	seq.s32 s10, $0x1;
	s10 =	sld [smem:$0x3FA9];
	_ =	sdelay $0x3  }
0x37: {  	[smem:$0x3FA9] =	sst s10  }
0x38: {  	s10 =	sld [smem:$0x3FAA]  }
0x39: {  	_ = 	snop;
	(pc) =	sbr.ind lr, $3  }
0x3a: {  	_ = 	snop  }
0x3b: {  	_ = 	snop  }
0x3c: {  	p2 =	seq.s32 s10, $0x1;
	s10 =	sld [smem:$0x3FA9]  }
0x3d: {  	_ =	shalt  }
0x3e: {  	_ =	shalt  }
0x3f: {  	_ =	shalt  }
0x40: {  	_ =	shalt  }
0x41: {  	_ =	shalt  }
0x42: {  	_ =	shalt  }
0x43: {  	_ =	shalt  }
0x44: {  	_ =	shalt  }
0x45: {  	_ =	shalt  }
0x46: {  	_ =	shalt  }
0x47: {  	_ =	shalt  }
0x48: {  	_ =	shalt  }
0x49: {  	_ =	shalt  }
0x4a: {  	_ =	shalt  }
0x4b: {  	_ =	shalt  }
0x4c: {  	_ =	shalt  }
0x4d: {  	_ =	shalt  }
0x4e: {  	_ =	shalt  }
0x4f: {  	_ =	shalt  }
0x50: {  	_ =	shalt  }
0x51: {  	_ =	shalt  }
0x52: {  	_ =	shalt  }
0x53: {  	_ =	shalt  }
0x54: {  	_ =	shalt  }
0x55: {  	_ =	shalt  }
0x56: {  	_ =	shalt  }
0x57: {  	_ =	shalt  }
0x58: {  	_ =	shalt  }
0x59: {  	_ =	shalt  }
0x5a: {  	_ =	shalt  }
0x5b: {  	_ =	shalt  }
0x5c: {  	_ =	shalt  }
0x5d: {  	_ =	shalt  }
0x5e: {  	_ =	shalt  }
0x5f: {  	_ =	shalt  }
0x60: {  	_ =	shalt  }
0x61: {  	_ =	shalt  }
0x62: {  	_ =	shalt  }
0x63: {  	_ =	shalt  }
0x64: {  	_ =	shalt  }
0x65: {  	_ =	shalt  }
0x66: {  	_ =	shalt  }
0x67: {  	_ =	shalt  }
0x68: {  	_ =	shalt  }
0x69: {  	_ =	shalt  }
0x6a: {  	_ =	shalt  }
0x6b: {  	_ =	shalt  }
0x6c: {  	_ =	shalt  }
0x6d: {  	_ =	shalt  }
0x6e: {  	_ =	shalt  }
0x6f: {  	_ =	shalt  }
0x70: {  	_ =	shalt  }
0x71: {  	_ =	shalt  }
0x72: {  	_ =	shalt  }
0x73: {  	_ =	shalt  }
0x74: {  	_ =	shalt  }
0x75: {  	_ =	shalt  }
0x76: {  	_ =	shalt  }
0x77: {  	_ =	shalt  }
0x78: {  	_ =	shalt  }
0x79: {  	_ =	shalt  }
0x7a: {  	_ =	shalt  }
0x7b: {  	_ =	shalt  }
0x7c: {  	_ =	shalt  }
0x7d: {  	_ =	shalt  }
0x7e: {  	_ =	shalt  }
0x7f: {  	_ =	shalt  }
0x80: {  	_ =	shalt  }
0x81: {  	_ =	shalt  }
0x82: {  	_ =	shalt  }
0x83: {  	_ =	shalt  }
0x84: {  	_ =	shalt  }
0x85: {  	_ =	shalt  }
0x86: {  	_ =	shalt  }
0x87: {  	_ =	shalt  }
.Lfunc_end0:
.L_simem_size_0:
called_computation.1_lowered:
.L_overlay_start_0:
0x88: {  	s2 =	sld [smem:$0x3FD9]  }
0x89: {  	s3 =	sld [smem:$0x3FFE];
	_ =	sdelay $0x1  }
0x8a: {  	s1 =	srdreg.scid  }
0x8b: {  	s0 =	sand.u32 $0x1, s1  }
0x8c: {  	s17 =	sshll.u32 s0, $0xA;
	s2 =	sadd.s32 s3, s2  }
0x8d: {  	s2 =	sadd.s32 s2, s17  }
0x8e: {  	[smem:$0x3FB5] =	sst s2  }
0x8f: {  	_ = 	snop  }
0x90: {  	s2 =	sld [smem:$0x3FD0];
	(tm) =	ssettm $0x1  }
0x91: {  	s18 =	sld [smem:$0x3FFB];
	_ =	sdelay $0x3  }
0x92: {  	_ =	strace s18  }
0x93: {  	s3 =	sld [smem:$0x3FFC];
	_ =	sdelay $0x3  }
0x94: {  	_ =	strace s3  }
0x95: {  	s3 =	sld [smem:$0x3FFD];
	_ =	sdelay $0x3  }
0x96: {  	_ =	strace s3  }
0x97: {  	_ =	strace $0x8FFFFFFF  }
0x98: {  	s19 =	sld [smem:$0x3FDB];
	_ =	sdelay $0x1  }
0x99: {  	s4 =	simm.s32 $_scs_section_size  }
0x9a: {  	s5 =	simm.s32 $_size__tile_overlayer_lowered;
	s6 =	simm.s32 $_tile_overlayer_lowered  }
0x9b: {  	s22 =	simm.s32 $0x1BFF;
	s21 =	sshll.u32 s6, $0x1;
	s3 =	sadd.s32 s4, s19  }
0x9c: {  	s7 =	simm.s32 $0x0;
	s20 =	sshll.u32 s5, $0x1;
	s5 =	sadd.s32 s21, s3  }
0x9d: {  	[timem:s7], [sflag:s22] =	dma.local [hbm:s5], s20  }
0x9e: {  	_ =	swait.ge [sflag:s22], s20  }
0x9f: {  	s4 =	ssub.s32 $0x0, s20;
	[sflag:s22] =	ssyncset.done $0x0  }
0xa0: {  	[sflag:s22] =	ssyncadd.s32 s4;
	_ =	sdelay $0x1  }
0xa1: {  	s23 =	simm.s32 $0x1B8B  }
0xa2: {  	_ =	swait.ge [sflag:s23], $0x1  }
0xa3: {  	[sflag:s23] =	ssyncset.done $0x0  }
0xa4: {  	s25 =	simm.s32 $0x1B8E;
	s24 =	sld [smem:$0x3FFE];
	[sflag:s23] =	ssyncadd.s32 $0xFFFFFFFF  }
0xa5: {  	s26 =	simm.s32 $execute0_lowered;
	[smem:$0x3FD2] =	sst s25  }
0xa6: {  	s5 =	sshll.u32 s26, $0x1;
	_ =	strace $0x80000049;
	[dreg:$0x1] =	wrdreg $0xFFFFFFFF  }
0xa7: {  	s28 =	simm.s32 $_size_execute0_lowered;
	s3 =	sadd.s32 s3, s5;
	[dreg:$0x0] =	wrdreg $0x0  }
0xa8: {  	s5 =	sshll.u32 s28, $0x1;
	[dreg:$0x2] =	wrdreg s3  }
0xa9: {  	[dreg:$0x3] =	wrdreg s5  }
0xaa: {  	[dreg:$0x4] =	wrdreg $0xC0  }
0xab: {  	_ =	task [dreg:s7], $0x5FFFF  }
0xac: {  	[dreg:$0x1] =	wrdreg $0xFFFFFFFF  }
0xad: {  	[dreg:$0x0] =	wrdreg $0x60  }
0xae: {  	[dreg:$0x2] =	wrdreg s24  }
0xaf: {  	[dreg:$0x3] =	wrdreg s2  }
0xb0: {  	[dreg:$0x4] =	wrdreg $0x0  }
0xb1: {  	[dreg:$0x5] =	wrdreg $0x9  }
0xb2: {  	_ =	task.clear_ibuf [dreg:s7], $0x6FFFF;
	_ =	strace $0x90000049  }
0xb3: {  	s29 =	simm.s32 $0x9;
	_ =	strace $0x8000004B  }
0xb4: {  	_ =	swait.ge [sflag:s29], $0x1  }
0xb5: {  	[sflag:s29] =	ssyncadd.s32 $0xFFFFFFFF  }
0xb6: {  	_ =	strace $0x9000004B  }
0xb7: {  	_ =	sfence  }
0xb8: {  	s30 =	sld [smem:$0x0];
	_ =	sdelay $0x2  }
0xb9: {  	s31 =	sshll.u32 s1, $0xD;
	s1 =	sshrl.u32 s1, $0x2  }
0xba: {  	s3 =	sand.u32 $0x4000, s31;
	s1 =	sadd.s32 s1, s30  }
0xbb: {  	s0 =	sor.u32 s3, s0;
	s1 =	sshll.u32 s1, $0x11  }
0xbc: {  	s0 =	sor.u32 s1, s0  }
0xbd: {  	s0 =	sadd.s32 $0x8F2B, s0  }
0xbe: {  	[sflag:s0] =	ssyncadd.remote.s32 $0x1  }
0xbf: {  	_ =	sfence.sel $0xFFFF  }
0xc0: {  	[dreg:$0x0] =	wrdreg $0xFFFFFFFF;
	(pc) =	sbr.abs _section_cstart, $3  }
0xc1: {  	[dreg:$0x1] =	wrdreg $0xFFFFFFFF  }
0xc2: {  	_ =	task.clear_ibuf [dreg:s7], $0x2FFFF;
	_ =	strace $0x9FFFFFFF  }
0xc3: {  	(tm) =	ssettm $0x7FFFFFFF  }
tec
execute0_lowered:
.L_overlay_start_1:
0x0: {  	(tag) =	ssettag $0x1  }
0x1: {  	s0 =	rddreg [dreg:$0x0]  }
0x2: {  	s3 =	rddreg [dreg:$0x2];
	s1 =	simm.s32 $0x0;
	s5 =	stileid.u32  }
0x3: {  	s2 =	srdreg.scid;
	s28 =	simm.s32 $0x6578;
	s29 =	simm.s32 $0x8678  }
0x4: {  	s30 =	simm.s32 $0x8F78;
	s31 =	simm.s32 $0x9698;
	s16 =	simm.s32 $0x8978  }
0x5: {  	[smem:$0x7FF] =	sst s1;
	s19 =	smul.u32 $0x62C0, s5;
	s13 =	sadd.s32 $0x148E00, s0  }
0x6: {  	s2 =	sand.u32 $0x1, s2;
	s4 =	smul.u32 $0xC58, s5;
	s14 =	sadd.s32 $0x15CA00, s0  }
0x7: {  	s7 =	sadd.s32 $0xC6C00, s0;
	s8 =	sadd.s32 $0x1B4A00, s0;
	s6 =	smul.u32 $0x4EC0, s5  }
0x8: {  	s26 =	sshll.u32 s5, $0x6;
	_ =	strace $0x8000004A;
	s10 =	smul.u32 $0xC580, s2  }
0x9: {  	s12 =	ssub.s32 $0x2, s2;
	s2 =	smul.u32 $0x4EC00, s2;
	s9 =	smov.u32 s14  }
0xa: {  	s15 =	sor.u32 $0x1C07, s26;
	s26 =	simm.s32 $0x1;
	s11 =	sshrl.u32 s19, $0x3  }
0xb: {  	s20 =	sshrl.u32 s12, $0x1;
	s1 =	sadd.s32 s19, s3;
	s22 =	sshrl.u32 s6, $0x3  }
0xc: {  	[dreg:$0xa] =	wrdreg s15;
	s11 =	sadd.s32 s11, s0;
	s4 =	sadd.s32 s4, s10  }
0xd: {  	s21 =	ssub.s32 s12, s20;
	s2 =	sadd.s32 s6, s2;
	s10 =	smov.u32 s6  }
0xe: {  	v1 =	vlaneseq.u32;
	s6 =	smov.u32 s13;
	s24 =	sadd.s32 s14, s22;
	s14 =	simm.s32 $0x7  }
0xf: {  	v0 =	vmul.u32 $0x8, v1;
	v17 =	vmul.u32 $0x28, v1;
	s17 =	sshrl.u32 s1, $0x3;
	s22 =	simm.s32 $0x60;
	s1 =	simm.s32 $0x7478  }
0x10: {  	s12 =	simm.s32 $0x3;
	s0 =	sadd.s32 s4, s0;
	[dreg:$0x4] =	wrdreg s2  }
0x11: {  	v1 =	vor.u32 $0x1, v0;
	v2 =	vadd.s32 $0x20, v17;
	s2 =	sshrl.u32 s2, $0x3;
	s23 =	sadd.s32 $0x1BA800, s11;
	[dreg:$0x7] =	wrdreg s24  }
0x12: {  	v3 =	vor.u32 $0x80, v0;
	v4 =	vor.u32 $0x81, v0;
	v5 =	vadd.s32 $0x2A0, v17;
	s25 =	smax.u32 s21, $0x1;
	s24 =	simm.s32 $0x8378;
	[dreg:$0xb] =	wrdreg s17  }
0x13: {  	v6 =	vor.u32 $0x100, v0;
	v7 =	vor.u32 $0x101, v0;
	v8 =	vadd.s32 $0x520, v17;
	s11 =	simm.s32 $0x9278;
	s4 =	simm.s32 $0x0;
	[dreg:$0x5] =	wrdreg s23  }
0x14: {  	v9 =	vor.u32 $0x180, v0;
	v10 =	vor.u32 $0x181, v0;
	v11 =	vadd.s32 $0x7A0, v17;
	s2 =	sadd.s32 s13, s2;
	s0 =	sadd.s32 $0xDF400, s0;
	[dreg:$0x9] =	wrdreg s25  }
0x15: {  	v12 =	vor.u32 $0x200, v0;
	v13 =	vor.u32 $0x201, v0;
	v14 =	vadd.s32 $0xA20, v17;
	s23 =	simm.s32 $0x5678;
	s25 =	simm.s32 $0x8C78;
	[dreg:$0x6] =	wrdreg s2  }
0x16: {  	v15 =	vor.u32 $0x280, v0;
	v16 =	vor.u32 $0x281, v0;
	v17 =	vadd.s32 $0xCA0, v17;
	s13 =	simm.s32 $0x4;
	[dreg:$0x8] =	wrdreg s0;
	s2 =	simm.s32 $0x2  }
.LBB2_1:
0x17: {  	[dreg:$0xc] =	wrdreg s4  }
0x18: {  	s0 =	rddreg [dreg:$0x1];
	s4 =	simm.s32 $0x0;
	s5 =	simm.s32 $0x5178  }
0x19: {  	[tilespmem:s5], [sflag:$0x7] =	stream.linear.gather [hbm4b:s0+s4], $0x80, $0x38;
	[tilespmem:$0x96F8] =	vst v63  }
0x1a: {  	_ =	swait.ge [sflag:s14], $0x80  }
0x1b: {  	[sflag:s14] =	ssyncset.done $0x0  }
0x1c: {  	s21 =	rddreg [dreg:$0x5];
	[sflag:s14] =	ssyncadd.s32 $0xFFFFFF80  }
0x1d: {  	[spmem:s17], [sflag:s15] =	dma.local [hbm:s21], $0xC58  }
0x1e: {  	_ =	swait.ge [sflag:s14], $0xC58  }
0x1f: {  	[sflag:s14] =	ssyncset.done $0x0  }
0x20: {  	[sflag:s14] =	ssyncadd.s32 $0xFFFFF3A8  }
0x21: {  	[bflag:$0x0] =	sbarrier.arrive $0xFFFF  }
0x22: {  	s19 =	simm.s32 $0x51F8;
	s18 =	rddreg [dreg:$0x6]  }
0x23: {  	v18 =	vld.msk [tilespmem:s5+$0x0], $0xffff;
	[tilespmem:s19], [sflag:$0x7] =	stream.linear.gather [hbm4b:s18+s4], $0x240, $0x38  }
0x24: {  	_ =	swait.ge [sflag:s14], $0x240  }
0x25: {  	[sflag:s14] =	ssyncset.done $0x0  }
0x26: {  	s21 =	simm.s32 $0x5438;
	s20 =	rddreg [dreg:$0x7];
	[sflag:s14] =	ssyncadd.s32 $0xFFFFFDC0  }
0x27: {  	[tilespmem:s21], [sflag:$0x7] =	stream.linear.gather [hbm4b:s20+s4], $0x240, $0x38;
	[tilespmem:$0x96F8] =	vst v63  }
0x28: {  	_ =	swait.ge [sflag:s14], $0x240  }
0x29: {  	[sflag:s14] =	ssyncset.done $0x0  }
0x2a: {  	[sflag:s14] =	ssyncadd.s32 $0xFFFFFDC0  }
0x2b: {  	[tilespmem:s23], [sflag:$0x1] =	stream.indirect.gather [hbm4b:s7+s22], $0x21, s19, s22, $0xb8;
	[tilespmem:$0x96F8] =	vst v63  }
0x2c: {  	_ = 	snop  }
0x2d: {  	[tilespmem:s24], [sflag:$0x1] =	stream.indirect.gather [hbm4b:s8+s22], $0x8, s19, s22, $0xb8;
	[tilespmem:$0x96F8] =	vst v63  }
0x2e: {  	s15 =	simm.s32 $0x0  }
0x2f: {  	[tilespmem:s25], [sflag:$0x1] =	stream.indirect.gather [hbm4b:s8+s22], $0x8, s21, s22, $0xb8;
	[tilespmem:$0x96F8] =	vst v63  }
.LBB2_2:
0x30: {  	s4 =	sand.u32 $0x1, s15  }
0x31: {  	s18 =	smul.u32 $0x120, s4;
	_ =	sdelay $0x1  }
0x32: {  	v19 =	vld [tilespmem:s18+$0x5438];
	_ =	sdelay $0x4  }
0x33: {  	[tilespmem:$0x9578] =	vst v19  }
0x34: {  	v19 =	vld [tilespmem:s18+$0x5448];
	_ =	sdelay $0x4  }
0x35: {  	[tilespmem:$0x9588] =	vst v19  }
0x36: {  	v19 =	vld [tilespmem:s18+$0x5458];
	_ =	sdelay $0x4  }
0x37: {  	[tilespmem:$0x9598] =	vst v19  }
0x38: {  	v19 =	vld [tilespmem:s18+$0x5468];
	_ =	sdelay $0x4  }
0x39: {  	[tilespmem:$0x95A8] =	vst v19  }
0x3a: {  	v19 =	vld [tilespmem:s18+$0x5478];
	_ =	sdelay $0x4  }
0x3b: {  	[tilespmem:$0x95B8] =	vst v19  }
0x3c: {  	v19 =	vld [tilespmem:s18+$0x5488];
	_ =	sdelay $0x4  }
0x3d: {  	[tilespmem:$0x95C8] =	vst v19  }
0x3e: {  	_ =	swait.ge [sflag:s26], $0xC60  }
0x3f: {  	[sflag:s26] =	ssyncset.done $0x0  }
0x40: {  	[sflag:s26] =	ssyncadd.s32 $0xFFFFF3A0  }
0x41: {  	_ =	swait.ge [sflag:s26], $0x300  }
0x42: {  	[sflag:s26] =	ssyncset.done $0x0  }
0x43: {  	[sflag:s26] =	ssyncadd.s32 $0xFFFFFD00  }
0x44: {  	_ =	swait.ge [sflag:s26], $0x300  }
0x45: {  	p0 =	seq.s32 s15, $0x0;
	[sflag:s26] =	ssyncset.done $0x0  }
0x46: {  	s0 =	simm.s32 @!p0 $0x5;
	[sflag:s26] =	ssyncadd.s32 $0xFFFFFD00  }
0x47: {  	_ =	swait.ge @!p0 [sflag:s0], $0xC60  }
0x48: {  	[sflag:s0] =	ssyncset.done @!p0 $0x0  }
0x49: {  	s17 =	sadd.s32 $0x5258, s18;
	[sflag:s0] =	ssyncadd.s32 @!p0 $0xFFFFF3A0  }
0x4a: {  	[tilespmem:s28], [sflag:$0x2] =	stream.indirect.gather [hbm4b:s7+s22], $0x21, s17, s22, $0xb8;
	[tilespmem:$0x96F8] =	vst v63  }
0x4b: {  	_ = 	snop  }
0x4c: {  	[tilespmem:s29], [sflag:$0x2] =	stream.indirect.gather [hbm4b:s8+s22], $0x8, s17, s22, $0xb8;
	[tilespmem:$0x96F8] =	vst v63  }
0x4d: {  	s19 =	sadd.s32 $0x5498, s18  }
0x4e: {  	[tilespmem:s30], [sflag:$0x2] =	stream.indirect.gather [hbm4b:s8+s22], $0x8, s19, s22, $0xb8;
	[tilespmem:$0x96F8] =	vst v63  }
0x4f: {  	v19 =	vld.idx.msk [tilespmem:v0+s24+$0x0], $0xffff  }
0x50: {  	v20 =	vld.idx.msk [tilespmem:v1+s25+$0x0], $0xffff;
	_ =	sdelay $0x4  }
0x51: {  	v19 =	vadd.f32 v20, v19;
	_ =	sdelay $0x1  }
0x52: {  	v20 =	vmul.f32 $2.000000030e-01, v19  }
0x53: {  	vm0 =	vge.f32 v19, $0.0e+00  }
0x54: {  	v19 =	vsel vm0, v19, v20  }
0x55: {  	v19 =	vsub.f32 v19, v18;
	_ =	sdelay $0x1  }
0x56: {  	v19 =	vmul.f32 $1.442695020e+00, v19;
	_ =	sdelay $0x1  }
0x57: {  	(erf) = vpow2.f32 v19;
	_ =	sdelay $0x8  }
0x58: {  	v19 =	vpop (erf)  }
0x59: {  	[tilespmem:$0x9698] =	vst v19  }
0x5a: {  	[tilespmem:v2+s23+$0x0] =	vst.idx.msk $0xffff, v19  }
0x5b: {  	v19 =	vld.idx.msk [tilespmem:v3+s24+$0x0], $0xffff  }
0x5c: {  	v20 =	vld.idx.msk [tilespmem:v4+s25+$0x0], $0xffff;
	_ =	sdelay $0x4  }
0x5d: {  	v19 =	vadd.f32 v20, v19;
	_ =	sdelay $0x1  }
0x5e: {  	v20 =	vmul.f32 $2.000000030e-01, v19  }
0x5f: {  	vm11 =	vge.f32 v19, $0.0e+00  }
0x60: {  	v19 =	vsel vm11, v19, v20  }
0x61: {  	v19 =	vsub.f32 v19, v18;
	_ =	sdelay $0x1  }
0x62: {  	v19 =	vmul.f32 $1.442695020e+00, v19;
	_ =	sdelay $0x1  }
0x63: {  	(erf) = vpow2.f32 v19;
	_ =	sdelay $0x8  }
0x64: {  	v19 =	vpop (erf)  }
0x65: {  	[tilespmem:$0x96A8] =	vst v19  }
0x66: {  	[tilespmem:v5+s23+$0x0] =	vst.idx.msk $0xffff, v19  }
0x67: {  	v19 =	vld.idx.msk [tilespmem:v6+s24+$0x0], $0xffff  }
0x68: {  	v20 =	vld.idx.msk [tilespmem:v7+s25+$0x0], $0xffff;
	_ =	sdelay $0x4  }
0x69: {  	v19 =	vadd.f32 v20, v19;
	_ =	sdelay $0x1  }
0x6a: {  	v20 =	vmul.f32 $2.000000030e-01, v19  }
0x6b: {  	vm12 =	vge.f32 v19, $0.0e+00  }
0x6c: {  	v19 =	vsel vm12, v19, v20  }
0x6d: {  	v19 =	vsub.f32 v19, v18;
	_ =	sdelay $0x1  }
0x6e: {  	v19 =	vmul.f32 $1.442695020e+00, v19;
	_ =	sdelay $0x1  }
0x6f: {  	(erf) = vpow2.f32 v19;
	_ =	sdelay $0x8  }
0x70: {  	v19 =	vpop (erf)  }
0x71: {  	[tilespmem:$0x96B8] =	vst v19  }
0x72: {  	[tilespmem:v8+s23+$0x0] =	vst.idx.msk $0xffff, v19  }
0x73: {  	v19 =	vld.idx.msk [tilespmem:v9+s24+$0x0], $0xffff  }
0x74: {  	v20 =	vld.idx.msk [tilespmem:v10+s25+$0x0], $0xffff;
	_ =	sdelay $0x4  }
0x75: {  	v19 =	vadd.f32 v20, v19;
	_ =	sdelay $0x1  }
0x76: {  	v20 =	vmul.f32 $2.000000030e-01, v19  }
0x77: {  	vm13 =	vge.f32 v19, $0.0e+00  }
0x78: {  	v19 =	vsel vm13, v19, v20  }
0x79: {  	v19 =	vsub.f32 v19, v18;
	_ =	sdelay $0x1  }
0x7a: {  	v19 =	vmul.f32 $1.442695020e+00, v19;
	_ =	sdelay $0x1  }
0x7b: {  	(erf) = vpow2.f32 v19;
	_ =	sdelay $0x8  }
0x7c: {  	v19 =	vpop (erf)  }
0x7d: {  	[tilespmem:$0x96C8] =	vst v19  }
0x7e: {  	[tilespmem:v11+s23+$0x0] =	vst.idx.msk $0xffff, v19  }
0x7f: {  	v19 =	vld.idx.msk [tilespmem:v12+s24+$0x0], $0xffff  }
0x80: {  	v20 =	vld.idx.msk [tilespmem:v13+s25+$0x0], $0xffff;
	_ =	sdelay $0x4  }
0x81: {  	v19 =	vadd.f32 v20, v19;
	_ =	sdelay $0x1  }
0x82: {  	v20 =	vmul.f32 $2.000000030e-01, v19  }
0x83: {  	vm14 =	vge.f32 v19, $0.0e+00  }
0x84: {  	v19 =	vsel vm14, v19, v20  }
0x85: {  	v19 =	vsub.f32 v19, v18;
	_ =	sdelay $0x1  }
0x86: {  	v19 =	vmul.f32 $1.442695020e+00, v19;
	_ =	sdelay $0x1  }
0x87: {  	(erf) = vpow2.f32 v19;
	_ =	sdelay $0x8  }
0x88: {  	v19 =	vpop (erf)  }
0x89: {  	[tilespmem:$0x96D8] =	vst v19  }
0x8a: {  	[tilespmem:v14+s23+$0x0] =	vst.idx.msk $0xffff, v19  }
0x8b: {  	v19 =	vld.idx.msk [tilespmem:v15+s24+$0x0], $0xffff  }
0x8c: {  	v20 =	vld.idx.msk [tilespmem:v16+s25+$0x0], $0xffff;
	_ =	sdelay $0x4  }
0x8d: {  	v19 =	vadd.f32 v20, v19;
	_ =	sdelay $0x1  }
0x8e: {  	v20 =	vmul.f32 $2.000000030e-01, v19  }
0x8f: {  	vm15 =	vge.f32 v19, $0.0e+00  }
0x90: {  	v19 =	vsel vm15, v19, v20  }
0x91: {  	v19 =	vsub.f32 v19, v18;
	_ =	sdelay $0x1  }
0x92: {  	v19 =	vmul.f32 $1.442695020e+00, v19;
	_ =	sdelay $0x1  }
0x93: {  	(erf) = vpow2.f32 v19;
	_ =	sdelay $0x3  }
0x94: {  	s20 =	simm.s32 $0x0  }
0x95: {  	v19 =	vmov s20  }
0x96: {  	v19 =	vand.u32 $0xFFFFFFFE, v19  }
0x97: {  	v19 =	vbroadcast v19, $0x0;
	_ =	sdelay $0x1  }
0x98: {  	v20 =	vpop (erf)  }
0x99: {  	[tilespmem:$0x96E8] =	vst v20  }
0x9a: {  	s20 =	simm.s32 $0x56A0;
	[tilespmem:v17+s23+$0x0] =	vst.idx.msk $0xffff, v20  }
0x9b: {  	v20 =	vld [tilespmem:s20+$0xFFFFFFD8]  }
0x9c: {  	v19 =	vld.idx.msk [tilespmem:v19+s31+$0x0], $0xffff  }
0x9d: {  	v21 =	vld [tilespmem:s20+$0xFFFFFFE8];
	_ =	sdelay $0x1  }
0x9e: {  	s21 =	simm.s32 $0x1  }
0x9f: {  	v22 =	vmov s21  }
0xa0: {  	v20 =	vmul.f32 v20, v19  }
0xa1: {  	v19 =	vmul.f32 v21, v19  }
0xa2: {  	v23 =	vld [tilespmem:s20+$0x10];
	[tilespmem:s20+$0xFFFFFFD8] =	vst v20  }
0xa3: {  	[tilespmem:s20+$0xFFFFFFE8] =	vst v19;
	v20 =	vld [tilespmem:s20+$0x0]  }
0xa4: {  	v22 =	vld.idx.msk [tilespmem:v22+s31+$0x0], $0xffff  }
0xa5: {  	s17 =	simm.s32 $0x2  }
0xa6: {  	v19 =	vmov s17  }
0xa7: {  	v19 =	vand.u32 $0xFFFFFFFE, v19  }
0xa8: {  	v19 =	vbroadcast v19, $0x0  }
0xa9: {  	s21 =	simm.s32 $0x4;
	s0 =	simm.s32 $0x56A0;
	s19 =	sadd.s32 $0x60, s18;
	v21 =	vmul.f32 v20, v22;
	v20 =	vmul.f32 v23, v22  }
.LBB2_3:
0xaa: {  	p1 =	slt.u32 s21, $0x5E  }
0xab: {  	s20 =	sadd.s32 $0x50, s20;
	s14 =	smov.u32 s21;
	s21 =	sadd.s32 $0x2, s21  }
0xac: {  	[tilespmem:s0+$0x0] =	vst v21  }
0xad: {  	v21 =	vld [tilespmem:s20+$0xFFFFFFD8];
	[tilespmem:s0+$0x10] =	vst v20;
	s0 =	smov.u32 s20  }
0xae: {  	v19 =	vld.idx.msk [tilespmem:v19+s31+$0x0], $0xffff  }
0xaf: {  	v20 =	vld [tilespmem:s20+$0xFFFFFFE8];
	_ =	sdelay $0x1  }
0xb0: {  	s5 =	sadd.s32 $0x1, s17;
	s17 =	smov.u32 s14  }
0xb1: {  	v22 =	vmov s5;
	_ =	sdelay $0x1  }
0xb2: {  	v21 =	vmul.f32 v21, v19;
	v19 =	vmul.f32 v20, v19;
	_ =	sdelay $0x1  }
0xb3: {  	[tilespmem:s20+$0xFFFFFFD8] =	vst v21  }
0xb4: {  	[tilespmem:s20+$0xFFFFFFE8] =	vst v19;
	v20 =	vld [tilespmem:s20+$0x0]  }
0xb5: {  	v22 =	vld.idx.msk [tilespmem:v22+s31+$0x0], $0xffff  }
0xb6: {  	v23 =	vld [tilespmem:s20+$0x10]  }
.Ltmp0:
0xb7: {  	v19 =	vmov s17;
	(pc) =	sbr.rel @p1 .LBB2_3-.Ltmp0, $3  }
0xb8: {  	v19 =	vand.u32 $0xFFFFFFFE, v19  }
0xb9: {  	v19 =	vbroadcast v19, $0x0;
	_ =	sdelay $0x1  }
0xba: {  	v21 =	vmul.f32 v20, v22;
	v20 =	vmul.f32 v23, v22  }
0xbb: {  	_ =	sdelay $0x1  }
0xbc: {  	s5 =	sadd.s32 $0x50, s20;
	[tilespmem:s0+$0x0] =	vst v21  }
0xbd: {  	v21 =	vld [tilespmem:s5+$0xFFFFFFD8];
	[tilespmem:s0+$0x10] =	vst v20  }
0xbe: {  	v19 =	vld.idx.msk [tilespmem:v19+s31+$0x0], $0xffff  }
0xbf: {  	v20 =	vld [tilespmem:s5+$0xFFFFFFE8];
	_ =	sdelay $0x1  }
0xc0: {  	s21 =	sadd.s32 $0x1, s17  }
0xc1: {  	v22 =	vmov s21  }
0xc2: {  	v21 =	vmul.f32 v21, v19  }
0xc3: {  	v19 =	vmul.f32 v20, v19  }
0xc4: {  	[tilespmem:s5+$0xFFFFFFD8] =	vst v21  }
0xc5: {  	[tilespmem:s5+$0xFFFFFFE8] =	vst v19;
	v19 =	vld [tilespmem:s5+$0x0]  }
0xc6: {  	v20 =	vld.idx.msk [tilespmem:v22+s31+$0x0], $0xffff  }
0xc7: {  	v21 =	vld [tilespmem:s5+$0x10];
	_ =	sdelay $0x3  }
0xc8: {  	v19 =	vmul.f32 v19, v20  }
0xc9: {  	v20 =	vmul.f32 v21, v20  }
0xca: {  	[tilespmem:s5+$0x0] =	vst v19  }
0xcb: {  	s14 =	simm.s32 $0x9578;
	[tilespmem:s5+$0x10] =	vst v20  }
0xcc: {  	[spmem:s3] =	stream.indirect.scatter.add.f32 [tilespmem:s23], [sflag:$0x4], $0x21, s14, s22, $0xb8;
	[tilespmem:$0x96F8] =	vst v63  }
0xcd: {  	v19 =	vld [tilespmem:s19+$0x5438];
	_ =	sdelay $0x4  }
0xce: {  	[tilespmem:$0x95D8] =	vst v19  }
0xcf: {  	v19 =	vld [tilespmem:s18+$0x54A8];
	_ =	sdelay $0x4  }
0xd0: {  	[tilespmem:$0x95E8] =	vst v19  }
0xd1: {  	v19 =	vld [tilespmem:s18+$0x54B8];
	_ =	sdelay $0x4  }
0xd2: {  	[tilespmem:$0x95F8] =	vst v19  }
0xd3: {  	v19 =	vld [tilespmem:s18+$0x54C8];
	_ =	sdelay $0x4  }
0xd4: {  	[tilespmem:$0x9608] =	vst v19  }
0xd5: {  	v19 =	vld [tilespmem:s18+$0x54D8];
	_ =	sdelay $0x4  }
0xd6: {  	[tilespmem:$0x9618] =	vst v19  }
0xd7: {  	v19 =	vld [tilespmem:s18+$0x54E8];
	_ =	sdelay $0x4  }
0xd8: {  	[tilespmem:$0x9628] =	vst v19  }
0xd9: {  	_ =	swait.ge [sflag:s2], $0xC60  }
0xda: {  	[sflag:s2] =	ssyncset.done $0x0  }
0xdb: {  	[sflag:s2] =	ssyncadd.s32 $0xFFFFF3A0  }
0xdc: {  	_ =	swait.ge [sflag:s2], $0x300  }
0xdd: {  	[sflag:s2] =	ssyncset.done $0x0  }
0xde: {  	[sflag:s2] =	ssyncadd.s32 $0xFFFFFD00  }
0xdf: {  	_ =	swait.ge [sflag:s2], $0x300  }
0xe0: {  	[sflag:s2] =	ssyncset.done $0x0  }
0xe1: {  	s0 =	simm.s32 @!p0 $0x6;
	[sflag:s2] =	ssyncadd.s32 $0xFFFFFD00  }
0xe2: {  	_ =	swait.ge @!p0 [sflag:s0], $0xC60  }
0xe3: {  	[sflag:s0] =	ssyncset.done @!p0 $0x0  }
0xe4: {  	s17 =	sadd.s32 $0x52B8, s18;
	[sflag:s0] =	ssyncadd.s32 @!p0 $0xFFFFF3A0  }
0xe5: {  	[tilespmem:s1], [sflag:$0x3] =	stream.indirect.gather [hbm4b:s7+s22], $0x21, s17, s22, $0xb8;
	[tilespmem:$0x96F8] =	vst v63  }
0xe6: {  	_ = 	snop  }
0xe7: {  	[tilespmem:s16], [sflag:$0x3] =	stream.indirect.gather [hbm4b:s8+s22], $0x8, s17, s22, $0xb8;
	[tilespmem:$0x96F8] =	vst v63  }
0xe8: {  	s19 =	sadd.s32 $0x54F8, s18  }
0xe9: {  	[tilespmem:s11], [sflag:$0x3] =	stream.indirect.gather [hbm4b:s8+s22], $0x8, s19, s22, $0xb8;
	[tilespmem:$0x96F8] =	vst v63  }
0xea: {  	v19 =	vld.idx.msk [tilespmem:v0+s29+$0x0], $0xffff  }
0xeb: {  	v20 =	vld.idx.msk [tilespmem:v1+s30+$0x0], $0xffff;
	_ =	sdelay $0x4  }
0xec: {  	v19 =	vadd.f32 v20, v19;
	_ =	sdelay $0x1  }
0xed: {  	v20 =	vmul.f32 $2.000000030e-01, v19  }
0xee: {  	vm0 =	vge.f32 v19, $0.0e+00  }
0xef: {  	v19 =	vsel vm0, v19, v20  }
0xf0: {  	v19 =	vsub.f32 v19, v18;
	_ =	sdelay $0x1  }
0xf1: {  	v19 =	vmul.f32 $1.442695020e+00, v19;
	_ =	sdelay $0x1  }
0xf2: {  	(erf) = vpow2.f32 v19;
	_ =	sdelay $0x8  }
0xf3: {  	v19 =	vpop (erf)  }
0xf4: {  	[tilespmem:$0x9698] =	vst v19  }
0xf5: {  	[tilespmem:v2+s28+$0x0] =	vst.idx.msk $0xffff, v19  }
0xf6: {  	v19 =	vld.idx.msk [tilespmem:v3+s29+$0x0], $0xffff  }
0xf7: {  	v20 =	vld.idx.msk [tilespmem:v4+s30+$0x0], $0xffff;
	_ =	sdelay $0x4  }
0xf8: {  	v19 =	vadd.f32 v20, v19;
	_ =	sdelay $0x1  }
0xf9: {  	v20 =	vmul.f32 $2.000000030e-01, v19  }
0xfa: {  	vm11 =	vge.f32 v19, $0.0e+00  }
0xfb: {  	v19 =	vsel vm11, v19, v20  }
0xfc: {  	v19 =	vsub.f32 v19, v18;
	_ =	sdelay $0x1  }
0xfd: {  	v19 =	vmul.f32 $1.442695020e+00, v19;
	_ =	sdelay $0x1  }
0xfe: {  	(erf) = vpow2.f32 v19;
	_ =	sdelay $0x8  }
0xff: {  	v19 =	vpop (erf)  }
0x100: {  	[tilespmem:$0x96A8] =	vst v19  }
0x101: {  	[tilespmem:v5+s28+$0x0] =	vst.idx.msk $0xffff, v19  }
0x102: {  	v19 =	vld.idx.msk [tilespmem:v6+s29+$0x0], $0xffff  }
0x103: {  	v20 =	vld.idx.msk [tilespmem:v7+s30+$0x0], $0xffff;
	_ =	sdelay $0x4  }
0x104: {  	v19 =	vadd.f32 v20, v19;
	_ =	sdelay $0x1  }
0x105: {  	v20 =	vmul.f32 $2.000000030e-01, v19  }
0x106: {  	vm12 =	vge.f32 v19, $0.0e+00  }
0x107: {  	v19 =	vsel vm12, v19, v20  }
0x108: {  	v19 =	vsub.f32 v19, v18;
	_ =	sdelay $0x1  }
0x109: {  	v19 =	vmul.f32 $1.442695020e+00, v19;
	_ =	sdelay $0x1  }
0x10a: {  	(erf) = vpow2.f32 v19;
	_ =	sdelay $0x8  }
0x10b: {  	v19 =	vpop (erf)  }
0x10c: {  	[tilespmem:$0x96B8] =	vst v19  }
0x10d: {  	[tilespmem:v8+s28+$0x0] =	vst.idx.msk $0xffff, v19  }
0x10e: {  	v19 =	vld.idx.msk [tilespmem:v9+s29+$0x0], $0xffff  }
0x10f: {  	v20 =	vld.idx.msk [tilespmem:v10+s30+$0x0], $0xffff;
	_ =	sdelay $0x4  }
0x110: {  	v19 =	vadd.f32 v20, v19;
	_ =	sdelay $0x1  }
0x111: {  	v20 =	vmul.f32 $2.000000030e-01, v19  }
0x112: {  	vm13 =	vge.f32 v19, $0.0e+00  }
0x113: {  	v19 =	vsel vm13, v19, v20  }
0x114: {  	v19 =	vsub.f32 v19, v18;
	_ =	sdelay $0x1  }
0x115: {  	v19 =	vmul.f32 $1.442695020e+00, v19;
	_ =	sdelay $0x1  }
0x116: {  	(erf) = vpow2.f32 v19;
	_ =	sdelay $0x8  }
0x117: {  	v19 =	vpop (erf)  }
0x118: {  	[tilespmem:$0x96C8] =	vst v19  }
0x119: {  	[tilespmem:v11+s28+$0x0] =	vst.idx.msk $0xffff, v19  }
0x11a: {  	v19 =	vld.idx.msk [tilespmem:v12+s29+$0x0], $0xffff  }
0x11b: {  	v20 =	vld.idx.msk [tilespmem:v13+s30+$0x0], $0xffff;
	_ =	sdelay $0x4  }
0x11c: {  	v19 =	vadd.f32 v20, v19;
	_ =	sdelay $0x1  }
0x11d: {  	v20 =	vmul.f32 $2.000000030e-01, v19  }
0x11e: {  	vm14 =	vge.f32 v19, $0.0e+00  }
0x11f: {  	v19 =	vsel vm14, v19, v20  }
0x120: {  	v19 =	vsub.f32 v19, v18;
	_ =	sdelay $0x1  }
0x121: {  	v19 =	vmul.f32 $1.442695020e+00, v19;
	_ =	sdelay $0x1  }
0x122: {  	(erf) = vpow2.f32 v19;
	_ =	sdelay $0x8  }
0x123: {  	v19 =	vpop (erf)  }
0x124: {  	[tilespmem:$0x96D8] =	vst v19  }
0x125: {  	[tilespmem:v14+s28+$0x0] =	vst.idx.msk $0xffff, v19  }
0x126: {  	v19 =	vld.idx.msk [tilespmem:v15+s29+$0x0], $0xffff  }
0x127: {  	v20 =	vld.idx.msk [tilespmem:v16+s30+$0x0], $0xffff;
	_ =	sdelay $0x4  }
0x128: {  	v19 =	vadd.f32 v20, v19;
	_ =	sdelay $0x1  }
0x129: {  	v20 =	vmul.f32 $2.000000030e-01, v19  }
0x12a: {  	vm15 =	vge.f32 v19, $0.0e+00  }
0x12b: {  	v19 =	vsel vm15, v19, v20  }
0x12c: {  	v19 =	vsub.f32 v19, v18;
	_ =	sdelay $0x1  }
0x12d: {  	v19 =	vmul.f32 $1.442695020e+00, v19;
	_ =	sdelay $0x1  }
0x12e: {  	(erf) = vpow2.f32 v19;
	_ =	sdelay $0x3  }
0x12f: {  	s20 =	simm.s32 $0x0  }
0x130: {  	v19 =	vmov s20  }
0x131: {  	v19 =	vand.u32 $0xFFFFFFFE, v19  }
0x132: {  	v19 =	vbroadcast v19, $0x0;
	_ =	sdelay $0x1  }
0x133: {  	v20 =	vpop (erf)  }
0x134: {  	[tilespmem:$0x96E8] =	vst v20  }
0x135: {  	s20 =	simm.s32 $0x65A0;
	[tilespmem:v17+s28+$0x0] =	vst.idx.msk $0xffff, v20  }
0x136: {  	v20 =	vld [tilespmem:s20+$0xFFFFFFD8]  }
0x137: {  	v19 =	vld.idx.msk [tilespmem:v19+s31+$0x0], $0xffff  }
0x138: {  	v21 =	vld [tilespmem:s20+$0xFFFFFFE8];
	_ =	sdelay $0x1  }
0x139: {  	s21 =	simm.s32 $0x1  }
0x13a: {  	v22 =	vmov s21  }
0x13b: {  	v20 =	vmul.f32 v20, v19  }
0x13c: {  	v19 =	vmul.f32 v21, v19  }
0x13d: {  	v23 =	vld [tilespmem:s20+$0x10];
	[tilespmem:s20+$0xFFFFFFD8] =	vst v20  }
0x13e: {  	[tilespmem:s20+$0xFFFFFFE8] =	vst v19;
	v20 =	vld [tilespmem:s20+$0x0]  }
0x13f: {  	v22 =	vld.idx.msk [tilespmem:v22+s31+$0x0], $0xffff  }
0x140: {  	s17 =	simm.s32 $0x2  }
0x141: {  	v19 =	vmov s17  }
0x142: {  	v19 =	vand.u32 $0xFFFFFFFE, v19  }
0x143: {  	v19 =	vbroadcast v19, $0x0  }
0x144: {  	s21 =	simm.s32 $0x4;
	s0 =	simm.s32 $0x65A0;
	s19 =	sadd.s32 $0xC0, s18;
	v21 =	vmul.f32 v20, v22;
	v20 =	vmul.f32 v23, v22  }
.LBB2_5:
0x145: {  	p0 =	slt.u32 s21, $0x5E  }
0x146: {  	s20 =	sadd.s32 $0x50, s20;
	s5 =	smov.u32 s21;
	s21 =	sadd.s32 $0x2, s21  }
0x147: {  	[tilespmem:s0+$0x0] =	vst v21  }
0x148: {  	v21 =	vld [tilespmem:s20+$0xFFFFFFD8];
	[tilespmem:s0+$0x10] =	vst v20;
	s0 =	smov.u32 s20  }
0x149: {  	v19 =	vld.idx.msk [tilespmem:v19+s31+$0x0], $0xffff  }
0x14a: {  	v20 =	vld [tilespmem:s20+$0xFFFFFFE8];
	_ =	sdelay $0x1  }
0x14b: {  	s14 =	sadd.s32 $0x1, s17;
	s17 =	smov.u32 s5  }
0x14c: {  	v22 =	vmov s14;
	_ =	sdelay $0x1  }
0x14d: {  	v21 =	vmul.f32 v21, v19;
	v19 =	vmul.f32 v20, v19;
	_ =	sdelay $0x1  }
0x14e: {  	[tilespmem:s20+$0xFFFFFFD8] =	vst v21  }
0x14f: {  	[tilespmem:s20+$0xFFFFFFE8] =	vst v19;
	v20 =	vld [tilespmem:s20+$0x0]  }
0x150: {  	v22 =	vld.idx.msk [tilespmem:v22+s31+$0x0], $0xffff  }
0x151: {  	v23 =	vld [tilespmem:s20+$0x10]  }
.Ltmp1:
0x152: {  	v19 =	vmov s17;
	(pc) =	sbr.rel @p0 .LBB2_5-.Ltmp1, $3  }
0x153: {  	v19 =	vand.u32 $0xFFFFFFFE, v19  }
0x154: {  	v19 =	vbroadcast v19, $0x0;
	_ =	sdelay $0x1  }
0x155: {  	v21 =	vmul.f32 v20, v22;
	v20 =	vmul.f32 v23, v22  }
0x156: {  	_ =	sdelay $0x1  }
0x157: {  	s5 =	sadd.s32 $0x50, s20;
	[tilespmem:s0+$0x0] =	vst v21  }
0x158: {  	v21 =	vld [tilespmem:s5+$0xFFFFFFD8];
	[tilespmem:s0+$0x10] =	vst v20  }
0x159: {  	v19 =	vld.idx.msk [tilespmem:v19+s31+$0x0], $0xffff  }
0x15a: {  	v20 =	vld [tilespmem:s5+$0xFFFFFFE8];
	_ =	sdelay $0x1  }
0x15b: {  	s14 =	sadd.s32 $0x1, s17  }
0x15c: {  	v22 =	vmov s14  }
0x15d: {  	v21 =	vmul.f32 v21, v19  }
0x15e: {  	v19 =	vmul.f32 v20, v19  }
0x15f: {  	[tilespmem:s5+$0xFFFFFFD8] =	vst v21  }
0x160: {  	[tilespmem:s5+$0xFFFFFFE8] =	vst v19;
	v19 =	vld [tilespmem:s5+$0x0]  }
0x161: {  	v20 =	vld.idx.msk [tilespmem:v22+s31+$0x0], $0xffff  }
0x162: {  	v21 =	vld [tilespmem:s5+$0x10];
	_ =	sdelay $0x3  }
0x163: {  	v19 =	vmul.f32 v19, v20  }
0x164: {  	v20 =	vmul.f32 v21, v20  }
0x165: {  	[tilespmem:s5+$0x0] =	vst v19  }
0x166: {  	s17 =	simm.s32 $0x95D8;
	[tilespmem:s5+$0x10] =	vst v20  }
0x167: {  	[spmem:s3] =	stream.indirect.scatter.add.f32 [tilespmem:s28], [sflag:$0x5], $0x21, s17, s22, $0xb8;
	[tilespmem:$0x96F8] =	vst v63  }
0x168: {  	v19 =	vld [tilespmem:s19+$0x5438];
	_ =	sdelay $0x4  }
0x169: {  	[tilespmem:$0x9638] =	vst v19  }
0x16a: {  	v19 =	vld [tilespmem:s18+$0x5508];
	_ =	sdelay $0x4  }
0x16b: {  	[tilespmem:$0x9648] =	vst v19  }
0x16c: {  	v19 =	vld [tilespmem:s18+$0x5518];
	_ =	sdelay $0x4  }
0x16d: {  	[tilespmem:$0x9658] =	vst v19  }
0x16e: {  	v19 =	vld [tilespmem:s18+$0x5528];
	_ =	sdelay $0x4  }
0x16f: {  	[tilespmem:$0x9668] =	vst v19  }
0x170: {  	v19 =	vld [tilespmem:s18+$0x5538];
	_ =	sdelay $0x4  }
0x171: {  	[tilespmem:$0x9678] =	vst v19  }
0x172: {  	v19 =	vld [tilespmem:s18+$0x5548];
	_ =	sdelay $0x4  }
0x173: {  	[tilespmem:$0x9688] =	vst v19  }
0x174: {  	_ =	swait.ge [sflag:s12], $0xC60  }
0x175: {  	[sflag:s12] =	ssyncset.done $0x0  }
0x176: {  	[sflag:s12] =	ssyncadd.s32 $0xFFFFF3A0  }
0x177: {  	_ =	swait.ge [sflag:s12], $0x300  }
0x178: {  	p0 =	seq.s32 s15, $0x45;
	[sflag:s12] =	ssyncset.done $0x0  }
0x179: {  	p1 =	seq.s32 @!p0 s4, $0x0;
	[sflag:s12] =	ssyncadd.s32 $0xFFFFFD00  }
0x17a: {  	p1 =	por p1, p0;
	_ =	swait.ge [sflag:s12], $0x300  }
0x17b: {  	s0 =	sadd.s32 @!p1 $0x1, s15;
	[sflag:s12] =	ssyncset.done $0x0  }
0x17c: {  	s0 =	sshrl.u32 @!p1 s0, $0x1;
	[sflag:s12] =	ssyncadd.s32 $0xFFFFFD00  }
0x17d: {  	s0 =	smul.u32 @!p1 $0x240, s0;
	_ =	swait.ge [sflag:s13], $0xC60  }
0x17e: {  	s5 =	rddreg [dreg:$0x4]  }
0x17f: {  	s5 =	sadd.s32 @!p1 s5, s0  }
0x180: {  	s14 =	simm.s32 @!p1 $0x0;
	[sflag:s13] =	ssyncset.done $0x0;
	s5 =	sshrl.u32 @!p1 s5, $0x3  }
0x181: {  	s17 =	simm.s32 @!p1 $0x51F8;
	[sflag:s13] =	ssyncadd.s32 $0xFFFFF3A0;
	s5 =	sadd.s32 @!p1 s6, s5  }
0x182: {  	[tilespmem:s17], [sflag:$0x7] =	stream.linear.gather @!p1 [hbm4b:s5+s14], $0x240, $0x38;
	[tilespmem:$0x96F8] =	vst v63  }
0x183: {  	s5 =	simm.s32 @!p1 $0x7  }
0x184: {  	s0 =	sadd.s32 @!p1 s10, s0;
	_ =	swait.ge @!p1 [sflag:s5], $0x240  }
0x185: {  	s0 =	sshrl.u32 @!p1 s0, $0x3;
	[sflag:s5] =	ssyncset.done @!p1 $0x0  }
0x186: {  	s0 =	sadd.s32 @!p1 s9, s0;
	s17 =	simm.s32 @!p1 $0x5438;
	[sflag:s5] =	ssyncadd.s32 @!p1 $0xFFFFFDC0  }
0x187: {  	[tilespmem:s17], [sflag:$0x7] =	stream.linear.gather @!p1 [hbm4b:s0+s14], $0x240, $0x38;
	[tilespmem:$0x96F8] =	vst v63  }
0x188: {  	s0 =	sxor.u32 @!p0 $0x1, s4  }
0x189: {  	_ =	swait.ge @!p1 [sflag:s5], $0x240;
	s0 =	smul.u32 @!p0 $0x120, s0  }
0x18a: {  	s14 =	simm.s32 @!p0 $0x5678;
	[sflag:s5] =	ssyncset.done @!p1 $0x0  }
0x18b: {  	[sflag:s5] =	ssyncadd.s32 @!p1 $0xFFFFFDC0;
	s4 =	sadd.s32 @!p0 $0x51F8, s0;
	s5 =	simm.s32 @!p0 $0x60  }
0x18c: {  	[tilespmem:s14], [sflag:$0x1] =	stream.indirect.gather @!p0 [hbm4b:s7+s5], $0x21, s4, s5, $0xb8;
	[tilespmem:$0x96F8] =	vst v63  }
0x18d: {  	s14 =	simm.s32 @!p0 $0x8378  }
0x18e: {  	[tilespmem:s14], [sflag:$0x1] =	stream.indirect.gather @!p0 [hbm4b:s8+s5], $0x8, s4, s5, $0xb8;
	[tilespmem:$0x96F8] =	vst v63  }
0x18f: {  	s0 =	sadd.s32 @!p0 $0x5438, s0;
	s4 =	simm.s32 @!p0 $0x8C78  }
0x190: {  	[tilespmem:s4], [sflag:$0x1] =	stream.indirect.gather @!p0 [hbm4b:s8+s5], $0x8, s0, s5, $0xb8;
	[tilespmem:$0x96F8] =	vst v63  }
0x191: {  	v19 =	vld.idx.msk [tilespmem:v0+s16+$0x0], $0xffff  }
0x192: {  	v20 =	vld.idx.msk [tilespmem:v1+s11+$0x0], $0xffff;
	_ =	sdelay $0x4  }
0x193: {  	v19 =	vadd.f32 v20, v19;
	_ =	sdelay $0x1  }
0x194: {  	v20 =	vmul.f32 $2.000000030e-01, v19  }
0x195: {  	vm0 =	vge.f32 v19, $0.0e+00  }
0x196: {  	v19 =	vsel vm0, v19, v20  }
0x197: {  	v19 =	vsub.f32 v19, v18;
	_ =	sdelay $0x1  }
0x198: {  	v19 =	vmul.f32 $1.442695020e+00, v19;
	_ =	sdelay $0x1  }
0x199: {  	(erf) = vpow2.f32 v19;
	_ =	sdelay $0x8  }
0x19a: {  	v19 =	vpop (erf)  }
0x19b: {  	[tilespmem:$0x9698] =	vst v19  }
0x19c: {  	[tilespmem:v2+s1+$0x0] =	vst.idx.msk $0xffff, v19  }
0x19d: {  	v19 =	vld.idx.msk [tilespmem:v3+s16+$0x0], $0xffff  }
0x19e: {  	v20 =	vld.idx.msk [tilespmem:v4+s11+$0x0], $0xffff;
	_ =	sdelay $0x4  }
0x19f: {  	v19 =	vadd.f32 v20, v19;
	_ =	sdelay $0x1  }
0x1a0: {  	v20 =	vmul.f32 $2.000000030e-01, v19  }
0x1a1: {  	vm11 =	vge.f32 v19, $0.0e+00  }
0x1a2: {  	v19 =	vsel vm11, v19, v20  }
0x1a3: {  	v19 =	vsub.f32 v19, v18;
	_ =	sdelay $0x1  }
0x1a4: {  	v19 =	vmul.f32 $1.442695020e+00, v19;
	_ =	sdelay $0x1  }
0x1a5: {  	(erf) = vpow2.f32 v19;
	_ =	sdelay $0x8  }
0x1a6: {  	v19 =	vpop (erf)  }
0x1a7: {  	[tilespmem:$0x96A8] =	vst v19  }
0x1a8: {  	[tilespmem:v5+s1+$0x0] =	vst.idx.msk $0xffff, v19  }
0x1a9: {  	v19 =	vld.idx.msk [tilespmem:v6+s16+$0x0], $0xffff  }
0x1aa: {  	v20 =	vld.idx.msk [tilespmem:v7+s11+$0x0], $0xffff;
	_ =	sdelay $0x4  }
0x1ab: {  	v19 =	vadd.f32 v20, v19;
	_ =	sdelay $0x1  }
0x1ac: {  	v20 =	vmul.f32 $2.000000030e-01, v19  }
0x1ad: {  	vm12 =	vge.f32 v19, $0.0e+00  }
0x1ae: {  	v19 =	vsel vm12, v19, v20  }
0x1af: {  	v19 =	vsub.f32 v19, v18;
	_ =	sdelay $0x1  }
0x1b0: {  	v19 =	vmul.f32 $1.442695020e+00, v19;
	_ =	sdelay $0x1  }
0x1b1: {  	(erf) = vpow2.f32 v19;
	_ =	sdelay $0x8  }
0x1b2: {  	v19 =	vpop (erf)  }
0x1b3: {  	[tilespmem:$0x96B8] =	vst v19  }
0x1b4: {  	[tilespmem:v8+s1+$0x0] =	vst.idx.msk $0xffff, v19  }
0x1b5: {  	v19 =	vld.idx.msk [tilespmem:v9+s16+$0x0], $0xffff  }
0x1b6: {  	v20 =	vld.idx.msk [tilespmem:v10+s11+$0x0], $0xffff;
	_ =	sdelay $0x4  }
0x1b7: {  	v19 =	vadd.f32 v20, v19;
	_ =	sdelay $0x1  }
0x1b8: {  	v20 =	vmul.f32 $2.000000030e-01, v19  }
0x1b9: {  	vm13 =	vge.f32 v19, $0.0e+00  }
0x1ba: {  	v19 =	vsel vm13, v19, v20  }
0x1bb: {  	v19 =	vsub.f32 v19, v18;
	_ =	sdelay $0x1  }
0x1bc: {  	v19 =	vmul.f32 $1.442695020e+00, v19;
	_ =	sdelay $0x1  }
0x1bd: {  	(erf) = vpow2.f32 v19;
	_ =	sdelay $0x8  }
0x1be: {  	v19 =	vpop (erf)  }
0x1bf: {  	[tilespmem:$0x96C8] =	vst v19  }
0x1c0: {  	[tilespmem:v11+s1+$0x0] =	vst.idx.msk $0xffff, v19  }
0x1c1: {  	v19 =	vld.idx.msk [tilespmem:v12+s16+$0x0], $0xffff  }
0x1c2: {  	v20 =	vld.idx.msk [tilespmem:v13+s11+$0x0], $0xffff;
	_ =	sdelay $0x4  }
0x1c3: {  	v19 =	vadd.f32 v20, v19;
	_ =	sdelay $0x1  }
0x1c4: {  	v20 =	vmul.f32 $2.000000030e-01, v19  }
0x1c5: {  	vm14 =	vge.f32 v19, $0.0e+00  }
0x1c6: {  	v19 =	vsel vm14, v19, v20  }
0x1c7: {  	v19 =	vsub.f32 v19, v18;
	_ =	sdelay $0x1  }
0x1c8: {  	v19 =	vmul.f32 $1.442695020e+00, v19;
	_ =	sdelay $0x1  }
0x1c9: {  	(erf) = vpow2.f32 v19;
	_ =	sdelay $0x8  }
0x1ca: {  	v19 =	vpop (erf)  }
0x1cb: {  	[tilespmem:$0x96D8] =	vst v19  }
0x1cc: {  	[tilespmem:v14+s1+$0x0] =	vst.idx.msk $0xffff, v19  }
0x1cd: {  	v19 =	vld.idx.msk [tilespmem:v15+s16+$0x0], $0xffff  }
0x1ce: {  	v20 =	vld.idx.msk [tilespmem:v16+s11+$0x0], $0xffff;
	_ =	sdelay $0x4  }
0x1cf: {  	v19 =	vadd.f32 v20, v19;
	_ =	sdelay $0x1  }
0x1d0: {  	v20 =	vmul.f32 $2.000000030e-01, v19  }
0x1d1: {  	vm15 =	vge.f32 v19, $0.0e+00  }
0x1d2: {  	v19 =	vsel vm15, v19, v20  }
0x1d3: {  	v19 =	vsub.f32 v19, v18;
	_ =	sdelay $0x1  }
0x1d4: {  	v19 =	vmul.f32 $1.442695020e+00, v19;
	_ =	sdelay $0x1  }
0x1d5: {  	(erf) = vpow2.f32 v19;
	_ =	sdelay $0x3  }
0x1d6: {  	s20 =	simm.s32 $0x0  }
0x1d7: {  	v19 =	vmov s20  }
0x1d8: {  	v19 =	vand.u32 $0xFFFFFFFE, v19  }
0x1d9: {  	v19 =	vbroadcast v19, $0x0;
	_ =	sdelay $0x1  }
0x1da: {  	v20 =	vpop (erf)  }
0x1db: {  	[tilespmem:$0x96E8] =	vst v20  }
0x1dc: {  	s4 =	simm.s32 $0x74A0;
	[tilespmem:v17+s1+$0x0] =	vst.idx.msk $0xffff, v20  }
0x1dd: {  	v20 =	vld [tilespmem:s4+$0xFFFFFFD8]  }
0x1de: {  	v19 =	vld.idx.msk [tilespmem:v19+s31+$0x0], $0xffff  }
0x1df: {  	v21 =	vld [tilespmem:s4+$0xFFFFFFE8];
	_ =	sdelay $0x1  }
0x1e0: {  	s21 =	simm.s32 $0x1  }
0x1e1: {  	v22 =	vmov s21  }
0x1e2: {  	v20 =	vmul.f32 v20, v19  }
0x1e3: {  	v19 =	vmul.f32 v21, v19  }
0x1e4: {  	v23 =	vld [tilespmem:s4+$0x10];
	[tilespmem:s4+$0xFFFFFFD8] =	vst v20  }
0x1e5: {  	[tilespmem:s4+$0xFFFFFFE8] =	vst v19;
	v20 =	vld [tilespmem:s4+$0x0]  }
0x1e6: {  	v22 =	vld.idx.msk [tilespmem:v22+s31+$0x0], $0xffff  }
0x1e7: {  	s17 =	simm.s32 $0x2  }
0x1e8: {  	v19 =	vmov s17  }
0x1e9: {  	v19 =	vand.u32 $0xFFFFFFFE, v19  }
0x1ea: {  	v19 =	vbroadcast v19, $0x0  }
0x1eb: {  	s18 =	simm.s32 $0x4;
	s0 =	simm.s32 $0x74A0;
	v21 =	vmul.f32 v20, v22;
	v20 =	vmul.f32 v23, v22  }
.LBB2_7:
0x1ec: {  	p0 =	slt.u32 s18, $0x5E  }
0x1ed: {  	s4 =	sadd.s32 $0x50, s4;
	s5 =	smov.u32 s18;
	s18 =	sadd.s32 $0x2, s18  }
0x1ee: {  	[tilespmem:s0+$0x0] =	vst v21  }
0x1ef: {  	v21 =	vld [tilespmem:s4+$0xFFFFFFD8];
	[tilespmem:s0+$0x10] =	vst v20;
	s0 =	smov.u32 s4  }
0x1f0: {  	v19 =	vld.idx.msk [tilespmem:v19+s31+$0x0], $0xffff  }
0x1f1: {  	v20 =	vld [tilespmem:s4+$0xFFFFFFE8];
	_ =	sdelay $0x1  }
0x1f2: {  	s14 =	sadd.s32 $0x1, s17;
	s17 =	smov.u32 s5  }
0x1f3: {  	v22 =	vmov s14;
	_ =	sdelay $0x1  }
0x1f4: {  	v21 =	vmul.f32 v21, v19;
	v19 =	vmul.f32 v20, v19;
	_ =	sdelay $0x1  }
0x1f5: {  	[tilespmem:s4+$0xFFFFFFD8] =	vst v21  }
0x1f6: {  	[tilespmem:s4+$0xFFFFFFE8] =	vst v19;
	v20 =	vld [tilespmem:s4+$0x0]  }
0x1f7: {  	v22 =	vld.idx.msk [tilespmem:v22+s31+$0x0], $0xffff  }
0x1f8: {  	v23 =	vld [tilespmem:s4+$0x10]  }
.Ltmp2:
0x1f9: {  	v19 =	vmov s17;
	(pc) =	sbr.rel @p0 .LBB2_7-.Ltmp2, $3  }
0x1fa: {  	v19 =	vand.u32 $0xFFFFFFFE, v19  }
0x1fb: {  	v19 =	vbroadcast v19, $0x0;
	_ =	sdelay $0x1  }
0x1fc: {  	v21 =	vmul.f32 v20, v22;
	v20 =	vmul.f32 v23, v22  }
0x1fd: {  	_ =	sdelay $0x1  }
0x1fe: {  	s4 =	sadd.s32 $0x50, s4;
	[tilespmem:s0+$0x0] =	vst v21  }
0x1ff: {  	v21 =	vld [tilespmem:s4+$0xFFFFFFD8];
	[tilespmem:s0+$0x10] =	vst v20  }
0x200: {  	v19 =	vld.idx.msk [tilespmem:v19+s31+$0x0], $0xffff  }
0x201: {  	v20 =	vld [tilespmem:s4+$0xFFFFFFE8];
	_ =	sdelay $0x1  }
0x202: {  	s20 =	sadd.s32 $0x1, s17  }
0x203: {  	v22 =	vmov s20  }
0x204: {  	v21 =	vmul.f32 v21, v19  }
0x205: {  	v19 =	vmul.f32 v20, v19  }
0x206: {  	[tilespmem:s4+$0xFFFFFFD8] =	vst v21  }
0x207: {  	[tilespmem:s4+$0xFFFFFFE8] =	vst v19;
	v19 =	vld [tilespmem:s4+$0x0]  }
0x208: {  	v20 =	vld.idx.msk [tilespmem:v22+s31+$0x0], $0xffff  }
0x209: {  	v63 =	vld [tilespmem:s4+$0x10];
	_ =	sdelay $0x1  }
0x20a: {  	s15 =	sadd.s32 $0x1, s15  }
0x20b: {  	p0 =	sne.s32 s15, $0x46  }
.Ltmp3:
0x20c: {  	v19 =	vmul.f32 v19, v20;
	(pc) =	sbr.rel @p0 .LBB2_2-.Ltmp3, $4  }
0x20d: {  	v20 =	vmul.f32 v63, v20  }
0x20e: {  	[tilespmem:s4+$0x0] =	vst v19  }
0x20f: {  	s21 =	simm.s32 $0x9638;
	[tilespmem:s4+$0x10] =	vst v20  }
0x210: {  	[spmem:s3] =	stream.indirect.scatter.add.f32 [tilespmem:s1], [sflag:$0x6], $0x21, s21, s22, $0xb8;
	[tilespmem:$0x96F8] =	vst v63  }
0x211: {  	s0 =	simm.s32 $0x5  }
0x212: {  	_ =	swait.ge [sflag:s0], $0xC60  }
0x213: {  	[sflag:s0] =	ssyncset.done $0x0  }
0x214: {  	s19 =	simm.s32 $0x6;
	[sflag:s0] =	ssyncadd.s32 $0xFFFFF3A0  }
0x215: {  	_ =	swait.ge [sflag:s19], $0xC60  }
0x216: {  	[sflag:s19] =	ssyncset.done $0x0  }
0x217: {  	[sflag:s19] =	ssyncadd.s32 $0xFFFFF3A0  }
0x218: {  	[bflag:$0x0] =	sbarrier.arrive $0xFFFF  }
0x219: {  	s20 =	rddreg [dreg:$0x8]  }
0x21a: {  	s15 =	rddreg [dreg:$0xa]  }
0x21b: {  	s14 =	simm.s32 $0x7;
	s17 =	rddreg [dreg:$0xb]  }
0x21c: {  	[hbm:s20], [sflag:s15] =	dma.local [spmem:s17], $0xC58  }
0x21d: {  	_ =	swait.ge [sflag:s14], $0xC58  }
0x21e: {  	s4 =	rddreg [dreg:$0xc]  }
0x21f: {  	s21 =	rddreg [dreg:$0x9];
	s4 =	sadd.s32 $0x1, s4  }
0x220: {  	p0 =	sne.s32 s4, s21  }
.Ltmp4:
0x221: {  	_ = 	snop;
	(pc) =	sbr.rel @p0 .LBB2_1-.Ltmp4, $3  }
0x222: {  	_ =	sdelay $0x1  }
0x223: {  	[sflag:s14] =	ssyncset.done $0x0  }
0x224: {  	[sflag:s14] =	ssyncadd.s32 $0xFFFFF3A8  }
0x225: {  	_ =	sfence.sel $0x180000  }
0x226: {  	[bflag:$0x0] =	sbarrier.arrive $0xFFFF  }
0x227: {  	_ =	strace $0x9000004A  }
0x228: {  	s0 =	stileid.u32;
	[bflag:$0x2] =	sbarrier.arrive $0xFFFF  }
0x229: {  	p0 =	sne.s32 s0, $0x0;
	s0 =	rddreg [dreg:$0x3]  }
0x22a: {  	s0 =	sadd.s32 @!p0 $0x100000, s0  }
0x22b: {  	[sflag:s0] =	ssyncadd.tile.s32 @!p0 $0x1;
	_ =	shalt  }
.Lfunc_end2:
_tile_overlayer_lowered:
.L_overlay_start_2:
0x22c: {  	(tag) =	ssettag $0x2  }
0x22d: {  	s0 =	rddreg [dreg:$0x0];
	s2 =	stileid.u32  }
0x22e: {  	s1 =	rddreg [dreg:$0x1];
	p0 =	sne.s32 s2, $0x0  }
0x22f: {  	s3 =	rddreg [dreg:$0x2];
	[bflag:$0x3] =	sbarrier.arrive $0xFFFF;
	s2 =	simm.s32 @!p0 $0x1C07  }
0x230: {  	[timem:s3], [sflag:s2] =	dma.local @!p0 [hbm:s0], s1  }
0x231: {  	s0 =	simm.s32 @!p0 $0x7  }
0x232: {  	_ =	swait.ge @!p0 [sflag:s0], s1  }
0x233: {  	s1 =	ssub.s32 @!p0 $0x0, s1;
	[sflag:s0] =	ssyncset.done @!p0 $0x0  }
0x234: {  	[sflag:s0] =	ssyncadd.s32 @!p0 s1  }
0x235: {  	[bflag:$0x3] =	sbarrier.arrive $0xFFFF  }
0x236: {  	_ =	shalt  }

// kernel: kernel.7.cloned.1.call-start
scs
__scs_entry_jumppad:
0x0: {  	(pc) =	sbr.rel $0x88, $3  }
0x1: {  	(tag) =	ssettag $0x0;
	lr =	simm.s32 $0x1  }
0x2: {  	[smem:$0x3F8E] =	sst lr;
	_ =	strace $0xD0000000  }
0x3: {  	_ = 	snop  }
0x4: {  	_ = 	snop  }
0x5: {  	_ = 	snop  }
0x6: {  	_ = 	snop  }
0x7: {  	_ = 	snop  }
__scs_overlays_trampoline_lowered:
0x8: {  	[smem:$0x3F9D] =	sst s0  }
0x9: {  	[smem:$0x3F9E] =	sst s1  }
0xa: {  	[smem:$0x3F9F] =	sst s2  }
0xb: {  	[smem:$0x3FA0] =	sst s3  }
0xc: {  	[smem:$0x3FA1] =	sst s4  }
0xd: {  	[smem:$0x3FA2] =	sst s5  }
0xe: {  	[smem:$0x3FA3] =	sst s6  }
0xf: {  	[smem:$0x3FA4] =	sst s7  }
0x10: {  	[smem:$0x3FA5] =	sst s8  }
0x11: {  	[smem:$0x3FA6] =	sst s9;
	s0 =	simm.s32 @!p0 $0x0  }
0x12: {  	s1 =	sld [smem:$0x3F8C];
	s0 =	simm.s32 @p0 $0x1  }
0x13: {  	[smem:$0x3FA7] =	sst s0;
	s0 =	simm.s32 @!p1 $0x0  }
0x14: {  	s2 =	sld [smem:$0x3F8B];
	s0 =	simm.s32 @p1 $0x1  }
0x15: {  	[smem:$0x3FA8] =	sst s0;
	s0 =	simm.s32 @!p2 $0x0  }
0x16: {  	s3 =	sld [smem:$0x3FDB];
	s0 =	simm.s32 @p2 $0x1  }
0x17: {  	s4 =	simm.s32 $0x1BF5;
	[smem:$0x3FAA] =	sst s0  }
0x18: {  	s0 =	sld [smem:$0x3F8D];
	_ =	swait.ge [sflag:s4], $0x0  }
0x19: {  	s7 =	sld [smem:$0x3F8E]  }
0x1a: {  	s8 =	sadd.s32 $0xFFFFE003, lr  }
0x1b: {  	s9 =	sadd.s32 $0xFFFFFEF7, lr;
	s5 =	simm.s32 $0xFFFFFFFF;
	p2 =	slt.u32 s8, $0xFFFFF086  }
0x1c: {  	p1 =	slt.u32 s9, $0xF7A;
	s5 =	simm.s32 @!p2 $0x0  }
0x1d: {  	s5 =	simm.s32 @p1 $0x1;
	p0 =	seq.s32 s7, s2  }
0x1e: {  	s7 =	smul.u32 @!p0 $0xF7A, s2;
	p2 =	seq.s32 @!p0 s5, $0x0  }
0x1f: {  	s9 =	smul.u32 $0xF7A, s1;
	s8 =	simm.s32 @!p0 $0x1BF5;
	p2 =	por !p2, p0  }
0x20: {  	[sflag:s8] =	ssyncset.s32 @!p0 $0xFFFFF086;
	s6 =	sadd.s32 @!p0 s3, s7;
	s7 =	simm.s32 @!p0 $0x108  }
0x21: {  	s3 =	sadd.s32 s3, s9;
	s6 =	sadd.s32 @!p0 $0x88, s6;
	s7 =	simm.s32 @p2 $0x1082  }
0x22: {  	[simem:s7], [sflag:s8] =	dma.local @!p0 [hbm:s6], $0xF7A  }
0x23: {  	s9 =	sor.u32 $0xD0000000, s2;
	s6 =	simm.s32 $0x108;
	_ =	swait.ge @!p0 [sflag:s8], $0x0  }
0x24: {  	s3 =	sadd.s32 $0x88, s3;
	s6 =	simm.s32 @!p1 $0x1082;
	[sflag:s4] =	ssyncset.s32 $0xFFFFF086  }
0x25: {  	[simem:s6], [sflag:s4] =	dma.local [hbm:s3], $0xF7A  }
0x26: {  	[smem:$0x3F8E] =	sst s1;
	(tag) =	ssettag s2;
	_ =	strace s9  }
0x27: {  	s1 =	sld [smem:$0x3F9E]  }
0x28: {  	s2 =	sld [smem:$0x3F9F]  }
0x29: {  	s4 =	sld [smem:$0x3FA1]  }
0x2a: {  	p0 =	seq.s32 s5, $0x0;
	s5 =	sld [smem:$0x3FA2]  }
0x2b: {  	s6 =	sld [smem:$0x3FA3]  }
0x2c: {  	s7 =	sld [smem:$0x3FA4]  }
0x2d: {  	s3 =	simm.s32 $0x108;
	s8 =	sld [smem:$0x3FA5]  }
0x2e: {  	s3 =	simm.s32 @!p0 $0x1082;
	s9 =	sld [smem:$0x3FA6]  }
0x2f: {  	lr =	sadd.s32 s0, s3;
	s0 =	sld [smem:$0x3F9D]  }
0x30: {  	s3 =	sld [smem:$0x3FA0]  }
0x31: {  	[smem:$0x3FA9] =	sst s10  }
0x32: {  	s10 =	sld [smem:$0x3FA7];
	_ =	sdelay $0x3  }
0x33: {  	p0 =	seq.s32 s10, $0x1;
	s10 =	sld [smem:$0x3FA9];
	_ =	sdelay $0x3  }
0x34: {  	[smem:$0x3FA9] =	sst s10  }
0x35: {  	s10 =	sld [smem:$0x3FA8];
	_ =	sdelay $0x3  }
0x36: {  	p1 =	seq.s32 s10, $0x1;
	s10 =	sld [smem:$0x3FA9];
	_ =	sdelay $0x3  }
0x37: {  	[smem:$0x3FA9] =	sst s10  }
0x38: {  	s10 =	sld [smem:$0x3FAA]  }
0x39: {  	_ = 	snop;
	(pc) =	sbr.ind lr, $3  }
0x3a: {  	_ = 	snop  }
0x3b: {  	_ = 	snop  }
0x3c: {  	p2 =	seq.s32 s10, $0x1;
	s10 =	sld [smem:$0x3FA9]  }
0x3d: {  	_ =	shalt  }
0x3e: {  	_ =	shalt  }
0x3f: {  	_ =	shalt  }
0x40: {  	_ =	shalt  }
0x41: {  	_ =	shalt  }
0x42: {  	_ =	shalt  }
0x43: {  	_ =	shalt  }
0x44: {  	_ =	shalt  }
0x45: {  	_ =	shalt  }
0x46: {  	_ =	shalt  }
0x47: {  	_ =	shalt  }
0x48: {  	_ =	shalt  }
0x49: {  	_ =	shalt  }
0x4a: {  	_ =	shalt  }
0x4b: {  	_ =	shalt  }
0x4c: {  	_ =	shalt  }
0x4d: {  	_ =	shalt  }
0x4e: {  	_ =	shalt  }
0x4f: {  	_ =	shalt  }
0x50: {  	_ =	shalt  }
0x51: {  	_ =	shalt  }
0x52: {  	_ =	shalt  }
0x53: {  	_ =	shalt  }
0x54: {  	_ =	shalt  }
0x55: {  	_ =	shalt  }
0x56: {  	_ =	shalt  }
0x57: {  	_ =	shalt  }
0x58: {  	_ =	shalt  }
0x59: {  	_ =	shalt  }
0x5a: {  	_ =	shalt  }
0x5b: {  	_ =	shalt  }
0x5c: {  	_ =	shalt  }
0x5d: {  	_ =	shalt  }
0x5e: {  	_ =	shalt  }
0x5f: {  	_ =	shalt  }
0x60: {  	_ =	shalt  }
0x61: {  	_ =	shalt  }
0x62: {  	_ =	shalt  }
0x63: {  	_ =	shalt  }
0x64: {  	_ =	shalt  }
0x65: {  	_ =	shalt  }
0x66: {  	_ =	shalt  }
0x67: {  	_ =	shalt  }
0x68: {  	_ =	shalt  }
0x69: {  	_ =	shalt  }
0x6a: {  	_ =	shalt  }
0x6b: {  	_ =	shalt  }
0x6c: {  	_ =	shalt  }
0x6d: {  	_ =	shalt  }
0x6e: {  	_ =	shalt  }
0x6f: {  	_ =	shalt  }
0x70: {  	_ =	shalt  }
0x71: {  	_ =	shalt  }
0x72: {  	_ =	shalt  }
0x73: {  	_ =	shalt  }
0x74: {  	_ =	shalt  }
0x75: {  	_ =	shalt  }
0x76: {  	_ =	shalt  }
0x77: {  	_ =	shalt  }
0x78: {  	_ =	shalt  }
0x79: {  	_ =	shalt  }
0x7a: {  	_ =	shalt  }
0x7b: {  	_ =	shalt  }
0x7c: {  	_ =	shalt  }
0x7d: {  	_ =	shalt  }
0x7e: {  	_ =	shalt  }
0x7f: {  	_ =	shalt  }
0x80: {  	_ =	shalt  }
0x81: {  	_ =	shalt  }
0x82: {  	_ =	shalt  }
0x83: {  	_ =	shalt  }
0x84: {  	_ =	shalt  }
0x85: {  	_ =	shalt  }
0x86: {  	_ =	shalt  }
0x87: {  	_ =	shalt  }
.Lfunc_end0:
.L_simem_size_0:
called_computation_lowered:
.L_overlay_start_0:
0x88: {  	s2 =	sld [smem:$0x3FD9]  }
0x89: {  	s3 =	sld [smem:$0x3FFE];
	_ =	sdelay $0x1  }
0x8a: {  	s1 =	srdreg.scid  }
0x8b: {  	s0 =	sand.u32 $0x1, s1  }
0x8c: {  	s17 =	sshll.u32 s0, $0xA;
	s2 =	sadd.s32 s3, s2  }
0x8d: {  	s2 =	sadd.s32 s2, s17  }
0x8e: {  	[smem:$0x3FB5] =	sst s2  }
0x8f: {  	_ = 	snop  }
0x90: {  	s2 =	sld [smem:$0x3FD0];
	(tm) =	ssettm $0x1  }
0x91: {  	s18 =	sld [smem:$0x3FFB];
	_ =	sdelay $0x3  }
0x92: {  	_ =	strace s18  }
0x93: {  	s3 =	sld [smem:$0x3FFC];
	_ =	sdelay $0x3  }
0x94: {  	_ =	strace s3  }
0x95: {  	s3 =	sld [smem:$0x3FFD];
	_ =	sdelay $0x3  }
0x96: {  	_ =	strace s3  }
0x97: {  	_ =	strace $0x8FFFFFFF  }
0x98: {  	s19 =	sld [smem:$0x3FDB];
	_ =	sdelay $0x1  }
0x99: {  	s4 =	simm.s32 $_scs_section_size  }
0x9a: {  	s5 =	simm.s32 $_size__tile_overlayer_lowered;
	s6 =	simm.s32 $_tile_overlayer_lowered  }
0x9b: {  	s22 =	simm.s32 $0x1BFF;
	s21 =	sshll.u32 s6, $0x1;
	s3 =	sadd.s32 s4, s19  }
0x9c: {  	s7 =	simm.s32 $0x0;
	s20 =	sshll.u32 s5, $0x1;
	s5 =	sadd.s32 s21, s3  }
0x9d: {  	[timem:s7], [sflag:s22] =	dma.local [hbm:s5], s20  }
0x9e: {  	_ =	swait.ge [sflag:s22], s20  }
0x9f: {  	s4 =	ssub.s32 $0x0, s20;
	[sflag:s22] =	ssyncset.done $0x0  }
0xa0: {  	[sflag:s22] =	ssyncadd.s32 s4;
	_ =	sdelay $0x1  }
0xa1: {  	s23 =	simm.s32 $0x1B8B  }
0xa2: {  	_ =	swait.ge [sflag:s23], $0x1  }
0xa3: {  	[sflag:s23] =	ssyncset.done $0x0  }
0xa4: {  	s25 =	simm.s32 $0x1B8E;
	s24 =	sld [smem:$0x3FFE];
	[sflag:s23] =	ssyncadd.s32 $0xFFFFFFFF  }
0xa5: {  	s26 =	simm.s32 $execute0_lowered;
	[smem:$0x3FD2] =	sst s25  }
0xa6: {  	s5 =	sshll.u32 s26, $0x1;
	_ =	strace $0x80000046;
	[dreg:$0x1] =	wrdreg $0xFFFFFFFF  }
0xa7: {  	s28 =	simm.s32 $_size_execute0_lowered;
	s3 =	sadd.s32 s3, s5;
	[dreg:$0x0] =	wrdreg $0x0  }
0xa8: {  	s5 =	sshll.u32 s28, $0x1;
	[dreg:$0x2] =	wrdreg s3  }
0xa9: {  	[dreg:$0x3] =	wrdreg s5  }
0xaa: {  	[dreg:$0x4] =	wrdreg $0xC0  }
0xab: {  	_ =	task [dreg:s7], $0x5FFFF  }
0xac: {  	[dreg:$0x1] =	wrdreg $0xFFFFFFFF  }
0xad: {  	[dreg:$0x0] =	wrdreg $0x60  }
0xae: {  	[dreg:$0x2] =	wrdreg s24  }
0xaf: {  	[dreg:$0x3] =	wrdreg s2  }
0xb0: {  	[dreg:$0x4] =	wrdreg $0x0  }
0xb1: {  	[dreg:$0x5] =	wrdreg $0x9  }
0xb2: {  	_ =	task.clear_ibuf [dreg:s7], $0x6FFFF;
	_ =	strace $0x90000046  }
0xb3: {  	s29 =	simm.s32 $0x9;
	_ =	strace $0x80000048  }
0xb4: {  	_ =	swait.ge [sflag:s29], $0x1  }
0xb5: {  	[sflag:s29] =	ssyncadd.s32 $0xFFFFFFFF  }
0xb6: {  	_ =	strace $0x90000048  }
0xb7: {  	_ =	sfence  }
0xb8: {  	s30 =	sld [smem:$0x0];
	_ =	sdelay $0x2  }
0xb9: {  	s31 =	sshll.u32 s1, $0xD;
	s1 =	sshrl.u32 s1, $0x2  }
0xba: {  	s3 =	sand.u32 $0x4000, s31;
	s1 =	sadd.s32 s1, s30  }
0xbb: {  	s0 =	sor.u32 s3, s0;
	s1 =	sshll.u32 s1, $0x11  }
0xbc: {  	s0 =	sor.u32 s1, s0  }
0xbd: {  	s0 =	sadd.s32 $0x8F2B, s0  }
0xbe: {  	[sflag:s0] =	ssyncadd.remote.s32 $0x1  }
0xbf: {  	_ =	sfence.sel $0xFFFF  }
0xc0: {  	[dreg:$0x0] =	wrdreg $0xFFFFFFFF;
	(pc) =	sbr.abs _section_cstart, $3  }
0xc1: {  	[dreg:$0x1] =	wrdreg $0xFFFFFFFF  }
0xc2: {  	_ =	task.clear_ibuf [dreg:s7], $0x2FFFF;
	_ =	strace $0x9FFFFFFF  }
0xc3: {  	(tm) =	ssettm $0x7FFFFFFF  }
tec
execute0_lowered:
.L_overlay_start_1:
0x0: {  	(tag) =	ssettag $0x1  }
0x1: {  	s0 =	rddreg [dreg:$0x0]  }
0x2: {  	s2 =	rddreg [dreg:$0x2]  }
0x3: {  	s1 =	simm.s32 $0x0;
	s6 =	stileid.u32;
	s3 =	srdreg.scid  }
0x4: {  	s28 =	simm.s32 $0x178F0;
	s29 =	simm.s32 $0x1E1F0;
	s30 =	simm.s32 $0x1EAF0  }
0x5: {  	s31 =	simm.s32 $0x1F210;
	[smem:$0x7FF] =	sst s1;
	s18 =	sadd.s32 $0x148E00, s0  }
0x6: {  	s5 =	sadd.s32 $0xC6C00, s0;
	s19 =	sadd.s32 $0x15CA00, s0;
	s9 =	smul.u32 $0x14FC0, s6  }
0x7: {  	v23 =	vlaneseq.u32;
	s8 =	sadd.s32 $0x119E00, s0;
	s3 =	sand.u32 $0x1, s3;
	s4 =	smul.u32 $0x29F8, s6  }
0x8: {  	v18 =	vmul.u32 $0x8, v23;
	s7 =	smul.u32 $0x4EC0, s6;
	s12 =	sshll.u32 s3, $0x1;
	s13 =	sshllo.u32 s3, $0x1  }
0x9: {  	s26 =	sshll.u32 s6, $0x6;
	v37 =	vmul.u32 $0x88, v23;
	_ =	strace $0x80000047;
	s11 =	smul.u32 $0x29F80, s3;
	v24 =	vmov s12;
	v25 =	vmov s13  }
0xa: {  	s15 =	ssub.s32 $0x2, s3;
	s3 =	smul.u32 $0x4EC00, s3;
	s10 =	sshrl.u32 s9, $0x3;
	v0 =	vor.u32 s12, v18;
	v2 =	vor.u32 s13, v18;
	v7 =	vor.u32 $0x80, v18  }
0xb: {  	s14 =	sor.u32 $0x4, s12;
	s16 =	sor.u32 $0x5, s12;
	s20 =	sshrl.u32 s15, $0x1;
	v11 =	vor.u32 $0x100, v18;
	v21 =	vor.u32 $0x180, v18;
	v22 =	vor.u32 $0x200, v18  }
0xc: {  	s1 =	sadd.s32 s9, s2;
	s22 =	sshrl.u32 s7, $0x3;
	s9 =	smov.u32 s19;
	v26 =	vor.u32 $0x280, v18;
	v1 =	vor.u32 s14, v18;
	v3 =	vor.u32 s16, v18  }
0xd: {  	s17 =	sadd.s32 s10, s0;
	s4 =	sadd.s32 s4, s11;
	s21 =	ssub.s32 s15, s20;
	v4 =	vor.u32 s12, v7;
	v5 =	vor.u32 s14, v7;
	v6 =	vor.u32 s13, v7  }
0xe: {  	s3 =	sadd.s32 s7, s3;
	s10 =	smov.u32 s7;
	v8 =	vor.u32 s12, v11;
	s7 =	smov.u32 s18;
	v9 =	vor.u32 s14, v11;
	v10 =	vor.u32 s13, v11  }
0xf: {  	s24 =	sadd.s32 s19, s22;
	v12 =	vor.u32 s12, v21;
	v14 =	vor.u32 s13, v21;
	v15 =	vor.u32 s12, v22;
	s15 =	simm.s32 $0x7;
	s22 =	simm.s32 $0x60  }
0x10: {  	v17 =	vor.u32 s13, v22;
	v18 =	vor.u32 s12, v26;
	v20 =	vor.u32 s13, v26;
	s11 =	simm.s32 $0x1E4F0;
	s12 =	simm.s32 $0x1EDF0;
	s13 =	simm.s32 $0x3  }
0x11: {  	v13 =	vor.u32 s14, v21;
	v16 =	vor.u32 s14, v22;
	v19 =	vor.u32 s14, v26;
	s14 =	simm.s32 $0x4;
	s0 =	sadd.s32 s4, s0;
	[dreg:$0x4] =	wrdreg s3  }
0x12: {  	v27 =	vadd.s32 $0x81, v37;
	s3 =	sshrl.u32 s3, $0x3;
	s23 =	sadd.s32 $0x11EE00, s17;
	[dreg:$0x7] =	wrdreg s24  }
0x13: {  	v28 =	vadd.s32 $0x900, v37;
	v29 =	vadd.s32 $0x901, v37;
	v30 =	vadd.s32 $0x1180, v37;
	s25 =	smax.u32 s21, $0x1;
	s17 =	sor.u32 $0x1C07, s26;
	[dreg:$0x5] =	wrdreg s23  }
0x14: {  	v31 =	vadd.s32 $0x1181, v37;
	v32 =	vadd.s32 $0x1A00, v37;
	v33 =	vadd.s32 $0x1A01, v37;
	s24 =	simm.s32 $0x1DEF0;
	s26 =	simm.s32 $0x1;
	[dreg:$0x9] =	wrdreg s25  }
0x15: {  	v34 =	vadd.s32 $0x2280, v37;
	v35 =	vadd.s32 $0x2281, v37;
	v36 =	vadd.s32 $0x2B00, v37;
	s4 =	simm.s32 $0x2;
	s3 =	sadd.s32 s18, s3;
	[dreg:$0xa] =	wrdreg s17  }
0x16: {  	v7 =	vor.u32 s16, v7;
	v11 =	vor.u32 s16, v11;
	v21 =	vor.u32 s16, v21;
	s0 =	sadd.s32 $0x166800, s0;
	s18 =	sshrl.u32 s1, $0x3;
	[dreg:$0x6] =	wrdreg s3  }
0x17: {  	v22 =	vor.u32 s16, v22;
	v23 =	vor.u32 s16, v26;
	v24 =	vshll.u32 v24, $0x4;
	s23 =	simm.s32 $0x145F0;
	s25 =	simm.s32 $0x1E7F0;
	[dreg:$0x8] =	wrdreg s0  }
0x18: {  	v25 =	vshll.u32 v25, $0x4;
	v26 =	vadd.s32 $0x80, v37;
	v37 =	vadd.s32 $0x2B01, v37;
	s1 =	simm.s32 $0x1ABF0;
	s3 =	simm.s32 $0x0;
	[dreg:$0xb] =	wrdreg s18  }
.LBB2_1:
0x19: {  	[dreg:$0xc] =	wrdreg s3  }
0x1a: {  	s0 =	rddreg [dreg:$0x1];
	s3 =	simm.s32 $0x0;
	s6 =	simm.s32 $0x140F0  }
0x1b: {  	[tilespmem:s6], [sflag:$0x7] =	stream.linear.gather [hbm4b:s0+s3], $0x80, $0x38;
	[tilespmem:$0x1F2D0] =	vst v63  }
0x1c: {  	_ =	swait.ge [sflag:s15], $0x80  }
0x1d: {  	[sflag:s15] =	ssyncset.done $0x0  }
0x1e: {  	s16 =	rddreg [dreg:$0x5];
	[sflag:s15] =	ssyncadd.s32 $0xFFFFFF80  }
0x1f: {  	[spmem:s18], [sflag:s17] =	dma.local [hbm:s16], $0x29F8  }
0x20: {  	_ =	swait.ge [sflag:s15], $0x29F8  }
0x21: {  	[sflag:s15] =	ssyncset.done $0x0  }
0x22: {  	[sflag:s15] =	ssyncadd.s32 $0xFFFFD608  }
0x23: {  	[bflag:$0x0] =	sbarrier.arrive $0xFFFF  }
0x24: {  	s20 =	simm.s32 $0x14170;
	v38 =	vld.idx.msk [tilespmem:v24+s6+$0x0], $0xffff;
	s19 =	rddreg [dreg:$0x6]  }
0x25: {  	v39 =	vld.idx.msk [tilespmem:v25+s6+$0x0], $0xffff;
	[tilespmem:s20], [sflag:$0x7] =	stream.linear.gather [hbm4b:s19+s3], $0x240, $0x38  }
0x26: {  	_ =	swait.ge [sflag:s15], $0x240  }
0x27: {  	[sflag:s15] =	ssyncset.done $0x0  }
0x28: {  	s16 =	simm.s32 $0x143B0;
	s21 =	rddreg [dreg:$0x7];
	[sflag:s15] =	ssyncadd.s32 $0xFFFFFDC0  }
0x29: {  	[tilespmem:s16], [sflag:$0x7] =	stream.linear.gather [hbm4b:s21+s3], $0x240, $0x38;
	[tilespmem:$0x1F2D0] =	vst v63  }
0x2a: {  	_ =	swait.ge [sflag:s15], $0x240  }
0x2b: {  	[sflag:s15] =	ssyncset.done $0x0  }
0x2c: {  	[sflag:s15] =	ssyncadd.s32 $0xFFFFFDC0  }
0x2d: {  	[tilespmem:s23], [sflag:$0x1] =	stream.indirect.gather [hbm4b:s5+s22], $0x82, s20, s22, $0xb8;
	[tilespmem:$0x1F2D0] =	vst v63  }
0x2e: {  	_ = 	snop  }
0x2f: {  	[tilespmem:s24], [sflag:$0x1] =	stream.indirect.gather [hbm4b:s8+s22], $0x8, s20, s22, $0xb8;
	[tilespmem:$0x1F2D0] =	vst v63  }
0x30: {  	s3 =	simm.s32 $0x0  }
0x31: {  	[tilespmem:s25], [sflag:$0x1] =	stream.indirect.gather [hbm4b:s8+s22], $0x8, s16, s22, $0xb8;
	[tilespmem:$0x1F2D0] =	vst v63  }
.LBB2_2:
0x32: {  	s16 =	sand.u32 $0x1, s3  }
0x33: {  	s18 =	smul.u32 $0x120, s16;
	_ =	sdelay $0x1  }
0x34: {  	v40 =	vld [tilespmem:s18+$0x143B0];
	_ =	sdelay $0x4  }
0x35: {  	[tilespmem:$0x1F0F0] =	vst v40  }
0x36: {  	v40 =	vld [tilespmem:s18+$0x143C0];
	_ =	sdelay $0x4  }
0x37: {  	[tilespmem:$0x1F100] =	vst v40  }
0x38: {  	v40 =	vld [tilespmem:s18+$0x143D0];
	_ =	sdelay $0x4  }
0x39: {  	[tilespmem:$0x1F110] =	vst v40  }
0x3a: {  	v40 =	vld [tilespmem:s18+$0x143E0];
	_ =	sdelay $0x4  }
0x3b: {  	[tilespmem:$0x1F120] =	vst v40  }
0x3c: {  	v40 =	vld [tilespmem:s18+$0x143F0];
	_ =	sdelay $0x4  }
0x3d: {  	[tilespmem:$0x1F130] =	vst v40  }
0x3e: {  	v40 =	vld [tilespmem:s18+$0x14400];
	_ =	sdelay $0x4  }
0x3f: {  	[tilespmem:$0x1F140] =	vst v40  }
0x40: {  	_ =	swait.ge [sflag:s26], $0x30C0  }
0x41: {  	[sflag:s26] =	ssyncset.done $0x0  }
0x42: {  	[sflag:s26] =	ssyncadd.s32 $0xFFFFCF40  }
0x43: {  	_ =	swait.ge [sflag:s26], $0x300  }
0x44: {  	[sflag:s26] =	ssyncset.done $0x0  }
0x45: {  	[sflag:s26] =	ssyncadd.s32 $0xFFFFFD00  }
0x46: {  	_ =	swait.ge [sflag:s26], $0x300  }
0x47: {  	p0 =	seq.s32 s3, $0x0;
	[sflag:s26] =	ssyncset.done $0x0  }
0x48: {  	s0 =	simm.s32 @!p0 $0x5;
	[sflag:s26] =	ssyncadd.s32 $0xFFFFFD00  }
0x49: {  	_ =	swait.ge @!p0 [sflag:s0], $0x30C0  }
0x4a: {  	[sflag:s0] =	ssyncset.done @!p0 $0x0  }
0x4b: {  	s17 =	sadd.s32 $0x141D0, s18;
	[sflag:s0] =	ssyncadd.s32 @!p0 $0xFFFFCF40  }
0x4c: {  	[tilespmem:s28], [sflag:$0x2] =	stream.indirect.gather [hbm4b:s5+s22], $0x82, s17, s22, $0xb8;
	[tilespmem:$0x1F2D0] =	vst v63  }
0x4d: {  	_ = 	snop  }
0x4e: {  	[tilespmem:s29], [sflag:$0x2] =	stream.indirect.gather [hbm4b:s8+s22], $0x8, s17, s22, $0xb8;
	[tilespmem:$0x1F2D0] =	vst v63  }
0x4f: {  	s19 =	sadd.s32 $0x14410, s18  }
0x50: {  	[tilespmem:s30], [sflag:$0x2] =	stream.indirect.gather [hbm4b:s8+s22], $0x8, s19, s22, $0xb8;
	[tilespmem:$0x1F2D0] =	vst v63  }
0x51: {  	v56 =	vld.idx.msk [tilespmem:v0+s24+$0x0], $0xffff  }
0x52: {  	v41 =	vld.idx.msk [tilespmem:v1+s25+$0x0], $0xffff;
	_ =	sdelay $0x4  }
0x53: {  	v40 =	vadd.f32 v41, v56;
	_ =	sdelay $0x1  }
0x54: {  	v41 =	vmul.f32 $2.000000030e-01, v40  }
0x55: {  	vm0 =	vge.f32 v40, $0.0e+00  }
0x56: {  	v40 =	vsel vm0, v40, v41  }
0x57: {  	v40 =	vsub.f32 v40, v38;
	_ =	sdelay $0x1  }
0x58: {  	v40 =	vmul.f32 $1.442695020e+00, v40;
	_ =	sdelay $0x1  }
0x59: {  	(erf) = vpow2.f32 v40;
	_ =	sdelay $0x8  }
0x5a: {  	v40 =	vpop (erf)  }
0x5b: {  	[tilespmem:$0x1F210] =	vst v40  }
0x5c: {  	[tilespmem:v26+s23+$0x0] =	vst.idx.msk $0xffff, v40  }
0x5d: {  	v40 =	vld.idx.msk [tilespmem:v2+s24+$0x0], $0xffff  }
0x5e: {  	v57 =	vld.idx.msk [tilespmem:v3+s25+$0x0], $0xffff;
	_ =	sdelay $0x4  }
0x5f: {  	v40 =	vadd.f32 v57, v40;
	_ =	sdelay $0x1  }
0x60: {  	v41 =	vmul.f32 $2.000000030e-01, v40  }
0x61: {  	vm5 =	vge.f32 v40, $0.0e+00  }
0x62: {  	v40 =	vsel vm5, v40, v41  }
0x63: {  	v40 =	vsub.f32 v40, v39;
	_ =	sdelay $0x1  }
0x64: {  	v40 =	vmul.f32 $1.442695020e+00, v40;
	_ =	sdelay $0x1  }
0x65: {  	(erf) = vpow2.f32 v40;
	_ =	sdelay $0x8  }
0x66: {  	v40 =	vpop (erf)  }
0x67: {  	[tilespmem:$0x1F270] =	vst v40  }
0x68: {  	[tilespmem:v27+s23+$0x0] =	vst.idx.msk $0xffff, v40  }
0x69: {  	v40 =	vld.idx.msk [tilespmem:v4+s24+$0x0], $0xffff  }
0x6a: {  	v58 =	vld.idx.msk [tilespmem:v5+s25+$0x0], $0xffff;
	_ =	sdelay $0x4  }
0x6b: {  	v40 =	vadd.f32 v58, v40;
	_ =	sdelay $0x1  }
0x6c: {  	v41 =	vmul.f32 $2.000000030e-01, v40  }
0x6d: {  	vm6 =	vge.f32 v40, $0.0e+00  }
0x6e: {  	v40 =	vsel vm6, v40, v41  }
0x6f: {  	v40 =	vsub.f32 v40, v38;
	_ =	sdelay $0x1  }
0x70: {  	v40 =	vmul.f32 $1.442695020e+00, v40;
	_ =	sdelay $0x1  }
0x71: {  	(erf) = vpow2.f32 v40;
	_ =	sdelay $0x8  }
0x72: {  	v40 =	vpop (erf)  }
0x73: {  	[tilespmem:$0x1F220] =	vst v40  }
0x74: {  	[tilespmem:v28+s23+$0x0] =	vst.idx.msk $0xffff, v40  }
0x75: {  	v40 =	vld.idx.msk [tilespmem:v6+s24+$0x0], $0xffff  }
0x76: {  	v59 =	vld.idx.msk [tilespmem:v7+s25+$0x0], $0xffff;
	_ =	sdelay $0x4  }
0x77: {  	v40 =	vadd.f32 v59, v40;
	_ =	sdelay $0x1  }
0x78: {  	v41 =	vmul.f32 $2.000000030e-01, v40  }
0x79: {  	vm7 =	vge.f32 v40, $0.0e+00  }
0x7a: {  	v40 =	vsel vm7, v40, v41  }
0x7b: {  	v40 =	vsub.f32 v40, v39;
	_ =	sdelay $0x1  }
0x7c: {  	v40 =	vmul.f32 $1.442695020e+00, v40;
	_ =	sdelay $0x1  }
0x7d: {  	(erf) = vpow2.f32 v40;
	_ =	sdelay $0x8  }
0x7e: {  	v40 =	vpop (erf)  }
0x7f: {  	[tilespmem:$0x1F280] =	vst v40  }
0x80: {  	[tilespmem:v29+s23+$0x0] =	vst.idx.msk $0xffff, v40  }
0x81: {  	v40 =	vld.idx.msk [tilespmem:v8+s24+$0x0], $0xffff  }
0x82: {  	v60 =	vld.idx.msk [tilespmem:v9+s25+$0x0], $0xffff;
	_ =	sdelay $0x4  }
0x83: {  	v40 =	vadd.f32 v60, v40;
	_ =	sdelay $0x1  }
0x84: {  	v41 =	vmul.f32 $2.000000030e-01, v40  }
0x85: {  	vm8 =	vge.f32 v40, $0.0e+00  }
0x86: {  	v40 =	vsel vm8, v40, v41  }
0x87: {  	v40 =	vsub.f32 v40, v38;
	_ =	sdelay $0x1  }
0x88: {  	v40 =	vmul.f32 $1.442695020e+00, v40;
	_ =	sdelay $0x1  }
0x89: {  	(erf) = vpow2.f32 v40;
	_ =	sdelay $0x8  }
0x8a: {  	v40 =	vpop (erf)  }
0x8b: {  	[tilespmem:$0x1F230] =	vst v40  }
0x8c: {  	[tilespmem:v30+s23+$0x0] =	vst.idx.msk $0xffff, v40  }
0x8d: {  	v40 =	vld.idx.msk [tilespmem:v10+s24+$0x0], $0xffff  }
0x8e: {  	v61 =	vld.idx.msk [tilespmem:v11+s25+$0x0], $0xffff;
	_ =	sdelay $0x4  }
0x8f: {  	v40 =	vadd.f32 v61, v40;
	_ =	sdelay $0x1  }
0x90: {  	v41 =	vmul.f32 $2.000000030e-01, v40  }
0x91: {  	vm9 =	vge.f32 v40, $0.0e+00  }
0x92: {  	v40 =	vsel vm9, v40, v41  }
0x93: {  	v40 =	vsub.f32 v40, v39;
	_ =	sdelay $0x1  }
0x94: {  	v40 =	vmul.f32 $1.442695020e+00, v40;
	_ =	sdelay $0x1  }
0x95: {  	(erf) = vpow2.f32 v40;
	_ =	sdelay $0x8  }
0x96: {  	v40 =	vpop (erf)  }
0x97: {  	[tilespmem:$0x1F290] =	vst v40  }
0x98: {  	[tilespmem:v31+s23+$0x0] =	vst.idx.msk $0xffff, v40  }
0x99: {  	v40 =	vld.idx.msk [tilespmem:v12+s24+$0x0], $0xffff  }
0x9a: {  	v62 =	vld.idx.msk [tilespmem:v13+s25+$0x0], $0xffff;
	_ =	sdelay $0x4  }
0x9b: {  	v40 =	vadd.f32 v62, v40;
	_ =	sdelay $0x1  }
0x9c: {  	v41 =	vmul.f32 $2.000000030e-01, v40  }
0x9d: {  	vm10 =	vge.f32 v40, $0.0e+00  }
0x9e: {  	v40 =	vsel vm10, v40, v41  }
0x9f: {  	v40 =	vsub.f32 v40, v38;
	_ =	sdelay $0x1  }
0xa0: {  	v40 =	vmul.f32 $1.442695020e+00, v40;
	_ =	sdelay $0x1  }
0xa1: {  	(erf) = vpow2.f32 v40;
	_ =	sdelay $0x8  }
0xa2: {  	v40 =	vpop (erf)  }
0xa3: {  	[tilespmem:$0x1F240] =	vst v40  }
0xa4: {  	[tilespmem:v32+s23+$0x0] =	vst.idx.msk $0xffff, v40  }
0xa5: {  	v40 =	vld.idx.msk [tilespmem:v14+s24+$0x0], $0xffff  }
0xa6: {  	v63 =	vld.idx.msk [tilespmem:v21+s25+$0x0], $0xffff;
	_ =	sdelay $0x4  }
0xa7: {  	v40 =	vadd.f32 v63, v40;
	_ =	sdelay $0x1  }
0xa8: {  	v41 =	vmul.f32 $2.000000030e-01, v40  }
0xa9: {  	vm11 =	vge.f32 v40, $0.0e+00  }
0xaa: {  	v40 =	vsel vm11, v40, v41  }
0xab: {  	v40 =	vsub.f32 v40, v39;
	_ =	sdelay $0x1  }
0xac: {  	v40 =	vmul.f32 $1.442695020e+00, v40;
	_ =	sdelay $0x1  }
0xad: {  	(erf) = vpow2.f32 v40;
	_ =	sdelay $0x8  }
0xae: {  	v40 =	vpop (erf)  }
0xaf: {  	[tilespmem:$0x1F2A0] =	vst v40  }
0xb0: {  	[tilespmem:v33+s23+$0x0] =	vst.idx.msk $0xffff, v40  }
0xb1: {  	v40 =	vld.idx.msk [tilespmem:v15+s24+$0x0], $0xffff  }
0xb2: {  	v44 =	vld.idx.msk [tilespmem:v16+s25+$0x0], $0xffff;
	_ =	sdelay $0x4  }
0xb3: {  	v40 =	vadd.f32 v44, v40;
	_ =	sdelay $0x1  }
0xb4: {  	v41 =	vmul.f32 $2.000000030e-01, v40  }
0xb5: {  	vm12 =	vge.f32 v40, $0.0e+00  }
0xb6: {  	v40 =	vsel vm12, v40, v41  }
0xb7: {  	v40 =	vsub.f32 v40, v38;
	_ =	sdelay $0x1  }
0xb8: {  	v40 =	vmul.f32 $1.442695020e+00, v40;
	_ =	sdelay $0x1  }
0xb9: {  	(erf) = vpow2.f32 v40;
	_ =	sdelay $0x8  }
0xba: {  	v40 =	vpop (erf)  }
0xbb: {  	[tilespmem:$0x1F250] =	vst v40  }
0xbc: {  	[tilespmem:v34+s23+$0x0] =	vst.idx.msk $0xffff, v40  }
0xbd: {  	v40 =	vld.idx.msk [tilespmem:v17+s24+$0x0], $0xffff  }
0xbe: {  	v45 =	vld.idx.msk [tilespmem:v22+s25+$0x0], $0xffff;
	_ =	sdelay $0x4  }
0xbf: {  	v40 =	vadd.f32 v45, v40;
	_ =	sdelay $0x1  }
0xc0: {  	v41 =	vmul.f32 $2.000000030e-01, v40  }
0xc1: {  	vm13 =	vge.f32 v40, $0.0e+00  }
0xc2: {  	v40 =	vsel vm13, v40, v41  }
0xc3: {  	v40 =	vsub.f32 v40, v39;
	_ =	sdelay $0x1  }
0xc4: {  	v40 =	vmul.f32 $1.442695020e+00, v40;
	_ =	sdelay $0x1  }
0xc5: {  	(erf) = vpow2.f32 v40;
	_ =	sdelay $0x8  }
0xc6: {  	v40 =	vpop (erf)  }
0xc7: {  	[tilespmem:$0x1F2B0] =	vst v40  }
0xc8: {  	[tilespmem:v35+s23+$0x0] =	vst.idx.msk $0xffff, v40  }
0xc9: {  	v40 =	vld.idx.msk [tilespmem:v18+s24+$0x0], $0xffff  }
0xca: {  	v46 =	vld.idx.msk [tilespmem:v19+s25+$0x0], $0xffff;
	_ =	sdelay $0x4  }
0xcb: {  	v40 =	vadd.f32 v46, v40;
	_ =	sdelay $0x1  }
0xcc: {  	v41 =	vmul.f32 $2.000000030e-01, v40  }
0xcd: {  	vm14 =	vge.f32 v40, $0.0e+00  }
0xce: {  	v40 =	vsel vm14, v40, v41  }
0xcf: {  	v40 =	vsub.f32 v40, v38;
	_ =	sdelay $0x1  }
0xd0: {  	v40 =	vmul.f32 $1.442695020e+00, v40;
	_ =	sdelay $0x1  }
0xd1: {  	(erf) = vpow2.f32 v40;
	_ =	sdelay $0x8  }
0xd2: {  	v40 =	vpop (erf)  }
0xd3: {  	[tilespmem:$0x1F260] =	vst v40  }
0xd4: {  	[tilespmem:v36+s23+$0x0] =	vst.idx.msk $0xffff, v40  }
0xd5: {  	v40 =	vld.idx.msk [tilespmem:v20+s24+$0x0], $0xffff  }
0xd6: {  	v47 =	vld.idx.msk [tilespmem:v23+s25+$0x0], $0xffff;
	_ =	sdelay $0x4  }
0xd7: {  	v40 =	vadd.f32 v47, v40;
	_ =	sdelay $0x1  }
0xd8: {  	v41 =	vmul.f32 $2.000000030e-01, v40  }
0xd9: {  	vm15 =	vge.f32 v40, $0.0e+00  }
0xda: {  	v40 =	vsel vm15, v40, v41  }
0xdb: {  	v40 =	vsub.f32 v40, v39;
	_ =	sdelay $0x1  }
0xdc: {  	v40 =	vmul.f32 $1.442695020e+00, v40;
	_ =	sdelay $0x1  }
0xdd: {  	(erf) = vpow2.f32 v40;
	_ =	sdelay $0x6  }
0xde: {  	s20 =	simm.s32 $0x0  }
0xdf: {  	v48 =	vmov s20  }
0xe0: {  	v49 =	vpop (erf)  }
0xe1: {  	[tilespmem:$0x1F2C0] =	vst v49  }
0xe2: {  	s17 =	simm.s32 $0x14678;
	[tilespmem:v37+s23+$0x0] =	vst.idx.msk $0xffff, v49  }
0xe3: {  	v41 =	vld [tilespmem:s17+$0xFFFFFF78]  }
0xe4: {  	v42 =	vld.idx.msk [tilespmem:v48+s31+$0x0], $0xffff  }
0xe5: {  	v43 =	vld [tilespmem:s17+$0xFFFFFF88]  }
0xe6: {  	v44 =	vld [tilespmem:s17+$0xFFFFFF98]  }
0xe7: {  	v45 =	vld [tilespmem:s17+$0xFFFFFFA8];
	_ =	sdelay $0x1  }
0xe8: {  	v40 =	vand.u32 $0x7E, v48;
	v41 =	vmul.f32 v41, v42  }
0xe9: {  	v40 =	vadd.s32 $0x60, v40;
	v43 =	vmul.f32 v43, v42  }
0xea: {  	v44 =	vmul.f32 v44, v42;
	[tilespmem:s17+$0xFFFFFF78] =	vst v41  }
0xeb: {  	v50 =	vmul.f32 v45, v42;
	[tilespmem:s17+$0xFFFFFF88] =	vst v43  }
0xec: {  	[tilespmem:s17+$0xFFFFFF98] =	vst v44  }
0xed: {  	v51 =	vld [tilespmem:s17+$0xFFFFFFB8];
	[tilespmem:s17+$0xFFFFFFA8] =	vst v50  }
0xee: {  	v40 =	vld.idx.msk [tilespmem:v40+s31+$0x0], $0xffff  }
0xef: {  	v52 =	vld [tilespmem:s17+$0xFFFFFFE8]  }
0xf0: {  	v53 =	vld [tilespmem:s17+$0xFFFFFFC8]  }
0xf1: {  	v54 =	vld [tilespmem:s17+$0xFFFFFFD8];
	_ =	sdelay $0x1  }
0xf2: {  	s21 =	simm.s32 $0x1;
	v41 =	vmul.f32 v51, v40  }
0xf3: {  	v55 =	vmov s21;
	v42 =	vmul.f32 v52, v40  }
0xf4: {  	v43 =	vmul.f32 v53, v40;
	[tilespmem:s17+$0xFFFFFFB8] =	vst v41  }
0xf5: {  	v40 =	vmul.f32 v54, v40;
	[tilespmem:s17+$0xFFFFFFE8] =	vst v42  }
0xf6: {  	[tilespmem:s17+$0xFFFFFFC8] =	vst v43  }
0xf7: {  	v56 =	vld [tilespmem:s17+$0x0];
	[tilespmem:s17+$0xFFFFFFD8] =	vst v40  }
0xf8: {  	v40 =	vld.idx.msk [tilespmem:v55+s31+$0x0], $0xffff  }
0xf9: {  	v57 =	vld [tilespmem:s17+$0x30]  }
0xfa: {  	v58 =	vld [tilespmem:s17+$0x20]  }
0xfb: {  	v59 =	vld [tilespmem:s17+$0x10];
	_ =	sdelay $0x1  }
0xfc: {  	v45 =	vand.u32 $0x7F, v55;
	v41 =	vmul.f32 v56, v40  }
0xfd: {  	v45 =	vadd.s32 $0x60, v45;
	v42 =	vmul.f32 v57, v40  }
0xfe: {  	v43 =	vmul.f32 v58, v40;
	[tilespmem:s17+$0x0] =	vst v41  }
0xff: {  	v40 =	vmul.f32 v59, v40;
	[tilespmem:s17+$0x30] =	vst v42  }
0x100: {  	[tilespmem:s17+$0x20] =	vst v43  }
0x101: {  	v60 =	vld [tilespmem:s17+$0x40];
	[tilespmem:s17+$0x10] =	vst v40  }
0x102: {  	v42 =	vld.idx.msk [tilespmem:v45+s31+$0x0], $0xffff  }
0x103: {  	v61 =	vld [tilespmem:s17+$0x70]  }
0x104: {  	v62 =	vld [tilespmem:s17+$0x60];
	_ =	sdelay $0x1  }
0x105: {  	v63 =	vld [tilespmem:s17+$0x50]  }
0x106: {  	v40 =	vmul.f32 v60, v42  }
0x107: {  	s0 =	simm.s32 $0x2;
	v45 =	vmul.f32 v61, v42  }
0x108: {  	v41 =	vmov s0;
	v46 =	vmul.f32 v62, v42;
	[tilespmem:s17+$0x40] =	vst v40  }
0x109: {  	s19 =	simm.s32 $0x14788;
	[tilespmem:s17+$0x70] =	vst v45  }
0x10a: {  	s21 =	simm.s32 $0x4;
	s20 =	sadd.s32 $0x60, s18;
	v43 =	vmul.f32 v63, v42;
	v42 =	vld [tilespmem:s19+$0xFFFFFF78];
	v40 =	vand.u32 $0x7E, v41;
	[tilespmem:s17+$0x60] =	vst v46  }
.LBB2_3:
0x10b: {  	p1 =	slt.u32 s21, $0x5E;
	s15 =	smov.u32 s21  }
0x10c: {  	v44 =	vld [tilespmem:s19+$0xFFFFFF98];
	[tilespmem:s17+$0x50] =	vst v43;
	s21 =	sadd.s32 $0x2, s21;
	s17 =	smov.u32 s19;
	s19 =	sadd.s32 $0x110, s19  }
0x10d: {  	v43 =	vld.idx.msk [tilespmem:v41+s31+$0x0], $0xffff  }
0x10e: {  	v41 =	vld [tilespmem:s17+$0xFFFFFF88]  }
0x10f: {  	v45 =	vld [tilespmem:s17+$0xFFFFFFA8];
	_ =	sdelay $0x3  }
0x110: {  	v47 =	vadd.s32 $0x60, v40;
	v42 =	vmul.f32 v42, v43;
	v46 =	vmul.f32 v41, v43  }
0x111: {  	v44 =	vmul.f32 v44, v43;
	v41 =	vmov s15;
	v43 =	vmul.f32 v45, v43  }
0x112: {  	v40 =	vand.u32 $0x7E, v41;
	[tilespmem:s17+$0xFFFFFF78] =	vst v42  }
0x113: {  	[tilespmem:s17+$0xFFFFFF88] =	vst v46  }
0x114: {  	[tilespmem:s17+$0xFFFFFF98] =	vst v44;
	v42 =	vld [tilespmem:s17+$0xFFFFFFE8]  }
0x115: {  	[tilespmem:s17+$0xFFFFFFA8] =	vst v43;
	v43 =	vld [tilespmem:s17+$0xFFFFFFB8]  }
0x116: {  	v44 =	vld.idx.msk [tilespmem:v47+s31+$0x0], $0xffff  }
0x117: {  	v45 =	vld [tilespmem:s17+$0xFFFFFFC8]  }
0x118: {  	v46 =	vld [tilespmem:s17+$0xFFFFFFD8];
	_ =	sdelay $0x3  }
0x119: {  	s6 =	sadd.s32 $0x1, s0;
	s0 =	smov.u32 s15;
	v43 =	vmul.f32 v43, v44;
	v45 =	vmul.f32 v45, v44  }
0x11a: {  	v42 =	vmul.f32 v42, v44;
	v46 =	vmul.f32 v46, v44;
	v44 =	vmov s6  }
0x11b: {  	[tilespmem:s17+$0xFFFFFFB8] =	vst v43;
	v43 =	vand.u32 $0x7F, v44  }
0x11c: {  	[tilespmem:s17+$0xFFFFFFE8] =	vst v42  }
0x11d: {  	[tilespmem:s17+$0xFFFFFFC8] =	vst v45;
	v42 =	vld [tilespmem:s17+$0x0]  }
0x11e: {  	[tilespmem:s17+$0xFFFFFFD8] =	vst v46;
	v45 =	vld [tilespmem:s17+$0x30]  }
0x11f: {  	v44 =	vld.idx.msk [tilespmem:v44+s31+$0x0], $0xffff  }
0x120: {  	v46 =	vld [tilespmem:s17+$0x10]  }
0x121: {  	v47 =	vld [tilespmem:s17+$0x20];
	_ =	sdelay $0x3  }
0x122: {  	v42 =	vmul.f32 v42, v44;
	v46 =	vmul.f32 v46, v44  }
0x123: {  	v43 =	vadd.s32 $0x60, v43;
	v47 =	vmul.f32 v47, v44;
	v44 =	vmul.f32 v45, v44  }
0x124: {  	[tilespmem:s17+$0x0] =	vst v42  }
0x125: {  	[tilespmem:s17+$0x30] =	vst v44  }
0x126: {  	[tilespmem:s17+$0x20] =	vst v47;
	v42 =	vld [tilespmem:s17+$0x70]  }
0x127: {  	[tilespmem:s17+$0x10] =	vst v46;
	v44 =	vld [tilespmem:s17+$0x40]  }
0x128: {  	v45 =	vld.idx.msk [tilespmem:v43+s31+$0x0], $0xffff  }
0x129: {  	v43 =	vld [tilespmem:s17+$0x50]  }
0x12a: {  	v46 =	vld [tilespmem:s17+$0x60];
	_ =	sdelay $0x3  }
.Ltmp0:
0x12b: {  	v44 =	vmul.f32 v44, v45;
	v43 =	vmul.f32 v43, v45;
	(pc) =	sbr.rel @p1 .LBB2_3-.Ltmp0, $4  }
0x12c: {  	v42 =	vmul.f32 v42, v45;
	v46 =	vmul.f32 v46, v45  }
0x12d: {  	[tilespmem:s17+$0x40] =	vst v44  }
0x12e: {  	[tilespmem:s17+$0x70] =	vst v42  }
0x12f: {  	v42 =	vld [tilespmem:s19+$0xFFFFFF78];
	[tilespmem:s17+$0x60] =	vst v46  }
0x130: {  	_ =	sdelay $0x2  }
0x131: {  	[tilespmem:s17+$0x50] =	vst v43  }
0x132: {  	v41 =	vld.idx.msk [tilespmem:v41+s31+$0x0], $0xffff  }
0x133: {  	v50 =	vld [tilespmem:s19+$0xFFFFFF88]  }
0x134: {  	v44 =	vld [tilespmem:s19+$0xFFFFFF98]  }
0x135: {  	v45 =	vld [tilespmem:s19+$0xFFFFFFA8];
	_ =	sdelay $0x1  }
0x136: {  	v42 =	vmul.f32 v42, v41  }
0x137: {  	v40 =	vadd.s32 $0x60, v40;
	v43 =	vmul.f32 v50, v41  }
0x138: {  	v44 =	vmul.f32 v44, v41;
	[tilespmem:s19+$0xFFFFFF78] =	vst v42  }
0x139: {  	v41 =	vmul.f32 v45, v41;
	[tilespmem:s19+$0xFFFFFF88] =	vst v43  }
0x13a: {  	[tilespmem:s19+$0xFFFFFF98] =	vst v44  }
0x13b: {  	v51 =	vld [tilespmem:s19+$0xFFFFFFB8];
	[tilespmem:s19+$0xFFFFFFA8] =	vst v41  }
0x13c: {  	v40 =	vld.idx.msk [tilespmem:v40+s31+$0x0], $0xffff  }
0x13d: {  	v52 =	vld [tilespmem:s19+$0xFFFFFFE8]  }
0x13e: {  	v53 =	vld [tilespmem:s19+$0xFFFFFFC8]  }
0x13f: {  	v54 =	vld [tilespmem:s19+$0xFFFFFFD8];
	_ =	sdelay $0x1  }
0x140: {  	s0 =	sadd.s32 $0x1, s0;
	v41 =	vmul.f32 v51, v40  }
0x141: {  	v55 =	vmov s0;
	v42 =	vmul.f32 v52, v40  }
0x142: {  	v43 =	vmul.f32 v53, v40;
	[tilespmem:s19+$0xFFFFFFB8] =	vst v41  }
0x143: {  	v40 =	vmul.f32 v54, v40;
	[tilespmem:s19+$0xFFFFFFE8] =	vst v42  }
0x144: {  	[tilespmem:s19+$0xFFFFFFC8] =	vst v43  }
0x145: {  	v56 =	vld [tilespmem:s19+$0x0];
	[tilespmem:s19+$0xFFFFFFD8] =	vst v40  }
0x146: {  	v40 =	vld.idx.msk [tilespmem:v55+s31+$0x0], $0xffff  }
0x147: {  	v57 =	vld [tilespmem:s19+$0x30]  }
0x148: {  	v58 =	vld [tilespmem:s19+$0x20]  }
0x149: {  	v59 =	vld [tilespmem:s19+$0x10];
	_ =	sdelay $0x1  }
0x14a: {  	v45 =	vand.u32 $0x7F, v55;
	v41 =	vmul.f32 v56, v40  }
0x14b: {  	v45 =	vadd.s32 $0x60, v45;
	v42 =	vmul.f32 v57, v40  }
0x14c: {  	v43 =	vmul.f32 v58, v40;
	[tilespmem:s19+$0x0] =	vst v41  }
0x14d: {  	v40 =	vmul.f32 v59, v40;
	[tilespmem:s19+$0x30] =	vst v42  }
0x14e: {  	[tilespmem:s19+$0x20] =	vst v43  }
0x14f: {  	v60 =	vld [tilespmem:s19+$0x40];
	[tilespmem:s19+$0x10] =	vst v40  }
0x150: {  	v41 =	vld.idx.msk [tilespmem:v45+s31+$0x0], $0xffff  }
0x151: {  	v61 =	vld [tilespmem:s19+$0x70]  }
0x152: {  	v62 =	vld [tilespmem:s19+$0x60]  }
0x153: {  	v63 =	vld [tilespmem:s19+$0x50];
	_ =	sdelay $0x1  }
0x154: {  	v40 =	vmul.f32 v60, v41  }
0x155: {  	v42 =	vmul.f32 v61, v41  }
0x156: {  	v43 =	vmul.f32 v62, v41;
	[tilespmem:s19+$0x40] =	vst v40  }
0x157: {  	v46 =	vmul.f32 v63, v41;
	[tilespmem:s19+$0x70] =	vst v42  }
0x158: {  	[tilespmem:s19+$0x60] =	vst v43  }
0x159: {  	s15 =	simm.s32 $0x1F0F0;
	[tilespmem:s19+$0x50] =	vst v46  }
0x15a: {  	[spmem:s2] =	stream.indirect.scatter.add.f32 [tilespmem:s23], [sflag:$0x4], $0x82, s15, s22, $0xb8;
	[tilespmem:$0x1F2D0] =	vst v63  }
0x15b: {  	v40 =	vld [tilespmem:s20+$0x143B0];
	_ =	sdelay $0x4  }
0x15c: {  	[tilespmem:$0x1F150] =	vst v40  }
0x15d: {  	v40 =	vld [tilespmem:s18+$0x14420];
	_ =	sdelay $0x4  }
0x15e: {  	[tilespmem:$0x1F160] =	vst v40  }
0x15f: {  	v40 =	vld [tilespmem:s18+$0x14430];
	_ =	sdelay $0x4  }
0x160: {  	[tilespmem:$0x1F170] =	vst v40  }
0x161: {  	v40 =	vld [tilespmem:s18+$0x14440];
	_ =	sdelay $0x4  }
0x162: {  	[tilespmem:$0x1F180] =	vst v40  }
0x163: {  	v40 =	vld [tilespmem:s18+$0x14450];
	_ =	sdelay $0x4  }
0x164: {  	[tilespmem:$0x1F190] =	vst v40  }
0x165: {  	v40 =	vld [tilespmem:s18+$0x14460];
	_ =	sdelay $0x4  }
0x166: {  	[tilespmem:$0x1F1A0] =	vst v40  }
0x167: {  	_ =	swait.ge [sflag:s4], $0x30C0  }
0x168: {  	[sflag:s4] =	ssyncset.done $0x0  }
0x169: {  	[sflag:s4] =	ssyncadd.s32 $0xFFFFCF40  }
0x16a: {  	_ =	swait.ge [sflag:s4], $0x300  }
0x16b: {  	[sflag:s4] =	ssyncset.done $0x0  }
0x16c: {  	[sflag:s4] =	ssyncadd.s32 $0xFFFFFD00  }
0x16d: {  	_ =	swait.ge [sflag:s4], $0x300  }
0x16e: {  	[sflag:s4] =	ssyncset.done $0x0  }
0x16f: {  	s0 =	simm.s32 @!p0 $0x6;
	[sflag:s4] =	ssyncadd.s32 $0xFFFFFD00  }
0x170: {  	_ =	swait.ge @!p0 [sflag:s0], $0x30C0  }
0x171: {  	[sflag:s0] =	ssyncset.done @!p0 $0x0  }
0x172: {  	s17 =	sadd.s32 $0x14230, s18;
	[sflag:s0] =	ssyncadd.s32 @!p0 $0xFFFFCF40  }
0x173: {  	[tilespmem:s1], [sflag:$0x3] =	stream.indirect.gather [hbm4b:s5+s22], $0x82, s17, s22, $0xb8;
	[tilespmem:$0x1F2D0] =	vst v63  }
0x174: {  	_ = 	snop  }
0x175: {  	[tilespmem:s11], [sflag:$0x3] =	stream.indirect.gather [hbm4b:s8+s22], $0x8, s17, s22, $0xb8;
	[tilespmem:$0x1F2D0] =	vst v63  }
0x176: {  	s19 =	sadd.s32 $0x14470, s18  }
0x177: {  	[tilespmem:s12], [sflag:$0x3] =	stream.indirect.gather [hbm4b:s8+s22], $0x8, s19, s22, $0xb8;
	[tilespmem:$0x1F2D0] =	vst v63  }
0x178: {  	v47 =	vld.idx.msk [tilespmem:v0+s29+$0x0], $0xffff  }
0x179: {  	v48 =	vld.idx.msk [tilespmem:v1+s30+$0x0], $0xffff;
	_ =	sdelay $0x4  }
0x17a: {  	v40 =	vadd.f32 v48, v47;
	_ =	sdelay $0x1  }
0x17b: {  	v41 =	vmul.f32 $2.000000030e-01, v40  }
0x17c: {  	vm0 =	vge.f32 v40, $0.0e+00  }
0x17d: {  	v40 =	vsel vm0, v40, v41  }
0x17e: {  	v40 =	vsub.f32 v40, v38;
	_ =	sdelay $0x1  }
0x17f: {  	v40 =	vmul.f32 $1.442695020e+00, v40;
	_ =	sdelay $0x1  }
0x180: {  	(erf) = vpow2.f32 v40;
	_ =	sdelay $0x8  }
0x181: {  	v40 =	vpop (erf)  }
0x182: {  	[tilespmem:$0x1F210] =	vst v40  }
0x183: {  	[tilespmem:v26+s28+$0x0] =	vst.idx.msk $0xffff, v40  }
0x184: {  	v40 =	vld.idx.msk [tilespmem:v2+s29+$0x0], $0xffff  }
0x185: {  	v49 =	vld.idx.msk [tilespmem:v3+s30+$0x0], $0xffff;
	_ =	sdelay $0x4  }
0x186: {  	v40 =	vadd.f32 v49, v40;
	_ =	sdelay $0x1  }
0x187: {  	v41 =	vmul.f32 $2.000000030e-01, v40  }
0x188: {  	vm5 =	vge.f32 v40, $0.0e+00  }
0x189: {  	v40 =	vsel vm5, v40, v41  }
0x18a: {  	v40 =	vsub.f32 v40, v39;
	_ =	sdelay $0x1  }
0x18b: {  	v40 =	vmul.f32 $1.442695020e+00, v40;
	_ =	sdelay $0x1  }
0x18c: {  	(erf) = vpow2.f32 v40;
	_ =	sdelay $0x8  }
0x18d: {  	v40 =	vpop (erf)  }
0x18e: {  	[tilespmem:$0x1F270] =	vst v40  }
0x18f: {  	[tilespmem:v27+s28+$0x0] =	vst.idx.msk $0xffff, v40  }
0x190: {  	v40 =	vld.idx.msk [tilespmem:v4+s29+$0x0], $0xffff  }
0x191: {  	v50 =	vld.idx.msk [tilespmem:v5+s30+$0x0], $0xffff;
	_ =	sdelay $0x4  }
0x192: {  	v40 =	vadd.f32 v50, v40;
	_ =	sdelay $0x1  }
0x193: {  	v41 =	vmul.f32 $2.000000030e-01, v40  }
0x194: {  	vm6 =	vge.f32 v40, $0.0e+00  }
0x195: {  	v40 =	vsel vm6, v40, v41  }
0x196: {  	v40 =	vsub.f32 v40, v38;
	_ =	sdelay $0x1  }
0x197: {  	v40 =	vmul.f32 $1.442695020e+00, v40;
	_ =	sdelay $0x1  }
0x198: {  	(erf) = vpow2.f32 v40;
	_ =	sdelay $0x8  }
0x199: {  	v40 =	vpop (erf)  }
0x19a: {  	[tilespmem:$0x1F220] =	vst v40  }
0x19b: {  	[tilespmem:v28+s28+$0x0] =	vst.idx.msk $0xffff, v40  }
0x19c: {  	v40 =	vld.idx.msk [tilespmem:v6+s29+$0x0], $0xffff  }
0x19d: {  	v51 =	vld.idx.msk [tilespmem:v7+s30+$0x0], $0xffff;
	_ =	sdelay $0x4  }
0x19e: {  	v40 =	vadd.f32 v51, v40;
	_ =	sdelay $0x1  }
0x19f: {  	v41 =	vmul.f32 $2.000000030e-01, v40  }
0x1a0: {  	vm7 =	vge.f32 v40, $0.0e+00  }
0x1a1: {  	v40 =	vsel vm7, v40, v41  }
0x1a2: {  	v40 =	vsub.f32 v40, v39;
	_ =	sdelay $0x1  }
0x1a3: {  	v40 =	vmul.f32 $1.442695020e+00, v40;
	_ =	sdelay $0x1  }
0x1a4: {  	(erf) = vpow2.f32 v40;
	_ =	sdelay $0x8  }
0x1a5: {  	v40 =	vpop (erf)  }
0x1a6: {  	[tilespmem:$0x1F280] =	vst v40  }
0x1a7: {  	[tilespmem:v29+s28+$0x0] =	vst.idx.msk $0xffff, v40  }
0x1a8: {  	v40 =	vld.idx.msk [tilespmem:v8+s29+$0x0], $0xffff  }
0x1a9: {  	v52 =	vld.idx.msk [tilespmem:v9+s30+$0x0], $0xffff;
	_ =	sdelay $0x4  }
0x1aa: {  	v40 =	vadd.f32 v52, v40;
	_ =	sdelay $0x1  }
0x1ab: {  	v41 =	vmul.f32 $2.000000030e-01, v40  }
0x1ac: {  	vm8 =	vge.f32 v40, $0.0e+00  }
0x1ad: {  	v40 =	vsel vm8, v40, v41  }
0x1ae: {  	v40 =	vsub.f32 v40, v38;
	_ =	sdelay $0x1  }
0x1af: {  	v40 =	vmul.f32 $1.442695020e+00, v40;
	_ =	sdelay $0x1  }
0x1b0: {  	(erf) = vpow2.f32 v40;
	_ =	sdelay $0x8  }
0x1b1: {  	v40 =	vpop (erf)  }
0x1b2: {  	[tilespmem:$0x1F230] =	vst v40  }
0x1b3: {  	[tilespmem:v30+s28+$0x0] =	vst.idx.msk $0xffff, v40  }
0x1b4: {  	v40 =	vld.idx.msk [tilespmem:v10+s29+$0x0], $0xffff  }
0x1b5: {  	v53 =	vld.idx.msk [tilespmem:v11+s30+$0x0], $0xffff;
	_ =	sdelay $0x4  }
0x1b6: {  	v40 =	vadd.f32 v53, v40;
	_ =	sdelay $0x1  }
0x1b7: {  	v41 =	vmul.f32 $2.000000030e-01, v40  }
0x1b8: {  	vm9 =	vge.f32 v40, $0.0e+00  }
0x1b9: {  	v40 =	vsel vm9, v40, v41  }
0x1ba: {  	v40 =	vsub.f32 v40, v39;
	_ =	sdelay $0x1  }
0x1bb: {  	v40 =	vmul.f32 $1.442695020e+00, v40;
	_ =	sdelay $0x1  }
0x1bc: {  	(erf) = vpow2.f32 v40;
	_ =	sdelay $0x8  }
0x1bd: {  	v40 =	vpop (erf)  }
0x1be: {  	[tilespmem:$0x1F290] =	vst v40  }
0x1bf: {  	[tilespmem:v31+s28+$0x0] =	vst.idx.msk $0xffff, v40  }
0x1c0: {  	v40 =	vld.idx.msk [tilespmem:v12+s29+$0x0], $0xffff  }
0x1c1: {  	v54 =	vld.idx.msk [tilespmem:v13+s30+$0x0], $0xffff;
	_ =	sdelay $0x4  }
0x1c2: {  	v40 =	vadd.f32 v54, v40;
	_ =	sdelay $0x1  }
0x1c3: {  	v41 =	vmul.f32 $2.000000030e-01, v40  }
0x1c4: {  	vm10 =	vge.f32 v40, $0.0e+00  }
0x1c5: {  	v40 =	vsel vm10, v40, v41  }
0x1c6: {  	v40 =	vsub.f32 v40, v38;
	_ =	sdelay $0x1  }
0x1c7: {  	v40 =	vmul.f32 $1.442695020e+00, v40;
	_ =	sdelay $0x1  }
0x1c8: {  	(erf) = vpow2.f32 v40;
	_ =	sdelay $0x8  }
0x1c9: {  	v40 =	vpop (erf)  }
0x1ca: {  	[tilespmem:$0x1F240] =	vst v40  }
0x1cb: {  	[tilespmem:v32+s28+$0x0] =	vst.idx.msk $0xffff, v40  }
0x1cc: {  	v40 =	vld.idx.msk [tilespmem:v14+s29+$0x0], $0xffff  }
0x1cd: {  	v55 =	vld.idx.msk [tilespmem:v21+s30+$0x0], $0xffff;
	_ =	sdelay $0x4  }
0x1ce: {  	v40 =	vadd.f32 v55, v40;
	_ =	sdelay $0x1  }
0x1cf: {  	v41 =	vmul.f32 $2.000000030e-01, v40  }
0x1d0: {  	vm11 =	vge.f32 v40, $0.0e+00  }
0x1d1: {  	v40 =	vsel vm11, v40, v41  }
0x1d2: {  	v40 =	vsub.f32 v40, v39;
	_ =	sdelay $0x1  }
0x1d3: {  	v40 =	vmul.f32 $1.442695020e+00, v40;
	_ =	sdelay $0x1  }
0x1d4: {  	(erf) = vpow2.f32 v40;
	_ =	sdelay $0x8  }
0x1d5: {  	v40 =	vpop (erf)  }
0x1d6: {  	[tilespmem:$0x1F2A0] =	vst v40  }
0x1d7: {  	[tilespmem:v33+s28+$0x0] =	vst.idx.msk $0xffff, v40  }
0x1d8: {  	v40 =	vld.idx.msk [tilespmem:v15+s29+$0x0], $0xffff  }
0x1d9: {  	v56 =	vld.idx.msk [tilespmem:v16+s30+$0x0], $0xffff;
	_ =	sdelay $0x4  }
0x1da: {  	v40 =	vadd.f32 v56, v40;
	_ =	sdelay $0x1  }
0x1db: {  	v41 =	vmul.f32 $2.000000030e-01, v40  }
0x1dc: {  	vm12 =	vge.f32 v40, $0.0e+00  }
0x1dd: {  	v40 =	vsel vm12, v40, v41  }
0x1de: {  	v40 =	vsub.f32 v40, v38;
	_ =	sdelay $0x1  }
0x1df: {  	v40 =	vmul.f32 $1.442695020e+00, v40;
	_ =	sdelay $0x1  }
0x1e0: {  	(erf) = vpow2.f32 v40;
	_ =	sdelay $0x8  }
0x1e1: {  	v40 =	vpop (erf)  }
0x1e2: {  	[tilespmem:$0x1F250] =	vst v40  }
0x1e3: {  	[tilespmem:v34+s28+$0x0] =	vst.idx.msk $0xffff, v40  }
0x1e4: {  	v40 =	vld.idx.msk [tilespmem:v17+s29+$0x0], $0xffff  }
0x1e5: {  	v57 =	vld.idx.msk [tilespmem:v22+s30+$0x0], $0xffff;
	_ =	sdelay $0x4  }
0x1e6: {  	v40 =	vadd.f32 v57, v40;
	_ =	sdelay $0x1  }
0x1e7: {  	v41 =	vmul.f32 $2.000000030e-01, v40  }
0x1e8: {  	vm13 =	vge.f32 v40, $0.0e+00  }
0x1e9: {  	v40 =	vsel vm13, v40, v41  }
0x1ea: {  	v40 =	vsub.f32 v40, v39;
	_ =	sdelay $0x1  }
0x1eb: {  	v40 =	vmul.f32 $1.442695020e+00, v40;
	_ =	sdelay $0x1  }
0x1ec: {  	(erf) = vpow2.f32 v40;
	_ =	sdelay $0x8  }
0x1ed: {  	v40 =	vpop (erf)  }
0x1ee: {  	[tilespmem:$0x1F2B0] =	vst v40  }
0x1ef: {  	[tilespmem:v35+s28+$0x0] =	vst.idx.msk $0xffff, v40  }
0x1f0: {  	v40 =	vld.idx.msk [tilespmem:v18+s29+$0x0], $0xffff  }
0x1f1: {  	v58 =	vld.idx.msk [tilespmem:v19+s30+$0x0], $0xffff;
	_ =	sdelay $0x4  }
0x1f2: {  	v40 =	vadd.f32 v58, v40;
	_ =	sdelay $0x1  }
0x1f3: {  	v41 =	vmul.f32 $2.000000030e-01, v40  }
0x1f4: {  	vm14 =	vge.f32 v40, $0.0e+00  }
0x1f5: {  	v40 =	vsel vm14, v40, v41  }
0x1f6: {  	v40 =	vsub.f32 v40, v38;
	_ =	sdelay $0x1  }
0x1f7: {  	v40 =	vmul.f32 $1.442695020e+00, v40;
	_ =	sdelay $0x1  }
0x1f8: {  	(erf) = vpow2.f32 v40;
	_ =	sdelay $0x8  }
0x1f9: {  	v40 =	vpop (erf)  }
0x1fa: {  	[tilespmem:$0x1F260] =	vst v40  }
0x1fb: {  	[tilespmem:v36+s28+$0x0] =	vst.idx.msk $0xffff, v40  }
0x1fc: {  	v40 =	vld.idx.msk [tilespmem:v20+s29+$0x0], $0xffff  }
0x1fd: {  	v59 =	vld.idx.msk [tilespmem:v23+s30+$0x0], $0xffff;
	_ =	sdelay $0x4  }
0x1fe: {  	v40 =	vadd.f32 v59, v40;
	_ =	sdelay $0x1  }
0x1ff: {  	v41 =	vmul.f32 $2.000000030e-01, v40  }
0x200: {  	vm15 =	vge.f32 v40, $0.0e+00  }
0x201: {  	v40 =	vsel vm15, v40, v41  }
0x202: {  	v40 =	vsub.f32 v40, v39;
	_ =	sdelay $0x1  }
0x203: {  	v40 =	vmul.f32 $1.442695020e+00, v40;
	_ =	sdelay $0x1  }
0x204: {  	(erf) = vpow2.f32 v40;
	_ =	sdelay $0x6  }
0x205: {  	s20 =	simm.s32 $0x0  }
0x206: {  	v60 =	vmov s20  }
0x207: {  	v61 =	vpop (erf)  }
0x208: {  	[tilespmem:$0x1F2C0] =	vst v61  }
0x209: {  	s17 =	simm.s32 $0x17978;
	[tilespmem:v37+s28+$0x0] =	vst.idx.msk $0xffff, v61  }
0x20a: {  	v41 =	vld [tilespmem:s17+$0xFFFFFF78]  }
0x20b: {  	v62 =	vld.idx.msk [tilespmem:v60+s31+$0x0], $0xffff  }
0x20c: {  	v63 =	vld [tilespmem:s17+$0xFFFFFF88]  }
0x20d: {  	v48 =	vld [tilespmem:s17+$0xFFFFFF98]  }
0x20e: {  	v49 =	vld [tilespmem:s17+$0xFFFFFFA8];
	_ =	sdelay $0x1  }
0x20f: {  	v40 =	vand.u32 $0x7E, v60;
	v41 =	vmul.f32 v41, v62  }
0x210: {  	v40 =	vadd.s32 $0x60, v40;
	v43 =	vmul.f32 v63, v62  }
0x211: {  	v44 =	vmul.f32 v48, v62;
	[tilespmem:s17+$0xFFFFFF78] =	vst v41  }
0x212: {  	v50 =	vmul.f32 v49, v62;
	[tilespmem:s17+$0xFFFFFF88] =	vst v43  }
0x213: {  	[tilespmem:s17+$0xFFFFFF98] =	vst v44  }
0x214: {  	v51 =	vld [tilespmem:s17+$0xFFFFFFB8];
	[tilespmem:s17+$0xFFFFFFA8] =	vst v50  }
0x215: {  	v40 =	vld.idx.msk [tilespmem:v40+s31+$0x0], $0xffff  }
0x216: {  	v52 =	vld [tilespmem:s17+$0xFFFFFFE8]  }
0x217: {  	v53 =	vld [tilespmem:s17+$0xFFFFFFC8]  }
0x218: {  	v54 =	vld [tilespmem:s17+$0xFFFFFFD8];
	_ =	sdelay $0x1  }
0x219: {  	s21 =	simm.s32 $0x1;
	v41 =	vmul.f32 v51, v40  }
0x21a: {  	v55 =	vmov s21;
	v42 =	vmul.f32 v52, v40  }
0x21b: {  	v43 =	vmul.f32 v53, v40;
	[tilespmem:s17+$0xFFFFFFB8] =	vst v41  }
0x21c: {  	v40 =	vmul.f32 v54, v40;
	[tilespmem:s17+$0xFFFFFFE8] =	vst v42  }
0x21d: {  	[tilespmem:s17+$0xFFFFFFC8] =	vst v43  }
0x21e: {  	v56 =	vld [tilespmem:s17+$0x0];
	[tilespmem:s17+$0xFFFFFFD8] =	vst v40  }
0x21f: {  	v40 =	vld.idx.msk [tilespmem:v55+s31+$0x0], $0xffff  }
0x220: {  	v57 =	vld [tilespmem:s17+$0x30]  }
0x221: {  	v58 =	vld [tilespmem:s17+$0x20]  }
0x222: {  	v59 =	vld [tilespmem:s17+$0x10];
	_ =	sdelay $0x1  }
0x223: {  	v45 =	vand.u32 $0x7F, v55;
	v41 =	vmul.f32 v56, v40  }
0x224: {  	v45 =	vadd.s32 $0x60, v45;
	v42 =	vmul.f32 v57, v40  }
0x225: {  	v43 =	vmul.f32 v58, v40;
	[tilespmem:s17+$0x0] =	vst v41  }
0x226: {  	v40 =	vmul.f32 v59, v40;
	[tilespmem:s17+$0x30] =	vst v42  }
0x227: {  	[tilespmem:s17+$0x20] =	vst v43  }
0x228: {  	v60 =	vld [tilespmem:s17+$0x40];
	[tilespmem:s17+$0x10] =	vst v40  }
0x229: {  	v42 =	vld.idx.msk [tilespmem:v45+s31+$0x0], $0xffff  }
0x22a: {  	v61 =	vld [tilespmem:s17+$0x70]  }
0x22b: {  	v62 =	vld [tilespmem:s17+$0x60];
	_ =	sdelay $0x1  }
0x22c: {  	v63 =	vld [tilespmem:s17+$0x50]  }
0x22d: {  	v40 =	vmul.f32 v60, v42  }
0x22e: {  	s0 =	simm.s32 $0x2;
	v45 =	vmul.f32 v61, v42  }
0x22f: {  	v41 =	vmov s0;
	v46 =	vmul.f32 v62, v42;
	[tilespmem:s17+$0x40] =	vst v40  }
0x230: {  	s19 =	simm.s32 $0x17A88;
	[tilespmem:s17+$0x70] =	vst v45  }
0x231: {  	s20 =	sadd.s32 $0xC0, s18;
	s21 =	simm.s32 $0x4;
	v43 =	vmul.f32 v63, v42;
	v42 =	vld [tilespmem:s19+$0xFFFFFF78];
	v40 =	vand.u32 $0x7E, v41;
	[tilespmem:s17+$0x60] =	vst v46  }
.LBB2_5:
0x232: {  	p0 =	slt.u32 s21, $0x5E;
	s6 =	smov.u32 s21  }
0x233: {  	v44 =	vld [tilespmem:s19+$0xFFFFFF98];
	[tilespmem:s17+$0x50] =	vst v43;
	s21 =	sadd.s32 $0x2, s21;
	s17 =	smov.u32 s19;
	s19 =	sadd.s32 $0x110, s19  }
0x234: {  	v43 =	vld.idx.msk [tilespmem:v41+s31+$0x0], $0xffff  }
0x235: {  	v41 =	vld [tilespmem:s17+$0xFFFFFF88]  }
0x236: {  	v45 =	vld [tilespmem:s17+$0xFFFFFFA8];
	_ =	sdelay $0x3  }
0x237: {  	v47 =	vadd.s32 $0x60, v40;
	v42 =	vmul.f32 v42, v43;
	v46 =	vmul.f32 v41, v43  }
0x238: {  	v44 =	vmul.f32 v44, v43;
	v41 =	vmov s6;
	v43 =	vmul.f32 v45, v43  }
0x239: {  	v40 =	vand.u32 $0x7E, v41;
	[tilespmem:s17+$0xFFFFFF78] =	vst v42  }
0x23a: {  	[tilespmem:s17+$0xFFFFFF88] =	vst v46  }
0x23b: {  	[tilespmem:s17+$0xFFFFFF98] =	vst v44;
	v42 =	vld [tilespmem:s17+$0xFFFFFFE8]  }
0x23c: {  	[tilespmem:s17+$0xFFFFFFA8] =	vst v43;
	v43 =	vld [tilespmem:s17+$0xFFFFFFB8]  }
0x23d: {  	v44 =	vld.idx.msk [tilespmem:v47+s31+$0x0], $0xffff  }
0x23e: {  	v45 =	vld [tilespmem:s17+$0xFFFFFFC8]  }
0x23f: {  	v46 =	vld [tilespmem:s17+$0xFFFFFFD8];
	_ =	sdelay $0x3  }
0x240: {  	s15 =	sadd.s32 $0x1, s0;
	s0 =	smov.u32 s6;
	v43 =	vmul.f32 v43, v44;
	v45 =	vmul.f32 v45, v44  }
0x241: {  	v42 =	vmul.f32 v42, v44;
	v46 =	vmul.f32 v46, v44;
	v44 =	vmov s15  }
0x242: {  	[tilespmem:s17+$0xFFFFFFB8] =	vst v43;
	v43 =	vand.u32 $0x7F, v44  }
0x243: {  	[tilespmem:s17+$0xFFFFFFE8] =	vst v42  }
0x244: {  	[tilespmem:s17+$0xFFFFFFC8] =	vst v45;
	v42 =	vld [tilespmem:s17+$0x0]  }
0x245: {  	[tilespmem:s17+$0xFFFFFFD8] =	vst v46;
	v45 =	vld [tilespmem:s17+$0x30]  }
0x246: {  	v44 =	vld.idx.msk [tilespmem:v44+s31+$0x0], $0xffff  }
0x247: {  	v46 =	vld [tilespmem:s17+$0x10]  }
0x248: {  	v47 =	vld [tilespmem:s17+$0x20];
	_ =	sdelay $0x3  }
0x249: {  	v42 =	vmul.f32 v42, v44;
	v46 =	vmul.f32 v46, v44  }
0x24a: {  	v43 =	vadd.s32 $0x60, v43;
	v47 =	vmul.f32 v47, v44;
	v44 =	vmul.f32 v45, v44  }
0x24b: {  	[tilespmem:s17+$0x0] =	vst v42  }
0x24c: {  	[tilespmem:s17+$0x30] =	vst v44  }
0x24d: {  	[tilespmem:s17+$0x20] =	vst v47;
	v42 =	vld [tilespmem:s17+$0x70]  }
0x24e: {  	[tilespmem:s17+$0x10] =	vst v46;
	v44 =	vld [tilespmem:s17+$0x40]  }
0x24f: {  	v45 =	vld.idx.msk [tilespmem:v43+s31+$0x0], $0xffff  }
0x250: {  	v43 =	vld [tilespmem:s17+$0x50]  }
0x251: {  	v46 =	vld [tilespmem:s17+$0x60];
	_ =	sdelay $0x3  }
.Ltmp1:
0x252: {  	v44 =	vmul.f32 v44, v45;
	v43 =	vmul.f32 v43, v45;
	(pc) =	sbr.rel @p0 .LBB2_5-.Ltmp1, $4  }
0x253: {  	v42 =	vmul.f32 v42, v45;
	v46 =	vmul.f32 v46, v45  }
0x254: {  	[tilespmem:s17+$0x40] =	vst v44  }
0x255: {  	[tilespmem:s17+$0x70] =	vst v42  }
0x256: {  	v42 =	vld [tilespmem:s19+$0xFFFFFF78];
	[tilespmem:s17+$0x60] =	vst v46  }
0x257: {  	_ =	sdelay $0x2  }
0x258: {  	[tilespmem:s17+$0x50] =	vst v43  }
0x259: {  	v41 =	vld.idx.msk [tilespmem:v41+s31+$0x0], $0xffff  }
0x25a: {  	v50 =	vld [tilespmem:s19+$0xFFFFFF88]  }
0x25b: {  	v44 =	vld [tilespmem:s19+$0xFFFFFF98]  }
0x25c: {  	v45 =	vld [tilespmem:s19+$0xFFFFFFA8];
	_ =	sdelay $0x1  }
0x25d: {  	v42 =	vmul.f32 v42, v41  }
0x25e: {  	v40 =	vadd.s32 $0x60, v40;
	v43 =	vmul.f32 v50, v41  }
0x25f: {  	v44 =	vmul.f32 v44, v41;
	[tilespmem:s19+$0xFFFFFF78] =	vst v42  }
0x260: {  	v41 =	vmul.f32 v45, v41;
	[tilespmem:s19+$0xFFFFFF88] =	vst v43  }
0x261: {  	[tilespmem:s19+$0xFFFFFF98] =	vst v44  }
0x262: {  	v51 =	vld [tilespmem:s19+$0xFFFFFFB8];
	[tilespmem:s19+$0xFFFFFFA8] =	vst v41  }
0x263: {  	v40 =	vld.idx.msk [tilespmem:v40+s31+$0x0], $0xffff  }
0x264: {  	v52 =	vld [tilespmem:s19+$0xFFFFFFE8]  }
0x265: {  	v53 =	vld [tilespmem:s19+$0xFFFFFFC8]  }
0x266: {  	v54 =	vld [tilespmem:s19+$0xFFFFFFD8];
	_ =	sdelay $0x1  }
0x267: {  	s0 =	sadd.s32 $0x1, s0;
	v41 =	vmul.f32 v51, v40  }
0x268: {  	v55 =	vmov s0;
	v42 =	vmul.f32 v52, v40  }
0x269: {  	v43 =	vmul.f32 v53, v40;
	[tilespmem:s19+$0xFFFFFFB8] =	vst v41  }
0x26a: {  	v40 =	vmul.f32 v54, v40;
	[tilespmem:s19+$0xFFFFFFE8] =	vst v42  }
0x26b: {  	[tilespmem:s19+$0xFFFFFFC8] =	vst v43  }
0x26c: {  	v56 =	vld [tilespmem:s19+$0x0];
	[tilespmem:s19+$0xFFFFFFD8] =	vst v40  }
0x26d: {  	v40 =	vld.idx.msk [tilespmem:v55+s31+$0x0], $0xffff  }
0x26e: {  	v57 =	vld [tilespmem:s19+$0x30]  }
0x26f: {  	v58 =	vld [tilespmem:s19+$0x20]  }
0x270: {  	v59 =	vld [tilespmem:s19+$0x10];
	_ =	sdelay $0x1  }
0x271: {  	v45 =	vand.u32 $0x7F, v55;
	v41 =	vmul.f32 v56, v40  }
0x272: {  	v45 =	vadd.s32 $0x60, v45;
	v42 =	vmul.f32 v57, v40  }
0x273: {  	v43 =	vmul.f32 v58, v40;
	[tilespmem:s19+$0x0] =	vst v41  }
0x274: {  	v40 =	vmul.f32 v59, v40;
	[tilespmem:s19+$0x30] =	vst v42  }
0x275: {  	[tilespmem:s19+$0x20] =	vst v43  }
0x276: {  	v60 =	vld [tilespmem:s19+$0x40];
	[tilespmem:s19+$0x10] =	vst v40  }
0x277: {  	v41 =	vld.idx.msk [tilespmem:v45+s31+$0x0], $0xffff  }
0x278: {  	v61 =	vld [tilespmem:s19+$0x70]  }
0x279: {  	v62 =	vld [tilespmem:s19+$0x60]  }
0x27a: {  	v63 =	vld [tilespmem:s19+$0x50];
	_ =	sdelay $0x1  }
0x27b: {  	v40 =	vmul.f32 v60, v41  }
0x27c: {  	v42 =	vmul.f32 v61, v41  }
0x27d: {  	v43 =	vmul.f32 v62, v41;
	[tilespmem:s19+$0x40] =	vst v40  }
0x27e: {  	v46 =	vmul.f32 v63, v41;
	[tilespmem:s19+$0x70] =	vst v42  }
0x27f: {  	[tilespmem:s19+$0x60] =	vst v43  }
0x280: {  	[tilespmem:s19+$0x50] =	vst v46;
	s19 =	simm.s32 $0x1F150  }
0x281: {  	[spmem:s2] =	stream.indirect.scatter.add.f32 [tilespmem:s28], [sflag:$0x5], $0x82, s19, s22, $0xb8;
	[tilespmem:$0x1F2D0] =	vst v63  }
0x282: {  	v40 =	vld [tilespmem:s20+$0x143B0];
	_ =	sdelay $0x4  }
0x283: {  	[tilespmem:$0x1F1B0] =	vst v40  }
0x284: {  	v40 =	vld [tilespmem:s18+$0x14480];
	_ =	sdelay $0x4  }
0x285: {  	[tilespmem:$0x1F1C0] =	vst v40  }
0x286: {  	v40 =	vld [tilespmem:s18+$0x14490];
	_ =	sdelay $0x4  }
0x287: {  	[tilespmem:$0x1F1D0] =	vst v40  }
0x288: {  	v40 =	vld [tilespmem:s18+$0x144A0];
	_ =	sdelay $0x4  }
0x289: {  	[tilespmem:$0x1F1E0] =	vst v40  }
0x28a: {  	v40 =	vld [tilespmem:s18+$0x144B0];
	_ =	sdelay $0x4  }
0x28b: {  	[tilespmem:$0x1F1F0] =	vst v40  }
0x28c: {  	v40 =	vld [tilespmem:s18+$0x144C0];
	_ =	sdelay $0x4  }
0x28d: {  	[tilespmem:$0x1F200] =	vst v40  }
0x28e: {  	_ =	swait.ge [sflag:s13], $0x30C0  }
0x28f: {  	[sflag:s13] =	ssyncset.done $0x0  }
0x290: {  	[sflag:s13] =	ssyncadd.s32 $0xFFFFCF40  }
0x291: {  	_ =	swait.ge [sflag:s13], $0x300  }
0x292: {  	p0 =	seq.s32 s3, $0x45;
	[sflag:s13] =	ssyncset.done $0x0  }
0x293: {  	p1 =	seq.s32 @!p0 s16, $0x0;
	[sflag:s13] =	ssyncadd.s32 $0xFFFFFD00  }
0x294: {  	p1 =	por p1, p0;
	_ =	swait.ge [sflag:s13], $0x300  }
0x295: {  	s0 =	sadd.s32 @!p1 $0x1, s3;
	[sflag:s13] =	ssyncset.done $0x0  }
0x296: {  	s0 =	sshrl.u32 @!p1 s0, $0x1;
	[sflag:s13] =	ssyncadd.s32 $0xFFFFFD00  }
0x297: {  	s0 =	smul.u32 @!p1 $0x240, s0;
	_ =	swait.ge [sflag:s14], $0x30C0  }
0x298: {  	s6 =	rddreg [dreg:$0x4]  }
0x299: {  	s6 =	sadd.s32 @!p1 s6, s0  }
0x29a: {  	s15 =	simm.s32 @!p1 $0x0;
	[sflag:s14] =	ssyncset.done $0x0;
	s6 =	sshrl.u32 @!p1 s6, $0x3  }
0x29b: {  	s17 =	simm.s32 @!p1 $0x14170;
	[sflag:s14] =	ssyncadd.s32 $0xFFFFCF40;
	s6 =	sadd.s32 @!p1 s7, s6  }
0x29c: {  	[tilespmem:s17], [sflag:$0x7] =	stream.linear.gather @!p1 [hbm4b:s6+s15], $0x240, $0x38;
	[tilespmem:$0x1F2D0] =	vst v63  }
0x29d: {  	s6 =	simm.s32 @!p1 $0x7  }
0x29e: {  	s0 =	sadd.s32 @!p1 s10, s0;
	_ =	swait.ge @!p1 [sflag:s6], $0x240  }
0x29f: {  	s0 =	sshrl.u32 @!p1 s0, $0x3;
	[sflag:s6] =	ssyncset.done @!p1 $0x0  }
0x2a0: {  	s0 =	sadd.s32 @!p1 s9, s0;
	s17 =	simm.s32 @!p1 $0x143B0;
	[sflag:s6] =	ssyncadd.s32 @!p1 $0xFFFFFDC0  }
0x2a1: {  	[tilespmem:s17], [sflag:$0x7] =	stream.linear.gather @!p1 [hbm4b:s0+s15], $0x240, $0x38;
	[tilespmem:$0x1F2D0] =	vst v63  }
0x2a2: {  	s0 =	sxor.u32 @!p0 $0x1, s16  }
0x2a3: {  	_ =	swait.ge @!p1 [sflag:s6], $0x240;
	s0 =	smul.u32 @!p0 $0x120, s0  }
0x2a4: {  	s15 =	simm.s32 @!p0 $0x60;
	[sflag:s6] =	ssyncset.done @!p1 $0x0  }
0x2a5: {  	s16 =	simm.s32 @!p0 $0x145F0;
	[sflag:s6] =	ssyncadd.s32 @!p1 $0xFFFFFDC0;
	s6 =	sadd.s32 @!p0 $0x14170, s0  }
0x2a6: {  	[tilespmem:s16], [sflag:$0x1] =	stream.indirect.gather @!p0 [hbm4b:s5+s15], $0x82, s6, s15, $0xb8;
	[tilespmem:$0x1F2D0] =	vst v63  }
0x2a7: {  	s16 =	simm.s32 @!p0 $0x1DEF0  }
0x2a8: {  	[tilespmem:s16], [sflag:$0x1] =	stream.indirect.gather @!p0 [hbm4b:s8+s15], $0x8, s6, s15, $0xb8;
	[tilespmem:$0x1F2D0] =	vst v63  }
0x2a9: {  	s0 =	sadd.s32 @!p0 $0x143B0, s0;
	s6 =	simm.s32 @!p0 $0x1E7F0  }
0x2aa: {  	[tilespmem:s6], [sflag:$0x1] =	stream.indirect.gather @!p0 [hbm4b:s8+s15], $0x8, s0, s15, $0xb8;
	[tilespmem:$0x1F2D0] =	vst v63  }
0x2ab: {  	v47 =	vld.idx.msk [tilespmem:v0+s11+$0x0], $0xffff  }
0x2ac: {  	v48 =	vld.idx.msk [tilespmem:v1+s12+$0x0], $0xffff;
	_ =	sdelay $0x4  }
0x2ad: {  	v40 =	vadd.f32 v48, v47;
	_ =	sdelay $0x1  }
0x2ae: {  	v41 =	vmul.f32 $2.000000030e-01, v40  }
0x2af: {  	vm0 =	vge.f32 v40, $0.0e+00  }
0x2b0: {  	v40 =	vsel vm0, v40, v41  }
0x2b1: {  	v40 =	vsub.f32 v40, v38;
	_ =	sdelay $0x1  }
0x2b2: {  	v40 =	vmul.f32 $1.442695020e+00, v40;
	_ =	sdelay $0x1  }
0x2b3: {  	(erf) = vpow2.f32 v40;
	_ =	sdelay $0x8  }
0x2b4: {  	v40 =	vpop (erf)  }
0x2b5: {  	[tilespmem:$0x1F210] =	vst v40  }
0x2b6: {  	[tilespmem:v26+s1+$0x0] =	vst.idx.msk $0xffff, v40  }
0x2b7: {  	v40 =	vld.idx.msk [tilespmem:v2+s11+$0x0], $0xffff  }
0x2b8: {  	v49 =	vld.idx.msk [tilespmem:v3+s12+$0x0], $0xffff;
	_ =	sdelay $0x4  }
0x2b9: {  	v40 =	vadd.f32 v49, v40;
	_ =	sdelay $0x1  }
0x2ba: {  	v41 =	vmul.f32 $2.000000030e-01, v40  }
0x2bb: {  	vm5 =	vge.f32 v40, $0.0e+00  }
0x2bc: {  	v40 =	vsel vm5, v40, v41  }
0x2bd: {  	v40 =	vsub.f32 v40, v39;
	_ =	sdelay $0x1  }
0x2be: {  	v40 =	vmul.f32 $1.442695020e+00, v40;
	_ =	sdelay $0x1  }
0x2bf: {  	(erf) = vpow2.f32 v40;
	_ =	sdelay $0x8  }
0x2c0: {  	v40 =	vpop (erf)  }
0x2c1: {  	[tilespmem:$0x1F270] =	vst v40  }
0x2c2: {  	[tilespmem:v27+s1+$0x0] =	vst.idx.msk $0xffff, v40  }
0x2c3: {  	v40 =	vld.idx.msk [tilespmem:v4+s11+$0x0], $0xffff  }
0x2c4: {  	v50 =	vld.idx.msk [tilespmem:v5+s12+$0x0], $0xffff;
	_ =	sdelay $0x4  }
0x2c5: {  	v40 =	vadd.f32 v50, v40;
	_ =	sdelay $0x1  }
0x2c6: {  	v41 =	vmul.f32 $2.000000030e-01, v40  }
0x2c7: {  	vm6 =	vge.f32 v40, $0.0e+00  }
0x2c8: {  	v40 =	vsel vm6, v40, v41  }
0x2c9: {  	v40 =	vsub.f32 v40, v38;
	_ =	sdelay $0x1  }
0x2ca: {  	v40 =	vmul.f32 $1.442695020e+00, v40;
	_ =	sdelay $0x1  }
0x2cb: {  	(erf) = vpow2.f32 v40;
	_ =	sdelay $0x8  }
0x2cc: {  	v40 =	vpop (erf)  }
0x2cd: {  	[tilespmem:$0x1F220] =	vst v40  }
0x2ce: {  	[tilespmem:v28+s1+$0x0] =	vst.idx.msk $0xffff, v40  }
0x2cf: {  	v40 =	vld.idx.msk [tilespmem:v6+s11+$0x0], $0xffff  }
0x2d0: {  	v51 =	vld.idx.msk [tilespmem:v7+s12+$0x0], $0xffff;
	_ =	sdelay $0x4  }
0x2d1: {  	v40 =	vadd.f32 v51, v40;
	_ =	sdelay $0x1  }
0x2d2: {  	v41 =	vmul.f32 $2.000000030e-01, v40  }
0x2d3: {  	vm7 =	vge.f32 v40, $0.0e+00  }
0x2d4: {  	v40 =	vsel vm7, v40, v41  }
0x2d5: {  	v40 =	vsub.f32 v40, v39;
	_ =	sdelay $0x1  }
0x2d6: {  	v40 =	vmul.f32 $1.442695020e+00, v40;
	_ =	sdelay $0x1  }
0x2d7: {  	(erf) = vpow2.f32 v40;
	_ =	sdelay $0x8  }
0x2d8: {  	v40 =	vpop (erf)  }
0x2d9: {  	[tilespmem:$0x1F280] =	vst v40  }
0x2da: {  	[tilespmem:v29+s1+$0x0] =	vst.idx.msk $0xffff, v40  }
0x2db: {  	v40 =	vld.idx.msk [tilespmem:v8+s11+$0x0], $0xffff  }
0x2dc: {  	v52 =	vld.idx.msk [tilespmem:v9+s12+$0x0], $0xffff;
	_ =	sdelay $0x4  }
0x2dd: {  	v40 =	vadd.f32 v52, v40;
	_ =	sdelay $0x1  }
0x2de: {  	v41 =	vmul.f32 $2.000000030e-01, v40  }
0x2df: {  	vm8 =	vge.f32 v40, $0.0e+00  }
0x2e0: {  	v40 =	vsel vm8, v40, v41  }
0x2e1: {  	v40 =	vsub.f32 v40, v38;
	_ =	sdelay $0x1  }
0x2e2: {  	v40 =	vmul.f32 $1.442695020e+00, v40;
	_ =	sdelay $0x1  }
0x2e3: {  	(erf) = vpow2.f32 v40;
	_ =	sdelay $0x8  }
0x2e4: {  	v40 =	vpop (erf)  }
0x2e5: {  	[tilespmem:$0x1F230] =	vst v40  }
0x2e6: {  	[tilespmem:v30+s1+$0x0] =	vst.idx.msk $0xffff, v40  }
0x2e7: {  	v40 =	vld.idx.msk [tilespmem:v10+s11+$0x0], $0xffff  }
0x2e8: {  	v53 =	vld.idx.msk [tilespmem:v11+s12+$0x0], $0xffff;
	_ =	sdelay $0x4  }
0x2e9: {  	v40 =	vadd.f32 v53, v40;
	_ =	sdelay $0x1  }
0x2ea: {  	v41 =	vmul.f32 $2.000000030e-01, v40  }
0x2eb: {  	vm9 =	vge.f32 v40, $0.0e+00  }
0x2ec: {  	v40 =	vsel vm9, v40, v41  }
0x2ed: {  	v40 =	vsub.f32 v40, v39;
	_ =	sdelay $0x1  }
0x2ee: {  	v40 =	vmul.f32 $1.442695020e+00, v40;
	_ =	sdelay $0x1  }
0x2ef: {  	(erf) = vpow2.f32 v40;
	_ =	sdelay $0x8  }
0x2f0: {  	v40 =	vpop (erf)  }
0x2f1: {  	[tilespmem:$0x1F290] =	vst v40  }
0x2f2: {  	[tilespmem:v31+s1+$0x0] =	vst.idx.msk $0xffff, v40  }
0x2f3: {  	v40 =	vld.idx.msk [tilespmem:v12+s11+$0x0], $0xffff  }
0x2f4: {  	v54 =	vld.idx.msk [tilespmem:v13+s12+$0x0], $0xffff;
	_ =	sdelay $0x4  }
0x2f5: {  	v40 =	vadd.f32 v54, v40;
	_ =	sdelay $0x1  }
0x2f6: {  	v41 =	vmul.f32 $2.000000030e-01, v40  }
0x2f7: {  	vm10 =	vge.f32 v40, $0.0e+00  }
0x2f8: {  	v40 =	vsel vm10, v40, v41  }
0x2f9: {  	v40 =	vsub.f32 v40, v38;
	_ =	sdelay $0x1  }
0x2fa: {  	v40 =	vmul.f32 $1.442695020e+00, v40;
	_ =	sdelay $0x1  }
0x2fb: {  	(erf) = vpow2.f32 v40;
	_ =	sdelay $0x8  }
0x2fc: {  	v40 =	vpop (erf)  }
0x2fd: {  	[tilespmem:$0x1F240] =	vst v40  }
0x2fe: {  	[tilespmem:v32+s1+$0x0] =	vst.idx.msk $0xffff, v40  }
0x2ff: {  	v40 =	vld.idx.msk [tilespmem:v14+s11+$0x0], $0xffff  }
0x300: {  	v55 =	vld.idx.msk [tilespmem:v21+s12+$0x0], $0xffff;
	_ =	sdelay $0x4  }
0x301: {  	v40 =	vadd.f32 v55, v40;
	_ =	sdelay $0x1  }
0x302: {  	v41 =	vmul.f32 $2.000000030e-01, v40  }
0x303: {  	vm11 =	vge.f32 v40, $0.0e+00  }
0x304: {  	v40 =	vsel vm11, v40, v41  }
0x305: {  	v40 =	vsub.f32 v40, v39;
	_ =	sdelay $0x1  }
0x306: {  	v40 =	vmul.f32 $1.442695020e+00, v40;
	_ =	sdelay $0x1  }
0x307: {  	(erf) = vpow2.f32 v40;
	_ =	sdelay $0x8  }
0x308: {  	v40 =	vpop (erf)  }
0x309: {  	[tilespmem:$0x1F2A0] =	vst v40  }
0x30a: {  	[tilespmem:v33+s1+$0x0] =	vst.idx.msk $0xffff, v40  }
0x30b: {  	v40 =	vld.idx.msk [tilespmem:v15+s11+$0x0], $0xffff  }
0x30c: {  	v56 =	vld.idx.msk [tilespmem:v16+s12+$0x0], $0xffff;
	_ =	sdelay $0x4  }
0x30d: {  	v40 =	vadd.f32 v56, v40;
	_ =	sdelay $0x1  }
0x30e: {  	v41 =	vmul.f32 $2.000000030e-01, v40  }
0x30f: {  	vm12 =	vge.f32 v40, $0.0e+00  }
0x310: {  	v40 =	vsel vm12, v40, v41  }
0x311: {  	v40 =	vsub.f32 v40, v38;
	_ =	sdelay $0x1  }
0x312: {  	v40 =	vmul.f32 $1.442695020e+00, v40;
	_ =	sdelay $0x1  }
0x313: {  	(erf) = vpow2.f32 v40;
	_ =	sdelay $0x8  }
0x314: {  	v40 =	vpop (erf)  }
0x315: {  	[tilespmem:$0x1F250] =	vst v40  }
0x316: {  	[tilespmem:v34+s1+$0x0] =	vst.idx.msk $0xffff, v40  }
0x317: {  	v40 =	vld.idx.msk [tilespmem:v17+s11+$0x0], $0xffff  }
0x318: {  	v57 =	vld.idx.msk [tilespmem:v22+s12+$0x0], $0xffff;
	_ =	sdelay $0x4  }
0x319: {  	v40 =	vadd.f32 v57, v40;
	_ =	sdelay $0x1  }
0x31a: {  	v41 =	vmul.f32 $2.000000030e-01, v40  }
0x31b: {  	vm13 =	vge.f32 v40, $0.0e+00  }
0x31c: {  	v40 =	vsel vm13, v40, v41  }
0x31d: {  	v40 =	vsub.f32 v40, v39;
	_ =	sdelay $0x1  }
0x31e: {  	v40 =	vmul.f32 $1.442695020e+00, v40;
	_ =	sdelay $0x1  }
0x31f: {  	(erf) = vpow2.f32 v40;
	_ =	sdelay $0x8  }
0x320: {  	v40 =	vpop (erf)  }
0x321: {  	[tilespmem:$0x1F2B0] =	vst v40  }
0x322: {  	[tilespmem:v35+s1+$0x0] =	vst.idx.msk $0xffff, v40  }
0x323: {  	v40 =	vld.idx.msk [tilespmem:v18+s11+$0x0], $0xffff  }
0x324: {  	v58 =	vld.idx.msk [tilespmem:v19+s12+$0x0], $0xffff;
	_ =	sdelay $0x4  }
0x325: {  	v40 =	vadd.f32 v58, v40;
	_ =	sdelay $0x1  }
0x326: {  	v41 =	vmul.f32 $2.000000030e-01, v40  }
0x327: {  	vm14 =	vge.f32 v40, $0.0e+00  }
0x328: {  	v40 =	vsel vm14, v40, v41  }
0x329: {  	v40 =	vsub.f32 v40, v38;
	_ =	sdelay $0x1  }
0x32a: {  	v40 =	vmul.f32 $1.442695020e+00, v40;
	_ =	sdelay $0x1  }
0x32b: {  	(erf) = vpow2.f32 v40;
	_ =	sdelay $0x8  }
0x32c: {  	v40 =	vpop (erf)  }
0x32d: {  	[tilespmem:$0x1F260] =	vst v40  }
0x32e: {  	[tilespmem:v36+s1+$0x0] =	vst.idx.msk $0xffff, v40  }
0x32f: {  	v40 =	vld.idx.msk [tilespmem:v20+s11+$0x0], $0xffff  }
0x330: {  	v59 =	vld.idx.msk [tilespmem:v23+s12+$0x0], $0xffff;
	_ =	sdelay $0x4  }
0x331: {  	v40 =	vadd.f32 v59, v40;
	_ =	sdelay $0x1  }
0x332: {  	v41 =	vmul.f32 $2.000000030e-01, v40  }
0x333: {  	vm15 =	vge.f32 v40, $0.0e+00  }
0x334: {  	v40 =	vsel vm15, v40, v41  }
0x335: {  	v40 =	vsub.f32 v40, v39;
	_ =	sdelay $0x1  }
0x336: {  	v40 =	vmul.f32 $1.442695020e+00, v40;
	_ =	sdelay $0x1  }
0x337: {  	(erf) = vpow2.f32 v40;
	_ =	sdelay $0x6  }
0x338: {  	s20 =	simm.s32 $0x0  }
0x339: {  	v60 =	vmov s20  }
0x33a: {  	v61 =	vpop (erf)  }
0x33b: {  	[tilespmem:$0x1F2C0] =	vst v61  }
0x33c: {  	s17 =	simm.s32 $0x1AC78;
	[tilespmem:v37+s1+$0x0] =	vst.idx.msk $0xffff, v61  }
0x33d: {  	v41 =	vld [tilespmem:s17+$0xFFFFFF78]  }
0x33e: {  	v62 =	vld.idx.msk [tilespmem:v60+s31+$0x0], $0xffff  }
0x33f: {  	v63 =	vld [tilespmem:s17+$0xFFFFFF88]  }
0x340: {  	v48 =	vld [tilespmem:s17+$0xFFFFFF98]  }
0x341: {  	v49 =	vld [tilespmem:s17+$0xFFFFFFA8];
	_ =	sdelay $0x1  }
0x342: {  	v40 =	vand.u32 $0x7E, v60;
	v41 =	vmul.f32 v41, v62  }
0x343: {  	v40 =	vadd.s32 $0x60, v40;
	v43 =	vmul.f32 v63, v62  }
0x344: {  	v44 =	vmul.f32 v48, v62;
	[tilespmem:s17+$0xFFFFFF78] =	vst v41  }
0x345: {  	v50 =	vmul.f32 v49, v62;
	[tilespmem:s17+$0xFFFFFF88] =	vst v43  }
0x346: {  	[tilespmem:s17+$0xFFFFFF98] =	vst v44  }
0x347: {  	v51 =	vld [tilespmem:s17+$0xFFFFFFB8];
	[tilespmem:s17+$0xFFFFFFA8] =	vst v50  }
0x348: {  	v40 =	vld.idx.msk [tilespmem:v40+s31+$0x0], $0xffff  }
0x349: {  	v52 =	vld [tilespmem:s17+$0xFFFFFFE8]  }
0x34a: {  	v53 =	vld [tilespmem:s17+$0xFFFFFFC8]  }
0x34b: {  	v54 =	vld [tilespmem:s17+$0xFFFFFFD8];
	_ =	sdelay $0x1  }
0x34c: {  	s21 =	simm.s32 $0x1;
	v41 =	vmul.f32 v51, v40  }
0x34d: {  	v55 =	vmov s21;
	v42 =	vmul.f32 v52, v40  }
0x34e: {  	v43 =	vmul.f32 v53, v40;
	[tilespmem:s17+$0xFFFFFFB8] =	vst v41  }
0x34f: {  	v40 =	vmul.f32 v54, v40;
	[tilespmem:s17+$0xFFFFFFE8] =	vst v42  }
0x350: {  	[tilespmem:s17+$0xFFFFFFC8] =	vst v43  }
0x351: {  	v56 =	vld [tilespmem:s17+$0x0];
	[tilespmem:s17+$0xFFFFFFD8] =	vst v40  }
0x352: {  	v40 =	vld.idx.msk [tilespmem:v55+s31+$0x0], $0xffff  }
0x353: {  	v57 =	vld [tilespmem:s17+$0x30]  }
0x354: {  	v58 =	vld [tilespmem:s17+$0x20]  }
0x355: {  	v59 =	vld [tilespmem:s17+$0x10];
	_ =	sdelay $0x1  }
0x356: {  	v45 =	vand.u32 $0x7F, v55;
	v41 =	vmul.f32 v56, v40  }
0x357: {  	v45 =	vadd.s32 $0x60, v45;
	v42 =	vmul.f32 v57, v40  }
0x358: {  	v43 =	vmul.f32 v58, v40;
	[tilespmem:s17+$0x0] =	vst v41  }
0x359: {  	v40 =	vmul.f32 v59, v40;
	[tilespmem:s17+$0x30] =	vst v42  }
0x35a: {  	[tilespmem:s17+$0x20] =	vst v43  }
0x35b: {  	v60 =	vld [tilespmem:s17+$0x40];
	[tilespmem:s17+$0x10] =	vst v40  }
0x35c: {  	v42 =	vld.idx.msk [tilespmem:v45+s31+$0x0], $0xffff  }
0x35d: {  	v61 =	vld [tilespmem:s17+$0x70]  }
0x35e: {  	v62 =	vld [tilespmem:s17+$0x60];
	_ =	sdelay $0x1  }
0x35f: {  	v63 =	vld [tilespmem:s17+$0x50]  }
0x360: {  	v40 =	vmul.f32 v60, v42  }
0x361: {  	s0 =	simm.s32 $0x2;
	v45 =	vmul.f32 v61, v42  }
0x362: {  	v41 =	vmov s0;
	v46 =	vmul.f32 v62, v42;
	[tilespmem:s17+$0x40] =	vst v40  }
0x363: {  	s16 =	simm.s32 $0x1AD88;
	[tilespmem:s17+$0x70] =	vst v45  }
0x364: {  	s18 =	simm.s32 $0x4;
	v43 =	vmul.f32 v63, v42;
	v42 =	vld [tilespmem:s16+$0xFFFFFF78];
	v40 =	vand.u32 $0x7E, v41;
	[tilespmem:s17+$0x60] =	vst v46  }
.LBB2_7:
0x365: {  	p0 =	slt.u32 s18, $0x5E;
	s6 =	smov.u32 s18  }
0x366: {  	v44 =	vld [tilespmem:s16+$0xFFFFFF98];
	[tilespmem:s17+$0x50] =	vst v43;
	s18 =	sadd.s32 $0x2, s18;
	s17 =	smov.u32 s16;
	s16 =	sadd.s32 $0x110, s16  }
0x367: {  	v43 =	vld.idx.msk [tilespmem:v41+s31+$0x0], $0xffff  }
0x368: {  	v41 =	vld [tilespmem:s17+$0xFFFFFF88]  }
0x369: {  	v45 =	vld [tilespmem:s17+$0xFFFFFFA8];
	_ =	sdelay $0x3  }
0x36a: {  	v47 =	vadd.s32 $0x60, v40;
	v42 =	vmul.f32 v42, v43;
	v46 =	vmul.f32 v41, v43  }
0x36b: {  	v44 =	vmul.f32 v44, v43;
	v41 =	vmov s6;
	v43 =	vmul.f32 v45, v43  }
0x36c: {  	v40 =	vand.u32 $0x7E, v41;
	[tilespmem:s17+$0xFFFFFF78] =	vst v42  }
0x36d: {  	[tilespmem:s17+$0xFFFFFF88] =	vst v46  }
0x36e: {  	[tilespmem:s17+$0xFFFFFF98] =	vst v44;
	v42 =	vld [tilespmem:s17+$0xFFFFFFE8]  }
0x36f: {  	[tilespmem:s17+$0xFFFFFFA8] =	vst v43;
	v43 =	vld [tilespmem:s17+$0xFFFFFFB8]  }
0x370: {  	v44 =	vld.idx.msk [tilespmem:v47+s31+$0x0], $0xffff  }
0x371: {  	v45 =	vld [tilespmem:s17+$0xFFFFFFC8]  }
0x372: {  	v46 =	vld [tilespmem:s17+$0xFFFFFFD8];
	_ =	sdelay $0x3  }
0x373: {  	s15 =	sadd.s32 $0x1, s0;
	s0 =	smov.u32 s6;
	v43 =	vmul.f32 v43, v44;
	v45 =	vmul.f32 v45, v44  }
0x374: {  	v42 =	vmul.f32 v42, v44;
	v46 =	vmul.f32 v46, v44;
	v44 =	vmov s15  }
0x375: {  	[tilespmem:s17+$0xFFFFFFB8] =	vst v43;
	v43 =	vand.u32 $0x7F, v44  }
0x376: {  	[tilespmem:s17+$0xFFFFFFE8] =	vst v42  }
0x377: {  	[tilespmem:s17+$0xFFFFFFC8] =	vst v45;
	v42 =	vld [tilespmem:s17+$0x0]  }
0x378: {  	[tilespmem:s17+$0xFFFFFFD8] =	vst v46;
	v45 =	vld [tilespmem:s17+$0x30]  }
0x379: {  	v44 =	vld.idx.msk [tilespmem:v44+s31+$0x0], $0xffff  }
0x37a: {  	v46 =	vld [tilespmem:s17+$0x10]  }
0x37b: {  	v47 =	vld [tilespmem:s17+$0x20];
	_ =	sdelay $0x3  }
0x37c: {  	v42 =	vmul.f32 v42, v44;
	v46 =	vmul.f32 v46, v44  }
0x37d: {  	v43 =	vadd.s32 $0x60, v43;
	v47 =	vmul.f32 v47, v44;
	v44 =	vmul.f32 v45, v44  }
0x37e: {  	[tilespmem:s17+$0x0] =	vst v42  }
0x37f: {  	[tilespmem:s17+$0x30] =	vst v44  }
0x380: {  	[tilespmem:s17+$0x20] =	vst v47;
	v42 =	vld [tilespmem:s17+$0x70]  }
0x381: {  	[tilespmem:s17+$0x10] =	vst v46;
	v44 =	vld [tilespmem:s17+$0x40]  }
0x382: {  	v45 =	vld.idx.msk [tilespmem:v43+s31+$0x0], $0xffff  }
0x383: {  	v43 =	vld [tilespmem:s17+$0x50]  }
0x384: {  	v46 =	vld [tilespmem:s17+$0x60];
	_ =	sdelay $0x3  }
.Ltmp2:
0x385: {  	v44 =	vmul.f32 v44, v45;
	v43 =	vmul.f32 v43, v45;
	(pc) =	sbr.rel @p0 .LBB2_7-.Ltmp2, $4  }
0x386: {  	v42 =	vmul.f32 v42, v45;
	v46 =	vmul.f32 v46, v45  }
0x387: {  	[tilespmem:s17+$0x40] =	vst v44  }
0x388: {  	[tilespmem:s17+$0x70] =	vst v42  }
0x389: {  	v42 =	vld [tilespmem:s16+$0xFFFFFF78];
	[tilespmem:s17+$0x60] =	vst v46  }
0x38a: {  	_ =	sdelay $0x2  }
0x38b: {  	[tilespmem:s17+$0x50] =	vst v43  }
0x38c: {  	v41 =	vld.idx.msk [tilespmem:v41+s31+$0x0], $0xffff  }
0x38d: {  	v49 =	vld [tilespmem:s16+$0xFFFFFF88]  }
0x38e: {  	v44 =	vld [tilespmem:s16+$0xFFFFFF98]  }
0x38f: {  	v45 =	vld [tilespmem:s16+$0xFFFFFFA8];
	_ =	sdelay $0x1  }
0x390: {  	v42 =	vmul.f32 v42, v41  }
0x391: {  	v40 =	vadd.s32 $0x60, v40;
	v43 =	vmul.f32 v49, v41  }
0x392: {  	v44 =	vmul.f32 v44, v41;
	[tilespmem:s16+$0xFFFFFF78] =	vst v42  }
0x393: {  	v41 =	vmul.f32 v45, v41;
	[tilespmem:s16+$0xFFFFFF88] =	vst v43  }
0x394: {  	[tilespmem:s16+$0xFFFFFF98] =	vst v44  }
0x395: {  	v50 =	vld [tilespmem:s16+$0xFFFFFFB8];
	[tilespmem:s16+$0xFFFFFFA8] =	vst v41  }
0x396: {  	v40 =	vld.idx.msk [tilespmem:v40+s31+$0x0], $0xffff  }
0x397: {  	v51 =	vld [tilespmem:s16+$0xFFFFFFE8]  }
0x398: {  	v52 =	vld [tilespmem:s16+$0xFFFFFFC8]  }
0x399: {  	v53 =	vld [tilespmem:s16+$0xFFFFFFD8];
	_ =	sdelay $0x1  }
0x39a: {  	s0 =	sadd.s32 $0x1, s0;
	v41 =	vmul.f32 v50, v40  }
0x39b: {  	v54 =	vmov s0;
	v42 =	vmul.f32 v51, v40  }
0x39c: {  	v43 =	vmul.f32 v52, v40;
	[tilespmem:s16+$0xFFFFFFB8] =	vst v41  }
0x39d: {  	v40 =	vmul.f32 v53, v40;
	[tilespmem:s16+$0xFFFFFFE8] =	vst v42  }
0x39e: {  	[tilespmem:s16+$0xFFFFFFC8] =	vst v43  }
0x39f: {  	v55 =	vld [tilespmem:s16+$0x0];
	[tilespmem:s16+$0xFFFFFFD8] =	vst v40  }
0x3a0: {  	v40 =	vld.idx.msk [tilespmem:v54+s31+$0x0], $0xffff  }
0x3a1: {  	v56 =	vld [tilespmem:s16+$0x30]  }
0x3a2: {  	v57 =	vld [tilespmem:s16+$0x20]  }
0x3a3: {  	v58 =	vld [tilespmem:s16+$0x10];
	_ =	sdelay $0x1  }
0x3a4: {  	v45 =	vand.u32 $0x7F, v54;
	v41 =	vmul.f32 v55, v40  }
0x3a5: {  	v45 =	vadd.s32 $0x60, v45;
	v42 =	vmul.f32 v56, v40  }
0x3a6: {  	v43 =	vmul.f32 v57, v40;
	[tilespmem:s16+$0x0] =	vst v41  }
0x3a7: {  	v40 =	vmul.f32 v58, v40;
	[tilespmem:s16+$0x30] =	vst v42  }
0x3a8: {  	[tilespmem:s16+$0x20] =	vst v43  }
0x3a9: {  	v59 =	vld [tilespmem:s16+$0x40];
	[tilespmem:s16+$0x10] =	vst v40  }
0x3aa: {  	v41 =	vld.idx.msk [tilespmem:v45+s31+$0x0], $0xffff  }
0x3ab: {  	v60 =	vld [tilespmem:s16+$0x70]  }
0x3ac: {  	v61 =	vld [tilespmem:s16+$0x60]  }
0x3ad: {  	v62 =	vld [tilespmem:s16+$0x50];
	_ =	sdelay $0x1  }
0x3ae: {  	s3 =	sadd.s32 $0x1, s3;
	v40 =	vmul.f32 v59, v41  }
0x3af: {  	p0 =	sne.s32 s3, $0x46;
	v42 =	vmul.f32 v60, v41  }
.Ltmp3:
0x3b0: {  	v43 =	vmul.f32 v61, v41;
	[tilespmem:s16+$0x40] =	vst v40;
	(pc) =	sbr.rel @p0 .LBB2_2-.Ltmp3, $4  }
0x3b1: {  	v63 =	vmul.f32 v62, v41;
	[tilespmem:s16+$0x70] =	vst v42  }
0x3b2: {  	[tilespmem:s16+$0x60] =	vst v43  }
0x3b3: {  	s21 =	simm.s32 $0x1F1B0;
	[tilespmem:s16+$0x50] =	vst v63  }
0x3b4: {  	[spmem:s2] =	stream.indirect.scatter.add.f32 [tilespmem:s1], [sflag:$0x6], $0x82, s21, s22, $0xb8;
	[tilespmem:$0x1F2D0] =	vst v63  }
0x3b5: {  	s0 =	simm.s32 $0x5  }
0x3b6: {  	_ =	swait.ge [sflag:s0], $0x30C0  }
0x3b7: {  	[sflag:s0] =	ssyncset.done $0x0  }
0x3b8: {  	s19 =	simm.s32 $0x6;
	[sflag:s0] =	ssyncadd.s32 $0xFFFFCF40  }
0x3b9: {  	_ =	swait.ge [sflag:s19], $0x30C0  }
0x3ba: {  	[sflag:s19] =	ssyncset.done $0x0  }
0x3bb: {  	[sflag:s19] =	ssyncadd.s32 $0xFFFFCF40  }
0x3bc: {  	[bflag:$0x0] =	sbarrier.arrive $0xFFFF  }
0x3bd: {  	s20 =	rddreg [dreg:$0x8]  }
0x3be: {  	s17 =	rddreg [dreg:$0xa]  }
0x3bf: {  	s15 =	simm.s32 $0x7;
	s18 =	rddreg [dreg:$0xb]  }
0x3c0: {  	[hbm:s20], [sflag:s17] =	dma.local [spmem:s18], $0x29F8  }
0x3c1: {  	_ =	swait.ge [sflag:s15], $0x29F8  }
0x3c2: {  	s3 =	rddreg [dreg:$0xc]  }
0x3c3: {  	s21 =	rddreg [dreg:$0x9];
	s3 =	sadd.s32 $0x1, s3  }
0x3c4: {  	p0 =	sne.s32 s3, s21  }
.Ltmp4:
0x3c5: {  	_ = 	snop;
	(pc) =	sbr.rel @p0 .LBB2_1-.Ltmp4, $3  }
0x3c6: {  	_ =	sdelay $0x1  }
0x3c7: {  	[sflag:s15] =	ssyncset.done $0x0  }
0x3c8: {  	[sflag:s15] =	ssyncadd.s32 $0xFFFFD608  }
0x3c9: {  	_ =	sfence.sel $0x180000  }
0x3ca: {  	[bflag:$0x0] =	sbarrier.arrive $0xFFFF  }
0x3cb: {  	_ =	strace $0x90000047  }
0x3cc: {  	s0 =	stileid.u32;
	[bflag:$0x2] =	sbarrier.arrive $0xFFFF  }
0x3cd: {  	p0 =	sne.s32 s0, $0x0;
	s0 =	rddreg [dreg:$0x3]  }
0x3ce: {  	s0 =	sadd.s32 @!p0 $0x100000, s0  }
0x3cf: {  	[sflag:s0] =	ssyncadd.tile.s32 @!p0 $0x1;
	_ =	shalt  }
.Lfunc_end2:
_tile_overlayer_lowered:
.L_overlay_start_2:
0x3d0: {  	(tag) =	ssettag $0x2  }
0x3d1: {  	s0 =	rddreg [dreg:$0x0];
	s2 =	stileid.u32  }
0x3d2: {  	s1 =	rddreg [dreg:$0x1];
	p0 =	sne.s32 s2, $0x0  }
0x3d3: {  	s3 =	rddreg [dreg:$0x2];
	[bflag:$0x3] =	sbarrier.arrive $0xFFFF;
	s2 =	simm.s32 @!p0 $0x1C07  }
0x3d4: {  	[timem:s3], [sflag:s2] =	dma.local @!p0 [hbm:s0], s1  }
0x3d5: {  	s0 =	simm.s32 @!p0 $0x7  }
0x3d6: {  	_ =	swait.ge @!p0 [sflag:s0], s1  }
0x3d7: {  	s1 =	ssub.s32 @!p0 $0x0, s1;
	[sflag:s0] =	ssyncset.done @!p0 $0x0  }
0x3d8: {  	[sflag:s0] =	ssyncadd.s32 @!p0 s1  }
0x3d9: {  	[bflag:$0x3] =	sbarrier.arrive $0xFFFF  }
0x3da: {  	_ =	shalt  }

</sc_bundles>
